<compile_context>
chip_gen: v7x
topology: tpu7x:2x2x1
jax: 0.10.2.dev20260603
libtpu: 0.0.44.dev20260713+nightly
codegen_flags: <defaults>
</compile_context>

<pallas_src>
import functools

import jax
import jax.numpy as jnp
import numpy as np
from jax import lax
from jax.experimental import pallas as pl
from jax.experimental.pallas import tpu as pltpu
from jax.experimental.pallas import tpu_sc as plsc

Q = 1024
N_KEYS = 100000
D_MODEL = 128
D_MAJOR = 32
N_CAND = 128
K_OUT = 10

NB = 1024
N_BLOCKS = (N_KEYS + NB - 1) // NB
N_PAD = N_BLOCKS * NB

NWORK = 32
ROWS_PER_W = Q // NWORK
W_WIN = 14336
N_WIN = N_PAD // W_WIN
NBUF = 4
CHUNK = 128
CPW = W_WIN // CHUNK
GRP = 8
N_CHUNK = N_PAD // CHUNK
MROW_STRIDE = N_PAD // CHUNK
BUFCAP = 2048
ACAP = BUFCAP + N_CAND + 16
INT_MIN = np.int32(-2147483648)

N_IDX = Q * N_CAND
IDX_PER_W = N_IDX // NWORK
GCH = 512


def _qp_kernel(query_ref, vt_ref, qp_ref):
    qp_ref[...] = lax.dot_general(
        query_ref[...], vt_ref[...],
        (((1,), (1,)), ((), ())),
        preferred_element_type=jnp.float32,
    )


def _xb_s1_kernel(keys_ref, vt_ref, qp32_ref, xb_ref, s1_ref, mx_ref):
    xb = lax.dot_general(
        keys_ref[...], vt_ref[...],
        (((1,), (1,)), ((), ())),
        preferred_element_type=jnp.float32,
    )
    xb_ref[...] = xb
    qp_pad = jnp.concatenate(
        [qp32_ref[...], jnp.zeros((Q, D_MODEL - D_MAJOR), jnp.float32)], axis=1
    )
    s1 = lax.dot_general(
        qp_pad, xb,
        (((1,), (1,)), ((), ())),
        preferred_element_type=jnp.float32,
    )
    j = pl.program_id(0)
    col = j * NB + lax.broadcasted_iota(jnp.int32, (Q, NB), 1)
    s1m = jnp.where(col < N_KEYS, s1, -jnp.inf)
    s1_ref[...] = s1m
    m = jnp.max(s1m.reshape(Q, NB // CHUNK, CHUNK), axis=2)
    mx_ref[...] = m[None]


def _monotone(v):
    u = plsc.bitcast(v, jnp.int32)
    return jnp.where(u < 0, jnp.bitwise_xor(jnp.bitwise_not(u), INT_MIN), u)


def _digit_of(m, shift):
    biased = jnp.bitwise_xor(m, INT_MIN)
    shift_v = jnp.full((16,), shift, jnp.int32)
    return jnp.bitwise_and(lax.shift_right_logical(biased, shift_v),
                           jnp.int32(0xFF))


def _popcnt(mask):
    return jnp.sum(mask.astype(jnp.int32))


def _select_kernel(s1_hbm, mx_hbm, out_hbm, win, buf_val, buf_idx, cur_m,
                   cur_idx, a_m, a_idx, b_m, b_idx, hist, mrow, sem):
    wid = lax.axis_index("s") * 2 + lax.axis_index("c")
    lanes = lax.iota(jnp.int32, 16)
    ones16 = jnp.ones((16,), jnp.int32)

    def do_consolidate(nc, nb):
        ntot = nc + nb

        def cp_cur(j, _):
            sl = pl.ds(j * 16, 16)
            a_m[sl] = cur_m[sl]
            a_idx[sl] = cur_idx[sl]
            return 0
        lax.fori_loop(0, nc // 16, cp_cur, 0)

        def cp_buf(j, _):
            sl = pl.ds(j * 16, 16)
            a_m[pl.ds(nc + j * 16, 16)] = _monotone(buf_val[sl])
            a_idx[pl.ds(nc + j * 16, 16)] = buf_idx[sl]
            return 0
        lax.fori_loop(0, (nb + 15) // 16, cp_buf, 0)

        def level(lvl, carry):
            n, need, p = carry
            shift = 24 - 8 * lvl
            nv = (n + 15) // 16

            def zero_h(j, _):
                hist[pl.ds(j * 16, 16)] = jnp.zeros((16,), jnp.int32)
                return 0
            lax.fori_loop(0, 16, zero_h, 0)

            def histo(j, _):
                m = a_m[pl.ds(j * 16, 16)]
                valid = (j * 16 + lanes) < n
                plsc.addupdate_scatter(hist, [_digit_of(m, shift)], ones16,
                                       mask=valid)
                return 0
            lax.fori_loop(0, nv, histo, 0)

            def pick(j2, carry2):
                cum, bstar = carry2
                j = 15 - j2
                h = hist[pl.ds(j * 16, 16)]
                c = plsc.cumsum(lax.rev(h, (0,))) + cum
                bins = jnp.int32(j * 16 + 15) - lanes
                cand = jnp.where(c >= need, bins, jnp.int32(-1))
                bstar = jnp.maximum(bstar, jnp.max(cand))
                return cum + jnp.sum(h), bstar
            _, bstar = lax.fori_loop(0, 16, pick, (jnp.int32(0), jnp.int32(-1)))

            def split(j, carry3):
                p3, q3 = carry3
                m = a_m[pl.ds(j * 16, 16)]
                ix = a_idx[pl.ds(j * 16, 16)]
                valid = (j * 16 + lanes) < n
                dg = _digit_of(m, shift)
                hi = valid & (dg > bstar)
                eq = valid & (dg == bstar)

                @pl.when(jnp.any(hi))
                def _():
                    plsc.store_compressed(cur_m.at[pl.ds(p3, 16)], m, mask=hi)
                    plsc.store_compressed(cur_idx.at[pl.ds(p3, 16)], ix, mask=hi)

                @pl.when(jnp.any(eq))
                def _():
                    plsc.store_compressed(b_m.at[pl.ds(q3, 16)], m, mask=eq)
                    plsc.store_compressed(b_idx.at[pl.ds(q3, 16)], ix, mask=eq)
                return p3 + _popcnt(hi), q3 + _popcnt(eq)
            p_new, q = lax.fori_loop(0, nv, split, (p, jnp.int32(0)))
            need = need - (p_new - p)

            def cp_back(j, _):
                sl = pl.ds(j * 16, 16)
                a_m[sl] = b_m[sl]
                a_idx[sl] = b_idx[sl]
                return 0
            lax.fori_loop(0, (q + 15) // 16, cp_back, 0)
            return q, need, p_new

        n_fin, need_fin, p_fin = lax.fori_loop(
            0, 4, level, (ntot, jnp.int32(N_CAND), jnp.int32(0)))

        def tail(j, carry4):
            p4, r4 = carry4
            m = a_m[pl.ds(j * 16, 16)]
            ix = a_idx[pl.ds(j * 16, 16)]
            valid = (j * 16 + lanes) < n_fin
            excl = plsc.cumsum(valid.astype(jnp.int32)) - valid.astype(jnp.int32)
            take = valid & ((r4 + excl) < need_fin)

            @pl.when(jnp.any(take))
            def _():
                plsc.store_compressed(cur_m.at[pl.ds(p4, 16)], m, mask=take)
                plsc.store_compressed(cur_idx.at[pl.ds(p4, 16)], ix, mask=take)
            return p4 + _popcnt(take), r4 + _popcnt(valid)
        lax.fori_loop(0, (n_fin + 15) // 16, tail, (p_fin, jnp.int32(0)))

        def minred(j, acc):
            return jnp.minimum(acc, jnp.min(cur_m[pl.ds(j * 16, 16)]))
        m_min = lax.fori_loop(0, 8, minred, jnp.int32(2147483647))
        u = jnp.where(m_min >= 0, m_min,
                      jnp.bitwise_not(jnp.bitwise_xor(m_min, INT_MIN)))
        return lax.bitcast_convert_type(u, jnp.float32)

    def _zero_hist():
        def zh(j, _):
            hist[pl.ds(j * 16, 16)] = jnp.zeros((16,), jnp.int32)
            return 0
        lax.fori_loop(0, 16, zh, 0)

    def _pick_bin(need):
        def pk(j2, carry2):
            cum, bstar = carry2
            j = 15 - j2
            h = hist[pl.ds(j * 16, 16)]
            c = plsc.cumsum(lax.rev(h, (0,))) + cum
            bins = jnp.int32(j * 16 + 15) - lanes
            cand = jnp.where(c >= need, bins, jnp.int32(-1))
            return cum + jnp.sum(h), jnp.maximum(bstar, jnp.max(cand))
        _, bstar = lax.fori_loop(0, 16, pk, (jnp.int32(0), jnp.int32(-1)))
        return bstar

    def _cnt_above(bstar):
        def ca(j, acc):
            h = hist[pl.ds(j * 16, 16)]
            bins = jnp.int32(j * 16) + lanes
            return acc + jnp.sum(jnp.where(bins > bstar, h, jnp.int32(0)))
        return lax.fori_loop(0, 16, ca, jnp.int32(0))

    def initial_threshold():
        nv = N_CHUNK // 16
        _zero_hist()

        def h0(j, _):
            m = _monotone(mrow[pl.ds(j * 16, 16)])
            plsc.addupdate_scatter(hist, [_digit_of(m, 24)], ones16)
            return 0
        lax.fori_loop(0, nv, h0, 0)
        b0 = _pick_bin(jnp.int32(N_CAND))
        cnt_gt = _cnt_above(b0)
        _zero_hist()

        def h1(j, _):
            m = _monotone(mrow[pl.ds(j * 16, 16)])
            plsc.addupdate_scatter(hist, [_digit_of(m, 16)], ones16,
                                   mask=_digit_of(m, 24) == b0)
            return 0
        lax.fori_loop(0, nv, h1, 0)
        b1 = _pick_bin(jnp.int32(N_CAND) - cnt_gt)
        edge = jnp.bitwise_or(lax.shift_left(b0, jnp.int32(24)),
                              lax.shift_left(b1, jnp.int32(16)))
        m0 = jnp.bitwise_xor(edge, INT_MIN)
        m_init = jnp.where(m0 == INT_MIN, m0, m0 - 1)
        u = jnp.where(m_init >= 0, m_init,
                      jnp.bitwise_not(jnp.bitwise_xor(m_init, INT_MIN)))
        return lax.bitcast_convert_type(u, jnp.float32)

    def row_body(r, _):
        row = wid * ROWS_PER_W + r
        row_base = row * N_PAD
        mrow[pl.ds(N_CHUNK, 16)] = jnp.full((16,), -jnp.inf, jnp.float32)
        pltpu.sync_copy(mx_hbm.at[pl.ds(row * MROW_STRIDE, N_CHUNK)],
                        mrow.at[pl.ds(0, N_CHUNK)])
        t0 = initial_threshold()
        for pw in range(NBUF - 1):
            pltpu.async_copy(s1_hbm.at[row, pl.ds(pw * W_WIN, W_WIN)],
                             win.at[pl.ds(pw * W_WIN, W_WIN)], sem)

        def win_body(w, carry):
            par = lax.rem(w, NBUF)

            @pl.when(w + NBUF - 1 < N_WIN)
            def _():
                pltpu.async_copy(
                    s1_hbm.at[row, pl.ds((w + NBUF - 1) * W_WIN, W_WIN)],
                    win.at[pl.ds(lax.rem(w + NBUF - 1, NBUF) * W_WIN, W_WIN)],
                    sem)

            pltpu.make_async_copy(
                s1_hbm.at[row, pl.ds(w * W_WIN, W_WIN)],
                win.at[pl.ds(par * W_WIN, W_WIN)], sem).wait()

            def chunk_scan(v, base_idx, nb2, t2):
                def vb(jj, nb3):
                    vv = win[pl.ds(v + jj * 16, 16)]
                    mask = vv > t2
                    plsc.store_compressed(buf_val.at[pl.ds(nb3, 16)], vv,
                                          mask=mask)
                    plsc.store_compressed(buf_idx.at[pl.ds(nb3, 16)],
                                          base_idx + jj * 16 + lanes,
                                          mask=mask)
                    cnt = plsc.all_reduce_population_count(mask)
                    return nb3 + cnt[0]
                return lax.fori_loop(0, CHUNK // 16, vb, nb2)

            def grp_body(g, carry2):
                nc2, nb2, t2 = carry2
                cm = mrow[pl.ds(w * CPW + g * GRP, 16)]
                for k in range(GRP):
                    c_loc = g * GRP + k
                    nb2 = lax.cond(
                        cm[k] > t2,
                        lambda c=c_loc: chunk_scan(
                            par * W_WIN + c * CHUNK,
                            w * W_WIN + c * CHUNK + jnp.int32(0), nb2, t2),
                        lambda: nb2)
                nc2, nb2, t2 = lax.cond(
                    nb2 > BUFCAP - GRP * CHUNK,
                    lambda: (jnp.int32(N_CAND), jnp.int32(0),
                             do_consolidate(nc2, nb2)),
                    lambda: (nc2, nb2, t2))
                return nc2, nb2, t2

            return lax.fori_loop(0, CPW // GRP, grp_body, carry)

        nc, nb, t = lax.fori_loop(
            0, N_WIN, win_body, (jnp.int32(0), jnp.int32(0), t0))
        lax.cond(nb > 0,
                 lambda: (do_consolidate(nc, nb), jnp.float32(0))[1],
                 lambda: jnp.float32(0))
        pltpu.sync_copy(cur_idx.at[pl.ds(0, N_CAND)],
                        out_hbm.at[pl.ds(row * N_CAND, N_CAND)])
        return 0

    lax.fori_loop(0, ROWS_PER_W, row_body, 0)


def _gather_kernel(xb_hbm, idx_hbm, out_hbm, idx_v, rows_v, sem):
    wid = lax.axis_index("s") * 2 + lax.axis_index("c")
    base = wid * IDX_PER_W

    def chunk(c, _):
        off = base + c * GCH
        pltpu.sync_copy(idx_hbm.at[pl.ds(off, GCH)], idx_v)
        pltpu.async_copy(xb_hbm.at[idx_v], rows_v, sem).wait()
        pltpu.sync_copy(rows_v, out_hbm.at[pl.ds(off, GCH)])
        return 0

    lax.fori_loop(0, IDX_PER_W // GCH, chunk, 0)


def _rerank_kernel(qp_ref, cand_ref, i1_ref, topk_ref, v2_ref):
    qp = qp_ref[...].astype(jnp.bfloat16).astype(jnp.float32)
    cand = cand_ref[...].astype(jnp.bfloat16).astype(jnp.float32)
    i1b = i1_ref[...]
    s2 = jnp.sum(cand * qp[:, None, :], axis=2)
    qb = qp.shape[0]
    iota = lax.broadcasted_iota(jnp.int32, (qb, N_CAND), 1)
    cur = s2
    for j in range(K_OUT):
        mx = jnp.max(cur, axis=1, keepdims=True)
        amin = jnp.min(jnp.where(cur == mx, iota, jnp.int32(N_CAND)),
                       axis=1, keepdims=True)
        pick = iota == amin
        topk_ref[:, pl.ds(j, 1)] = jnp.sum(
            jnp.where(pick, i1b, jnp.int32(0)), axis=1, keepdims=True)
        v2_ref[:, pl.ds(j, 1)] = mx
        cur = jnp.where(pick, -jnp.inf, cur)
    for j in range(K_OUT, 16):
        topk_ref[:, pl.ds(j, 1)] = jnp.zeros((qb, 1), jnp.int32)
        v2_ref[:, pl.ds(j, 1)] = jnp.zeros((qb, 1), jnp.float32)


def _project(query, keys_pad, VT):
    qp = pl.pallas_call(
        _qp_kernel,
        out_shape=jax.ShapeDtypeStruct((Q, D_MODEL), jnp.float32),
    )(query, VT)
    qp32 = qp[:, :D_MAJOR]
    xb, s1, mx = pl.pallas_call(
        _xb_s1_kernel,
        grid=(N_BLOCKS,),
        in_specs=[
            pl.BlockSpec((NB, D_MODEL), lambda i: (i, 0)),
            pl.BlockSpec((D_MODEL, D_MODEL), lambda i: (0, 0)),
            pl.BlockSpec((Q, D_MAJOR), lambda i: (0, 0)),
        ],
        out_specs=[
            pl.BlockSpec((NB, D_MODEL), lambda i: (i, 0)),
            pl.BlockSpec((Q, NB), lambda i: (0, i)),
            pl.BlockSpec((1, Q, NB // CHUNK), lambda i: (i, 0, 0)),
        ],
        out_shape=[
            jax.ShapeDtypeStruct((N_PAD, D_MODEL), jnp.float32),
            jax.ShapeDtypeStruct((Q, N_PAD), jnp.float32),
            jax.ShapeDtypeStruct((N_BLOCKS, Q, NB // CHUNK), jnp.float32),
        ],
    )(keys_pad, VT, qp32)
    return qp, xb, s1, mx


_SC_MESH = plsc.VectorSubcoreMesh(core_axis_name="c", subcore_axis_name="s")

_select = functools.partial(
    pl.kernel,
    out_type=jax.ShapeDtypeStruct((Q * N_CAND,), jnp.int32),
    mesh=_SC_MESH,
    scratch_types=[
        pltpu.VMEM((NBUF * W_WIN,), jnp.float32),
        pltpu.VMEM((BUFCAP + 16,), jnp.float32),
        pltpu.VMEM((BUFCAP + 16,), jnp.int32),
        pltpu.VMEM((N_CAND + 16,), jnp.int32),
        pltpu.VMEM((N_CAND + 16,), jnp.int32),
        pltpu.VMEM((ACAP,), jnp.int32),
        pltpu.VMEM((ACAP,), jnp.int32),
        pltpu.VMEM((ACAP,), jnp.int32),
        pltpu.VMEM((ACAP,), jnp.int32),
        pltpu.VMEM((256,), jnp.int32),
        pltpu.VMEM((N_CHUNK + 16,), jnp.float32),
        pltpu.SemaphoreType.DMA,
    ],
    compiler_params=pltpu.CompilerParams(needs_layout_passes=False),
)(_select_kernel)

_gather = functools.partial(
    pl.kernel,
    out_type=jax.ShapeDtypeStruct((N_IDX, D_MODEL), jnp.float32),
    mesh=_SC_MESH,
    scratch_types=[
        pltpu.VMEM((GCH,), jnp.int32),
        pltpu.VMEM((GCH, D_MODEL), jnp.float32),
        pltpu.SemaphoreType.DMA,
    ],
    compiler_params=pltpu.CompilerParams(needs_layout_passes=False),
)(_gather_kernel)


def kernel(query, keys, VT, k, ef_search):
    keys_pad = jnp.pad(keys, ((0, N_PAD - N_KEYS), (0, 0)))
    qp, xb, s1, mx = _project(query, keys_pad, VT)
    mxf = mx.transpose(1, 0, 2).reshape(-1)
    i1_flat = _select(s1, mxf)
    cand = _gather(xb, i1_flat)
    i1 = i1_flat.reshape(Q, N_CAND)
    topk_pad, v2_pad = pl.pallas_call(
        _rerank_kernel,
        grid=(16,),
        in_specs=[
            pl.BlockSpec((Q // 16, D_MODEL), lambda i: (i, 0)),
            pl.BlockSpec((Q // 16, N_CAND, D_MODEL), lambda i: (i, 0, 0)),
            pl.BlockSpec((Q // 16, N_CAND), lambda i: (i, 0)),
        ],
        out_specs=[
            pl.BlockSpec((Q // 16, 16), lambda i: (i, 0)),
            pl.BlockSpec((Q // 16, 16), lambda i: (i, 0)),
        ],
        out_shape=[
            jax.ShapeDtypeStruct((Q, 16), jnp.int32),
            jax.ShapeDtypeStruct((Q, 16), jnp.float32),
        ],
    )(qp, cand.reshape(Q, N_CAND, D_MODEL), i1)
    topk = topk_pad[:, :K_OUT]
    v2 = v2_pad[:, :K_OUT]
    k_zero = jnp.asarray(k, dtype=topk.dtype) - K_OUT
    ef_zero = (jnp.asarray(ef_search, jnp.int32) - 32).astype(v2.dtype)
    return topk + k_zero, v2 + ef_zero

# --- scband reference (transcript-rebuilt; emitter-appended) ---
"""Pipeline reference for scband-index-svd-17772574671114 (READ-ONLY COPY).

The authoritative reference and input builder live on the scoring server;
editing this copy changes nothing except your own understanding.
"""

import jax, jax.numpy as jnp
import numpy as np

Q = 1024
N_KEYS = 100000
D_MODEL = 128
D_MAJOR = 32

K_STATIC = 10
EF_SEARCH_STATIC = 32


def setup_inputs(seed: int = 0) -> dict:
    key = jax.random.key(seed)
    k1, k2 = jax.random.split(key)
    query = jax.random.normal(k1, (Q, D_MODEL), dtype=jnp.float32)
    keys = jax.random.normal(k2, (N_KEYS, D_MODEL), dtype=jnp.float32)
    # train(): SVD of the database.  torch.svd gives x = U @ diag(S) @ V.T, VT = V.T.
    # numpy/jax reduced svd: keys = U * S @ Vh, so Vh == V.T == VT.
    _, _, Vh = jnp.linalg.svd(keys, full_matrices=False)
    VT = Vh.astype(jnp.float32)
    return {"query": query, "keys": keys, "VT": VT, "k": 10, "ef_search": 32}


def reference(query, keys, VT, k, ef_search):
    # Database vectors in the rotated SVD basis: xb = U * S = keys @ V = keys @ VT.T
    xb = jnp.matmul(keys, VT.T)
    # search(): project query into the same basis
    qp = jnp.matmul(query, VT.T)
    n_cand = 4 * EF_SEARCH_STATIC
    # Stage 1 (major index): coarse inner-product search on the leading d_major
    # SVD components, retrieving 4*ef_search entry candidates per query.
    s1 = jnp.matmul(qp[:, :D_MAJOR], xb[:, :D_MAJOR].T)  # [Q, N]
    v1, i1 = jax.lax.top_k(s1, n_cand)  # [Q, 4*ef]
    # Stage 2 (finer index): exact full-dimensional rerank over stage-1 candidates.
    cand = jnp.take(xb, i1, axis=0)  # [Q, 4*ef, d]
    s2 = jnp.einsum('qd,qcd->qc', qp, cand)  # [Q, 4*ef]
    v2, i2 = jax.lax.top_k(s2, K_STATIC)  # [Q, k]
    topk = jnp.take_along_axis(i1, i2, axis=1)  # map back to database ids
    k_zero = jnp.asarray(k, dtype=topk.dtype) - K_STATIC
    ef_zero = (jnp.asarray(ef_search, dtype=jnp.int32) - EF_SEARCH_STATIC).astype(v2.dtype)
    return topk + k_zero, v2 + ef_zero

if __name__ == "__main__":
    import jax
    _d = setup_inputs()
    print(jax.jit(kernel)(*tuple(_d.values())))

</pallas_src>

<mosaic_0001>
#map = affine_map<(d0, d1) -> (0, 0)>
#map1 = affine_map<(d0, d1) -> (0)>
module attributes {stable_mosaic.version = 14 : i64} {
  func.func @_gather_kernel(%arg0: i32, %arg1: i32, %arg2: memref<100352x128xf32, #tpu.memory_space<hbm>>, %arg3: memref<131072xi32, #tpu.memory_space<hbm>>, %arg4: memref<131072x128xf32, #tpu.memory_space<hbm>>, %arg5: memref<512xi32, #tpu.memory_space<vmem>>, %arg6: memref<512x128xf32, #tpu.memory_space<vmem>>, %arg7: memref<!tpu.dma_semaphore, #tpu.memory_space<semaphore_mem>>) attributes {dimension_semantics = [#tpu.dimension_semantics<core_parallel>, #tpu.dimension_semantics<subcore_parallel>], iteration_bounds = array<i64: 2, 16>, scalar_prefetch = 0 : i64, scratch_operands = 3 : i64, tpu.core_type = #tpu.core_type<sc_vector_subcore>, window_params = [{transform_indices = #map}, {transform_indices = #map1}, {transform_indices = #map}]} {
    %mul3A = arith.constant 2 : i32
    %mul3A_0 = arith.muli %arg1, %mul3A : i32
    %add3A = arith.addi %mul3A_0, %arg0 : i32
    %mul3A_1 = arith.constant 4096 : i32
    %mul3A_2 = arith.muli %add3A, %mul3A_1 : i32
    %scan3A = arith.constant 0 : i32
    %scan3A_3 = arith.constant 0 : i32
    %scan3A_4 = arith.constant 8 : i32
    %scan3A_5 = arith.addi %scan3A_3, %scan3A_4 : i32
    %scan3A_6 = arith.constant 1 : i32
    %scan3A_7 = scf.for %scan3A_9 = %scan3A_3 to %scan3A_5 step %scan3A_6 iter_args(%scan3A_10 = %scan3A) -> (i32)  : i32 {
      %mul3A_11 = arith.constant 512 : i32
      %mul3A_12 = arith.muli %scan3A_9, %mul3A_11 : i32
      %add3A_13 = arith.addi %mul3A_2, %mul3A_12 : i32
      "tpu.region"() ({
        %run_scoped3A = tpu.sem_alloc : memref<!tpu.dma_semaphore, #tpu.memory_space<semaphore_mem>>
        %dma_start3A_19 = tpu.memref_slice %arg3[%add3A_13] : memref<131072xi32, #tpu.memory_space<hbm>> -> memref<512xi32, #tpu.memory_space<hbm>>
        %dma_start3A_20 = tpu.memref_slice %arg3[%add3A_13] : memref<131072xi32, #tpu.memory_space<hbm>> -> memref<512xi32, #tpu.memory_space<hbm>>
        tpu.enqueue_dma source(%dma_start3A_20 : memref<512xi32, #tpu.memory_space<hbm>>) target(%arg5 : memref<512xi32, #tpu.memory_space<vmem>>) target_semaphore(%run_scoped3A : memref<!tpu.dma_semaphore, #tpu.memory_space<semaphore_mem>>)
        %dma_wait3A_21 = tpu.memref_slice %arg3[%add3A_13] : memref<131072xi32, #tpu.memory_space<hbm>> -> memref<512xi32, #tpu.memory_space<hbm>>
        %dma_wait3A_22 = tpu.memref_slice %arg3[%add3A_13] : memref<131072xi32, #tpu.memory_space<hbm>> -> memref<512xi32, #tpu.memory_space<hbm>>
        tpu.wait_dma2 semaphore(%run_scoped3A : memref<!tpu.dma_semaphore, #tpu.memory_space<semaphore_mem>>) src(%dma_wait3A_22 : memref<512xi32, #tpu.memory_space<hbm>>) dst(%arg5 : memref<512xi32, #tpu.memory_space<vmem>>)
        tpu.yield
      }) : () -> ()
      %dma_start3A = arith.constant 0 : i32
      %dma_start3A_14 = arith.constant 0 : i32
      %dma_start3A_15 = tpu.memref_slice %arg2[%dma_start3A, %dma_start3A_14] : memref<100352x128xf32, #tpu.memory_space<hbm>> -> memref<100352x128xf32, #tpu.memory_space<hbm>>
      tpu.enqueue_indirect_dma source(%dma_start3A_15 : memref<100352x128xf32, #tpu.memory_space<hbm>>) target(%arg6 : memref<512x128xf32, #tpu.memory_space<vmem>>) offsets(%arg5 : memref<512xi32, #tpu.memory_space<vmem>>) semaphore(%arg7 : memref<!tpu.dma_semaphore, #tpu.memory_space<semaphore_mem>>)
      %dma_wait3A = arith.constant 0 : i32
      %dma_wait3A_16 = arith.constant 0 : i32
      %dma_wait3A_17 = tpu.memref_slice %arg2[%dma_wait3A, %dma_wait3A_16] : memref<100352x128xf32, #tpu.memory_space<hbm>> -> memref<100352x128xf32, #tpu.memory_space<hbm>>
      tpu.wait_indirect_dma semaphore(%arg7 : memref<!tpu.dma_semaphore, #tpu.memory_space<semaphore_mem>>) src(%dma_wait3A_17 : memref<100352x128xf32, #tpu.memory_space<hbm>>) dst(%arg6 : memref<512x128xf32, #tpu.memory_space<vmem>>)
      "tpu.region"() ({
        %run_scoped3A = tpu.sem_alloc : memref<!tpu.dma_semaphore, #tpu.memory_space<semaphore_mem>>
        %dma_start3A_19 = arith.constant 0 : i32
        %dma_start3A_20 = tpu.memref_slice %arg4[%add3A_13, %dma_start3A_19] : memref<131072x128xf32, #tpu.memory_space<hbm>> -> memref<512x128xf32, #tpu.memory_space<hbm>>
        %dma_start3A_21 = arith.constant 0 : i32
        %dma_start3A_22 = tpu.memref_slice %arg4[%add3A_13, %dma_start3A_21] : memref<131072x128xf32, #tpu.memory_space<hbm>> -> memref<512x128xf32, #tpu.memory_space<hbm>>
        tpu.enqueue_dma source(%arg6 : memref<512x128xf32, #tpu.memory_space<vmem>>) target(%dma_start3A_22 : memref<512x128xf32, #tpu.memory_space<hbm>>) target_semaphore(%run_scoped3A : memref<!tpu.dma_semaphore, #tpu.memory_space<semaphore_mem>>)
        %dma_wait3A_23 = arith.constant 0 : i32
        %dma_wait3A_24 = tpu.memref_slice %arg4[%add3A_13, %dma_wait3A_23] : memref<131072x128xf32, #tpu.memory_space<hbm>> -> memref<512x128xf32, #tpu.memory_space<hbm>>
        %dma_wait3A_25 = arith.constant 0 : i32
        %dma_wait3A_26 = tpu.memref_slice %arg4[%add3A_13, %dma_wait3A_25] : memref<131072x128xf32, #tpu.memory_space<hbm>> -> memref<512x128xf32, #tpu.memory_space<hbm>>
        tpu.wait_dma2 semaphore(%run_scoped3A : memref<!tpu.dma_semaphore, #tpu.memory_space<semaphore_mem>>) src(%arg6 : memref<512x128xf32, #tpu.memory_space<vmem>>) dst(%dma_wait3A_26 : memref<512x128xf32, #tpu.memory_space<hbm>>)
        tpu.yield
      }) : () -> ()
      %scan3A_18 = arith.constant 0 : i32
      scf.yield %scan3A_18 : i32
    }
    %scan3A_8 = arith.constant 8 : i32
    return
  }
}

#map = affine_map<(d0, d1) -> (0, 0)>
#map1 = affine_map<(d0, d1) -> (0)>
module attributes {stable_mosaic.version = 14 : i64} {
  func.func @_select_kernel(%arg0: i32, %arg1: i32, %arg2: memref<1024x100352xf32, #tpu.memory_space<hbm>>, %arg3: memref<802816xf32, #tpu.memory_space<hbm>>, %arg4: memref<131072xi32, #tpu.memory_space<hbm>>, %arg5: memref<57344xf32, #tpu.memory_space<vmem>>, %arg6: memref<2064xf32, #tpu.memory_space<vmem>>, %arg7: memref<2064xi32, #tpu.memory_space<vmem>>, %arg8: memref<144xi32, #tpu.memory_space<vmem>>, %arg9: memref<144xi32, #tpu.memory_space<vmem>>, %arg10: memref<2192xi32, #tpu.memory_space<vmem>>, %arg11: memref<2192xi32, #tpu.memory_space<vmem>>, %arg12: memref<2192xi32, #tpu.memory_space<vmem>>, %arg13: memref<2192xi32, #tpu.memory_space<vmem>>, %arg14: memref<256xi32, #tpu.memory_space<vmem>>, %arg15: memref<800xf32, #tpu.memory_space<vmem>>, %arg16: memref<!tpu.dma_semaphore, #tpu.memory_space<semaphore_mem>>) attributes {dimension_semantics = [#tpu.dimension_semantics<core_parallel>, #tpu.dimension_semantics<subcore_parallel>], iteration_bounds = array<i64: 2, 16>, scalar_prefetch = 0 : i64, scratch_operands = 12 : i64, tpu.core_type = #tpu.core_type<sc_vector_subcore>, window_params = [{transform_indices = #map}, {transform_indices = #map1}, {transform_indices = #map1}]} {
    %mul3A = arith.constant 2 : i32
    %mul3A_0 = arith.muli %arg1, %mul3A : i32
    %add3A = arith.addi %mul3A_0, %arg0 : i32
    %iota3A = tpu.iota {dimensions = array<i32: 0>} : vector<16xi32>
    %broadcast_in_dim3A = arith.constant 1 : i32
    %broadcast_in_dim3A_1 = vector.broadcast %broadcast_in_dim3A : i32 to vector<16xi32>
    %scan3A = arith.constant 0 : i32
    %scan3A_2 = arith.constant 0 : i32
    %scan3A_3 = arith.constant 32 : i32
    %scan3A_4 = arith.addi %scan3A_2, %scan3A_3 : i32
    %scan3A_5 = arith.constant 1 : i32
    %scan3A_6 = scf.for %scan3A_8 = %scan3A_2 to %scan3A_4 step %scan3A_5 iter_args(%scan3A_9 = %scan3A) -> (i32)  : i32 {
      %mul3A_10 = arith.constant 32 : i32
      %mul3A_11 = arith.muli %add3A, %mul3A_10 : i32
      %add3A_12 = arith.addi %mul3A_11, %scan3A_8 : i32
      %mul3A_13 = arith.constant 100352 : i32
      %mul3A_14 = arith.muli %add3A_12, %mul3A_13 : i32
      %broadcast_in_dim3A_15 = arith.constant 0xFF800000 : f32
      %broadcast_in_dim3A_16 = vector.broadcast %broadcast_in_dim3A_15 : f32 to vector<16xf32>
      %swap3A = arith.constant 784 : index
      %swap3A_17 = tpu.vector_load %arg15[%swap3A] {strides = array<i32>} : memref<800xf32, #tpu.memory_space<vmem>>, vector<16xf32>,
      tpu.vector_store %arg15[%swap3A], %broadcast_in_dim3A_16 {strides = array<i32>} : memref<800xf32, #tpu.memory_space<vmem>>, vector<16xf32>,
      %mul3A_18 = arith.constant 784 : i32
      %mul3A_19 = arith.muli %add3A_12, %mul3A_18 : i32
      "tpu.region"() ({
        %run_scoped3A = tpu.sem_alloc : memref<!tpu.dma_semaphore, #tpu.memory_space<semaphore_mem>>
        %dma_start3A_128 = arith.constant 0 : i32
        %dma_start3A_129 = tpu.memref_slice %arg15[%dma_start3A_128] : memref<800xf32, #tpu.memory_space<vmem>> -> memref<784xf32, #tpu.memory_space<vmem>>
        %dma_start3A_130 = tpu.memref_slice %arg3[%mul3A_19] : memref<802816xf32, #tpu.memory_space<hbm>> -> memref<784xf32, #tpu.memory_space<hbm>>
        %dma_start3A_131 = arith.constant 0 : i32
        %dma_start3A_132 = tpu.memref_slice %arg15[%dma_start3A_131] : memref<800xf32, #tpu.memory_space<vmem>> -> memref<784xf32, #tpu.memory_space<vmem>>
        %dma_start3A_133 = tpu.memref_slice %arg3[%mul3A_19] : memref<802816xf32, #tpu.memory_space<hbm>> -> memref<784xf32, #tpu.memory_space<hbm>>
        tpu.enqueue_dma source(%dma_start3A_133 : memref<784xf32, #tpu.memory_space<hbm>>) target(%dma_start3A_132 : memref<784xf32, #tpu.memory_space<vmem>>) target_semaphore(%run_scoped3A : memref<!tpu.dma_semaphore, #tpu.memory_space<semaphore_mem>>)
        %dma_wait3A = arith.constant 0 : i32
        %dma_wait3A_134 = tpu.memref_slice %arg15[%dma_wait3A] : memref<800xf32, #tpu.memory_space<vmem>> -> memref<784xf32, #tpu.memory_space<vmem>>
        %dma_wait3A_135 = tpu.memref_slice %arg3[%mul3A_19] : memref<802816xf32, #tpu.memory_space<hbm>> -> memref<784xf32, #tpu.memory_space<hbm>>
        %dma_wait3A_136 = arith.constant 0 : i32
        %dma_wait3A_137 = tpu.memref_slice %arg15[%dma_wait3A_136] : memref<800xf32, #tpu.memory_space<vmem>> -> memref<784xf32, #tpu.memory_space<vmem>>
        %dma_wait3A_138 = tpu.memref_slice %arg3[%mul3A_19] : memref<802816xf32, #tpu.memory_space<hbm>> -> memref<784xf32, #tpu.memory_space<hbm>>
        tpu.wait_dma2 semaphore(%run_scoped3A : memref<!tpu.dma_semaphore, #tpu.memory_space<semaphore_mem>>) src(%dma_wait3A_138 : memref<784xf32, #tpu.memory_space<hbm>>) dst(%dma_wait3A_137 : memref<784xf32, #tpu.memory_space<vmem>>)
        tpu.yield
      }) : () -> ()
      %scan3A_20 = arith.constant 0 : i32
      %scan3A_21 = arith.constant 0 : i32
      %scan3A_22 = arith.constant 16 : i32
      %scan3A_23 = arith.addi %scan3A_21, %scan3A_22 : i32
      %scan3A_24 = arith.constant 1 : i32
      %scan3A_25 = scf.for %scan3A_128 = %scan3A_21 to %scan3A_23 step %scan3A_24 iter_args(%scan3A_129 = %scan3A_20) -> (i32)  : i32 {
        %broadcast_in_dim3A_130 = arith.constant 0 : i32
        %broadcast_in_dim3A_131 = vector.broadcast %broadcast_in_dim3A_130 : i32 to vector<16xi32>
        %mul3A_132 = arith.constant 16 : i32
        %mul3A_133 = arith.muli %scan3A_128, %mul3A_132 : i32
        %swap3A_134 = arith.index_cast %mul3A_133 : i32 to index
        %swap3A_135 = tpu.vector_load %arg14[%swap3A_134] {strides = array<i32>} : memref<256xi32, #tpu.memory_space<vmem>>, vector<16xi32>,
        tpu.vector_store %arg14[%swap3A_134], %broadcast_in_dim3A_131 {strides = array<i32>} : memref<256xi32, #tpu.memory_space<vmem>>, vector<16xi32>,
        %scan3A_136 = arith.constant 0 : i32
        scf.yield %scan3A_136 : i32
      }
      %scan3A_26 = arith.constant 16 : i32
      %scan3A_27 = arith.constant 0 : i32
      %scan3A_28 = arith.constant 0 : i32
      %scan3A_29 = arith.constant 49 : i32
      %scan3A_30 = arith.addi %scan3A_28, %scan3A_29 : i32
      %scan3A_31 = arith.constant 1 : i32
      %scan3A_32 = scf.for %scan3A_128 = %scan3A_28 to %scan3A_30 step %scan3A_31 iter_args(%scan3A_129 = %scan3A_27) -> (i32)  : i32 {
        %mul3A_130 = arith.constant 16 : i32
        %mul3A_131 = arith.muli %scan3A_128, %mul3A_130 : i32
        %get3A = arith.index_cast %mul3A_131 : i32 to index
        %get3A_132 = tpu.vector_load %arg15[%get3A] {strides = array<i32>} : memref<800xf32, #tpu.memory_space<vmem>>, vector<16xf32>,
        %bitcast3A = vector.bitcast %get3A_132 : vector<16xf32> to vector<16xi32>
        %lt3A = arith.constant 0 : i32
        %lt3A_133 = vector.broadcast %lt3A : i32 to vector<16xi32>
        %lt3A_134 = arith.cmpi slt, %bitcast3A, %lt3A_133 : vector<16xi32>
        %not3A_135 = arith.constant dense<-1> : vector<16xi32>
        %not3A_136 = arith.xori %bitcast3A, %not3A_135 : vector<16xi32>
        %xor3A_137 = arith.constant -2147483648 : i32
        %xor3A_138 = vector.broadcast %xor3A_137 : i32 to vector<16xi32>
        %xor3A_139 = arith.xori %not3A_136, %xor3A_138 : vector<16xi32>
        %select_n3A_140 = arith.select %lt3A_134, %xor3A_139, %bitcast3A : vector<16xi1>, vector<16xi32>
        %xor3A_141 = arith.constant -2147483648 : i32
        %xor3A_142 = vector.broadcast %xor3A_141 : i32 to vector<16xi32>
        %xor3A_143 = arith.xori %select_n3A_140, %xor3A_142 : vector<16xi32>
        %broadcast_in_dim3A_144 = arith.constant 24 : i32
        %broadcast_in_dim3A_145 = vector.broadcast %broadcast_in_dim3A_144 : i32 to vector<16xi32>
        %shift_right_logical3A = arith.shrui %xor3A_143, %broadcast_in_dim3A_145 : vector<16xi32>
        %and3A = arith.constant 255 : i32
        %and3A_146 = vector.broadcast %and3A : i32 to vector<16xi32>
        %and3A_147 = arith.andi %shift_right_logical3A, %and3A_146 : vector<16xi32>
        tpu.vector_store_idx %arg14[%and3A_147], %broadcast_in_dim3A_1 {add = true} : memref<256xi32, #tpu.memory_space<vmem>>[vector<16xi32>], vector<16xi32>,
        %scan3A_148 = arith.constant 0 : i32
        scf.yield %scan3A_148 : i32
      }
      %scan3A_33 = arith.constant 49 : i32
      %scan3A_34 = arith.constant 128 : i32
      %scan3A_35 = arith.constant 0 : i32
      %scan3A_36 = arith.constant -1 : i32
      %scan3A_37 = arith.constant 0 : i32
      %scan3A_38 = arith.constant 16 : i32
      %scan3A_39 = arith.addi %scan3A_37, %scan3A_38 : i32
      %scan3A_40 = arith.constant 1 : i32
      %scan3A_41:2 = scf.for %scan3A_128 = %scan3A_37 to %scan3A_39 step %scan3A_40 iter_args(%scan3A_129 = %scan3A_35, %scan3A_130 = %scan3A_36) -> (i32, i32)  : i32 {
        %sub3A_131 = arith.constant 15 : i32
        %sub3A_132 = arith.subi %sub3A_131, %scan3A_128 : i32
        %mul3A_133 = arith.constant 16 : i32
        %mul3A_134 = arith.muli %sub3A_132, %mul3A_133 : i32
        %get3A = arith.index_cast %mul3A_134 : i32 to index
        %get3A_135 = tpu.vector_load %arg14[%get3A] {strides = array<i32>} : memref<256xi32, #tpu.memory_space<vmem>>, vector<16xi32>,
        %rev3A = arith.constant 15 : i32
        %rev3A_136 = vector.broadcast %rev3A : i32 to vector<16xi32>
        %rev3A_137 = tpu.iota {dimensions = array<i32: 0>} : vector<16xi32>
        %rev3A_138 = arith.subi %rev3A_136, %rev3A_137 : vector<16xi32>
        %rev3A_139 = tpu.dynamic_gather %get3A_135[%rev3A_138] in [0] : vector<16xi32>, vector<16xi32> -> vector<16xi32>
        %broadcast_in_dim3A_140 = arith.constant true
        %broadcast_in_dim3A_141 = vector.broadcast %broadcast_in_dim3A_140 : i1 to vector<16xi1>
        %masked_cumsum3A = tpu.scan <sum>, %rev3A_139 masked %broadcast_in_dim3A_141 : vector<16xi32>, vector<16xi1> -> vector<16xi32>
        %add3A_142 = vector.broadcast %scan3A_129 : i32 to vector<16xi32>
        %add3A_143 = arith.addi %masked_cumsum3A, %add3A_142 : vector<16xi32>
        %mul3A_144 = arith.constant 16 : i32
        %mul3A_145 = arith.muli %sub3A_132, %mul3A_144 : i32
        %add3A_146 = arith.constant 15 : i32
        %add3A_147 = arith.addi %mul3A_145, %add3A_146 : i32
        %sub3A_148 = vector.broadcast %add3A_147 : i32 to vector<16xi32>
        %sub3A_149 = arith.subi %sub3A_148, %iota3A : vector<16xi32>
        %ge3A_150 = vector.broadcast %scan3A_34 : i32 to vector<16xi32>
        %ge3A_151 = arith.cmpi sge, %add3A_143, %ge3A_150 : vector<16xi32>
        %jit3A = arith.constant -1 : i32
        %broadcast_in_dim3A_152 = vector.broadcast %jit3A : i32 to vector<16xi32>
        %select_n3A_153 = arith.select %ge3A_151, %sub3A_149, %broadcast_in_dim3A_152 : vector<16xi1>, vector<16xi32>
        %reduce_sum3A = arith.constant true
        %reduce_sum3A_154 = vector.broadcast %reduce_sum3A : i1 to vector<16xi1>
        %reduce_sum3A_155 = tpu.scan <sum>, %get3A_135 masked %reduce_sum3A_154 : vector<16xi32>, vector<16xi1> -> vector<16xi32>
        %reduce_sum3A_156 = vector.extract %reduce_sum3A_155[15] : i32 from vector<16xi32>
        %add3A_157 = arith.addi %scan3A_129, %reduce_sum3A_156 : i32
        %reduce_max3A = arith.constant true
        %reduce_max3A_158 = vector.broadcast %reduce_max3A : i1 to vector<16xi1>
        %reduce_max3A_159 = arith.constant -2147483648 : i32
        %reduce_max3A_160 = vector.broadcast %reduce_max3A_159 : i32 to vector<16xi32>
        %reduce_max3A_161 = arith.xori %select_n3A_153, %reduce_max3A_160 : vector<16xi32>
        %reduce_max3A_162 = tpu.scan <max>, %reduce_max3A_161 masked %reduce_max3A_158 : vector<16xi32>, vector<16xi1> -> vector<16xi32>
        %reduce_max3A_163 = arith.xori %reduce_max3A_162, %reduce_max3A_160 : vector<16xi32>
        %reduce_max3A_164 = vector.extract %reduce_max3A_163[15] : i32 from vector<16xi32>
        %max3A = arith.maxsi %scan3A_130, %reduce_max3A_164 : i32
        scf.yield %add3A_157, %max3A : i32, i32
      }
      %scan3A_42 = arith.constant 16 : i32
      %scan3A_43 = arith.constant 0 : i32
      %scan3A_44 = arith.constant 0 : i32
      %scan3A_45 = arith.constant 16 : i32
      %scan3A_46 = arith.addi %scan3A_44, %scan3A_45 : i32
      %scan3A_47 = arith.constant 1 : i32
      %scan3A_48 = scf.for %scan3A_128 = %scan3A_44 to %scan3A_46 step %scan3A_47 iter_args(%scan3A_129 = %scan3A_43) -> (i32)  : i32 {
        %mul3A_130 = arith.constant 16 : i32
        %mul3A_131 = arith.muli %scan3A_128, %mul3A_130 : i32
        %get3A = arith.index_cast %mul3A_131 : i32 to index
        %get3A_132 = tpu.vector_load %arg14[%get3A] {strides = array<i32>} : memref<256xi32, #tpu.memory_space<vmem>>, vector<16xi32>,
        %mul3A_133 = arith.constant 16 : i32
        %mul3A_134 = arith.muli %scan3A_128, %mul3A_133 : i32
        %add3A_135 = vector.broadcast %mul3A_134 : i32 to vector<16xi32>
        %add3A_136 = arith.addi %add3A_135, %iota3A : vector<16xi32>
        %gt3A_137 = vector.broadcast %scan3A_41#1 : i32 to vector<16xi32>
        %gt3A_138 = arith.cmpi sgt, %add3A_136, %gt3A_137 : vector<16xi32>
        %jit3A = arith.constant 0 : i32
        %broadcast_in_dim3A_139 = vector.broadcast %jit3A : i32 to vector<16xi32>
        %select_n3A_140 = arith.select %gt3A_138, %get3A_132, %broadcast_in_dim3A_139 : vector<16xi1>, vector<16xi32>
        %reduce_sum3A = arith.constant true
        %reduce_sum3A_141 = vector.broadcast %reduce_sum3A : i1 to vector<16xi1>
        %reduce_sum3A_142 = tpu.scan <sum>, %select_n3A_140 masked %reduce_sum3A_141 : vector<16xi32>, vector<16xi1> -> vector<16xi32>
        %reduce_sum3A_143 = vector.extract %reduce_sum3A_142[15] : i32 from vector<16xi32>
        %add3A_144 = arith.addi %scan3A_129, %reduce_sum3A_143 : i32
        scf.yield %add3A_144 : i32
      }
      %scan3A_49 = arith.constant 16 : i32
      %scan3A_50 = arith.constant 0 : i32
      %scan3A_51 = arith.constant 0 : i32
      %scan3A_52 = arith.constant 16 : i32
      %scan3A_53 = arith.addi %scan3A_51, %scan3A_52 : i32
      %scan3A_54 = arith.constant 1 : i32
      %scan3A_55 = scf.for %scan3A_128 = %scan3A_51 to %scan3A_53 step %scan3A_54 iter_args(%scan3A_129 = %scan3A_50) -> (i32)  : i32 {
        %broadcast_in_dim3A_130 = arith.constant 0 : i32
        %broadcast_in_dim3A_131 = vector.broadcast %broadcast_in_dim3A_130 : i32 to vector<16xi32>
        %mul3A_132 = arith.constant 16 : i32
        %mul3A_133 = arith.muli %scan3A_128, %mul3A_132 : i32
        %swap3A_134 = arith.index_cast %mul3A_133 : i32 to index
        %swap3A_135 = tpu.vector_load %arg14[%swap3A_134] {strides = array<i32>} : memref<256xi32, #tpu.memory_space<vmem>>, vector<16xi32>,
        tpu.vector_store %arg14[%swap3A_134], %broadcast_in_dim3A_131 {strides = array<i32>} : memref<256xi32, #tpu.memory_space<vmem>>, vector<16xi32>,
        %scan3A_136 = arith.constant 0 : i32
        scf.yield %scan3A_136 : i32
      }
      %scan3A_56 = arith.constant 16 : i32
      %scan3A_57 = arith.constant 0 : i32
      %scan3A_58 = arith.constant 0 : i32
      %scan3A_59 = arith.constant 49 : i32
      %scan3A_60 = arith.addi %scan3A_58, %scan3A_59 : i32
      %scan3A_61 = arith.constant 1 : i32
      %scan3A_62 = scf.for %scan3A_128 = %scan3A_58 to %scan3A_60 step %scan3A_61 iter_args(%scan3A_129 = %scan3A_57) -> (i32)  : i32 {
        %mul3A_130 = arith.constant 16 : i32
        %mul3A_131 = arith.muli %scan3A_128, %mul3A_130 : i32
        %get3A = arith.index_cast %mul3A_131 : i32 to index
        %get3A_132 = tpu.vector_load %arg15[%get3A] {strides = array<i32>} : memref<800xf32, #tpu.memory_space<vmem>>, vector<16xf32>,
        %bitcast3A = vector.bitcast %get3A_132 : vector<16xf32> to vector<16xi32>
        %lt3A = arith.constant 0 : i32
        %lt3A_133 = vector.broadcast %lt3A : i32 to vector<16xi32>
        %lt3A_134 = arith.cmpi slt, %bitcast3A, %lt3A_133 : vector<16xi32>
        %not3A_135 = arith.constant dense<-1> : vector<16xi32>
        %not3A_136 = arith.xori %bitcast3A, %not3A_135 : vector<16xi32>
        %xor3A_137 = arith.constant -2147483648 : i32
        %xor3A_138 = vector.broadcast %xor3A_137 : i32 to vector<16xi32>
        %xor3A_139 = arith.xori %not3A_136, %xor3A_138 : vector<16xi32>
        %select_n3A_140 = arith.select %lt3A_134, %xor3A_139, %bitcast3A : vector<16xi1>, vector<16xi32>
        %xor3A_141 = arith.constant -2147483648 : i32
        %xor3A_142 = vector.broadcast %xor3A_141 : i32 to vector<16xi32>
        %xor3A_143 = arith.xori %select_n3A_140, %xor3A_142 : vector<16xi32>
        %broadcast_in_dim3A_144 = arith.constant 16 : i32
        %broadcast_in_dim3A_145 = vector.broadcast %broadcast_in_dim3A_144 : i32 to vector<16xi32>
        %shift_right_logical3A = arith.shrui %xor3A_143, %broadcast_in_dim3A_145 : vector<16xi32>
        %and3A = arith.constant 255 : i32
        %and3A_146 = vector.broadcast %and3A : i32 to vector<16xi32>
        %and3A_147 = arith.andi %shift_right_logical3A, %and3A_146 : vector<16xi32>
        %xor3A_148 = arith.constant -2147483648 : i32
        %xor3A_149 = vector.broadcast %xor3A_148 : i32 to vector<16xi32>
        %xor3A_150 = arith.xori %select_n3A_140, %xor3A_149 : vector<16xi32>
        %broadcast_in_dim3A_151 = arith.constant 24 : i32
        %broadcast_in_dim3A_152 = vector.broadcast %broadcast_in_dim3A_151 : i32 to vector<16xi32>
        %shift_right_logical3A_153 = arith.shrui %xor3A_150, %broadcast_in_dim3A_152 : vector<16xi32>
        %and3A_154 = arith.constant 255 : i32
        %and3A_155 = vector.broadcast %and3A_154 : i32 to vector<16xi32>
        %and3A_156 = arith.andi %shift_right_logical3A_153, %and3A_155 : vector<16xi32>
        %eq3A_157 = vector.broadcast %scan3A_41#1 : i32 to vector<16xi32>
        %eq3A_158 = arith.cmpi eq, %and3A_156, %eq3A_157 : vector<16xi32>
        tpu.vector_store_idx %arg14[%and3A_147], %broadcast_in_dim3A_1 masked %eq3A_158 {add = true} : memref<256xi32, #tpu.memory_space<vmem>>[vector<16xi32>], vector<16xi32>, vector<16xi1>
        %scan3A_159 = arith.constant 0 : i32
        scf.yield %scan3A_159 : i32
      }
      %scan3A_63 = arith.constant 49 : i32
      %sub3A = arith.constant 128 : i32
      %sub3A_64 = arith.subi %sub3A, %scan3A_48 : i32
      %scan3A_65 = arith.constant 0 : i32
      %scan3A_66 = arith.constant -1 : i32
      %scan3A_67 = arith.constant 0 : i32
      %scan3A_68 = arith.constant 16 : i32
      %scan3A_69 = arith.addi %scan3A_67, %scan3A_68 : i32
      %scan3A_70 = arith.constant 1 : i32
      %scan3A_71:2 = scf.for %scan3A_128 = %scan3A_67 to %scan3A_69 step %scan3A_70 iter_args(%scan3A_129 = %scan3A_65, %scan3A_130 = %scan3A_66) -> (i32, i32)  : i32 {
        %sub3A_131 = arith.constant 15 : i32
        %sub3A_132 = arith.subi %sub3A_131, %scan3A_128 : i32
        %mul3A_133 = arith.constant 16 : i32
        %mul3A_134 = arith.muli %sub3A_132, %mul3A_133 : i32
        %get3A = arith.index_cast %mul3A_134 : i32 to index
        %get3A_135 = tpu.vector_load %arg14[%get3A] {strides = array<i32>} : memref<256xi32, #tpu.memory_space<vmem>>, vector<16xi32>,
        %rev3A = arith.constant 15 : i32
        %rev3A_136 = vector.broadcast %rev3A : i32 to vector<16xi32>
        %rev3A_137 = tpu.iota {dimensions = array<i32: 0>} : vector<16xi32>
        %rev3A_138 = arith.subi %rev3A_136, %rev3A_137 : vector<16xi32>
        %rev3A_139 = tpu.dynamic_gather %get3A_135[%rev3A_138] in [0] : vector<16xi32>, vector<16xi32> -> vector<16xi32>
        %broadcast_in_dim3A_140 = arith.constant true
        %broadcast_in_dim3A_141 = vector.broadcast %broadcast_in_dim3A_140 : i1 to vector<16xi1>
        %masked_cumsum3A = tpu.scan <sum>, %rev3A_139 masked %broadcast_in_dim3A_141 : vector<16xi32>, vector<16xi1> -> vector<16xi32>
        %add3A_142 = vector.broadcast %scan3A_129 : i32 to vector<16xi32>
        %add3A_143 = arith.addi %masked_cumsum3A, %add3A_142 : vector<16xi32>
        %mul3A_144 = arith.constant 16 : i32
        %mul3A_145 = arith.muli %sub3A_132, %mul3A_144 : i32
        %add3A_146 = arith.constant 15 : i32
        %add3A_147 = arith.addi %mul3A_145, %add3A_146 : i32
        %sub3A_148 = vector.broadcast %add3A_147 : i32 to vector<16xi32>
        %sub3A_149 = arith.subi %sub3A_148, %iota3A : vector<16xi32>
        %ge3A_150 = vector.broadcast %sub3A_64 : i32 to vector<16xi32>
        %ge3A_151 = arith.cmpi sge, %add3A_143, %ge3A_150 : vector<16xi32>
        %jit3A = arith.constant -1 : i32
        %broadcast_in_dim3A_152 = vector.broadcast %jit3A : i32 to vector<16xi32>
        %select_n3A_153 = arith.select %ge3A_151, %sub3A_149, %broadcast_in_dim3A_152 : vector<16xi1>, vector<16xi32>
        %reduce_sum3A = arith.constant true
        %reduce_sum3A_154 = vector.broadcast %reduce_sum3A : i1 to vector<16xi1>
        %reduce_sum3A_155 = tpu.scan <sum>, %get3A_135 masked %reduce_sum3A_154 : vector<16xi32>, vector<16xi1> -> vector<16xi32>
        %reduce_sum3A_156 = vector.extract %reduce_sum3A_155[15] : i32 from vector<16xi32>
        %add3A_157 = arith.addi %scan3A_129, %reduce_sum3A_156 : i32
        %reduce_max3A = arith.constant true
        %reduce_max3A_158 = vector.broadcast %reduce_max3A : i1 to vector<16xi1>
        %reduce_max3A_159 = arith.constant -2147483648 : i32
        %reduce_max3A_160 = vector.broadcast %reduce_max3A_159 : i32 to vector<16xi32>
        %reduce_max3A_161 = arith.xori %select_n3A_153, %reduce_max3A_160 : vector<16xi32>
        %reduce_max3A_162 = tpu.scan <max>, %reduce_max3A_161 masked %reduce_max3A_158 : vector<16xi32>, vector<16xi1> -> vector<16xi32>
        %reduce_max3A_163 = arith.xori %reduce_max3A_162, %reduce_max3A_160 : vector<16xi32>
        %reduce_max3A_164 = vector.extract %reduce_max3A_163[15] : i32 from vector<16xi32>
        %max3A = arith.maxsi %scan3A_130, %reduce_max3A_164 : i32
        scf.yield %add3A_157, %max3A : i32, i32
      }
      %scan3A_72 = arith.constant 16 : i32
      %shift_left3A = arith.constant 24 : i32
      %shift_left3A_73 = arith.shli %scan3A_41#1, %shift_left3A : i32
      %shift_left3A_74 = arith.constant 16 : i32
      %shift_left3A_75 = arith.shli %scan3A_71#1, %shift_left3A_74 : i32
      %or3A = arith.ori %shift_left3A_73, %shift_left3A_75 : i32
      %xor3A = arith.constant -2147483648 : i32
      %xor3A_76 = arith.xori %or3A, %xor3A : i32
      %eq3A = arith.constant -2147483648 : i32
      %eq3A_77 = arith.cmpi eq, %xor3A_76, %eq3A : i32
      %sub3A_78 = arith.constant 1 : i32
      %sub3A_79 = arith.subi %xor3A_76, %sub3A_78 : i32
      %select_n3A = arith.select %eq3A_77, %xor3A_76, %sub3A_79 : i32
      %ge3A = arith.constant 0 : i32
      %ge3A_80 = arith.cmpi sge, %select_n3A, %ge3A : i32
      %xor3A_81 = arith.constant -2147483648 : i32
      %xor3A_82 = arith.xori %select_n3A, %xor3A_81 : i32
      %not3A = arith.constant -1 : i32
      %not3A_83 = arith.xori %xor3A_82, %not3A : i32
      %select_n3A_84 = arith.select %ge3A_80, %select_n3A, %not3A_83 : i32
      %bitcast_convert_type3A = arith.bitcast %select_n3A_84 : i32 to f32
      %dma_start3A = arith.constant 0 : i32
      %dma_start3A_85 = tpu.memref_slice %arg5[%dma_start3A] : memref<57344xf32, #tpu.memory_space<vmem>> -> memref<14336xf32, #tpu.memory_space<vmem>>
      %dma_start3A_86 = arith.constant 0 : i32
      %dma_start3A_87 = tpu.memref_slice %arg2[%add3A_12, %dma_start3A_86] : memref<1024x100352xf32, #tpu.memory_space<hbm>> -> memref<1x14336xf32, #tpu.memory_space<hbm>>
      %dma_start3A_88 = tpu.memref_squeeze %dma_start3A_87 : memref<1x14336xf32, #tpu.memory_space<hbm>> -> memref<14336xf32, #tpu.memory_space<hbm>>
      %dma_start3A_89 = arith.constant 0 : i32
      %dma_start3A_90 = tpu.memref_slice %arg5[%dma_start3A_89] : memref<57344xf32, #tpu.memory_space<vmem>> -> memref<14336xf32, #tpu.memory_space<vmem>>
      %dma_start3A_91 = arith.constant 0 : i32
      %dma_start3A_92 = tpu.memref_slice %arg2[%add3A_12, %dma_start3A_91] : memref<1024x100352xf32, #tpu.memory_space<hbm>> -> memref<1x14336xf32, #tpu.memory_space<hbm>>
      %dma_start3A_93 = tpu.memref_squeeze %dma_start3A_92 : memref<1x14336xf32, #tpu.memory_space<hbm>> -> memref<14336xf32, #tpu.memory_space<hbm>>
      tpu.enqueue_dma source(%dma_start3A_93 : memref<14336xf32, #tpu.memory_space<hbm>>) target(%dma_start3A_90 : memref<14336xf32, #tpu.memory_space<vmem>>) target_semaphore(%arg16 : memref<!tpu.dma_semaphore, #tpu.memory_space<semaphore_mem>>)
      %dma_start3A_94 = arith.constant 14336 : i32
      %dma_start3A_95 = tpu.memref_slice %arg5[%dma_start3A_94] : memref<57344xf32, #tpu.memory_space<vmem>> -> memref<14336xf32, #tpu.memory_space<vmem>>
      %dma_start3A_96 = arith.constant 14336 : i32
      %dma_start3A_97 = tpu.memref_slice %arg2[%add3A_12, %dma_start3A_96] : memref<1024x100352xf32, #tpu.memory_space<hbm>> -> memref<1x14336xf32, #tpu.memory_space<hbm>>
      %dma_start3A_98 = tpu.memref_squeeze %dma_start3A_97 : memref<1x14336xf32, #tpu.memory_space<hbm>> -> memref<14336xf32, #tpu.memory_space<hbm>>
      %dma_start3A_99 = arith.constant 14336 : i32
      %dma_start3A_100 = tpu.memref_slice %arg5[%dma_start3A_99] : memref<57344xf32, #tpu.memory_space<vmem>> -> memref<14336xf32, #tpu.memory_space<vmem>>
      %dma_start3A_101 = arith.constant 14336 : i32
      %dma_start3A_102 = tpu.memref_slice %arg2[%add3A_12, %dma_start3A_101] : memref<1024x100352xf32, #tpu.memory_space<hbm>> -> memref<1x14336xf32, #tpu.memory_space<hbm>>
      %dma_start3A_103 = tpu.memref_squeeze %dma_start3A_102 : memref<1x14336xf32, #tpu.memory_space<hbm>> -> memref<14336xf32, #tpu.memory_space<hbm>>
      tpu.enqueue_dma source(%dma_start3A_103 : memref<14336xf32, #tpu.memory_space<hbm>>) target(%dma_start3A_100 : memref<14336xf32, #tpu.memory_space<vmem>>) target_semaphore(%arg16 : memref<!tpu.dma_semaphore, #tpu.memory_space<semaphore_mem>>)
      %dma_start3A_104 = arith.constant 28672 : i32
      %dma_start3A_105 = tpu.memref_slice %arg5[%dma_start3A_104] : memref<57344xf32, #tpu.memory_space<vmem>> -> memref<14336xf32, #tpu.memory_space<vmem>>
      %dma_start3A_106 = arith.constant 28672 : i32
      %dma_start3A_107 = tpu.memref_slice %arg2[%add3A_12, %dma_start3A_106] : memref<1024x100352xf32, #tpu.memory_space<hbm>> -> memref<1x14336xf32, #tpu.memory_space<hbm>>
      %dma_start3A_108 = tpu.memref_squeeze %dma_start3A_107 : memref<1x14336xf32, #tpu.memory_space<hbm>> -> memref<14336xf32, #tpu.memory_space<hbm>>
      %dma_start3A_109 = arith.constant 28672 : i32
      %dma_start3A_110 = tpu.memref_slice %arg5[%dma_start3A_109] : memref<57344xf32, #tpu.memory_space<vmem>> -> memref<14336xf32, #tpu.memory_space<vmem>>
      %dma_start3A_111 = arith.constant 28672 : i32
      %dma_start3A_112 = tpu.memref_slice %arg2[%add3A_12, %dma_start3A_111] : memref<1024x100352xf32, #tpu.memory_space<hbm>> -> memref<1x14336xf32, #tpu.memory_space<hbm>>
      %dma_start3A_113 = tpu.memref_squeeze %dma_start3A_112 : memref<1x14336xf32, #tpu.memory_space<hbm>> -> memref<14336xf32, #tpu.memory_space<hbm>>
      tpu.enqueue_dma source(%dma_start3A_113 : memref<14336xf32, #tpu.memory_space<hbm>>) target(%dma_start3A_110 : memref<14336xf32, #tpu.memory_space<vmem>>) target_semaphore(%arg16 : memref<!tpu.dma_semaphore, #tpu.memory_space<semaphore_mem>>)
      %scan3A_114 = arith.constant 0 : i32
      %scan3A_115 = arith.constant 0 : i32
      %scan3A_116 = arith.constant 0 : i32
      %scan3A_117 = arith.constant 7 : i32
      %scan3A_118 = arith.addi %scan3A_116, %scan3A_117 : i32
      %scan3A_119 = arith.constant 1 : i32
      %scan3A_120:3 = scf.for %scan3A_128 = %scan3A_116 to %scan3A_118 step %scan3A_119 iter_args(%scan3A_129 = %scan3A_114, %scan3A_130 = %scan3A_115, %scan3A_131 = %bitcast_convert_type3A) -> (i32, i32, f32)  : i32 {
        %rem3A = arith.constant 4 : i32
        %rem3A_132 = arith.remsi %scan3A_128, %rem3A : i32
        %add3A_133 = arith.constant 4 : i32
        %add3A_134 = arith.addi %scan3A_128, %add3A_133 : i32
        %sub3A_135 = arith.constant 1 : i32
        %sub3A_136 = arith.subi %add3A_134, %sub3A_135 : i32
        %lt3A = arith.constant 7 : i32
        %lt3A_137 = arith.cmpi slt, %sub3A_136, %lt3A : i32
        %convert_element_type3A_138 = arith.extui %lt3A_137 : i1 to i32
        %cond3A_139 = arith.constant 0 : i32
        %cond3A_140 = arith.cmpi ne, %convert_element_type3A_138, %cond3A_139 : i32
        scf.if %cond3A_140 {
          %add3A_156 = arith.constant 4 : i32
          %add3A_157 = arith.addi %scan3A_128, %add3A_156 : i32
          %sub3A_158 = arith.constant 1 : i32
          %sub3A_159 = arith.subi %add3A_157, %sub3A_158 : i32
          %mul3A_160 = arith.constant 14336 : i32
          %mul3A_161 = arith.muli %sub3A_159, %mul3A_160 : i32
          %add3A_162 = arith.constant 4 : i32
          %add3A_163 = arith.addi %scan3A_128, %add3A_162 : i32
          %sub3A_164 = arith.constant 1 : i32
          %sub3A_165 = arith.subi %add3A_163, %sub3A_164 : i32
          %rem3A_166 = arith.constant 4 : i32
          %rem3A_167 = arith.remsi %sub3A_165, %rem3A_166 : i32
          %mul3A_168 = arith.constant 14336 : i32
          %mul3A_169 = arith.muli %rem3A_167, %mul3A_168 : i32
          %dma_start3A_170 = tpu.memref_slice %arg5[%mul3A_169] : memref<57344xf32, #tpu.memory_space<vmem>> -> memref<14336xf32, #tpu.memory_space<vmem>>
          %dma_start3A_171 = tpu.memref_slice %arg2[%add3A_12, %mul3A_161] : memref<1024x100352xf32, #tpu.memory_space<hbm>> -> memref<1x14336xf32, #tpu.memory_space<hbm>>
          %dma_start3A_172 = tpu.memref_squeeze %dma_start3A_171 : memref<1x14336xf32, #tpu.memory_space<hbm>> -> memref<14336xf32, #tpu.memory_space<hbm>>
          %dma_start3A_173 = tpu.memref_slice %arg5[%mul3A_169] : memref<57344xf32, #tpu.memory_space<vmem>> -> memref<14336xf32, #tpu.memory_space<vmem>>
          %dma_start3A_174 = tpu.memref_slice %arg2[%add3A_12, %mul3A_161] : memref<1024x100352xf32, #tpu.memory_space<hbm>> -> memref<1x14336xf32, #tpu.memory_space<hbm>>
          %dma_start3A_175 = tpu.memref_squeeze %dma_start3A_174 : memref<1x14336xf32, #tpu.memory_space<hbm>> -> memref<14336xf32, #tpu.memory_space<hbm>>
          tpu.enqueue_dma source(%dma_start3A_175 : memref<14336xf32, #tpu.memory_space<hbm>>) target(%dma_start3A_173 : memref<14336xf32, #tpu.memory_space<vmem>>) target_semaphore(%arg16 : memref<!tpu.dma_semaphore, #tpu.memory_space<semaphore_mem>>)
        } else {
        }
        %mul3A_141 = arith.constant 14336 : i32
        %mul3A_142 = arith.muli %scan3A_128, %mul3A_141 : i32
        %mul3A_143 = arith.constant 14336 : i32
        %mul3A_144 = arith.muli %rem3A_132, %mul3A_143 : i32
        %dma_wait3A = tpu.memref_slice %arg5[%mul3A_144] : memref<57344xf32, #tpu.memory_space<vmem>> -> memref<14336xf32, #tpu.memory_space<vmem>>
        %dma_wait3A_145 = tpu.memref_slice %arg2[%add3A_12, %mul3A_142] : memref<1024x100352xf32, #tpu.memory_space<hbm>> -> memref<1x14336xf32, #tpu.memory_space<hbm>>
        %dma_wait3A_146 = tpu.memref_squeeze %dma_wait3A_145 : memref<1x14336xf32, #tpu.memory_space<hbm>> -> memref<14336xf32, #tpu.memory_space<hbm>>
        %dma_wait3A_147 = tpu.memref_slice %arg5[%mul3A_144] : memref<57344xf32, #tpu.memory_space<vmem>> -> memref<14336xf32, #tpu.memory_space<vmem>>
        %dma_wait3A_148 = tpu.memref_slice %arg2[%add3A_12, %mul3A_142] : memref<1024x100352xf32, #tpu.memory_space<hbm>> -> memref<1x14336xf32, #tpu.memory_space<hbm>>
        %dma_wait3A_149 = tpu.memref_squeeze %dma_wait3A_148 : memref<1x14336xf32, #tpu.memory_space<hbm>> -> memref<14336xf32, #tpu.memory_space<hbm>>
        tpu.wait_dma2 semaphore(%arg16 : memref<!tpu.dma_semaphore, #tpu.memory_space<semaphore_mem>>) src(%dma_wait3A_149 : memref<14336xf32, #tpu.memory_space<hbm>>) dst(%dma_wait3A_147 : memref<14336xf32, #tpu.memory_space<vmem>>)
        %scan3A_150 = arith.constant 0 : i32
        %scan3A_151 = arith.constant 14 : i32
        %scan3A_152 = arith.addi %scan3A_150, %scan3A_151 : i32
        %scan3A_153 = arith.constant 1 : i32
        %scan3A_154:3 = scf.for %scan3A_156 = %scan3A_150 to %scan3A_152 step %scan3A_153 iter_args(%scan3A_157 = %scan3A_129, %scan3A_158 = %scan3A_130, %scan3A_159 = %scan3A_131) -> (i32, i32, f32)  : i32 {
          %mul3A_160 = arith.constant 112 : i32
          %mul3A_161 = arith.muli %scan3A_128, %mul3A_160 : i32
          %mul3A_162 = arith.constant 8 : i32
          %mul3A_163 = arith.muli %scan3A_156, %mul3A_162 : i32
          %add3A_164 = arith.addi %mul3A_161, %mul3A_163 : i32
          %get3A = arith.index_cast %add3A_164 : i32 to index
          %get3A_165 = tpu.vector_load %arg15[%get3A] {strides = array<i32>} : memref<800xf32, #tpu.memory_space<vmem>>, vector<16xf32>,
          %mul3A_166 = arith.constant 8 : i32
          %mul3A_167 = arith.muli %scan3A_156, %mul3A_166 : i32
          %add3A_168 = arith.constant 0 : i32
          %add3A_169 = arith.addi %mul3A_167, %add3A_168 : i32
          %slice3A = vector.extract_strided_slice %get3A_165 {offsets = [0], sizes = [1], strides = [1]} : vector<16xf32> to vector<1xf32>
          %squeeze3A = vector.extract %slice3A[0] : f32 from vector<1xf32>
          %gt3A_170 = arith.cmpf ogt, %squeeze3A, %scan3A_159 : f32
          %convert_element_type3A_171 = arith.extui %gt3A_170 : i1 to i32
          %cond3A_172 = arith.constant 0 : i32
          %cond3A_173 = arith.cmpi ne, %convert_element_type3A_171, %cond3A_172 : i32
          %cond3A_174 = scf.if %cond3A_173 -> (i32) {
            %mul3A_258 = arith.constant 14336 : i32
            %mul3A_259 = arith.muli %rem3A_132, %mul3A_258 : i32
            %mul3A_260 = arith.constant 128 : i32
            %mul3A_261 = arith.muli %add3A_169, %mul3A_260 : i32
            %add3A_262 = arith.addi %mul3A_259, %mul3A_261 : i32
            %mul3A_263 = arith.constant 14336 : i32
            %mul3A_264 = arith.muli %scan3A_128, %mul3A_263 : i32
            %mul3A_265 = arith.constant 128 : i32
            %mul3A_266 = arith.muli %add3A_169, %mul3A_265 : i32
            %add3A_267 = arith.addi %mul3A_264, %mul3A_266 : i32
            %add3A_268 = arith.constant 0 : i32
            %add3A_269 = arith.addi %add3A_267, %add3A_268 : i32
            %scan3A_270 = arith.constant 0 : i32
            %scan3A_271 = arith.constant 8 : i32
            %scan3A_272 = arith.addi %scan3A_270, %scan3A_271 : i32
            %scan3A_273 = arith.constant 1 : i32
            %scan3A_274 = scf.for %scan3A_276 = %scan3A_270 to %scan3A_272 step %scan3A_273 iter_args(%scan3A_277 = %scan3A_158) -> (i32)  : i32 {
              %mul3A_278 = arith.constant 16 : i32
              %mul3A_279 = arith.muli %scan3A_276, %mul3A_278 : i32
              %add3A_280 = arith.addi %add3A_262, %mul3A_279 : i32
              %get3A_281 = arith.index_cast %add3A_280 : i32 to index
              %get3A_282 = tpu.vector_load %arg5[%get3A_281] {strides = array<i32>} : memref<57344xf32, #tpu.memory_space<vmem>>, vector<16xf32>,
              %gt3A_283 = vector.broadcast %scan3A_159 : f32 to vector<16xf32>
              %gt3A_284 = arith.cmpf ogt, %get3A_282, %gt3A_283 : vector<16xf32>
              %swap3A_285 = arith.index_cast %scan3A_277 : i32 to index
              %swap3A_286 = tpu.vector_load %arg6[%swap3A_285] masked %gt3A_284 {strides = array<i32>} : memref<2064xf32, #tpu.memory_space<vmem>>, vector<16xf32>, vector<16xi1>
              tpu.vector_store %arg6[%swap3A_285], %get3A_282 masked %gt3A_284 {strides = array<i32>} : memref<2064xf32, #tpu.memory_space<vmem>>, vector<16xf32>, vector<16xi1>
              %mul3A_287 = arith.constant 16 : i32
              %mul3A_288 = arith.muli %scan3A_276, %mul3A_287 : i32
              %add3A_289 = arith.addi %add3A_269, %mul3A_288 : i32
              %add3A_290 = vector.broadcast %add3A_289 : i32 to vector<16xi32>
              %add3A_291 = arith.addi %add3A_290, %iota3A : vector<16xi32>
              %swap3A_292 = arith.index_cast %scan3A_277 : i32 to index
              %swap3A_293 = tpu.vector_load %arg7[%swap3A_292] masked %gt3A_284 {strides = array<i32>} : memref<2064xi32, #tpu.memory_space<vmem>>, vector<16xi32>, vector<16xi1>
              tpu.vector_store %arg7[%swap3A_292], %add3A_291 masked %gt3A_284 {strides = array<i32>} : memref<2064xi32, #tpu.memory_space<vmem>>, vector<16xi32>, vector<16xi1>
              %all_reduce_population_count3A = tpu.all_reduce %gt3A_284 {dim = 0 : i64, kind = #tpu.reduction_kind<sum>} : vector<16xi1> -> vector<16xi32>
              %slice3A_294 = vector.extract_strided_slice %all_reduce_population_count3A {offsets = [0], sizes = [1], strides = [1]} : vector<16xi32> to vector<1xi32>
              %squeeze3A_295 = vector.extract %slice3A_294[0] : i32 from vector<1xi32>
              %add3A_296 = arith.addi %scan3A_277, %squeeze3A_295 : i32
              scf.yield %add3A_296 : i32
            }
            %scan3A_275 = arith.constant 8 : i32
            scf.yield %scan3A_274 : i32
          } else {
            scf.yield %scan3A_158 : i32
          }
          %mul3A_175 = arith.constant 8 : i32
          %mul3A_176 = arith.muli %scan3A_156, %mul3A_175 : i32
          %add3A_177 = arith.constant 1 : i32
          %add3A_178 = arith.addi %mul3A_176, %add3A_177 : i32
          %slice3A_179 = vector.extract_strided_slice %get3A_165 {offsets = [1], sizes = [1], strides = [1]} : vector<16xf32> to vector<1xf32>
          %squeeze3A_180 = vector.extract %slice3A_179[0] : f32 from vector<1xf32>
          %gt3A_181 = arith.cmpf ogt, %squeeze3A_180, %scan3A_159 : f32
          %convert_element_type3A_182 = arith.extui %gt3A_181 : i1 to i32
          %cond3A_183 = arith.constant 0 : i32
          %cond3A_184 = arith.cmpi ne, %convert_element_type3A_182, %cond3A_183 : i32
          %cond3A_185 = scf.if %cond3A_184 -> (i32) {
            %mul3A_258 = arith.constant 14336 : i32
            %mul3A_259 = arith.muli %rem3A_132, %mul3A_258 : i32
            %mul3A_260 = arith.constant 128 : i32
            %mul3A_261 = arith.muli %add3A_178, %mul3A_260 : i32
            %add3A_262 = arith.addi %mul3A_259, %mul3A_261 : i32
            %mul3A_263 = arith.constant 14336 : i32
            %mul3A_264 = arith.muli %scan3A_128, %mul3A_263 : i32
            %mul3A_265 = arith.constant 128 : i32
            %mul3A_266 = arith.muli %add3A_178, %mul3A_265 : i32
            %add3A_267 = arith.addi %mul3A_264, %mul3A_266 : i32
            %add3A_268 = arith.constant 0 : i32
            %add3A_269 = arith.addi %add3A_267, %add3A_268 : i32
            %scan3A_270 = arith.constant 0 : i32
            %scan3A_271 = arith.constant 8 : i32
            %scan3A_272 = arith.addi %scan3A_270, %scan3A_271 : i32
            %scan3A_273 = arith.constant 1 : i32
            %scan3A_274 = scf.for %scan3A_276 = %scan3A_270 to %scan3A_272 step %scan3A_273 iter_args(%scan3A_277 = %cond3A_174) -> (i32)  : i32 {
              %mul3A_278 = arith.constant 16 : i32
              %mul3A_279 = arith.muli %scan3A_276, %mul3A_278 : i32
              %add3A_280 = arith.addi %add3A_262, %mul3A_279 : i32
              %get3A_281 = arith.index_cast %add3A_280 : i32 to index
              %get3A_282 = tpu.vector_load %arg5[%get3A_281] {strides = array<i32>} : memref<57344xf32, #tpu.memory_space<vmem>>, vector<16xf32>,
              %gt3A_283 = vector.broadcast %scan3A_159 : f32 to vector<16xf32>
              %gt3A_284 = arith.cmpf ogt, %get3A_282, %gt3A_283 : vector<16xf32>
              %swap3A_285 = arith.index_cast %scan3A_277 : i32 to index
              %swap3A_286 = tpu.vector_load %arg6[%swap3A_285] masked %gt3A_284 {strides = array<i32>} : memref<2064xf32, #tpu.memory_space<vmem>>, vector<16xf32>, vector<16xi1>
              tpu.vector_store %arg6[%swap3A_285], %get3A_282 masked %gt3A_284 {strides = array<i32>} : memref<2064xf32, #tpu.memory_space<vmem>>, vector<16xf32>, vector<16xi1>
              %mul3A_287 = arith.constant 16 : i32
              %mul3A_288 = arith.muli %scan3A_276, %mul3A_287 : i32
              %add3A_289 = arith.addi %add3A_269, %mul3A_288 : i32
              %add3A_290 = vector.broadcast %add3A_289 : i32 to vector<16xi32>
              %add3A_291 = arith.addi %add3A_290, %iota3A : vector<16xi32>
              %swap3A_292 = arith.index_cast %scan3A_277 : i32 to index
              %swap3A_293 = tpu.vector_load %arg7[%swap3A_292] masked %gt3A_284 {strides = array<i32>} : memref<2064xi32, #tpu.memory_space<vmem>>, vector<16xi32>, vector<16xi1>
              tpu.vector_store %arg7[%swap3A_292], %add3A_291 masked %gt3A_284 {strides = array<i32>} : memref<2064xi32, #tpu.memory_space<vmem>>, vector<16xi32>, vector<16xi1>
              %all_reduce_population_count3A = tpu.all_reduce %gt3A_284 {dim = 0 : i64, kind = #tpu.reduction_kind<sum>} : vector<16xi1> -> vector<16xi32>
              %slice3A_294 = vector.extract_strided_slice %all_reduce_population_count3A {offsets = [0], sizes = [1], strides = [1]} : vector<16xi32> to vector<1xi32>
              %squeeze3A_295 = vector.extract %slice3A_294[0] : i32 from vector<1xi32>
              %add3A_296 = arith.addi %scan3A_277, %squeeze3A_295 : i32
              scf.yield %add3A_296 : i32
            }
            %scan3A_275 = arith.constant 8 : i32
            scf.yield %scan3A_274 : i32
          } else {
            scf.yield %cond3A_174 : i32
          }
          %mul3A_186 = arith.constant 8 : i32
          %mul3A_187 = arith.muli %scan3A_156, %mul3A_186 : i32
          %add3A_188 = arith.constant 2 : i32
          %add3A_189 = arith.addi %mul3A_187, %add3A_188 : i32
          %slice3A_190 = vector.extract_strided_slice %get3A_165 {offsets = [2], sizes = [1], strides = [1]} : vector<16xf32> to vector<1xf32>
          %squeeze3A_191 = vector.extract %slice3A_190[0] : f32 from vector<1xf32>
          %gt3A_192 = arith.cmpf ogt, %squeeze3A_191, %scan3A_159 : f32
          %convert_element_type3A_193 = arith.extui %gt3A_192 : i1 to i32
          %cond3A_194 = arith.constant 0 : i32
          %cond3A_195 = arith.cmpi ne, %convert_element_type3A_193, %cond3A_194 : i32
          %cond3A_196 = scf.if %cond3A_195 -> (i32) {
            %mul3A_258 = arith.constant 14336 : i32
            %mul3A_259 = arith.muli %rem3A_132, %mul3A_258 : i32
            %mul3A_260 = arith.constant 128 : i32
            %mul3A_261 = arith.muli %add3A_189, %mul3A_260 : i32
            %add3A_262 = arith.addi %mul3A_259, %mul3A_261 : i32
            %mul3A_263 = arith.constant 14336 : i32
            %mul3A_264 = arith.muli %scan3A_128, %mul3A_263 : i32
            %mul3A_265 = arith.constant 128 : i32
            %mul3A_266 = arith.muli %add3A_189, %mul3A_265 : i32
            %add3A_267 = arith.addi %mul3A_264, %mul3A_266 : i32
            %add3A_268 = arith.constant 0 : i32
            %add3A_269 = arith.addi %add3A_267, %add3A_268 : i32
            %scan3A_270 = arith.constant 0 : i32
            %scan3A_271 = arith.constant 8 : i32
            %scan3A_272 = arith.addi %scan3A_270, %scan3A_271 : i32
            %scan3A_273 = arith.constant 1 : i32
            %scan3A_274 = scf.for %scan3A_276 = %scan3A_270 to %scan3A_272 step %scan3A_273 iter_args(%scan3A_277 = %cond3A_185) -> (i32)  : i32 {
              %mul3A_278 = arith.constant 16 : i32
              %mul3A_279 = arith.muli %scan3A_276, %mul3A_278 : i32
              %add3A_280 = arith.addi %add3A_262, %mul3A_279 : i32
              %get3A_281 = arith.index_cast %add3A_280 : i32 to index
              %get3A_282 = tpu.vector_load %arg5[%get3A_281] {strides = array<i32>} : memref<57344xf32, #tpu.memory_space<vmem>>, vector<16xf32>,
              %gt3A_283 = vector.broadcast %scan3A_159 : f32 to vector<16xf32>
              %gt3A_284 = arith.cmpf ogt, %get3A_282, %gt3A_283 : vector<16xf32>
              %swap3A_285 = arith.index_cast %scan3A_277 : i32 to index
              %swap3A_286 = tpu.vector_load %arg6[%swap3A_285] masked %gt3A_284 {strides = array<i32>} : memref<2064xf32, #tpu.memory_space<vmem>>, vector<16xf32>, vector<16xi1>
              tpu.vector_store %arg6[%swap3A_285], %get3A_282 masked %gt3A_284 {strides = array<i32>} : memref<2064xf32, #tpu.memory_space<vmem>>, vector<16xf32>, vector<16xi1>
              %mul3A_287 = arith.constant 16 : i32
              %mul3A_288 = arith.muli %scan3A_276, %mul3A_287 : i32
              %add3A_289 = arith.addi %add3A_269, %mul3A_288 : i32
              %add3A_290 = vector.broadcast %add3A_289 : i32 to vector<16xi32>
              %add3A_291 = arith.addi %add3A_290, %iota3A : vector<16xi32>
              %swap3A_292 = arith.index_cast %scan3A_277 : i32 to index
              %swap3A_293 = tpu.vector_load %arg7[%swap3A_292] masked %gt3A_284 {strides = array<i32>} : memref<2064xi32, #tpu.memory_space<vmem>>, vector<16xi32>, vector<16xi1>
              tpu.vector_store %arg7[%swap3A_292], %add3A_291 masked %gt3A_284 {strides = array<i32>} : memref<2064xi32, #tpu.memory_space<vmem>>, vector<16xi32>, vector<16xi1>
              %all_reduce_population_count3A = tpu.all_reduce %gt3A_284 {dim = 0 : i64, kind = #tpu.reduction_kind<sum>} : vector<16xi1> -> vector<16xi32>
              %slice3A_294 = vector.extract_strided_slice %all_reduce_population_count3A {offsets = [0], sizes = [1], strides = [1]} : vector<16xi32> to vector<1xi32>
              %squeeze3A_295 = vector.extract %slice3A_294[0] : i32 from vector<1xi32>
              %add3A_296 = arith.addi %scan3A_277, %squeeze3A_295 : i32
              scf.yield %add3A_296 : i32
            }
            %scan3A_275 = arith.constant 8 : i32
            scf.yield %scan3A_274 : i32
          } else {
            scf.yield %cond3A_185 : i32
          }
          %mul3A_197 = arith.constant 8 : i32
          %mul3A_198 = arith.muli %scan3A_156, %mul3A_197 : i32
          %add3A_199 = arith.constant 3 : i32
          %add3A_200 = arith.addi %mul3A_198, %add3A_199 : i32
          %slice3A_201 = vector.extract_strided_slice %get3A_165 {offsets = [3], sizes = [1], strides = [1]} : vector<16xf32> to vector<1xf32>
          %squeeze3A_202 = vector.extract %slice3A_201[0] : f32 from vector<1xf32>
          %gt3A_203 = arith.cmpf ogt, %squeeze3A_202, %scan3A_159 : f32
          %convert_element_type3A_204 = arith.extui %gt3A_203 : i1 to i32
          %cond3A_205 = arith.constant 0 : i32
          %cond3A_206 = arith.cmpi ne, %convert_element_type3A_204, %cond3A_205 : i32
          %cond3A_207 = scf.if %cond3A_206 -> (i32) {
            %mul3A_258 = arith.constant 14336 : i32
            %mul3A_259 = arith.muli %rem3A_132, %mul3A_258 : i32
            %mul3A_260 = arith.constant 128 : i32
            %mul3A_261 = arith.muli %add3A_200, %mul3A_260 : i32
            %add3A_262 = arith.addi %mul3A_259, %mul3A_261 : i32
            %mul3A_263 = arith.constant 14336 : i32
            %mul3A_264 = arith.muli %scan3A_128, %mul3A_263 : i32
            %mul3A_265 = arith.constant 128 : i32
            %mul3A_266 = arith.muli %add3A_200, %mul3A_265 : i32
            %add3A_267 = arith.addi %mul3A_264, %mul3A_266 : i32
            %add3A_268 = arith.constant 0 : i32
            %add3A_269 = arith.addi %add3A_267, %add3A_268 : i32
            %scan3A_270 = arith.constant 0 : i32
            %scan3A_271 = arith.constant 8 : i32
            %scan3A_272 = arith.addi %scan3A_270, %scan3A_271 : i32
            %scan3A_273 = arith.constant 1 : i32
            %scan3A_274 = scf.for %scan3A_276 = %scan3A_270 to %scan3A_272 step %scan3A_273 iter_args(%scan3A_277 = %cond3A_196) -> (i32)  : i32 {
              %mul3A_278 = arith.constant 16 : i32
              %mul3A_279 = arith.muli %scan3A_276, %mul3A_278 : i32
              %add3A_280 = arith.addi %add3A_262, %mul3A_279 : i32
              %get3A_281 = arith.index_cast %add3A_280 : i32 to index
              %get3A_282 = tpu.vector_load %arg5[%get3A_281] {strides = array<i32>} : memref<57344xf32, #tpu.memory_space<vmem>>, vector<16xf32>,
              %gt3A_283 = vector.broadcast %scan3A_159 : f32 to vector<16xf32>
              %gt3A_284 = arith.cmpf ogt, %get3A_282, %gt3A_283 : vector<16xf32>
              %swap3A_285 = arith.index_cast %scan3A_277 : i32 to index
              %swap3A_286 = tpu.vector_load %arg6[%swap3A_285] masked %gt3A_284 {strides = array<i32>} : memref<2064xf32, #tpu.memory_space<vmem>>, vector<16xf32>, vector<16xi1>
              tpu.vector_store %arg6[%swap3A_285], %get3A_282 masked %gt3A_284 {strides = array<i32>} : memref<2064xf32, #tpu.memory_space<vmem>>, vector<16xf32>, vector<16xi1>
              %mul3A_287 = arith.constant 16 : i32
              %mul3A_288 = arith.muli %scan3A_276, %mul3A_287 : i32
              %add3A_289 = arith.addi %add3A_269, %mul3A_288 : i32
              %add3A_290 = vector.broadcast %add3A_289 : i32 to vector<16xi32>
              %add3A_291 = arith.addi %add3A_290, %iota3A : vector<16xi32>
              %swap3A_292 = arith.index_cast %scan3A_277 : i32 to index
              %swap3A_293 = tpu.vector_load %arg7[%swap3A_292] masked %gt3A_284 {strides = array<i32>} : memref<2064xi32, #tpu.memory_space<vmem>>, vector<16xi32>, vector<16xi1>
              tpu.vector_store %arg7[%swap3A_292], %add3A_291 masked %gt3A_284 {strides = array<i32>} : memref<2064xi32, #tpu.memory_space<vmem>>, vector<16xi32>, vector<16xi1>
              %all_reduce_population_count3A = tpu.all_reduce %gt3A_284 {dim = 0 : i64, kind = #tpu.reduction_kind<sum>} : vector<16xi1> -> vector<16xi32>
              %slice3A_294 = vector.extract_strided_slice %all_reduce_population_count3A {offsets = [0], sizes = [1], strides = [1]} : vector<16xi32> to vector<1xi32>
              %squeeze3A_295 = vector.extract %slice3A_294[0] : i32 from vector<1xi32>
              %add3A_296 = arith.addi %scan3A_277, %squeeze3A_295 : i32
              scf.yield %add3A_296 : i32
            }
            %scan3A_275 = arith.constant 8 : i32
            scf.yield %scan3A_274 : i32
          } else {
            scf.yield %cond3A_196 : i32
          }
          %mul3A_208 = arith.constant 8 : i32
          %mul3A_209 = arith.muli %scan3A_156, %mul3A_208 : i32
          %add3A_210 = arith.constant 4 : i32
          %add3A_211 = arith.addi %mul3A_209, %add3A_210 : i32
          %slice3A_212 = vector.extract_strided_slice %get3A_165 {offsets = [4], sizes = [1], strides = [1]} : vector<16xf32> to vector<1xf32>
          %squeeze3A_213 = vector.extract %slice3A_212[0] : f32 from vector<1xf32>
          %gt3A_214 = arith.cmpf ogt, %squeeze3A_213, %scan3A_159 : f32
          %convert_element_type3A_215 = arith.extui %gt3A_214 : i1 to i32
          %cond3A_216 = arith.constant 0 : i32
          %cond3A_217 = arith.cmpi ne, %convert_element_type3A_215, %cond3A_216 : i32
          %cond3A_218 = scf.if %cond3A_217 -> (i32) {
            %mul3A_258 = arith.constant 14336 : i32
            %mul3A_259 = arith.muli %rem3A_132, %mul3A_258 : i32
            %mul3A_260 = arith.constant 128 : i32
            %mul3A_261 = arith.muli %add3A_211, %mul3A_260 : i32
            %add3A_262 = arith.addi %mul3A_259, %mul3A_261 : i32
            %mul3A_263 = arith.constant 14336 : i32
            %mul3A_264 = arith.muli %scan3A_128, %mul3A_263 : i32
            %mul3A_265 = arith.constant 128 : i32
            %mul3A_266 = arith.muli %add3A_211, %mul3A_265 : i32
            %add3A_267 = arith.addi %mul3A_264, %mul3A_266 : i32
            %add3A_268 = arith.constant 0 : i32
            %add3A_269 = arith.addi %add3A_267, %add3A_268 : i32
            %scan3A_270 = arith.constant 0 : i32
            %scan3A_271 = arith.constant 8 : i32
            %scan3A_272 = arith.addi %scan3A_270, %scan3A_271 : i32
            %scan3A_273 = arith.constant 1 : i32
            %scan3A_274 = scf.for %scan3A_276 = %scan3A_270 to %scan3A_272 step %scan3A_273 iter_args(%scan3A_277 = %cond3A_207) -> (i32)  : i32 {
              %mul3A_278 = arith.constant 16 : i32
              %mul3A_279 = arith.muli %scan3A_276, %mul3A_278 : i32
              %add3A_280 = arith.addi %add3A_262, %mul3A_279 : i32
              %get3A_281 = arith.index_cast %add3A_280 : i32 to index
              %get3A_282 = tpu.vector_load %arg5[%get3A_281] {strides = array<i32>} : memref<57344xf32, #tpu.memory_space<vmem>>, vector<16xf32>,
              %gt3A_283 = vector.broadcast %scan3A_159 : f32 to vector<16xf32>
              %gt3A_284 = arith.cmpf ogt, %get3A_282, %gt3A_283 : vector<16xf32>
              %swap3A_285 = arith.index_cast %scan3A_277 : i32 to index
              %swap3A_286 = tpu.vector_load %arg6[%swap3A_285] masked %gt3A_284 {strides = array<i32>} : memref<2064xf32, #tpu.memory_space<vmem>>, vector<16xf32>, vector<16xi1>
              tpu.vector_store %arg6[%swap3A_285], %get3A_282 masked %gt3A_284 {strides = array<i32>} : memref<2064xf32, #tpu.memory_space<vmem>>, vector<16xf32>, vector<16xi1>
              %mul3A_287 = arith.constant 16 : i32
              %mul3A_288 = arith.muli %scan3A_276, %mul3A_287 : i32
              %add3A_289 = arith.addi %add3A_269, %mul3A_288 : i32
              %add3A_290 = vector.broadcast %add3A_289 : i32 to vector<16xi32>
              %add3A_291 = arith.addi %add3A_290, %iota3A : vector<16xi32>
              %swap3A_292 = arith.index_cast %scan3A_277 : i32 to index
              %swap3A_293 = tpu.vector_load %arg7[%swap3A_292] masked %gt3A_284 {strides = array<i32>} : memref<2064xi32, #tpu.memory_space<vmem>>, vector<16xi32>, vector<16xi1>
              tpu.vector_store %arg7[%swap3A_292], %add3A_291 masked %gt3A_284 {strides = array<i32>} : memref<2064xi32, #tpu.memory_space<vmem>>, vector<16xi32>, vector<16xi1>
              %all_reduce_population_count3A = tpu.all_reduce %gt3A_284 {dim = 0 : i64, kind = #tpu.reduction_kind<sum>} : vector<16xi1> -> vector<16xi32>
              %slice3A_294 = vector.extract_strided_slice %all_reduce_population_count3A {offsets = [0], sizes = [1], strides = [1]} : vector<16xi32> to vector<1xi32>
              %squeeze3A_295 = vector.extract %slice3A_294[0] : i32 from vector<1xi32>
              %add3A_296 = arith.addi %scan3A_277, %squeeze3A_295 : i32
              scf.yield %add3A_296 : i32
            }
            %scan3A_275 = arith.constant 8 : i32
            scf.yield %scan3A_274 : i32
          } else {
            scf.yield %cond3A_207 : i32
          }
          %mul3A_219 = arith.constant 8 : i32
          %mul3A_220 = arith.muli %scan3A_156, %mul3A_219 : i32
          %add3A_221 = arith.constant 5 : i32
          %add3A_222 = arith.addi %mul3A_220, %add3A_221 : i32
          %slice3A_223 = vector.extract_strided_slice %get3A_165 {offsets = [5], sizes = [1], strides = [1]} : vector<16xf32> to vector<1xf32>
          %squeeze3A_224 = vector.extract %slice3A_223[0] : f32 from vector<1xf32>
          %gt3A_225 = arith.cmpf ogt, %squeeze3A_224, %scan3A_159 : f32
          %convert_element_type3A_226 = arith.extui %gt3A_225 : i1 to i32
          %cond3A_227 = arith.constant 0 : i32
          %cond3A_228 = arith.cmpi ne, %convert_element_type3A_226, %cond3A_227 : i32
          %cond3A_229 = scf.if %cond3A_228 -> (i32) {
            %mul3A_258 = arith.constant 14336 : i32
            %mul3A_259 = arith.muli %rem3A_132, %mul3A_258 : i32
            %mul3A_260 = arith.constant 128 : i32
            %mul3A_261 = arith.muli %add3A_222, %mul3A_260 : i32
            %add3A_262 = arith.addi %mul3A_259, %mul3A_261 : i32
            %mul3A_263 = arith.constant 14336 : i32
            %mul3A_264 = arith.muli %scan3A_128, %mul3A_263 : i32
            %mul3A_265 = arith.constant 128 : i32
            %mul3A_266 = arith.muli %add3A_222, %mul3A_265 : i32
            %add3A_267 = arith.addi %mul3A_264, %mul3A_266 : i32
            %add3A_268 = arith.constant 0 : i32
            %add3A_269 = arith.addi %add3A_267, %add3A_268 : i32
            %scan3A_270 = arith.constant 0 : i32
            %scan3A_271 = arith.constant 8 : i32
            %scan3A_272 = arith.addi %scan3A_270, %scan3A_271 : i32
            %scan3A_273 = arith.constant 1 : i32
            %scan3A_274 = scf.for %scan3A_276 = %scan3A_270 to %scan3A_272 step %scan3A_273 iter_args(%scan3A_277 = %cond3A_218) -> (i32)  : i32 {
              %mul3A_278 = arith.constant 16 : i32
              %mul3A_279 = arith.muli %scan3A_276, %mul3A_278 : i32
              %add3A_280 = arith.addi %add3A_262, %mul3A_279 : i32
              %get3A_281 = arith.index_cast %add3A_280 : i32 to index
              %get3A_282 = tpu.vector_load %arg5[%get3A_281] {strides = array<i32>} : memref<57344xf32, #tpu.memory_space<vmem>>, vector<16xf32>,
              %gt3A_283 = vector.broadcast %scan3A_159 : f32 to vector<16xf32>
              %gt3A_284 = arith.cmpf ogt, %get3A_282, %gt3A_283 : vector<16xf32>
              %swap3A_285 = arith.index_cast %scan3A_277 : i32 to index
              %swap3A_286 = tpu.vector_load %arg6[%swap3A_285] masked %gt3A_284 {strides = array<i32>} : memref<2064xf32, #tpu.memory_space<vmem>>, vector<16xf32>, vector<16xi1>
              tpu.vector_store %arg6[%swap3A_285], %get3A_282 masked %gt3A_284 {strides = array<i32>} : memref<2064xf32, #tpu.memory_space<vmem>>, vector<16xf32>, vector<16xi1>
              %mul3A_287 = arith.constant 16 : i32
              %mul3A_288 = arith.muli %scan3A_276, %mul3A_287 : i32
              %add3A_289 = arith.addi %add3A_269, %mul3A_288 : i32
              %add3A_290 = vector.broadcast %add3A_289 : i32 to vector<16xi32>
              %add3A_291 = arith.addi %add3A_290, %iota3A : vector<16xi32>
              %swap3A_292 = arith.index_cast %scan3A_277 : i32 to index
              %swap3A_293 = tpu.vector_load %arg7[%swap3A_292] masked %gt3A_284 {strides = array<i32>} : memref<2064xi32, #tpu.memory_space<vmem>>, vector<16xi32>, vector<16xi1>
              tpu.vector_store %arg7[%swap3A_292], %add3A_291 masked %gt3A_284 {strides = array<i32>} : memref<2064xi32, #tpu.memory_space<vmem>>, vector<16xi32>, vector<16xi1>
              %all_reduce_population_count3A = tpu.all_reduce %gt3A_284 {dim = 0 : i64, kind = #tpu.reduction_kind<sum>} : vector<16xi1> -> vector<16xi32>
              %slice3A_294 = vector.extract_strided_slice %all_reduce_population_count3A {offsets = [0], sizes = [1], strides = [1]} : vector<16xi32> to vector<1xi32>
              %squeeze3A_295 = vector.extract %slice3A_294[0] : i32 from vector<1xi32>
              %add3A_296 = arith.addi %scan3A_277, %squeeze3A_295 : i32
              scf.yield %add3A_296 : i32
            }
            %scan3A_275 = arith.constant 8 : i32
            scf.yield %scan3A_274 : i32
          } else {
            scf.yield %cond3A_218 : i32
          }
          %mul3A_230 = arith.constant 8 : i32
          %mul3A_231 = arith.muli %scan3A_156, %mul3A_230 : i32
          %add3A_232 = arith.constant 6 : i32
          %add3A_233 = arith.addi %mul3A_231, %add3A_232 : i32
          %slice3A_234 = vector.extract_strided_slice %get3A_165 {offsets = [6], sizes = [1], strides = [1]} : vector<16xf32> to vector<1xf32>
          %squeeze3A_235 = vector.extract %slice3A_234[0] : f32 from vector<1xf32>
          %gt3A_236 = arith.cmpf ogt, %squeeze3A_235, %scan3A_159 : f32
          %convert_element_type3A_237 = arith.extui %gt3A_236 : i1 to i32
          %cond3A_238 = arith.constant 0 : i32
          %cond3A_239 = arith.cmpi ne, %convert_element_type3A_237, %cond3A_238 : i32
          %cond3A_240 = scf.if %cond3A_239 -> (i32) {
            %mul3A_258 = arith.constant 14336 : i32
            %mul3A_259 = arith.muli %rem3A_132, %mul3A_258 : i32
            %mul3A_260 = arith.constant 128 : i32
            %mul3A_261 = arith.muli %add3A_233, %mul3A_260 : i32
            %add3A_262 = arith.addi %mul3A_259, %mul3A_261 : i32
            %mul3A_263 = arith.constant 14336 : i32
            %mul3A_264 = arith.muli %scan3A_128, %mul3A_263 : i32
            %mul3A_265 = arith.constant 128 : i32
            %mul3A_266 = arith.muli %add3A_233, %mul3A_265 : i32
            %add3A_267 = arith.addi %mul3A_264, %mul3A_266 : i32
            %add3A_268 = arith.constant 0 : i32
            %add3A_269 = arith.addi %add3A_267, %add3A_268 : i32
            %scan3A_270 = arith.constant 0 : i32
            %scan3A_271 = arith.constant 8 : i32
            %scan3A_272 = arith.addi %scan3A_270, %scan3A_271 : i32
            %scan3A_273 = arith.constant 1 : i32
            %scan3A_274 = scf.for %scan3A_276 = %scan3A_270 to %scan3A_272 step %scan3A_273 iter_args(%scan3A_277 = %cond3A_229) -> (i32)  : i32 {
              %mul3A_278 = arith.constant 16 : i32
              %mul3A_279 = arith.muli %scan3A_276, %mul3A_278 : i32
              %add3A_280 = arith.addi %add3A_262, %mul3A_279 : i32
              %get3A_281 = arith.index_cast %add3A_280 : i32 to index
              %get3A_282 = tpu.vector_load %arg5[%get3A_281] {strides = array<i32>} : memref<57344xf32, #tpu.memory_space<vmem>>, vector<16xf32>,
              %gt3A_283 = vector.broadcast %scan3A_159 : f32 to vector<16xf32>
              %gt3A_284 = arith.cmpf ogt, %get3A_282, %gt3A_283 : vector<16xf32>
              %swap3A_285 = arith.index_cast %scan3A_277 : i32 to index
              %swap3A_286 = tpu.vector_load %arg6[%swap3A_285] masked %gt3A_284 {strides = array<i32>} : memref<2064xf32, #tpu.memory_space<vmem>>, vector<16xf32>, vector<16xi1>
              tpu.vector_store %arg6[%swap3A_285], %get3A_282 masked %gt3A_284 {strides = array<i32>} : memref<2064xf32, #tpu.memory_space<vmem>>, vector<16xf32>, vector<16xi1>
              %mul3A_287 = arith.constant 16 : i32
              %mul3A_288 = arith.muli %scan3A_276, %mul3A_287 : i32
              %add3A_289 = arith.addi %add3A_269, %mul3A_288 : i32
              %add3A_290 = vector.broadcast %add3A_289 : i32 to vector<16xi32>
              %add3A_291 = arith.addi %add3A_290, %iota3A : vector<16xi32>
              %swap3A_292 = arith.index_cast %scan3A_277 : i32 to index
              %swap3A_293 = tpu.vector_load %arg7[%swap3A_292] masked %gt3A_284 {strides = array<i32>} : memref<2064xi32, #tpu.memory_space<vmem>>, vector<16xi32>, vector<16xi1>
              tpu.vector_store %arg7[%swap3A_292], %add3A_291 masked %gt3A_284 {strides = array<i32>} : memref<2064xi32, #tpu.memory_space<vmem>>, vector<16xi32>, vector<16xi1>
              %all_reduce_population_count3A = tpu.all_reduce %gt3A_284 {dim = 0 : i64, kind = #tpu.reduction_kind<sum>} : vector<16xi1> -> vector<16xi32>
              %slice3A_294 = vector.extract_strided_slice %all_reduce_population_count3A {offsets = [0], sizes = [1], strides = [1]} : vector<16xi32> to vector<1xi32>
              %squeeze3A_295 = vector.extract %slice3A_294[0] : i32 from vector<1xi32>
              %add3A_296 = arith.addi %scan3A_277, %squeeze3A_295 : i32
              scf.yield %add3A_296 : i32
            }
            %scan3A_275 = arith.constant 8 : i32
            scf.yield %scan3A_274 : i32
          } else {
            scf.yield %cond3A_229 : i32
          }
          %mul3A_241 = arith.constant 8 : i32
          %mul3A_242 = arith.muli %scan3A_156, %mul3A_241 : i32
          %add3A_243 = arith.constant 7 : i32
          %add3A_244 = arith.addi %mul3A_242, %add3A_243 : i32
          %slice3A_245 = vector.extract_strided_slice %get3A_165 {offsets = [7], sizes = [1], strides = [1]} : vector<16xf32> to vector<1xf32>
          %squeeze3A_246 = vector.extract %slice3A_245[0] : f32 from vector<1xf32>
          %gt3A_247 = arith.cmpf ogt, %squeeze3A_246, %scan3A_159 : f32
          %convert_element_type3A_248 = arith.extui %gt3A_247 : i1 to i32
          %cond3A_249 = arith.constant 0 : i32
          %cond3A_250 = arith.cmpi ne, %convert_element_type3A_248, %cond3A_249 : i32
          %cond3A_251 = scf.if %cond3A_250 -> (i32) {
            %mul3A_258 = arith.constant 14336 : i32
            %mul3A_259 = arith.muli %rem3A_132, %mul3A_258 : i32
            %mul3A_260 = arith.constant 128 : i32
            %mul3A_261 = arith.muli %add3A_244, %mul3A_260 : i32
            %add3A_262 = arith.addi %mul3A_259, %mul3A_261 : i32
            %mul3A_263 = arith.constant 14336 : i32
            %mul3A_264 = arith.muli %scan3A_128, %mul3A_263 : i32
            %mul3A_265 = arith.constant 128 : i32
            %mul3A_266 = arith.muli %add3A_244, %mul3A_265 : i32
            %add3A_267 = arith.addi %mul3A_264, %mul3A_266 : i32
            %add3A_268 = arith.constant 0 : i32
            %add3A_269 = arith.addi %add3A_267, %add3A_268 : i32
            %scan3A_270 = arith.constant 0 : i32
            %scan3A_271 = arith.constant 8 : i32
            %scan3A_272 = arith.addi %scan3A_270, %scan3A_271 : i32
            %scan3A_273 = arith.constant 1 : i32
            %scan3A_274 = scf.for %scan3A_276 = %scan3A_270 to %scan3A_272 step %scan3A_273 iter_args(%scan3A_277 = %cond3A_240) -> (i32)  : i32 {
              %mul3A_278 = arith.constant 16 : i32
              %mul3A_279 = arith.muli %scan3A_276, %mul3A_278 : i32
              %add3A_280 = arith.addi %add3A_262, %mul3A_279 : i32
              %get3A_281 = arith.index_cast %add3A_280 : i32 to index
              %get3A_282 = tpu.vector_load %arg5[%get3A_281] {strides = array<i32>} : memref<57344xf32, #tpu.memory_space<vmem>>, vector<16xf32>,
              %gt3A_283 = vector.broadcast %scan3A_159 : f32 to vector<16xf32>
              %gt3A_284 = arith.cmpf ogt, %get3A_282, %gt3A_283 : vector<16xf32>
              %swap3A_285 = arith.index_cast %scan3A_277 : i32 to index
              %swap3A_286 = tpu.vector_load %arg6[%swap3A_285] masked %gt3A_284 {strides = array<i32>} : memref<2064xf32, #tpu.memory_space<vmem>>, vector<16xf32>, vector<16xi1>
              tpu.vector_store %arg6[%swap3A_285], %get3A_282 masked %gt3A_284 {strides = array<i32>} : memref<2064xf32, #tpu.memory_space<vmem>>, vector<16xf32>, vector<16xi1>
              %mul3A_287 = arith.constant 16 : i32
              %mul3A_288 = arith.muli %scan3A_276, %mul3A_287 : i32
              %add3A_289 = arith.addi %add3A_269, %mul3A_288 : i32
              %add3A_290 = vector.broadcast %add3A_289 : i32 to vector<16xi32>
              %add3A_291 = arith.addi %add3A_290, %iota3A : vector<16xi32>
              %swap3A_292 = arith.index_cast %scan3A_277 : i32 to index
              %swap3A_293 = tpu.vector_load %arg7[%swap3A_292] masked %gt3A_284 {strides = array<i32>} : memref<2064xi32, #tpu.memory_space<vmem>>, vector<16xi32>, vector<16xi1>
              tpu.vector_store %arg7[%swap3A_292], %add3A_291 masked %gt3A_284 {strides = array<i32>} : memref<2064xi32, #tpu.memory_space<vmem>>, vector<16xi32>, vector<16xi1>
              %all_reduce_population_count3A = tpu.all_reduce %gt3A_284 {dim = 0 : i64, kind = #tpu.reduction_kind<sum>} : vector<16xi1> -> vector<16xi32>
              %slice3A_294 = vector.extract_strided_slice %all_reduce_population_count3A {offsets = [0], sizes = [1], strides = [1]} : vector<16xi32> to vector<1xi32>
              %squeeze3A_295 = vector.extract %slice3A_294[0] : i32 from vector<1xi32>
              %add3A_296 = arith.addi %scan3A_277, %squeeze3A_295 : i32
              scf.yield %add3A_296 : i32
            }
            %scan3A_275 = arith.constant 8 : i32
            scf.yield %scan3A_274 : i32
          } else {
            scf.yield %cond3A_240 : i32
          }
          %gt3A_252 = arith.constant 1024 : i32
          %gt3A_253 = arith.cmpi sgt, %cond3A_251, %gt3A_252 : i32
          %convert_element_type3A_254 = arith.extui %gt3A_253 : i1 to i32
          %cond3A_255 = arith.constant 0 : i32
          %cond3A_256 = arith.cmpi ne, %convert_element_type3A_254, %cond3A_255 : i32
          %cond3A_257:3 = scf.if %cond3A_256 -> (i32, i32, f32) {
            %add3A_258 = arith.addi %scan3A_157, %cond3A_251 : i32
            %jit3A = arith.constant 16 : i32
            %div3A = arith.divsi %scan3A_157, %jit3A : i32
            %sign3A = arith.constant 0 : i32
            %sign3A_259 = arith.cmpi sgt, %scan3A_157, %sign3A : i32
            %sign3A_260 = arith.extui %sign3A_259 : i1 to i32
            %sign3A_261 = arith.constant 0 : i32
            %sign3A_262 = arith.cmpi slt, %scan3A_157, %sign3A_261 : i32
            %sign3A_263 = arith.extui %sign3A_262 : i1 to i32
            %sign3A_264 = arith.subi %sign3A_260, %sign3A_263 : i32
            %sign3A_265 = arith.constant 0 : i32
            %sign3A_266 = arith.cmpi sgt, %jit3A, %sign3A_265 : i32
            %sign3A_267 = arith.extui %sign3A_266 : i1 to i32
            %sign3A_268 = arith.constant 0 : i32
            %sign3A_269 = arith.cmpi slt, %jit3A, %sign3A_268 : i32
            %sign3A_270 = arith.extui %sign3A_269 : i1 to i32
            %sign3A_271 = arith.subi %sign3A_267, %sign3A_270 : i32
            %ne3A = arith.cmpi ne, %sign3A_264, %sign3A_271 : i32
            %rem3A_272 = arith.remsi %scan3A_157, %jit3A : i32
            %ne3A_273 = arith.constant 0 : i32
            %ne3A_274 = arith.cmpi ne, %rem3A_272, %ne3A_273 : i32
            %and3A = arith.andi %ne3A, %ne3A_274 : i1
            %sub3A_275 = arith.constant 1 : i32
            %sub3A_276 = arith.subi %div3A, %sub3A_275 : i32
            %select_n3A_277 = arith.select %and3A, %sub3A_276, %div3A : i32
            %while3A = arith.constant 0 : i32
            %while3A_278 = arith.constant 0 : i32
            %while3A_279 = arith.subi %select_n3A_277, %while3A : i32
            %while3A_280 = arith.addi %while3A, %while3A_279 : i32
            %while3A_281 = arith.constant 1 : i32
            %while3A_282 = arith.divsi %while3A_279, %while3A_281 : i32
            %while3A_283 = arith.muli %while3A_282, %while3A_281 : i32
            %while3A_284 = arith.addi %while3A, %while3A_283 : i32
            %while3A_285 = arith.constant 1 : i32
            %while3A_286 = scf.for %while3A_390 = %while3A to %while3A_284 step %while3A_285 iter_args(%while3A_391 = %while3A_278) -> (i32)  : i32 {
              %mul3A_392 = arith.constant 16 : i32
              %mul3A_393 = arith.muli %while3A_390, %mul3A_392 : i32
              %get3A_394 = arith.index_cast %mul3A_393 : i32 to index
              %get3A_395 = tpu.vector_load %arg8[%get3A_394] {strides = array<i32>} : memref<144xi32, #tpu.memory_space<vmem>>, vector<16xi32>,
              %swap3A_396 = arith.index_cast %mul3A_393 : i32 to index
              %swap3A_397 = tpu.vector_load %arg10[%swap3A_396] {strides = array<i32>} : memref<2192xi32, #tpu.memory_space<vmem>>, vector<16xi32>,
              tpu.vector_store %arg10[%swap3A_396], %get3A_395 {strides = array<i32>} : memref<2192xi32, #tpu.memory_space<vmem>>, vector<16xi32>,
              %get3A_398 = arith.index_cast %mul3A_393 : i32 to index
              %get3A_399 = tpu.vector_load %arg9[%get3A_398] {strides = array<i32>} : memref<144xi32, #tpu.memory_space<vmem>>, vector<16xi32>,
              %swap3A_400 = arith.index_cast %mul3A_393 : i32 to index
              %swap3A_401 = tpu.vector_load %arg11[%swap3A_400] {strides = array<i32>} : memref<2192xi32, #tpu.memory_space<vmem>>, vector<16xi32>,
              tpu.vector_store %arg11[%swap3A_400], %get3A_399 {strides = array<i32>} : memref<2192xi32, #tpu.memory_space<vmem>>, vector<16xi32>,
              %while3A_402 = arith.constant 0 : i32
              scf.yield %while3A_402 : i32
            }
            %while3A_287 = arith.constant 1 : i32
            %while3A_288 = scf.for %while3A_390 = %while3A_284 to %while3A_280 step %while3A_287 iter_args(%while3A_391 = %while3A_286) -> (i32)  : i32 {
              %mul3A_392 = arith.constant 16 : i32
              %mul3A_393 = arith.muli %while3A_390, %mul3A_392 : i32
              %get3A_394 = arith.index_cast %mul3A_393 : i32 to index
              %get3A_395 = tpu.vector_load %arg8[%get3A_394] {strides = array<i32>} : memref<144xi32, #tpu.memory_space<vmem>>, vector<16xi32>,
              %swap3A_396 = arith.index_cast %mul3A_393 : i32 to index
              %swap3A_397 = tpu.vector_load %arg10[%swap3A_396] {strides = array<i32>} : memref<2192xi32, #tpu.memory_space<vmem>>, vector<16xi32>,
              tpu.vector_store %arg10[%swap3A_396], %get3A_395 {strides = array<i32>} : memref<2192xi32, #tpu.memory_space<vmem>>, vector<16xi32>,
              %get3A_398 = arith.index_cast %mul3A_393 : i32 to index
              %get3A_399 = tpu.vector_load %arg9[%get3A_398] {strides = array<i32>} : memref<144xi32, #tpu.memory_space<vmem>>, vector<16xi32>,
              %swap3A_400 = arith.index_cast %mul3A_393 : i32 to index
              %swap3A_401 = tpu.vector_load %arg11[%swap3A_400] {strides = array<i32>} : memref<2192xi32, #tpu.memory_space<vmem>>, vector<16xi32>,
              tpu.vector_store %arg11[%swap3A_400], %get3A_399 {strides = array<i32>} : memref<2192xi32, #tpu.memory_space<vmem>>, vector<16xi32>,
              %while3A_402 = arith.constant 0 : i32
              scf.yield %while3A_402 : i32
            }
            %add3A_289 = arith.constant 15 : i32
            %add3A_290 = arith.addi %cond3A_251, %add3A_289 : i32
            %jit3A_291 = arith.constant 16 : i32
            %div3A_292 = arith.divsi %add3A_290, %jit3A_291 : i32
            %sign3A_293 = arith.constant 0 : i32
            %sign3A_294 = arith.cmpi sgt, %add3A_290, %sign3A_293 : i32
            %sign3A_295 = arith.extui %sign3A_294 : i1 to i32
            %sign3A_296 = arith.constant 0 : i32
            %sign3A_297 = arith.cmpi slt, %add3A_290, %sign3A_296 : i32
            %sign3A_298 = arith.extui %sign3A_297 : i1 to i32
            %sign3A_299 = arith.subi %sign3A_295, %sign3A_298 : i32
            %sign3A_300 = arith.constant 0 : i32
            %sign3A_301 = arith.cmpi sgt, %jit3A_291, %sign3A_300 : i32
            %sign3A_302 = arith.extui %sign3A_301 : i1 to i32
            %sign3A_303 = arith.constant 0 : i32
            %sign3A_304 = arith.cmpi slt, %jit3A_291, %sign3A_303 : i32
            %sign3A_305 = arith.extui %sign3A_304 : i1 to i32
            %sign3A_306 = arith.subi %sign3A_302, %sign3A_305 : i32
            %ne3A_307 = arith.cmpi ne, %sign3A_299, %sign3A_306 : i32
            %rem3A_308 = arith.remsi %add3A_290, %jit3A_291 : i32
            %ne3A_309 = arith.constant 0 : i32
            %ne3A_310 = arith.cmpi ne, %rem3A_308, %ne3A_309 : i32
            %and3A_311 = arith.andi %ne3A_307, %ne3A_310 : i1
            %sub3A_312 = arith.constant 1 : i32
            %sub3A_313 = arith.subi %div3A_292, %sub3A_312 : i32
            %select_n3A_314 = arith.select %and3A_311, %sub3A_313, %div3A_292 : i32
            %while3A_315 = arith.constant 0 : i32
            %while3A_316 = arith.constant 0 : i32
            %while3A_317 = arith.subi %select_n3A_314, %while3A_315 : i32
            %while3A_318 = arith.addi %while3A_315, %while3A_317 : i32
            %while3A_319 = arith.constant 1 : i32
            %while3A_320 = arith.divsi %while3A_317, %while3A_319 : i32
            %while3A_321 = arith.muli %while3A_320, %while3A_319 : i32
            %while3A_322 = arith.addi %while3A_315, %while3A_321 : i32
            %while3A_323 = arith.constant 1 : i32
            %while3A_324 = scf.for %while3A_390 = %while3A_315 to %while3A_322 step %while3A_323 iter_args(%while3A_391 = %while3A_316) -> (i32)  : i32 {
              %mul3A_392 = arith.constant 16 : i32
              %mul3A_393 = arith.muli %while3A_390, %mul3A_392 : i32
              %get3A_394 = arith.index_cast %mul3A_393 : i32 to index
              %get3A_395 = tpu.vector_load %arg6[%get3A_394] {strides = array<i32>} : memref<2064xf32, #tpu.memory_space<vmem>>, vector<16xf32>,
              %bitcast3A = vector.bitcast %get3A_395 : vector<16xf32> to vector<16xi32>
              %lt3A_396 = arith.constant 0 : i32
              %lt3A_397 = vector.broadcast %lt3A_396 : i32 to vector<16xi32>
              %lt3A_398 = arith.cmpi slt, %bitcast3A, %lt3A_397 : vector<16xi32>
              %not3A_399 = arith.constant dense<-1> : vector<16xi32>
              %not3A_400 = arith.xori %bitcast3A, %not3A_399 : vector<16xi32>
              %xor3A_401 = arith.constant -2147483648 : i32
              %xor3A_402 = vector.broadcast %xor3A_401 : i32 to vector<16xi32>
              %xor3A_403 = arith.xori %not3A_400, %xor3A_402 : vector<16xi32>
              %select_n3A_404 = arith.select %lt3A_398, %xor3A_403, %bitcast3A : vector<16xi1>, vector<16xi32>
              %mul3A_405 = arith.constant 16 : i32
              %mul3A_406 = arith.muli %while3A_390, %mul3A_405 : i32
              %add3A_407 = arith.addi %scan3A_157, %mul3A_406 : i32
              %swap3A_408 = arith.index_cast %add3A_407 : i32 to index
              %swap3A_409 = tpu.vector_load %arg10[%swap3A_408] {strides = array<i32>} : memref<2192xi32, #tpu.memory_space<vmem>>, vector<16xi32>,
              tpu.vector_store %arg10[%swap3A_408], %select_n3A_404 {strides = array<i32>} : memref<2192xi32, #tpu.memory_space<vmem>>, vector<16xi32>,
              %get3A_410 = arith.index_cast %mul3A_393 : i32 to index
              %get3A_411 = tpu.vector_load %arg7[%get3A_410] {strides = array<i32>} : memref<2064xi32, #tpu.memory_space<vmem>>, vector<16xi32>,
              %mul3A_412 = arith.constant 16 : i32
              %mul3A_413 = arith.muli %while3A_390, %mul3A_412 : i32
              %add3A_414 = arith.addi %scan3A_157, %mul3A_413 : i32
              %swap3A_415 = arith.index_cast %add3A_414 : i32 to index
              %swap3A_416 = tpu.vector_load %arg11[%swap3A_415] {strides = array<i32>} : memref<2192xi32, #tpu.memory_space<vmem>>, vector<16xi32>,
              tpu.vector_store %arg11[%swap3A_415], %get3A_411 {strides = array<i32>} : memref<2192xi32, #tpu.memory_space<vmem>>, vector<16xi32>,
              %while3A_417 = arith.constant 0 : i32
              scf.yield %while3A_417 : i32
            }
            %while3A_325 = arith.constant 1 : i32
            %while3A_326 = scf.for %while3A_390 = %while3A_322 to %while3A_318 step %while3A_325 iter_args(%while3A_391 = %while3A_324) -> (i32)  : i32 {
              %mul3A_392 = arith.constant 16 : i32
              %mul3A_393 = arith.muli %while3A_390, %mul3A_392 : i32
              %get3A_394 = arith.index_cast %mul3A_393 : i32 to index
              %get3A_395 = tpu.vector_load %arg6[%get3A_394] {strides = array<i32>} : memref<2064xf32, #tpu.memory_space<vmem>>, vector<16xf32>,
              %bitcast3A = vector.bitcast %get3A_395 : vector<16xf32> to vector<16xi32>
              %lt3A_396 = arith.constant 0 : i32
              %lt3A_397 = vector.broadcast %lt3A_396 : i32 to vector<16xi32>
              %lt3A_398 = arith.cmpi slt, %bitcast3A, %lt3A_397 : vector<16xi32>
              %not3A_399 = arith.constant dense<-1> : vector<16xi32>
              %not3A_400 = arith.xori %bitcast3A, %not3A_399 : vector<16xi32>
              %xor3A_401 = arith.constant -2147483648 : i32
              %xor3A_402 = vector.broadcast %xor3A_401 : i32 to vector<16xi32>
              %xor3A_403 = arith.xori %not3A_400, %xor3A_402 : vector<16xi32>
              %select_n3A_404 = arith.select %lt3A_398, %xor3A_403, %bitcast3A : vector<16xi1>, vector<16xi32>
              %mul3A_405 = arith.constant 16 : i32
              %mul3A_406 = arith.muli %while3A_390, %mul3A_405 : i32
              %add3A_407 = arith.addi %scan3A_157, %mul3A_406 : i32
              %swap3A_408 = arith.index_cast %add3A_407 : i32 to index
              %swap3A_409 = tpu.vector_load %arg10[%swap3A_408] {strides = array<i32>} : memref<2192xi32, #tpu.memory_space<vmem>>, vector<16xi32>,
              tpu.vector_store %arg10[%swap3A_408], %select_n3A_404 {strides = array<i32>} : memref<2192xi32, #tpu.memory_space<vmem>>, vector<16xi32>,
              %get3A_410 = arith.index_cast %mul3A_393 : i32 to index
              %get3A_411 = tpu.vector_load %arg7[%get3A_410] {strides = array<i32>} : memref<2064xi32, #tpu.memory_space<vmem>>, vector<16xi32>,
              %mul3A_412 = arith.constant 16 : i32
              %mul3A_413 = arith.muli %while3A_390, %mul3A_412 : i32
              %add3A_414 = arith.addi %scan3A_157, %mul3A_413 : i32
              %swap3A_415 = arith.index_cast %add3A_414 : i32 to index
              %swap3A_416 = tpu.vector_load %arg11[%swap3A_415] {strides = array<i32>} : memref<2192xi32, #tpu.memory_space<vmem>>, vector<16xi32>,
              tpu.vector_store %arg11[%swap3A_415], %get3A_411 {strides = array<i32>} : memref<2192xi32, #tpu.memory_space<vmem>>, vector<16xi32>,
              %while3A_417 = arith.constant 0 : i32
              scf.yield %while3A_417 : i32
            }
            %scan3A_327 = arith.constant 128 : i32
            %scan3A_328 = arith.constant 0 : i32
            %scan3A_329 = arith.constant 0 : i32
            %scan3A_330 = arith.constant 4 : i32
            %scan3A_331 = arith.addi %scan3A_329, %scan3A_330 : i32
            %scan3A_332 = arith.constant 1 : i32
            %scan3A_333:3 = scf.for %scan3A_390 = %scan3A_329 to %scan3A_331 step %scan3A_332 iter_args(%scan3A_391 = %add3A_258, %scan3A_392 = %scan3A_327, %scan3A_393 = %scan3A_328) -> (i32, i32, i32)  : i32 {
              %mul3A_394 = arith.constant 8 : i32
              %mul3A_395 = arith.muli %mul3A_394, %scan3A_390 : i32
              %sub3A_396 = arith.constant 24 : i32
              %sub3A_397 = arith.subi %sub3A_396, %mul3A_395 : i32
              %add3A_398 = arith.constant 15 : i32
              %add3A_399 = arith.addi %scan3A_391, %add3A_398 : i32
              %jit3A_400 = arith.constant 16 : i32
              %div3A_401 = arith.divsi %add3A_399, %jit3A_400 : i32
              %sign3A_402 = arith.constant 0 : i32
              %sign3A_403 = arith.cmpi sgt, %add3A_399, %sign3A_402 : i32
              %sign3A_404 = arith.extui %sign3A_403 : i1 to i32
              %sign3A_405 = arith.constant 0 : i32
              %sign3A_406 = arith.cmpi slt, %add3A_399, %sign3A_405 : i32
              %sign3A_407 = arith.extui %sign3A_406 : i1 to i32
              %sign3A_408 = arith.subi %sign3A_404, %sign3A_407 : i32
              %sign3A_409 = arith.constant 0 : i32
              %sign3A_410 = arith.cmpi sgt, %jit3A_400, %sign3A_409 : i32
              %sign3A_411 = arith.extui %sign3A_410 : i1 to i32
              %sign3A_412 = arith.constant 0 : i32
              %sign3A_413 = arith.cmpi slt, %jit3A_400, %sign3A_412 : i32
              %sign3A_414 = arith.extui %sign3A_413 : i1 to i32
              %sign3A_415 = arith.subi %sign3A_411, %sign3A_414 : i32
              %ne3A_416 = arith.cmpi ne, %sign3A_408, %sign3A_415 : i32
              %rem3A_417 = arith.remsi %add3A_399, %jit3A_400 : i32
              %ne3A_418 = arith.constant 0 : i32
              %ne3A_419 = arith.cmpi ne, %rem3A_417, %ne3A_418 : i32
              %and3A_420 = arith.andi %ne3A_416, %ne3A_419 : i1
              %sub3A_421 = arith.constant 1 : i32
              %sub3A_422 = arith.subi %div3A_401, %sub3A_421 : i32
              %select_n3A_423 = arith.select %and3A_420, %sub3A_422, %div3A_401 : i32
              %scan3A_424 = arith.constant 0 : i32
              %scan3A_425 = arith.constant 0 : i32
              %scan3A_426 = arith.constant 16 : i32
              %scan3A_427 = arith.addi %scan3A_425, %scan3A_426 : i32
              %scan3A_428 = arith.constant 1 : i32
              %scan3A_429 = scf.for %scan3A_503 = %scan3A_425 to %scan3A_427 step %scan3A_428 iter_args(%scan3A_504 = %scan3A_424) -> (i32)  : i32 {
                %broadcast_in_dim3A_505 = arith.constant 0 : i32
                %broadcast_in_dim3A_506 = vector.broadcast %broadcast_in_dim3A_505 : i32 to vector<16xi32>
                %mul3A_507 = arith.constant 16 : i32
                %mul3A_508 = arith.muli %scan3A_503, %mul3A_507 : i32
                %swap3A_509 = arith.index_cast %mul3A_508 : i32 to index
                %swap3A_510 = tpu.vector_load %arg14[%swap3A_509] {strides = array<i32>} : memref<256xi32, #tpu.memory_space<vmem>>, vector<16xi32>,
                tpu.vector_store %arg14[%swap3A_509], %broadcast_in_dim3A_506 {strides = array<i32>} : memref<256xi32, #tpu.memory_space<vmem>>, vector<16xi32>,
                %scan3A_511 = arith.constant 0 : i32
                scf.yield %scan3A_511 : i32
              }
              %scan3A_430 = arith.constant 16 : i32
              %while3A_431 = arith.constant 0 : i32
              %while3A_432 = arith.constant 0 : i32
              %while3A_433 = arith.subi %select_n3A_423, %while3A_431 : i32
              %while3A_434 = arith.addi %while3A_431, %while3A_433 : i32
              %while3A_435 = arith.constant 1 : i32
              %while3A_436 = arith.divsi %while3A_433, %while3A_435 : i32
              %while3A_437 = arith.muli %while3A_436, %while3A_435 : i32
              %while3A_438 = arith.addi %while3A_431, %while3A_437 : i32
              %while3A_439 = arith.constant 1 : i32
              %while3A_440 = scf.for %while3A_503 = %while3A_431 to %while3A_438 step %while3A_439 iter_args(%while3A_504 = %while3A_432) -> (i32)  : i32 {
                %mul3A_505 = arith.constant 16 : i32
                %mul3A_506 = arith.muli %while3A_503, %mul3A_505 : i32
                %get3A_507 = arith.index_cast %mul3A_506 : i32 to index
                %get3A_508 = tpu.vector_load %arg10[%get3A_507] {strides = array<i32>} : memref<2192xi32, #tpu.memory_space<vmem>>, vector<16xi32>,
                %mul3A_509 = arith.constant 16 : i32
                %mul3A_510 = arith.muli %while3A_503, %mul3A_509 : i32
                %add3A_511 = vector.broadcast %mul3A_510 : i32 to vector<16xi32>
                %add3A_512 = arith.addi %add3A_511, %iota3A : vector<16xi32>
                %lt3A_513 = vector.broadcast %scan3A_391 : i32 to vector<16xi32>
                %lt3A_514 = arith.cmpi slt, %add3A_512, %lt3A_513 : vector<16xi32>
                %xor3A_515 = arith.constant -2147483648 : i32
                %xor3A_516 = vector.broadcast %xor3A_515 : i32 to vector<16xi32>
                %xor3A_517 = arith.xori %get3A_508, %xor3A_516 : vector<16xi32>
                %broadcast_in_dim3A_518 = vector.broadcast %sub3A_397 : i32 to vector<16xi32>
                %shift_right_logical3A = arith.shrui %xor3A_517, %broadcast_in_dim3A_518 : vector<16xi32>
                %and3A_519 = arith.constant 255 : i32
                %and3A_520 = vector.broadcast %and3A_519 : i32 to vector<16xi32>
                %and3A_521 = arith.andi %shift_right_logical3A, %and3A_520 : vector<16xi32>
                tpu.vector_store_idx %arg14[%and3A_521], %broadcast_in_dim3A_1 masked %lt3A_514 {add = true} : memref<256xi32, #tpu.memory_space<vmem>>[vector<16xi32>], vector<16xi32>, vector<16xi1>
                %while3A_522 = arith.constant 0 : i32
                scf.yield %while3A_522 : i32
              }
              %while3A_441 = arith.constant 1 : i32
              %while3A_442 = scf.for %while3A_503 = %while3A_438 to %while3A_434 step %while3A_441 iter_args(%while3A_504 = %while3A_440) -> (i32)  : i32 {
                %mul3A_505 = arith.constant 16 : i32
                %mul3A_506 = arith.muli %while3A_503, %mul3A_505 : i32
                %get3A_507 = arith.index_cast %mul3A_506 : i32 to index
                %get3A_508 = tpu.vector_load %arg10[%get3A_507] {strides = array<i32>} : memref<2192xi32, #tpu.memory_space<vmem>>, vector<16xi32>,
                %mul3A_509 = arith.constant 16 : i32
                %mul3A_510 = arith.muli %while3A_503, %mul3A_509 : i32
                %add3A_511 = vector.broadcast %mul3A_510 : i32 to vector<16xi32>
                %add3A_512 = arith.addi %add3A_511, %iota3A : vector<16xi32>
                %lt3A_513 = vector.broadcast %scan3A_391 : i32 to vector<16xi32>
                %lt3A_514 = arith.cmpi slt, %add3A_512, %lt3A_513 : vector<16xi32>
                %xor3A_515 = arith.constant -2147483648 : i32
                %xor3A_516 = vector.broadcast %xor3A_515 : i32 to vector<16xi32>
                %xor3A_517 = arith.xori %get3A_508, %xor3A_516 : vector<16xi32>
                %broadcast_in_dim3A_518 = vector.broadcast %sub3A_397 : i32 to vector<16xi32>
                %shift_right_logical3A = arith.shrui %xor3A_517, %broadcast_in_dim3A_518 : vector<16xi32>
                %and3A_519 = arith.constant 255 : i32
                %and3A_520 = vector.broadcast %and3A_519 : i32 to vector<16xi32>
                %and3A_521 = arith.andi %shift_right_logical3A, %and3A_520 : vector<16xi32>
                tpu.vector_store_idx %arg14[%and3A_521], %broadcast_in_dim3A_1 masked %lt3A_514 {add = true} : memref<256xi32, #tpu.memory_space<vmem>>[vector<16xi32>], vector<16xi32>, vector<16xi1>
                %while3A_522 = arith.constant 0 : i32
                scf.yield %while3A_522 : i32
              }
              %scan3A_443 = arith.constant 0 : i32
              %scan3A_444 = arith.constant -1 : i32
              %scan3A_445 = arith.constant 0 : i32
              %scan3A_446 = arith.constant 16 : i32
              %scan3A_447 = arith.addi %scan3A_445, %scan3A_446 : i32
              %scan3A_448 = arith.constant 1 : i32
              %scan3A_449:2 = scf.for %scan3A_503 = %scan3A_445 to %scan3A_447 step %scan3A_448 iter_args(%scan3A_504 = %scan3A_443, %scan3A_505 = %scan3A_444) -> (i32, i32)  : i32 {
                %sub3A_506 = arith.constant 15 : i32
                %sub3A_507 = arith.subi %sub3A_506, %scan3A_503 : i32
                %mul3A_508 = arith.constant 16 : i32
                %mul3A_509 = arith.muli %sub3A_507, %mul3A_508 : i32
                %get3A_510 = arith.index_cast %mul3A_509 : i32 to index
                %get3A_511 = tpu.vector_load %arg14[%get3A_510] {strides = array<i32>} : memref<256xi32, #tpu.memory_space<vmem>>, vector<16xi32>,
                %rev3A = arith.constant 15 : i32
                %rev3A_512 = vector.broadcast %rev3A : i32 to vector<16xi32>
                %rev3A_513 = tpu.iota {dimensions = array<i32: 0>} : vector<16xi32>
                %rev3A_514 = arith.subi %rev3A_512, %rev3A_513 : vector<16xi32>
                %rev3A_515 = tpu.dynamic_gather %get3A_511[%rev3A_514] in [0] : vector<16xi32>, vector<16xi32> -> vector<16xi32>
                %broadcast_in_dim3A_516 = arith.constant true
                %broadcast_in_dim3A_517 = vector.broadcast %broadcast_in_dim3A_516 : i1 to vector<16xi1>
                %masked_cumsum3A = tpu.scan <sum>, %rev3A_515 masked %broadcast_in_dim3A_517 : vector<16xi32>, vector<16xi1> -> vector<16xi32>
                %add3A_518 = vector.broadcast %scan3A_504 : i32 to vector<16xi32>
                %add3A_519 = arith.addi %masked_cumsum3A, %add3A_518 : vector<16xi32>
                %mul3A_520 = arith.constant 16 : i32
                %mul3A_521 = arith.muli %sub3A_507, %mul3A_520 : i32
                %add3A_522 = arith.constant 15 : i32
                %add3A_523 = arith.addi %mul3A_521, %add3A_522 : i32
                %sub3A_524 = vector.broadcast %add3A_523 : i32 to vector<16xi32>
                %sub3A_525 = arith.subi %sub3A_524, %iota3A : vector<16xi32>
                %ge3A_526 = vector.broadcast %scan3A_392 : i32 to vector<16xi32>
                %ge3A_527 = arith.cmpi sge, %add3A_519, %ge3A_526 : vector<16xi32>
                %jit3A_528 = arith.constant -1 : i32
                %broadcast_in_dim3A_529 = vector.broadcast %jit3A_528 : i32 to vector<16xi32>
                %select_n3A_530 = arith.select %ge3A_527, %sub3A_525, %broadcast_in_dim3A_529 : vector<16xi1>, vector<16xi32>
                %reduce_max3A = arith.constant true
                %reduce_max3A_531 = vector.broadcast %reduce_max3A : i1 to vector<16xi1>
                %reduce_max3A_532 = arith.constant -2147483648 : i32
                %reduce_max3A_533 = vector.broadcast %reduce_max3A_532 : i32 to vector<16xi32>
                %reduce_max3A_534 = arith.xori %select_n3A_530, %reduce_max3A_533 : vector<16xi32>
                %reduce_max3A_535 = tpu.scan <max>, %reduce_max3A_534 masked %reduce_max3A_531 : vector<16xi32>, vector<16xi1> -> vector<16xi32>
                %reduce_max3A_536 = arith.xori %reduce_max3A_535, %reduce_max3A_533 : vector<16xi32>
                %reduce_max3A_537 = vector.extract %reduce_max3A_536[15] : i32 from vector<16xi32>
                %max3A = arith.maxsi %scan3A_505, %reduce_max3A_537 : i32
                %reduce_sum3A = arith.constant true
                %reduce_sum3A_538 = vector.broadcast %reduce_sum3A : i1 to vector<16xi1>
                %reduce_sum3A_539 = tpu.scan <sum>, %get3A_511 masked %reduce_sum3A_538 : vector<16xi32>, vector<16xi1> -> vector<16xi32>
                %reduce_sum3A_540 = vector.extract %reduce_sum3A_539[15] : i32 from vector<16xi32>
                %add3A_541 = arith.addi %scan3A_504, %reduce_sum3A_540 : i32
                scf.yield %add3A_541, %max3A : i32, i32
              }
              %scan3A_450 = arith.constant 16 : i32
              %while3A_451 = arith.constant 0 : i32
              %while3A_452 = arith.constant 0 : i32
              %while3A_453 = arith.subi %select_n3A_423, %while3A_451 : i32
              %while3A_454 = arith.addi %while3A_451, %while3A_453 : i32
              %while3A_455 = arith.constant 1 : i32
              %while3A_456 = arith.divsi %while3A_453, %while3A_455 : i32
              %while3A_457 = arith.muli %while3A_456, %while3A_455 : i32
              %while3A_458 = arith.addi %while3A_451, %while3A_457 : i32
              %while3A_459 = arith.constant 1 : i32
              %while3A_460:2 = scf.for %while3A_503 = %while3A_451 to %while3A_458 step %while3A_459 iter_args(%while3A_504 = %scan3A_393, %while3A_505 = %while3A_452) -> (i32, i32)  : i32 {
                %mul3A_506 = arith.constant 16 : i32
                %mul3A_507 = arith.muli %while3A_503, %mul3A_506 : i32
                %get3A_508 = arith.index_cast %mul3A_507 : i32 to index
                %get3A_509 = tpu.vector_load %arg10[%get3A_508] {strides = array<i32>} : memref<2192xi32, #tpu.memory_space<vmem>>, vector<16xi32>,
                %mul3A_510 = arith.constant 16 : i32
                %mul3A_511 = arith.muli %while3A_503, %mul3A_510 : i32
                %get3A_512 = arith.index_cast %mul3A_511 : i32 to index
                %get3A_513 = tpu.vector_load %arg11[%get3A_512] {strides = array<i32>} : memref<2192xi32, #tpu.memory_space<vmem>>, vector<16xi32>,
                %mul3A_514 = arith.constant 16 : i32
                %mul3A_515 = arith.muli %while3A_503, %mul3A_514 : i32
                %add3A_516 = vector.broadcast %mul3A_515 : i32 to vector<16xi32>
                %add3A_517 = arith.addi %add3A_516, %iota3A : vector<16xi32>
                %lt3A_518 = vector.broadcast %scan3A_391 : i32 to vector<16xi32>
                %lt3A_519 = arith.cmpi slt, %add3A_517, %lt3A_518 : vector<16xi32>
                %xor3A_520 = arith.constant -2147483648 : i32
                %xor3A_521 = vector.broadcast %xor3A_520 : i32 to vector<16xi32>
                %xor3A_522 = arith.xori %get3A_509, %xor3A_521 : vector<16xi32>
                %broadcast_in_dim3A_523 = vector.broadcast %sub3A_397 : i32 to vector<16xi32>
                %shift_right_logical3A = arith.shrui %xor3A_522, %broadcast_in_dim3A_523 : vector<16xi32>
                %and3A_524 = arith.constant 255 : i32
                %and3A_525 = vector.broadcast %and3A_524 : i32 to vector<16xi32>
                %and3A_526 = arith.andi %shift_right_logical3A, %and3A_525 : vector<16xi32>
                %gt3A_527 = vector.broadcast %scan3A_449#1 : i32 to vector<16xi32>
                %gt3A_528 = arith.cmpi sgt, %and3A_526, %gt3A_527 : vector<16xi32>
                %and3A_529 = arith.andi %lt3A_519, %gt3A_528 : vector<16xi1>
                %eq3A_530 = vector.broadcast %scan3A_449#1 : i32 to vector<16xi32>
                %eq3A_531 = arith.cmpi eq, %and3A_526, %eq3A_530 : vector<16xi32>
                %and3A_532 = arith.andi %lt3A_519, %eq3A_531 : vector<16xi1>
                %reduce_or3A = arith.constant 1.000000e+00 : f32
                %reduce_or3A_533 = arith.constant 0.000000e+00 : f32
                %reduce_or3A_534 = vector.broadcast %reduce_or3A : f32 to vector<16xf32>
                %reduce_or3A_535 = vector.broadcast %reduce_or3A_533 : f32 to vector<16xf32>
                %reduce_or3A_536 = arith.select %and3A_529, %reduce_or3A_534, %reduce_or3A_535 : vector<16xi1>, vector<16xf32>
                %reduce_or3A_537 = arith.constant true
                %reduce_or3A_538 = vector.broadcast %reduce_or3A_537 : i1 to vector<16xi1>
                %reduce_or3A_539 = tpu.scan <max>, %reduce_or3A_536 masked %reduce_or3A_538 : vector<16xf32>, vector<16xi1> -> vector<16xf32>
                %reduce_or3A_540 = vector.extract %reduce_or3A_539[15] : f32 from vector<16xf32>
                %reduce_or3A_541 = arith.constant 0.000000e+00 : f32
                %reduce_or3A_542 = arith.cmpf ogt, %reduce_or3A_540, %reduce_or3A_541 : f32
                %convert_element_type3A_543 = arith.extui %reduce_or3A_542 : i1 to i32
                %cond3A_544 = arith.constant 0 : i32
                %cond3A_545 = arith.cmpi ne, %convert_element_type3A_543, %cond3A_544 : i32
                scf.if %cond3A_545 {
                  %swap3A_571 = arith.index_cast %while3A_504 : i32 to index
                  %swap3A_572 = tpu.vector_load %arg8[%swap3A_571] masked %and3A_529 {strides = array<i32>} : memref<144xi32, #tpu.memory_space<vmem>>, vector<16xi32>, vector<16xi1>
                  tpu.vector_store %arg8[%swap3A_571], %get3A_509 masked %and3A_529 {strides = array<i32>} : memref<144xi32, #tpu.memory_space<vmem>>, vector<16xi32>, vector<16xi1>
                  %swap3A_573 = arith.index_cast %while3A_504 : i32 to index
                  %swap3A_574 = tpu.vector_load %arg9[%swap3A_573] masked %and3A_529 {strides = array<i32>} : memref<144xi32, #tpu.memory_space<vmem>>, vector<16xi32>, vector<16xi1>
                  tpu.vector_store %arg9[%swap3A_573], %get3A_513 masked %and3A_529 {strides = array<i32>} : memref<144xi32, #tpu.memory_space<vmem>>, vector<16xi32>, vector<16xi1>
                } else {
                }
                %reduce_or3A_546 = arith.constant 1.000000e+00 : f32
                %reduce_or3A_547 = arith.constant 0.000000e+00 : f32
                %reduce_or3A_548 = vector.broadcast %reduce_or3A_546 : f32 to vector<16xf32>
                %reduce_or3A_549 = vector.broadcast %reduce_or3A_547 : f32 to vector<16xf32>
                %reduce_or3A_550 = arith.select %and3A_532, %reduce_or3A_548, %reduce_or3A_549 : vector<16xi1>, vector<16xf32>
                %reduce_or3A_551 = arith.constant true
                %reduce_or3A_552 = vector.broadcast %reduce_or3A_551 : i1 to vector<16xi1>
                %reduce_or3A_553 = tpu.scan <max>, %reduce_or3A_550 masked %reduce_or3A_552 : vector<16xf32>, vector<16xi1> -> vector<16xf32>
                %reduce_or3A_554 = vector.extract %reduce_or3A_553[15] : f32 from vector<16xf32>
                %reduce_or3A_555 = arith.constant 0.000000e+00 : f32
                %reduce_or3A_556 = arith.cmpf ogt, %reduce_or3A_554, %reduce_or3A_555 : f32
                %convert_element_type3A_557 = arith.extui %reduce_or3A_556 : i1 to i32
                %cond3A_558 = arith.constant 0 : i32
                %cond3A_559 = arith.cmpi ne, %convert_element_type3A_557, %cond3A_558 : i32
                scf.if %cond3A_559 {
                  %swap3A_571 = arith.index_cast %while3A_505 : i32 to index
                  %swap3A_572 = tpu.vector_load %arg12[%swap3A_571] masked %and3A_532 {strides = array<i32>} : memref<2192xi32, #tpu.memory_space<vmem>>, vector<16xi32>, vector<16xi1>
                  tpu.vector_store %arg12[%swap3A_571], %get3A_509 masked %and3A_532 {strides = array<i32>} : memref<2192xi32, #tpu.memory_space<vmem>>, vector<16xi32>, vector<16xi1>
                  %swap3A_573 = arith.index_cast %while3A_505 : i32 to index
                  %swap3A_574 = tpu.vector_load %arg13[%swap3A_573] masked %and3A_532 {strides = array<i32>} : memref<2192xi32, #tpu.memory_space<vmem>>, vector<16xi32>, vector<16xi1>
                  tpu.vector_store %arg13[%swap3A_573], %get3A_513 masked %and3A_532 {strides = array<i32>} : memref<2192xi32, #tpu.memory_space<vmem>>, vector<16xi32>, vector<16xi1>
                } else {
                }
                %convert_element_type3A_560 = arith.extui %and3A_529 : vector<16xi1> to vector<16xi32>
                %reduce_sum3A = arith.constant true
                %reduce_sum3A_561 = vector.broadcast %reduce_sum3A : i1 to vector<16xi1>
                %reduce_sum3A_562 = tpu.scan <sum>, %convert_element_type3A_560 masked %reduce_sum3A_561 : vector<16xi32>, vector<16xi1> -> vector<16xi32>
                %reduce_sum3A_563 = vector.extract %reduce_sum3A_562[15] : i32 from vector<16xi32>
                %add3A_564 = arith.addi %while3A_504, %reduce_sum3A_563 : i32
                %convert_element_type3A_565 = arith.extui %and3A_532 : vector<16xi1> to vector<16xi32>
                %reduce_sum3A_566 = arith.constant true
                %reduce_sum3A_567 = vector.broadcast %reduce_sum3A_566 : i1 to vector<16xi1>
                %reduce_sum3A_568 = tpu.scan <sum>, %convert_element_type3A_565 masked %reduce_sum3A_567 : vector<16xi32>, vector<16xi1> -> vector<16xi32>
                %reduce_sum3A_569 = vector.extract %reduce_sum3A_568[15] : i32 from vector<16xi32>
                %add3A_570 = arith.addi %while3A_505, %reduce_sum3A_569 : i32
                scf.yield %add3A_564, %add3A_570 : i32, i32
              }
              %while3A_461 = arith.constant 1 : i32
              %while3A_462:2 = scf.for %while3A_503 = %while3A_458 to %while3A_454 step %while3A_461 iter_args(%while3A_504 = %while3A_460#0, %while3A_505 = %while3A_460#1) -> (i32, i32)  : i32 {
                %mul3A_506 = arith.constant 16 : i32
                %mul3A_507 = arith.muli %while3A_503, %mul3A_506 : i32
                %get3A_508 = arith.index_cast %mul3A_507 : i32 to index
                %get3A_509 = tpu.vector_load %arg10[%get3A_508] {strides = array<i32>} : memref<2192xi32, #tpu.memory_space<vmem>>, vector<16xi32>,
                %mul3A_510 = arith.constant 16 : i32
                %mul3A_511 = arith.muli %while3A_503, %mul3A_510 : i32
                %get3A_512 = arith.index_cast %mul3A_511 : i32 to index
                %get3A_513 = tpu.vector_load %arg11[%get3A_512] {strides = array<i32>} : memref<2192xi32, #tpu.memory_space<vmem>>, vector<16xi32>,
                %mul3A_514 = arith.constant 16 : i32
                %mul3A_515 = arith.muli %while3A_503, %mul3A_514 : i32
                %add3A_516 = vector.broadcast %mul3A_515 : i32 to vector<16xi32>
                %add3A_517 = arith.addi %add3A_516, %iota3A : vector<16xi32>
                %lt3A_518 = vector.broadcast %scan3A_391 : i32 to vector<16xi32>
                %lt3A_519 = arith.cmpi slt, %add3A_517, %lt3A_518 : vector<16xi32>
                %xor3A_520 = arith.constant -2147483648 : i32
                %xor3A_521 = vector.broadcast %xor3A_520 : i32 to vector<16xi32>
                %xor3A_522 = arith.xori %get3A_509, %xor3A_521 : vector<16xi32>
                %broadcast_in_dim3A_523 = vector.broadcast %sub3A_397 : i32 to vector<16xi32>
                %shift_right_logical3A = arith.shrui %xor3A_522, %broadcast_in_dim3A_523 : vector<16xi32>
                %and3A_524 = arith.constant 255 : i32
                %and3A_525 = vector.broadcast %and3A_524 : i32 to vector<16xi32>
                %and3A_526 = arith.andi %shift_right_logical3A, %and3A_525 : vector<16xi32>
                %gt3A_527 = vector.broadcast %scan3A_449#1 : i32 to vector<16xi32>
                %gt3A_528 = arith.cmpi sgt, %and3A_526, %gt3A_527 : vector<16xi32>
                %and3A_529 = arith.andi %lt3A_519, %gt3A_528 : vector<16xi1>
                %eq3A_530 = vector.broadcast %scan3A_449#1 : i32 to vector<16xi32>
                %eq3A_531 = arith.cmpi eq, %and3A_526, %eq3A_530 : vector<16xi32>
                %and3A_532 = arith.andi %lt3A_519, %eq3A_531 : vector<16xi1>
                %reduce_or3A = arith.constant 1.000000e+00 : f32
                %reduce_or3A_533 = arith.constant 0.000000e+00 : f32
                %reduce_or3A_534 = vector.broadcast %reduce_or3A : f32 to vector<16xf32>
                %reduce_or3A_535 = vector.broadcast %reduce_or3A_533 : f32 to vector<16xf32>
                %reduce_or3A_536 = arith.select %and3A_529, %reduce_or3A_534, %reduce_or3A_535 : vector<16xi1>, vector<16xf32>
                %reduce_or3A_537 = arith.constant true
                %reduce_or3A_538 = vector.broadcast %reduce_or3A_537 : i1 to vector<16xi1>
                %reduce_or3A_539 = tpu.scan <max>, %reduce_or3A_536 masked %reduce_or3A_538 : vector<16xf32>, vector<16xi1> -> vector<16xf32>
                %reduce_or3A_540 = vector.extract %reduce_or3A_539[15] : f32 from vector<16xf32>
                %reduce_or3A_541 = arith.constant 0.000000e+00 : f32
                %reduce_or3A_542 = arith.cmpf ogt, %reduce_or3A_540, %reduce_or3A_541 : f32
                %convert_element_type3A_543 = arith.extui %reduce_or3A_542 : i1 to i32
                %cond3A_544 = arith.constant 0 : i32
                %cond3A_545 = arith.cmpi ne, %convert_element_type3A_543, %cond3A_544 : i32
                scf.if %cond3A_545 {
                  %swap3A_571 = arith.index_cast %while3A_504 : i32 to index
                  %swap3A_572 = tpu.vector_load %arg8[%swap3A_571] masked %and3A_529 {strides = array<i32>} : memref<144xi32, #tpu.memory_space<vmem>>, vector<16xi32>, vector<16xi1>
                  tpu.vector_store %arg8[%swap3A_571], %get3A_509 masked %and3A_529 {strides = array<i32>} : memref<144xi32, #tpu.memory_space<vmem>>, vector<16xi32>, vector<16xi1>
                  %swap3A_573 = arith.index_cast %while3A_504 : i32 to index
                  %swap3A_574 = tpu.vector_load %arg9[%swap3A_573] masked %and3A_529 {strides = array<i32>} : memref<144xi32, #tpu.memory_space<vmem>>, vector<16xi32>, vector<16xi1>
                  tpu.vector_store %arg9[%swap3A_573], %get3A_513 masked %and3A_529 {strides = array<i32>} : memref<144xi32, #tpu.memory_space<vmem>>, vector<16xi32>, vector<16xi1>
                } else {
                }
                %reduce_or3A_546 = arith.constant 1.000000e+00 : f32
                %reduce_or3A_547 = arith.constant 0.000000e+00 : f32
                %reduce_or3A_548 = vector.broadcast %reduce_or3A_546 : f32 to vector<16xf32>
                %reduce_or3A_549 = vector.broadcast %reduce_or3A_547 : f32 to vector<16xf32>
                %reduce_or3A_550 = arith.select %and3A_532, %reduce_or3A_548, %reduce_or3A_549 : vector<16xi1>, vector<16xf32>
                %reduce_or3A_551 = arith.constant true
                %reduce_or3A_552 = vector.broadcast %reduce_or3A_551 : i1 to vector<16xi1>
                %reduce_or3A_553 = tpu.scan <max>, %reduce_or3A_550 masked %reduce_or3A_552 : vector<16xf32>, vector<16xi1> -> vector<16xf32>
                %reduce_or3A_554 = vector.extract %reduce_or3A_553[15] : f32 from vector<16xf32>
                %reduce_or3A_555 = arith.constant 0.000000e+00 : f32
                %reduce_or3A_556 = arith.cmpf ogt, %reduce_or3A_554, %reduce_or3A_555 : f32
                %convert_element_type3A_557 = arith.extui %reduce_or3A_556 : i1 to i32
                %cond3A_558 = arith.constant 0 : i32
                %cond3A_559 = arith.cmpi ne, %convert_element_type3A_557, %cond3A_558 : i32
                scf.if %cond3A_559 {
                  %swap3A_571 = arith.index_cast %while3A_505 : i32 to index
                  %swap3A_572 = tpu.vector_load %arg12[%swap3A_571] masked %and3A_532 {strides = array<i32>} : memref<2192xi32, #tpu.memory_space<vmem>>, vector<16xi32>, vector<16xi1>
                  tpu.vector_store %arg12[%swap3A_571], %get3A_509 masked %and3A_532 {strides = array<i32>} : memref<2192xi32, #tpu.memory_space<vmem>>, vector<16xi32>, vector<16xi1>
                  %swap3A_573 = arith.index_cast %while3A_505 : i32 to index
                  %swap3A_574 = tpu.vector_load %arg13[%swap3A_573] masked %and3A_532 {strides = array<i32>} : memref<2192xi32, #tpu.memory_space<vmem>>, vector<16xi32>, vector<16xi1>
                  tpu.vector_store %arg13[%swap3A_573], %get3A_513 masked %and3A_532 {strides = array<i32>} : memref<2192xi32, #tpu.memory_space<vmem>>, vector<16xi32>, vector<16xi1>
                } else {
                }
                %convert_element_type3A_560 = arith.extui %and3A_529 : vector<16xi1> to vector<16xi32>
                %reduce_sum3A = arith.constant true
                %reduce_sum3A_561 = vector.broadcast %reduce_sum3A : i1 to vector<16xi1>
                %reduce_sum3A_562 = tpu.scan <sum>, %convert_element_type3A_560 masked %reduce_sum3A_561 : vector<16xi32>, vector<16xi1> -> vector<16xi32>
                %reduce_sum3A_563 = vector.extract %reduce_sum3A_562[15] : i32 from vector<16xi32>
                %add3A_564 = arith.addi %while3A_504, %reduce_sum3A_563 : i32
                %convert_element_type3A_565 = arith.extui %and3A_532 : vector<16xi1> to vector<16xi32>
                %reduce_sum3A_566 = arith.constant true
                %reduce_sum3A_567 = vector.broadcast %reduce_sum3A_566 : i1 to vector<16xi1>
                %reduce_sum3A_568 = tpu.scan <sum>, %convert_element_type3A_565 masked %reduce_sum3A_567 : vector<16xi32>, vector<16xi1> -> vector<16xi32>
                %reduce_sum3A_569 = vector.extract %reduce_sum3A_568[15] : i32 from vector<16xi32>
                %add3A_570 = arith.addi %while3A_505, %reduce_sum3A_569 : i32
                scf.yield %add3A_564, %add3A_570 : i32, i32
              }
              %sub3A_463 = arith.subi %while3A_462#0, %scan3A_393 : i32
              %sub3A_464 = arith.subi %scan3A_392, %sub3A_463 : i32
              %add3A_465 = arith.constant 15 : i32
              %add3A_466 = arith.addi %while3A_462#1, %add3A_465 : i32
              %jit3A_467 = arith.constant 16 : i32
              %div3A_468 = arith.divsi %add3A_466, %jit3A_467 : i32
              %sign3A_469 = arith.constant 0 : i32
              %sign3A_470 = arith.cmpi sgt, %add3A_466, %sign3A_469 : i32
              %sign3A_471 = arith.extui %sign3A_470 : i1 to i32
              %sign3A_472 = arith.constant 0 : i32
              %sign3A_473 = arith.cmpi slt, %add3A_466, %sign3A_472 : i32
              %sign3A_474 = arith.extui %sign3A_473 : i1 to i32
              %sign3A_475 = arith.subi %sign3A_471, %sign3A_474 : i32
              %sign3A_476 = arith.constant 0 : i32
              %sign3A_477 = arith.cmpi sgt, %jit3A_467, %sign3A_476 : i32
              %sign3A_478 = arith.extui %sign3A_477 : i1 to i32
              %sign3A_479 = arith.constant 0 : i32
              %sign3A_480 = arith.cmpi slt, %jit3A_467, %sign3A_479 : i32
              %sign3A_481 = arith.extui %sign3A_480 : i1 to i32
              %sign3A_482 = arith.subi %sign3A_478, %sign3A_481 : i32
              %ne3A_483 = arith.cmpi ne, %sign3A_475, %sign3A_482 : i32
              %rem3A_484 = arith.remsi %add3A_466, %jit3A_467 : i32
              %ne3A_485 = arith.constant 0 : i32
              %ne3A_486 = arith.cmpi ne, %rem3A_484, %ne3A_485 : i32
              %and3A_487 = arith.andi %ne3A_483, %ne3A_486 : i1
              %sub3A_488 = arith.constant 1 : i32
              %sub3A_489 = arith.subi %div3A_468, %sub3A_488 : i32
              %select_n3A_490 = arith.select %and3A_487, %sub3A_489, %div3A_468 : i32
              %while3A_491 = arith.constant 0 : i32
              %while3A_492 = arith.constant 0 : i32
              %while3A_493 = arith.subi %select_n3A_490, %while3A_491 : i32
              %while3A_494 = arith.addi %while3A_491, %while3A_493 : i32
              %while3A_495 = arith.constant 1 : i32
              %while3A_496 = arith.divsi %while3A_493, %while3A_495 : i32
              %while3A_497 = arith.muli %while3A_496, %while3A_495 : i32
              %while3A_498 = arith.addi %while3A_491, %while3A_497 : i32
              %while3A_499 = arith.constant 1 : i32
              %while3A_500 = scf.for %while3A_503 = %while3A_491 to %while3A_498 step %while3A_499 iter_args(%while3A_504 = %while3A_492) -> (i32)  : i32 {
                %mul3A_505 = arith.constant 16 : i32
                %mul3A_506 = arith.muli %while3A_503, %mul3A_505 : i32
                %get3A_507 = arith.index_cast %mul3A_506 : i32 to index
                %get3A_508 = tpu.vector_load %arg12[%get3A_507] {strides = array<i32>} : memref<2192xi32, #tpu.memory_space<vmem>>, vector<16xi32>,
                %swap3A_509 = arith.index_cast %mul3A_506 : i32 to index
                %swap3A_510 = tpu.vector_load %arg10[%swap3A_509] {strides = array<i32>} : memref<2192xi32, #tpu.memory_space<vmem>>, vector<16xi32>,
                tpu.vector_store %arg10[%swap3A_509], %get3A_508 {strides = array<i32>} : memref<2192xi32, #tpu.memory_space<vmem>>, vector<16xi32>,
                %get3A_511 = arith.index_cast %mul3A_506 : i32 to index
                %get3A_512 = tpu.vector_load %arg13[%get3A_511] {strides = array<i32>} : memref<2192xi32, #tpu.memory_space<vmem>>, vector<16xi32>,
                %swap3A_513 = arith.index_cast %mul3A_506 : i32 to index
                %swap3A_514 = tpu.vector_load %arg11[%swap3A_513] {strides = array<i32>} : memref<2192xi32, #tpu.memory_space<vmem>>, vector<16xi32>,
                tpu.vector_store %arg11[%swap3A_513], %get3A_512 {strides = array<i32>} : memref<2192xi32, #tpu.memory_space<vmem>>, vector<16xi32>,
                %while3A_515 = arith.constant 0 : i32
                scf.yield %while3A_515 : i32
              }
              %while3A_501 = arith.constant 1 : i32
              %while3A_502 = scf.for %while3A_503 = %while3A_498 to %while3A_494 step %while3A_501 iter_args(%while3A_504 = %while3A_500) -> (i32)  : i32 {
                %mul3A_505 = arith.constant 16 : i32
                %mul3A_506 = arith.muli %while3A_503, %mul3A_505 : i32
                %get3A_507 = arith.index_cast %mul3A_506 : i32 to index
                %get3A_508 = tpu.vector_load %arg12[%get3A_507] {strides = array<i32>} : memref<2192xi32, #tpu.memory_space<vmem>>, vector<16xi32>,
                %swap3A_509 = arith.index_cast %mul3A_506 : i32 to index
                %swap3A_510 = tpu.vector_load %arg10[%swap3A_509] {strides = array<i32>} : memref<2192xi32, #tpu.memory_space<vmem>>, vector<16xi32>,
                tpu.vector_store %arg10[%swap3A_509], %get3A_508 {strides = array<i32>} : memref<2192xi32, #tpu.memory_space<vmem>>, vector<16xi32>,
                %get3A_511 = arith.index_cast %mul3A_506 : i32 to index
                %get3A_512 = tpu.vector_load %arg13[%get3A_511] {strides = array<i32>} : memref<2192xi32, #tpu.memory_space<vmem>>, vector<16xi32>,
                %swap3A_513 = arith.index_cast %mul3A_506 : i32 to index
                %swap3A_514 = tpu.vector_load %arg11[%swap3A_513] {strides = array<i32>} : memref<2192xi32, #tpu.memory_space<vmem>>, vector<16xi32>,
                tpu.vector_store %arg11[%swap3A_513], %get3A_512 {strides = array<i32>} : memref<2192xi32, #tpu.memory_space<vmem>>, vector<16xi32>,
                %while3A_515 = arith.constant 0 : i32
                scf.yield %while3A_515 : i32
              }
              scf.yield %while3A_462#1, %sub3A_464, %while3A_462#0 : i32, i32, i32
            }
            %scan3A_334 = arith.constant 4 : i32
            %add3A_335 = arith.constant 15 : i32
            %add3A_336 = arith.addi %scan3A_333#0, %add3A_335 : i32
            %jit3A_337 = arith.constant 16 : i32
            %div3A_338 = arith.divsi %add3A_336, %jit3A_337 : i32
            %sign3A_339 = arith.constant 0 : i32
            %sign3A_340 = arith.cmpi sgt, %add3A_336, %sign3A_339 : i32
            %sign3A_341 = arith.extui %sign3A_340 : i1 to i32
            %sign3A_342 = arith.constant 0 : i32
            %sign3A_343 = arith.cmpi slt, %add3A_336, %sign3A_342 : i32
            %sign3A_344 = arith.extui %sign3A_343 : i1 to i32
            %sign3A_345 = arith.subi %sign3A_341, %sign3A_344 : i32
            %sign3A_346 = arith.constant 0 : i32
            %sign3A_347 = arith.cmpi sgt, %jit3A_337, %sign3A_346 : i32
            %sign3A_348 = arith.extui %sign3A_347 : i1 to i32
            %sign3A_349 = arith.constant 0 : i32
            %sign3A_350 = arith.cmpi slt, %jit3A_337, %sign3A_349 : i32
            %sign3A_351 = arith.extui %sign3A_350 : i1 to i32
            %sign3A_352 = arith.subi %sign3A_348, %sign3A_351 : i32
            %ne3A_353 = arith.cmpi ne, %sign3A_345, %sign3A_352 : i32
            %rem3A_354 = arith.remsi %add3A_336, %jit3A_337 : i32
            %ne3A_355 = arith.constant 0 : i32
            %ne3A_356 = arith.cmpi ne, %rem3A_354, %ne3A_355 : i32
            %and3A_357 = arith.andi %ne3A_353, %ne3A_356 : i1
            %sub3A_358 = arith.constant 1 : i32
            %sub3A_359 = arith.subi %div3A_338, %sub3A_358 : i32
            %select_n3A_360 = arith.select %and3A_357, %sub3A_359, %div3A_338 : i32
            %while3A_361 = arith.constant 0 : i32
            %while3A_362 = arith.constant 0 : i32
            %while3A_363 = arith.subi %select_n3A_360, %while3A_361 : i32
            %while3A_364 = arith.addi %while3A_361, %while3A_363 : i32
            %while3A_365 = arith.constant 1 : i32
            %while3A_366 = arith.divsi %while3A_363, %while3A_365 : i32
            %while3A_367 = arith.muli %while3A_366, %while3A_365 : i32
            %while3A_368 = arith.addi %while3A_361, %while3A_367 : i32
            %while3A_369 = arith.constant 1 : i32
            %while3A_370:2 = scf.for %while3A_390 = %while3A_361 to %while3A_368 step %while3A_369 iter_args(%while3A_391 = %scan3A_333#2, %while3A_392 = %while3A_362) -> (i32, i32)  : i32 {
              %mul3A_393 = arith.constant 16 : i32
              %mul3A_394 = arith.muli %while3A_390, %mul3A_393 : i32
              %get3A_395 = arith.index_cast %mul3A_394 : i32 to index
              %get3A_396 = tpu.vector_load %arg10[%get3A_395] {strides = array<i32>} : memref<2192xi32, #tpu.memory_space<vmem>>, vector<16xi32>,
              %mul3A_397 = arith.constant 16 : i32
              %mul3A_398 = arith.muli %while3A_390, %mul3A_397 : i32
              %get3A_399 = arith.index_cast %mul3A_398 : i32 to index
              %get3A_400 = tpu.vector_load %arg11[%get3A_399] {strides = array<i32>} : memref<2192xi32, #tpu.memory_space<vmem>>, vector<16xi32>,
              %mul3A_401 = arith.constant 16 : i32
              %mul3A_402 = arith.muli %while3A_390, %mul3A_401 : i32
              %add3A_403 = vector.broadcast %mul3A_402 : i32 to vector<16xi32>
              %add3A_404 = arith.addi %add3A_403, %iota3A : vector<16xi32>
              %lt3A_405 = vector.broadcast %scan3A_333#0 : i32 to vector<16xi32>
              %lt3A_406 = arith.cmpi slt, %add3A_404, %lt3A_405 : vector<16xi32>
              %convert_element_type3A_407 = arith.extui %lt3A_406 : vector<16xi1> to vector<16xi32>
              %broadcast_in_dim3A_408 = arith.constant true
              %broadcast_in_dim3A_409 = vector.broadcast %broadcast_in_dim3A_408 : i1 to vector<16xi1>
              %masked_cumsum3A = tpu.scan <sum>, %convert_element_type3A_407 masked %broadcast_in_dim3A_409 : vector<16xi32>, vector<16xi1> -> vector<16xi32>
              %convert_element_type3A_410 = arith.extui %lt3A_406 : vector<16xi1> to vector<16xi32>
              %sub3A_411 = arith.subi %masked_cumsum3A, %convert_element_type3A_410 : vector<16xi32>
              %add3A_412 = vector.broadcast %while3A_392 : i32 to vector<16xi32>
              %add3A_413 = arith.addi %add3A_412, %sub3A_411 : vector<16xi32>
              %lt3A_414 = vector.broadcast %scan3A_333#1 : i32 to vector<16xi32>
              %lt3A_415 = arith.cmpi slt, %add3A_413, %lt3A_414 : vector<16xi32>
              %and3A_416 = arith.andi %lt3A_406, %lt3A_415 : vector<16xi1>
              %reduce_or3A = arith.constant 1.000000e+00 : f32
              %reduce_or3A_417 = arith.constant 0.000000e+00 : f32
              %reduce_or3A_418 = vector.broadcast %reduce_or3A : f32 to vector<16xf32>
              %reduce_or3A_419 = vector.broadcast %reduce_or3A_417 : f32 to vector<16xf32>
              %reduce_or3A_420 = arith.select %and3A_416, %reduce_or3A_418, %reduce_or3A_419 : vector<16xi1>, vector<16xf32>
              %reduce_or3A_421 = arith.constant true
              %reduce_or3A_422 = vector.broadcast %reduce_or3A_421 : i1 to vector<16xi1>
              %reduce_or3A_423 = tpu.scan <max>, %reduce_or3A_420 masked %reduce_or3A_422 : vector<16xf32>, vector<16xi1> -> vector<16xf32>
              %reduce_or3A_424 = vector.extract %reduce_or3A_423[15] : f32 from vector<16xf32>
              %reduce_or3A_425 = arith.constant 0.000000e+00 : f32
              %reduce_or3A_426 = arith.cmpf ogt, %reduce_or3A_424, %reduce_or3A_425 : f32
              %convert_element_type3A_427 = arith.extui %reduce_or3A_426 : i1 to i32
              %cond3A_428 = arith.constant 0 : i32
              %cond3A_429 = arith.cmpi ne, %convert_element_type3A_427, %cond3A_428 : i32
              scf.if %cond3A_429 {
                %swap3A_441 = arith.index_cast %while3A_391 : i32 to index
                %swap3A_442 = tpu.vector_load %arg8[%swap3A_441] masked %and3A_416 {strides = array<i32>} : memref<144xi32, #tpu.memory_space<vmem>>, vector<16xi32>, vector<16xi1>
                tpu.vector_store %arg8[%swap3A_441], %get3A_396 masked %and3A_416 {strides = array<i32>} : memref<144xi32, #tpu.memory_space<vmem>>, vector<16xi32>, vector<16xi1>
                %swap3A_443 = arith.index_cast %while3A_391 : i32 to index
                %swap3A_444 = tpu.vector_load %arg9[%swap3A_443] masked %and3A_416 {strides = array<i32>} : memref<144xi32, #tpu.memory_space<vmem>>, vector<16xi32>, vector<16xi1>
                tpu.vector_store %arg9[%swap3A_443], %get3A_400 masked %and3A_416 {strides = array<i32>} : memref<144xi32, #tpu.memory_space<vmem>>, vector<16xi32>, vector<16xi1>
              } else {
              }
              %convert_element_type3A_430 = arith.extui %and3A_416 : vector<16xi1> to vector<16xi32>
              %reduce_sum3A = arith.constant true
              %reduce_sum3A_431 = vector.broadcast %reduce_sum3A : i1 to vector<16xi1>
              %reduce_sum3A_432 = tpu.scan <sum>, %convert_element_type3A_430 masked %reduce_sum3A_431 : vector<16xi32>, vector<16xi1> -> vector<16xi32>
              %reduce_sum3A_433 = vector.extract %reduce_sum3A_432[15] : i32 from vector<16xi32>
              %add3A_434 = arith.addi %while3A_391, %reduce_sum3A_433 : i32
              %convert_element_type3A_435 = arith.extui %lt3A_406 : vector<16xi1> to vector<16xi32>
              %reduce_sum3A_436 = arith.constant true
              %reduce_sum3A_437 = vector.broadcast %reduce_sum3A_436 : i1 to vector<16xi1>
              %reduce_sum3A_438 = tpu.scan <sum>, %convert_element_type3A_435 masked %reduce_sum3A_437 : vector<16xi32>, vector<16xi1> -> vector<16xi32>
              %reduce_sum3A_439 = vector.extract %reduce_sum3A_438[15] : i32 from vector<16xi32>
              %add3A_440 = arith.addi %while3A_392, %reduce_sum3A_439 : i32
              scf.yield %add3A_434, %add3A_440 : i32, i32
            }
            %while3A_371 = arith.constant 1 : i32
            %while3A_372:2 = scf.for %while3A_390 = %while3A_368 to %while3A_364 step %while3A_371 iter_args(%while3A_391 = %while3A_370#0, %while3A_392 = %while3A_370#1) -> (i32, i32)  : i32 {
              %mul3A_393 = arith.constant 16 : i32
              %mul3A_394 = arith.muli %while3A_390, %mul3A_393 : i32
              %get3A_395 = arith.index_cast %mul3A_394 : i32 to index
              %get3A_396 = tpu.vector_load %arg10[%get3A_395] {strides = array<i32>} : memref<2192xi32, #tpu.memory_space<vmem>>, vector<16xi32>,
              %mul3A_397 = arith.constant 16 : i32
              %mul3A_398 = arith.muli %while3A_390, %mul3A_397 : i32
              %get3A_399 = arith.index_cast %mul3A_398 : i32 to index
              %get3A_400 = tpu.vector_load %arg11[%get3A_399] {strides = array<i32>} : memref<2192xi32, #tpu.memory_space<vmem>>, vector<16xi32>,
              %mul3A_401 = arith.constant 16 : i32
              %mul3A_402 = arith.muli %while3A_390, %mul3A_401 : i32
              %add3A_403 = vector.broadcast %mul3A_402 : i32 to vector<16xi32>
              %add3A_404 = arith.addi %add3A_403, %iota3A : vector<16xi32>
              %lt3A_405 = vector.broadcast %scan3A_333#0 : i32 to vector<16xi32>
              %lt3A_406 = arith.cmpi slt, %add3A_404, %lt3A_405 : vector<16xi32>
              %convert_element_type3A_407 = arith.extui %lt3A_406 : vector<16xi1> to vector<16xi32>
              %broadcast_in_dim3A_408 = arith.constant true
              %broadcast_in_dim3A_409 = vector.broadcast %broadcast_in_dim3A_408 : i1 to vector<16xi1>
              %masked_cumsum3A = tpu.scan <sum>, %convert_element_type3A_407 masked %broadcast_in_dim3A_409 : vector<16xi32>, vector<16xi1> -> vector<16xi32>
              %convert_element_type3A_410 = arith.extui %lt3A_406 : vector<16xi1> to vector<16xi32>
              %sub3A_411 = arith.subi %masked_cumsum3A, %convert_element_type3A_410 : vector<16xi32>
              %add3A_412 = vector.broadcast %while3A_392 : i32 to vector<16xi32>
              %add3A_413 = arith.addi %add3A_412, %sub3A_411 : vector<16xi32>
              %lt3A_414 = vector.broadcast %scan3A_333#1 : i32 to vector<16xi32>
              %lt3A_415 = arith.cmpi slt, %add3A_413, %lt3A_414 : vector<16xi32>
              %and3A_416 = arith.andi %lt3A_406, %lt3A_415 : vector<16xi1>
              %reduce_or3A = arith.constant 1.000000e+00 : f32
              %reduce_or3A_417 = arith.constant 0.000000e+00 : f32
              %reduce_or3A_418 = vector.broadcast %reduce_or3A : f32 to vector<16xf32>
              %reduce_or3A_419 = vector.broadcast %reduce_or3A_417 : f32 to vector<16xf32>
              %reduce_or3A_420 = arith.select %and3A_416, %reduce_or3A_418, %reduce_or3A_419 : vector<16xi1>, vector<16xf32>
              %reduce_or3A_421 = arith.constant true
              %reduce_or3A_422 = vector.broadcast %reduce_or3A_421 : i1 to vector<16xi1>
              %reduce_or3A_423 = tpu.scan <max>, %reduce_or3A_420 masked %reduce_or3A_422 : vector<16xf32>, vector<16xi1> -> vector<16xf32>
              %reduce_or3A_424 = vector.extract %reduce_or3A_423[15] : f32 from vector<16xf32>
              %reduce_or3A_425 = arith.constant 0.000000e+00 : f32
              %reduce_or3A_426 = arith.cmpf ogt, %reduce_or3A_424, %reduce_or3A_425 : f32
              %convert_element_type3A_427 = arith.extui %reduce_or3A_426 : i1 to i32
              %cond3A_428 = arith.constant 0 : i32
              %cond3A_429 = arith.cmpi ne, %convert_element_type3A_427, %cond3A_428 : i32
              scf.if %cond3A_429 {
                %swap3A_441 = arith.index_cast %while3A_391 : i32 to index
                %swap3A_442 = tpu.vector_load %arg8[%swap3A_441] masked %and3A_416 {strides = array<i32>} : memref<144xi32, #tpu.memory_space<vmem>>, vector<16xi32>, vector<16xi1>
                tpu.vector_store %arg8[%swap3A_441], %get3A_396 masked %and3A_416 {strides = array<i32>} : memref<144xi32, #tpu.memory_space<vmem>>, vector<16xi32>, vector<16xi1>
                %swap3A_443 = arith.index_cast %while3A_391 : i32 to index
                %swap3A_444 = tpu.vector_load %arg9[%swap3A_443] masked %and3A_416 {strides = array<i32>} : memref<144xi32, #tpu.memory_space<vmem>>, vector<16xi32>, vector<16xi1>
                tpu.vector_store %arg9[%swap3A_443], %get3A_400 masked %and3A_416 {strides = array<i32>} : memref<144xi32, #tpu.memory_space<vmem>>, vector<16xi32>, vector<16xi1>
              } else {
              }
              %convert_element_type3A_430 = arith.extui %and3A_416 : vector<16xi1> to vector<16xi32>
              %reduce_sum3A = arith.constant true
              %reduce_sum3A_431 = vector.broadcast %reduce_sum3A : i1 to vector<16xi1>
              %reduce_sum3A_432 = tpu.scan <sum>, %convert_element_type3A_430 masked %reduce_sum3A_431 : vector<16xi32>, vector<16xi1> -> vector<16xi32>
              %reduce_sum3A_433 = vector.extract %reduce_sum3A_432[15] : i32 from vector<16xi32>
              %add3A_434 = arith.addi %while3A_391, %reduce_sum3A_433 : i32
              %convert_element_type3A_435 = arith.extui %lt3A_406 : vector<16xi1> to vector<16xi32>
              %reduce_sum3A_436 = arith.constant true
              %reduce_sum3A_437 = vector.broadcast %reduce_sum3A_436 : i1 to vector<16xi1>
              %reduce_sum3A_438 = tpu.scan <sum>, %convert_element_type3A_435 masked %reduce_sum3A_437 : vector<16xi32>, vector<16xi1> -> vector<16xi32>
              %reduce_sum3A_439 = vector.extract %reduce_sum3A_438[15] : i32 from vector<16xi32>
              %add3A_440 = arith.addi %while3A_392, %reduce_sum3A_439 : i32
              scf.yield %add3A_434, %add3A_440 : i32, i32
            }
            %scan3A_373 = arith.constant 2147483647 : i32
            %scan3A_374 = arith.constant 0 : i32
            %scan3A_375 = arith.constant 8 : i32
            %scan3A_376 = arith.addi %scan3A_374, %scan3A_375 : i32
            %scan3A_377 = arith.constant 1 : i32
            %scan3A_378 = scf.for %scan3A_390 = %scan3A_374 to %scan3A_376 step %scan3A_377 iter_args(%scan3A_391 = %scan3A_373) -> (i32)  : i32 {
              %mul3A_392 = arith.constant 16 : i32
              %mul3A_393 = arith.muli %scan3A_390, %mul3A_392 : i32
              %get3A_394 = arith.index_cast %mul3A_393 : i32 to index
              %get3A_395 = tpu.vector_load %arg8[%get3A_394] {strides = array<i32>} : memref<144xi32, #tpu.memory_space<vmem>>, vector<16xi32>,
              %reduce_min3A = arith.constant true
              %reduce_min3A_396 = vector.broadcast %reduce_min3A : i1 to vector<16xi1>
              %reduce_min3A_397 = arith.constant -2147483648 : i32
              %reduce_min3A_398 = vector.broadcast %reduce_min3A_397 : i32 to vector<16xi32>
              %reduce_min3A_399 = arith.xori %get3A_395, %reduce_min3A_398 : vector<16xi32>
              %reduce_min3A_400 = tpu.scan <min>, %reduce_min3A_399 masked %reduce_min3A_396 : vector<16xi32>, vector<16xi1> -> vector<16xi32>
              %reduce_min3A_401 = arith.xori %reduce_min3A_400, %reduce_min3A_398 : vector<16xi32>
              %reduce_min3A_402 = vector.extract %reduce_min3A_401[15] : i32 from vector<16xi32>
              %min3A = arith.minsi %scan3A_391, %reduce_min3A_402 : i32
              scf.yield %min3A : i32
            }
            %scan3A_379 = arith.constant 8 : i32
            %ge3A_380 = arith.constant 0 : i32
            %ge3A_381 = arith.cmpi sge, %scan3A_378, %ge3A_380 : i32
            %xor3A_382 = arith.constant -2147483648 : i32
            %xor3A_383 = arith.xori %scan3A_378, %xor3A_382 : i32
            %not3A_384 = arith.constant -1 : i32
            %not3A_385 = arith.xori %xor3A_383, %not3A_384 : i32
            %select_n3A_386 = arith.select %ge3A_381, %scan3A_378, %not3A_385 : i32
            %bitcast_convert_type3A_387 = arith.bitcast %select_n3A_386 : i32 to f32
            %cond3A_388 = arith.constant 128 : i32
            %cond3A_389 = arith.constant 0 : i32
            scf.yield %cond3A_388, %cond3A_389, %bitcast_convert_type3A_387 : i32, i32, f32
          } else {
            scf.yield %scan3A_157, %cond3A_251, %scan3A_159 : i32, i32, f32
          }
          scf.yield %cond3A_257#0, %cond3A_257#1, %cond3A_257#2 : i32, i32, f32
        }
        %scan3A_155 = arith.constant 14 : i32
        scf.yield %scan3A_154#0, %scan3A_154#1, %scan3A_154#2 : i32, i32, f32
      }
      %scan3A_121 = arith.constant 7 : i32
      %gt3A = arith.constant 0 : i32
      %gt3A_122 = arith.cmpi sgt, %scan3A_120#1, %gt3A : i32
      %convert_element_type3A = arith.extui %gt3A_122 : i1 to i32
      %cond3A = arith.constant 0 : i32
      %cond3A_123 = arith.cmpi ne, %convert_element_type3A, %cond3A : i32
      %cond3A_124 = scf.if %cond3A_123 -> (f32) {
        %add3A_128 = arith.addi %scan3A_120#0, %scan3A_120#1 : i32
        %jit3A = arith.constant 16 : i32
        %div3A = arith.divsi %scan3A_120#0, %jit3A : i32
        %sign3A = arith.constant 0 : i32
        %sign3A_129 = arith.cmpi sgt, %scan3A_120#0, %sign3A : i32
        %sign3A_130 = arith.extui %sign3A_129 : i1 to i32
        %sign3A_131 = arith.constant 0 : i32
        %sign3A_132 = arith.cmpi slt, %scan3A_120#0, %sign3A_131 : i32
        %sign3A_133 = arith.extui %sign3A_132 : i1 to i32
        %sign3A_134 = arith.subi %sign3A_130, %sign3A_133 : i32
        %sign3A_135 = arith.constant 0 : i32
        %sign3A_136 = arith.cmpi sgt, %jit3A, %sign3A_135 : i32
        %sign3A_137 = arith.extui %sign3A_136 : i1 to i32
        %sign3A_138 = arith.constant 0 : i32
        %sign3A_139 = arith.cmpi slt, %jit3A, %sign3A_138 : i32
        %sign3A_140 = arith.extui %sign3A_139 : i1 to i32
        %sign3A_141 = arith.subi %sign3A_137, %sign3A_140 : i32
        %ne3A = arith.cmpi ne, %sign3A_134, %sign3A_141 : i32
        %rem3A = arith.remsi %scan3A_120#0, %jit3A : i32
        %ne3A_142 = arith.constant 0 : i32
        %ne3A_143 = arith.cmpi ne, %rem3A, %ne3A_142 : i32
        %and3A = arith.andi %ne3A, %ne3A_143 : i1
        %sub3A_144 = arith.constant 1 : i32
        %sub3A_145 = arith.subi %div3A, %sub3A_144 : i32
        %select_n3A_146 = arith.select %and3A, %sub3A_145, %div3A : i32
        %while3A = arith.constant 0 : i32
        %while3A_147 = arith.constant 0 : i32
        %while3A_148 = arith.subi %select_n3A_146, %while3A : i32
        %while3A_149 = arith.addi %while3A, %while3A_148 : i32
        %while3A_150 = arith.constant 1 : i32
        %while3A_151 = arith.divsi %while3A_148, %while3A_150 : i32
        %while3A_152 = arith.muli %while3A_151, %while3A_150 : i32
        %while3A_153 = arith.addi %while3A, %while3A_152 : i32
        %while3A_154 = arith.constant 1 : i32
        %while3A_155 = scf.for %while3A_258 = %while3A to %while3A_153 step %while3A_154 iter_args(%while3A_259 = %while3A_147) -> (i32)  : i32 {
          %mul3A_260 = arith.constant 16 : i32
          %mul3A_261 = arith.muli %while3A_258, %mul3A_260 : i32
          %get3A = arith.index_cast %mul3A_261 : i32 to index
          %get3A_262 = tpu.vector_load %arg8[%get3A] {strides = array<i32>} : memref<144xi32, #tpu.memory_space<vmem>>, vector<16xi32>,
          %swap3A_263 = arith.index_cast %mul3A_261 : i32 to index
          %swap3A_264 = tpu.vector_load %arg10[%swap3A_263] {strides = array<i32>} : memref<2192xi32, #tpu.memory_space<vmem>>, vector<16xi32>,
          tpu.vector_store %arg10[%swap3A_263], %get3A_262 {strides = array<i32>} : memref<2192xi32, #tpu.memory_space<vmem>>, vector<16xi32>,
          %get3A_265 = arith.index_cast %mul3A_261 : i32 to index
          %get3A_266 = tpu.vector_load %arg9[%get3A_265] {strides = array<i32>} : memref<144xi32, #tpu.memory_space<vmem>>, vector<16xi32>,
          %swap3A_267 = arith.index_cast %mul3A_261 : i32 to index
          %swap3A_268 = tpu.vector_load %arg11[%swap3A_267] {strides = array<i32>} : memref<2192xi32, #tpu.memory_space<vmem>>, vector<16xi32>,
          tpu.vector_store %arg11[%swap3A_267], %get3A_266 {strides = array<i32>} : memref<2192xi32, #tpu.memory_space<vmem>>, vector<16xi32>,
          %while3A_269 = arith.constant 0 : i32
          scf.yield %while3A_269 : i32
        }
        %while3A_156 = arith.constant 1 : i32
        %while3A_157 = scf.for %while3A_258 = %while3A_153 to %while3A_149 step %while3A_156 iter_args(%while3A_259 = %while3A_155) -> (i32)  : i32 {
          %mul3A_260 = arith.constant 16 : i32
          %mul3A_261 = arith.muli %while3A_258, %mul3A_260 : i32
          %get3A = arith.index_cast %mul3A_261 : i32 to index
          %get3A_262 = tpu.vector_load %arg8[%get3A] {strides = array<i32>} : memref<144xi32, #tpu.memory_space<vmem>>, vector<16xi32>,
          %swap3A_263 = arith.index_cast %mul3A_261 : i32 to index
          %swap3A_264 = tpu.vector_load %arg10[%swap3A_263] {strides = array<i32>} : memref<2192xi32, #tpu.memory_space<vmem>>, vector<16xi32>,
          tpu.vector_store %arg10[%swap3A_263], %get3A_262 {strides = array<i32>} : memref<2192xi32, #tpu.memory_space<vmem>>, vector<16xi32>,
          %get3A_265 = arith.index_cast %mul3A_261 : i32 to index
          %get3A_266 = tpu.vector_load %arg9[%get3A_265] {strides = array<i32>} : memref<144xi32, #tpu.memory_space<vmem>>, vector<16xi32>,
          %swap3A_267 = arith.index_cast %mul3A_261 : i32 to index
          %swap3A_268 = tpu.vector_load %arg11[%swap3A_267] {strides = array<i32>} : memref<2192xi32, #tpu.memory_space<vmem>>, vector<16xi32>,
          tpu.vector_store %arg11[%swap3A_267], %get3A_266 {strides = array<i32>} : memref<2192xi32, #tpu.memory_space<vmem>>, vector<16xi32>,
          %while3A_269 = arith.constant 0 : i32
          scf.yield %while3A_269 : i32
        }
        %add3A_158 = arith.constant 15 : i32
        %add3A_159 = arith.addi %scan3A_120#1, %add3A_158 : i32
        %jit3A_160 = arith.constant 16 : i32
        %div3A_161 = arith.divsi %add3A_159, %jit3A_160 : i32
        %sign3A_162 = arith.constant 0 : i32
        %sign3A_163 = arith.cmpi sgt, %add3A_159, %sign3A_162 : i32
        %sign3A_164 = arith.extui %sign3A_163 : i1 to i32
        %sign3A_165 = arith.constant 0 : i32
        %sign3A_166 = arith.cmpi slt, %add3A_159, %sign3A_165 : i32
        %sign3A_167 = arith.extui %sign3A_166 : i1 to i32
        %sign3A_168 = arith.subi %sign3A_164, %sign3A_167 : i32
        %sign3A_169 = arith.constant 0 : i32
        %sign3A_170 = arith.cmpi sgt, %jit3A_160, %sign3A_169 : i32
        %sign3A_171 = arith.extui %sign3A_170 : i1 to i32
        %sign3A_172 = arith.constant 0 : i32
        %sign3A_173 = arith.cmpi slt, %jit3A_160, %sign3A_172 : i32
        %sign3A_174 = arith.extui %sign3A_173 : i1 to i32
        %sign3A_175 = arith.subi %sign3A_171, %sign3A_174 : i32
        %ne3A_176 = arith.cmpi ne, %sign3A_168, %sign3A_175 : i32
        %rem3A_177 = arith.remsi %add3A_159, %jit3A_160 : i32
        %ne3A_178 = arith.constant 0 : i32
        %ne3A_179 = arith.cmpi ne, %rem3A_177, %ne3A_178 : i32
        %and3A_180 = arith.andi %ne3A_176, %ne3A_179 : i1
        %sub3A_181 = arith.constant 1 : i32
        %sub3A_182 = arith.subi %div3A_161, %sub3A_181 : i32
        %select_n3A_183 = arith.select %and3A_180, %sub3A_182, %div3A_161 : i32
        %while3A_184 = arith.constant 0 : i32
        %while3A_185 = arith.constant 0 : i32
        %while3A_186 = arith.subi %select_n3A_183, %while3A_184 : i32
        %while3A_187 = arith.addi %while3A_184, %while3A_186 : i32
        %while3A_188 = arith.constant 1 : i32
        %while3A_189 = arith.divsi %while3A_186, %while3A_188 : i32
        %while3A_190 = arith.muli %while3A_189, %while3A_188 : i32
        %while3A_191 = arith.addi %while3A_184, %while3A_190 : i32
        %while3A_192 = arith.constant 1 : i32
        %while3A_193 = scf.for %while3A_258 = %while3A_184 to %while3A_191 step %while3A_192 iter_args(%while3A_259 = %while3A_185) -> (i32)  : i32 {
          %mul3A_260 = arith.constant 16 : i32
          %mul3A_261 = arith.muli %while3A_258, %mul3A_260 : i32
          %get3A = arith.index_cast %mul3A_261 : i32 to index
          %get3A_262 = tpu.vector_load %arg6[%get3A] {strides = array<i32>} : memref<2064xf32, #tpu.memory_space<vmem>>, vector<16xf32>,
          %bitcast3A = vector.bitcast %get3A_262 : vector<16xf32> to vector<16xi32>
          %lt3A = arith.constant 0 : i32
          %lt3A_263 = vector.broadcast %lt3A : i32 to vector<16xi32>
          %lt3A_264 = arith.cmpi slt, %bitcast3A, %lt3A_263 : vector<16xi32>
          %not3A_265 = arith.constant dense<-1> : vector<16xi32>
          %not3A_266 = arith.xori %bitcast3A, %not3A_265 : vector<16xi32>
          %xor3A_267 = arith.constant -2147483648 : i32
          %xor3A_268 = vector.broadcast %xor3A_267 : i32 to vector<16xi32>
          %xor3A_269 = arith.xori %not3A_266, %xor3A_268 : vector<16xi32>
          %select_n3A_270 = arith.select %lt3A_264, %xor3A_269, %bitcast3A : vector<16xi1>, vector<16xi32>
          %mul3A_271 = arith.constant 16 : i32
          %mul3A_272 = arith.muli %while3A_258, %mul3A_271 : i32
          %add3A_273 = arith.addi %scan3A_120#0, %mul3A_272 : i32
          %swap3A_274 = arith.index_cast %add3A_273 : i32 to index
          %swap3A_275 = tpu.vector_load %arg10[%swap3A_274] {strides = array<i32>} : memref<2192xi32, #tpu.memory_space<vmem>>, vector<16xi32>,
          tpu.vector_store %arg10[%swap3A_274], %select_n3A_270 {strides = array<i32>} : memref<2192xi32, #tpu.memory_space<vmem>>, vector<16xi32>,
          %get3A_276 = arith.index_cast %mul3A_261 : i32 to index
          %get3A_277 = tpu.vector_load %arg7[%get3A_276] {strides = array<i32>} : memref<2064xi32, #tpu.memory_space<vmem>>, vector<16xi32>,
          %mul3A_278 = arith.constant 16 : i32
          %mul3A_279 = arith.muli %while3A_258, %mul3A_278 : i32
          %add3A_280 = arith.addi %scan3A_120#0, %mul3A_279 : i32
          %swap3A_281 = arith.index_cast %add3A_280 : i32 to index
          %swap3A_282 = tpu.vector_load %arg11[%swap3A_281] {strides = array<i32>} : memref<2192xi32, #tpu.memory_space<vmem>>, vector<16xi32>,
          tpu.vector_store %arg11[%swap3A_281], %get3A_277 {strides = array<i32>} : memref<2192xi32, #tpu.memory_space<vmem>>, vector<16xi32>,
          %while3A_283 = arith.constant 0 : i32
          scf.yield %while3A_283 : i32
        }
        %while3A_194 = arith.constant 1 : i32
        %while3A_195 = scf.for %while3A_258 = %while3A_191 to %while3A_187 step %while3A_194 iter_args(%while3A_259 = %while3A_193) -> (i32)  : i32 {
          %mul3A_260 = arith.constant 16 : i32
          %mul3A_261 = arith.muli %while3A_258, %mul3A_260 : i32
          %get3A = arith.index_cast %mul3A_261 : i32 to index
          %get3A_262 = tpu.vector_load %arg6[%get3A] {strides = array<i32>} : memref<2064xf32, #tpu.memory_space<vmem>>, vector<16xf32>,
          %bitcast3A = vector.bitcast %get3A_262 : vector<16xf32> to vector<16xi32>
          %lt3A = arith.constant 0 : i32
          %lt3A_263 = vector.broadcast %lt3A : i32 to vector<16xi32>
          %lt3A_264 = arith.cmpi slt, %bitcast3A, %lt3A_263 : vector<16xi32>
          %not3A_265 = arith.constant dense<-1> : vector<16xi32>
          %not3A_266 = arith.xori %bitcast3A, %not3A_265 : vector<16xi32>
          %xor3A_267 = arith.constant -2147483648 : i32
          %xor3A_268 = vector.broadcast %xor3A_267 : i32 to vector<16xi32>
          %xor3A_269 = arith.xori %not3A_266, %xor3A_268 : vector<16xi32>
          %select_n3A_270 = arith.select %lt3A_264, %xor3A_269, %bitcast3A : vector<16xi1>, vector<16xi32>
          %mul3A_271 = arith.constant 16 : i32
          %mul3A_272 = arith.muli %while3A_258, %mul3A_271 : i32
          %add3A_273 = arith.addi %scan3A_120#0, %mul3A_272 : i32
          %swap3A_274 = arith.index_cast %add3A_273 : i32 to index
          %swap3A_275 = tpu.vector_load %arg10[%swap3A_274] {strides = array<i32>} : memref<2192xi32, #tpu.memory_space<vmem>>, vector<16xi32>,
          tpu.vector_store %arg10[%swap3A_274], %select_n3A_270 {strides = array<i32>} : memref<2192xi32, #tpu.memory_space<vmem>>, vector<16xi32>,
          %get3A_276 = arith.index_cast %mul3A_261 : i32 to index
          %get3A_277 = tpu.vector_load %arg7[%get3A_276] {strides = array<i32>} : memref<2064xi32, #tpu.memory_space<vmem>>, vector<16xi32>,
          %mul3A_278 = arith.constant 16 : i32
          %mul3A_279 = arith.muli %while3A_258, %mul3A_278 : i32
          %add3A_280 = arith.addi %scan3A_120#0, %mul3A_279 : i32
          %swap3A_281 = arith.index_cast %add3A_280 : i32 to index
          %swap3A_282 = tpu.vector_load %arg11[%swap3A_281] {strides = array<i32>} : memref<2192xi32, #tpu.memory_space<vmem>>, vector<16xi32>,
          tpu.vector_store %arg11[%swap3A_281], %get3A_277 {strides = array<i32>} : memref<2192xi32, #tpu.memory_space<vmem>>, vector<16xi32>,
          %while3A_283 = arith.constant 0 : i32
          scf.yield %while3A_283 : i32
        }
        %scan3A_196 = arith.constant 128 : i32
        %scan3A_197 = arith.constant 0 : i32
        %scan3A_198 = arith.constant 0 : i32
        %scan3A_199 = arith.constant 4 : i32
        %scan3A_200 = arith.addi %scan3A_198, %scan3A_199 : i32
        %scan3A_201 = arith.constant 1 : i32
        %scan3A_202:3 = scf.for %scan3A_258 = %scan3A_198 to %scan3A_200 step %scan3A_201 iter_args(%scan3A_259 = %add3A_128, %scan3A_260 = %scan3A_196, %scan3A_261 = %scan3A_197) -> (i32, i32, i32)  : i32 {
          %mul3A_262 = arith.constant 8 : i32
          %mul3A_263 = arith.muli %mul3A_262, %scan3A_258 : i32
          %sub3A_264 = arith.constant 24 : i32
          %sub3A_265 = arith.subi %sub3A_264, %mul3A_263 : i32
          %add3A_266 = arith.constant 15 : i32
          %add3A_267 = arith.addi %scan3A_259, %add3A_266 : i32
          %jit3A_268 = arith.constant 16 : i32
          %div3A_269 = arith.divsi %add3A_267, %jit3A_268 : i32
          %sign3A_270 = arith.constant 0 : i32
          %sign3A_271 = arith.cmpi sgt, %add3A_267, %sign3A_270 : i32
          %sign3A_272 = arith.extui %sign3A_271 : i1 to i32
          %sign3A_273 = arith.constant 0 : i32
          %sign3A_274 = arith.cmpi slt, %add3A_267, %sign3A_273 : i32
          %sign3A_275 = arith.extui %sign3A_274 : i1 to i32
          %sign3A_276 = arith.subi %sign3A_272, %sign3A_275 : i32
          %sign3A_277 = arith.constant 0 : i32
          %sign3A_278 = arith.cmpi sgt, %jit3A_268, %sign3A_277 : i32
          %sign3A_279 = arith.extui %sign3A_278 : i1 to i32
          %sign3A_280 = arith.constant 0 : i32
          %sign3A_281 = arith.cmpi slt, %jit3A_268, %sign3A_280 : i32
          %sign3A_282 = arith.extui %sign3A_281 : i1 to i32
          %sign3A_283 = arith.subi %sign3A_279, %sign3A_282 : i32
          %ne3A_284 = arith.cmpi ne, %sign3A_276, %sign3A_283 : i32
          %rem3A_285 = arith.remsi %add3A_267, %jit3A_268 : i32
          %ne3A_286 = arith.constant 0 : i32
          %ne3A_287 = arith.cmpi ne, %rem3A_285, %ne3A_286 : i32
          %and3A_288 = arith.andi %ne3A_284, %ne3A_287 : i1
          %sub3A_289 = arith.constant 1 : i32
          %sub3A_290 = arith.subi %div3A_269, %sub3A_289 : i32
          %select_n3A_291 = arith.select %and3A_288, %sub3A_290, %div3A_269 : i32
          %scan3A_292 = arith.constant 0 : i32
          %scan3A_293 = arith.constant 0 : i32
          %scan3A_294 = arith.constant 16 : i32
          %scan3A_295 = arith.addi %scan3A_293, %scan3A_294 : i32
          %scan3A_296 = arith.constant 1 : i32
          %scan3A_297 = scf.for %scan3A_371 = %scan3A_293 to %scan3A_295 step %scan3A_296 iter_args(%scan3A_372 = %scan3A_292) -> (i32)  : i32 {
            %broadcast_in_dim3A_373 = arith.constant 0 : i32
            %broadcast_in_dim3A_374 = vector.broadcast %broadcast_in_dim3A_373 : i32 to vector<16xi32>
            %mul3A_375 = arith.constant 16 : i32
            %mul3A_376 = arith.muli %scan3A_371, %mul3A_375 : i32
            %swap3A_377 = arith.index_cast %mul3A_376 : i32 to index
            %swap3A_378 = tpu.vector_load %arg14[%swap3A_377] {strides = array<i32>} : memref<256xi32, #tpu.memory_space<vmem>>, vector<16xi32>,
            tpu.vector_store %arg14[%swap3A_377], %broadcast_in_dim3A_374 {strides = array<i32>} : memref<256xi32, #tpu.memory_space<vmem>>, vector<16xi32>,
            %scan3A_379 = arith.constant 0 : i32
            scf.yield %scan3A_379 : i32
          }
          %scan3A_298 = arith.constant 16 : i32
          %while3A_299 = arith.constant 0 : i32
          %while3A_300 = arith.constant 0 : i32
          %while3A_301 = arith.subi %select_n3A_291, %while3A_299 : i32
          %while3A_302 = arith.addi %while3A_299, %while3A_301 : i32
          %while3A_303 = arith.constant 1 : i32
          %while3A_304 = arith.divsi %while3A_301, %while3A_303 : i32
          %while3A_305 = arith.muli %while3A_304, %while3A_303 : i32
          %while3A_306 = arith.addi %while3A_299, %while3A_305 : i32
          %while3A_307 = arith.constant 1 : i32
          %while3A_308 = scf.for %while3A_371 = %while3A_299 to %while3A_306 step %while3A_307 iter_args(%while3A_372 = %while3A_300) -> (i32)  : i32 {
            %mul3A_373 = arith.constant 16 : i32
            %mul3A_374 = arith.muli %while3A_371, %mul3A_373 : i32
            %get3A = arith.index_cast %mul3A_374 : i32 to index
            %get3A_375 = tpu.vector_load %arg10[%get3A] {strides = array<i32>} : memref<2192xi32, #tpu.memory_space<vmem>>, vector<16xi32>,
            %mul3A_376 = arith.constant 16 : i32
            %mul3A_377 = arith.muli %while3A_371, %mul3A_376 : i32
            %add3A_378 = vector.broadcast %mul3A_377 : i32 to vector<16xi32>
            %add3A_379 = arith.addi %add3A_378, %iota3A : vector<16xi32>
            %lt3A = vector.broadcast %scan3A_259 : i32 to vector<16xi32>
            %lt3A_380 = arith.cmpi slt, %add3A_379, %lt3A : vector<16xi32>
            %xor3A_381 = arith.constant -2147483648 : i32
            %xor3A_382 = vector.broadcast %xor3A_381 : i32 to vector<16xi32>
            %xor3A_383 = arith.xori %get3A_375, %xor3A_382 : vector<16xi32>
            %broadcast_in_dim3A_384 = vector.broadcast %sub3A_265 : i32 to vector<16xi32>
            %shift_right_logical3A = arith.shrui %xor3A_383, %broadcast_in_dim3A_384 : vector<16xi32>
            %and3A_385 = arith.constant 255 : i32
            %and3A_386 = vector.broadcast %and3A_385 : i32 to vector<16xi32>
            %and3A_387 = arith.andi %shift_right_logical3A, %and3A_386 : vector<16xi32>
            tpu.vector_store_idx %arg14[%and3A_387], %broadcast_in_dim3A_1 masked %lt3A_380 {add = true} : memref<256xi32, #tpu.memory_space<vmem>>[vector<16xi32>], vector<16xi32>, vector<16xi1>
            %while3A_388 = arith.constant 0 : i32
            scf.yield %while3A_388 : i32
          }
          %while3A_309 = arith.constant 1 : i32
          %while3A_310 = scf.for %while3A_371 = %while3A_306 to %while3A_302 step %while3A_309 iter_args(%while3A_372 = %while3A_308) -> (i32)  : i32 {
            %mul3A_373 = arith.constant 16 : i32
            %mul3A_374 = arith.muli %while3A_371, %mul3A_373 : i32
            %get3A = arith.index_cast %mul3A_374 : i32 to index
            %get3A_375 = tpu.vector_load %arg10[%get3A] {strides = array<i32>} : memref<2192xi32, #tpu.memory_space<vmem>>, vector<16xi32>,
            %mul3A_376 = arith.constant 16 : i32
            %mul3A_377 = arith.muli %while3A_371, %mul3A_376 : i32
            %add3A_378 = vector.broadcast %mul3A_377 : i32 to vector<16xi32>
            %add3A_379 = arith.addi %add3A_378, %iota3A : vector<16xi32>
            %lt3A = vector.broadcast %scan3A_259 : i32 to vector<16xi32>
            %lt3A_380 = arith.cmpi slt, %add3A_379, %lt3A : vector<16xi32>
            %xor3A_381 = arith.constant -2147483648 : i32
            %xor3A_382 = vector.broadcast %xor3A_381 : i32 to vector<16xi32>
            %xor3A_383 = arith.xori %get3A_375, %xor3A_382 : vector<16xi32>
            %broadcast_in_dim3A_384 = vector.broadcast %sub3A_265 : i32 to vector<16xi32>
            %shift_right_logical3A = arith.shrui %xor3A_383, %broadcast_in_dim3A_384 : vector<16xi32>
            %and3A_385 = arith.constant 255 : i32
            %and3A_386 = vector.broadcast %and3A_385 : i32 to vector<16xi32>
            %and3A_387 = arith.andi %shift_right_logical3A, %and3A_386 : vector<16xi32>
            tpu.vector_store_idx %arg14[%and3A_387], %broadcast_in_dim3A_1 masked %lt3A_380 {add = true} : memref<256xi32, #tpu.memory_space<vmem>>[vector<16xi32>], vector<16xi32>, vector<16xi1>
            %while3A_388 = arith.constant 0 : i32
            scf.yield %while3A_388 : i32
          }
          %scan3A_311 = arith.constant 0 : i32
          %scan3A_312 = arith.constant -1 : i32
          %scan3A_313 = arith.constant 0 : i32
          %scan3A_314 = arith.constant 16 : i32
          %scan3A_315 = arith.addi %scan3A_313, %scan3A_314 : i32
          %scan3A_316 = arith.constant 1 : i32
          %scan3A_317:2 = scf.for %scan3A_371 = %scan3A_313 to %scan3A_315 step %scan3A_316 iter_args(%scan3A_372 = %scan3A_311, %scan3A_373 = %scan3A_312) -> (i32, i32)  : i32 {
            %sub3A_374 = arith.constant 15 : i32
            %sub3A_375 = arith.subi %sub3A_374, %scan3A_371 : i32
            %mul3A_376 = arith.constant 16 : i32
            %mul3A_377 = arith.muli %sub3A_375, %mul3A_376 : i32
            %get3A = arith.index_cast %mul3A_377 : i32 to index
            %get3A_378 = tpu.vector_load %arg14[%get3A] {strides = array<i32>} : memref<256xi32, #tpu.memory_space<vmem>>, vector<16xi32>,
            %rev3A = arith.constant 15 : i32
            %rev3A_379 = vector.broadcast %rev3A : i32 to vector<16xi32>
            %rev3A_380 = tpu.iota {dimensions = array<i32: 0>} : vector<16xi32>
            %rev3A_381 = arith.subi %rev3A_379, %rev3A_380 : vector<16xi32>
            %rev3A_382 = tpu.dynamic_gather %get3A_378[%rev3A_381] in [0] : vector<16xi32>, vector<16xi32> -> vector<16xi32>
            %broadcast_in_dim3A_383 = arith.constant true
            %broadcast_in_dim3A_384 = vector.broadcast %broadcast_in_dim3A_383 : i1 to vector<16xi1>
            %masked_cumsum3A = tpu.scan <sum>, %rev3A_382 masked %broadcast_in_dim3A_384 : vector<16xi32>, vector<16xi1> -> vector<16xi32>
            %add3A_385 = vector.broadcast %scan3A_372 : i32 to vector<16xi32>
            %add3A_386 = arith.addi %masked_cumsum3A, %add3A_385 : vector<16xi32>
            %mul3A_387 = arith.constant 16 : i32
            %mul3A_388 = arith.muli %sub3A_375, %mul3A_387 : i32
            %add3A_389 = arith.constant 15 : i32
            %add3A_390 = arith.addi %mul3A_388, %add3A_389 : i32
            %sub3A_391 = vector.broadcast %add3A_390 : i32 to vector<16xi32>
            %sub3A_392 = arith.subi %sub3A_391, %iota3A : vector<16xi32>
            %ge3A_393 = vector.broadcast %scan3A_260 : i32 to vector<16xi32>
            %ge3A_394 = arith.cmpi sge, %add3A_386, %ge3A_393 : vector<16xi32>
            %jit3A_395 = arith.constant -1 : i32
            %broadcast_in_dim3A_396 = vector.broadcast %jit3A_395 : i32 to vector<16xi32>
            %select_n3A_397 = arith.select %ge3A_394, %sub3A_392, %broadcast_in_dim3A_396 : vector<16xi1>, vector<16xi32>
            %reduce_max3A = arith.constant true
            %reduce_max3A_398 = vector.broadcast %reduce_max3A : i1 to vector<16xi1>
            %reduce_max3A_399 = arith.constant -2147483648 : i32
            %reduce_max3A_400 = vector.broadcast %reduce_max3A_399 : i32 to vector<16xi32>
            %reduce_max3A_401 = arith.xori %select_n3A_397, %reduce_max3A_400 : vector<16xi32>
            %reduce_max3A_402 = tpu.scan <max>, %reduce_max3A_401 masked %reduce_max3A_398 : vector<16xi32>, vector<16xi1> -> vector<16xi32>
            %reduce_max3A_403 = arith.xori %reduce_max3A_402, %reduce_max3A_400 : vector<16xi32>
            %reduce_max3A_404 = vector.extract %reduce_max3A_403[15] : i32 from vector<16xi32>
            %max3A = arith.maxsi %scan3A_373, %reduce_max3A_404 : i32
            %reduce_sum3A = arith.constant true
            %reduce_sum3A_405 = vector.broadcast %reduce_sum3A : i1 to vector<16xi1>
            %reduce_sum3A_406 = tpu.scan <sum>, %get3A_378 masked %reduce_sum3A_405 : vector<16xi32>, vector<16xi1> -> vector<16xi32>
            %reduce_sum3A_407 = vector.extract %reduce_sum3A_406[15] : i32 from vector<16xi32>
            %add3A_408 = arith.addi %scan3A_372, %reduce_sum3A_407 : i32
            scf.yield %add3A_408, %max3A : i32, i32
          }
          %scan3A_318 = arith.constant 16 : i32
          %while3A_319 = arith.constant 0 : i32
          %while3A_320 = arith.constant 0 : i32
          %while3A_321 = arith.subi %select_n3A_291, %while3A_319 : i32
          %while3A_322 = arith.addi %while3A_319, %while3A_321 : i32
          %while3A_323 = arith.constant 1 : i32
          %while3A_324 = arith.divsi %while3A_321, %while3A_323 : i32
          %while3A_325 = arith.muli %while3A_324, %while3A_323 : i32
          %while3A_326 = arith.addi %while3A_319, %while3A_325 : i32
          %while3A_327 = arith.constant 1 : i32
          %while3A_328:2 = scf.for %while3A_371 = %while3A_319 to %while3A_326 step %while3A_327 iter_args(%while3A_372 = %scan3A_261, %while3A_373 = %while3A_320) -> (i32, i32)  : i32 {
            %mul3A_374 = arith.constant 16 : i32
            %mul3A_375 = arith.muli %while3A_371, %mul3A_374 : i32
            %get3A = arith.index_cast %mul3A_375 : i32 to index
            %get3A_376 = tpu.vector_load %arg10[%get3A] {strides = array<i32>} : memref<2192xi32, #tpu.memory_space<vmem>>, vector<16xi32>,
            %mul3A_377 = arith.constant 16 : i32
            %mul3A_378 = arith.muli %while3A_371, %mul3A_377 : i32
            %get3A_379 = arith.index_cast %mul3A_378 : i32 to index
            %get3A_380 = tpu.vector_load %arg11[%get3A_379] {strides = array<i32>} : memref<2192xi32, #tpu.memory_space<vmem>>, vector<16xi32>,
            %mul3A_381 = arith.constant 16 : i32
            %mul3A_382 = arith.muli %while3A_371, %mul3A_381 : i32
            %add3A_383 = vector.broadcast %mul3A_382 : i32 to vector<16xi32>
            %add3A_384 = arith.addi %add3A_383, %iota3A : vector<16xi32>
            %lt3A = vector.broadcast %scan3A_259 : i32 to vector<16xi32>
            %lt3A_385 = arith.cmpi slt, %add3A_384, %lt3A : vector<16xi32>
            %xor3A_386 = arith.constant -2147483648 : i32
            %xor3A_387 = vector.broadcast %xor3A_386 : i32 to vector<16xi32>
            %xor3A_388 = arith.xori %get3A_376, %xor3A_387 : vector<16xi32>
            %broadcast_in_dim3A_389 = vector.broadcast %sub3A_265 : i32 to vector<16xi32>
            %shift_right_logical3A = arith.shrui %xor3A_388, %broadcast_in_dim3A_389 : vector<16xi32>
            %and3A_390 = arith.constant 255 : i32
            %and3A_391 = vector.broadcast %and3A_390 : i32 to vector<16xi32>
            %and3A_392 = arith.andi %shift_right_logical3A, %and3A_391 : vector<16xi32>
            %gt3A_393 = vector.broadcast %scan3A_317#1 : i32 to vector<16xi32>
            %gt3A_394 = arith.cmpi sgt, %and3A_392, %gt3A_393 : vector<16xi32>
            %and3A_395 = arith.andi %lt3A_385, %gt3A_394 : vector<16xi1>
            %eq3A_396 = vector.broadcast %scan3A_317#1 : i32 to vector<16xi32>
            %eq3A_397 = arith.cmpi eq, %and3A_392, %eq3A_396 : vector<16xi32>
            %and3A_398 = arith.andi %lt3A_385, %eq3A_397 : vector<16xi1>
            %reduce_or3A = arith.constant 1.000000e+00 : f32
            %reduce_or3A_399 = arith.constant 0.000000e+00 : f32
            %reduce_or3A_400 = vector.broadcast %reduce_or3A : f32 to vector<16xf32>
            %reduce_or3A_401 = vector.broadcast %reduce_or3A_399 : f32 to vector<16xf32>
            %reduce_or3A_402 = arith.select %and3A_395, %reduce_or3A_400, %reduce_or3A_401 : vector<16xi1>, vector<16xf32>
            %reduce_or3A_403 = arith.constant true
            %reduce_or3A_404 = vector.broadcast %reduce_or3A_403 : i1 to vector<16xi1>
            %reduce_or3A_405 = tpu.scan <max>, %reduce_or3A_402 masked %reduce_or3A_404 : vector<16xf32>, vector<16xi1> -> vector<16xf32>
            %reduce_or3A_406 = vector.extract %reduce_or3A_405[15] : f32 from vector<16xf32>
            %reduce_or3A_407 = arith.constant 0.000000e+00 : f32
            %reduce_or3A_408 = arith.cmpf ogt, %reduce_or3A_406, %reduce_or3A_407 : f32
            %convert_element_type3A_409 = arith.extui %reduce_or3A_408 : i1 to i32
            %cond3A_410 = arith.constant 0 : i32
            %cond3A_411 = arith.cmpi ne, %convert_element_type3A_409, %cond3A_410 : i32
            scf.if %cond3A_411 {
              %swap3A_437 = arith.index_cast %while3A_372 : i32 to index
              %swap3A_438 = tpu.vector_load %arg8[%swap3A_437] masked %and3A_395 {strides = array<i32>} : memref<144xi32, #tpu.memory_space<vmem>>, vector<16xi32>, vector<16xi1>
              tpu.vector_store %arg8[%swap3A_437], %get3A_376 masked %and3A_395 {strides = array<i32>} : memref<144xi32, #tpu.memory_space<vmem>>, vector<16xi32>, vector<16xi1>
              %swap3A_439 = arith.index_cast %while3A_372 : i32 to index
              %swap3A_440 = tpu.vector_load %arg9[%swap3A_439] masked %and3A_395 {strides = array<i32>} : memref<144xi32, #tpu.memory_space<vmem>>, vector<16xi32>, vector<16xi1>
              tpu.vector_store %arg9[%swap3A_439], %get3A_380 masked %and3A_395 {strides = array<i32>} : memref<144xi32, #tpu.memory_space<vmem>>, vector<16xi32>, vector<16xi1>
            } else {
            }
            %reduce_or3A_412 = arith.constant 1.000000e+00 : f32
            %reduce_or3A_413 = arith.constant 0.000000e+00 : f32
            %reduce_or3A_414 = vector.broadcast %reduce_or3A_412 : f32 to vector<16xf32>
            %reduce_or3A_415 = vector.broadcast %reduce_or3A_413 : f32 to vector<16xf32>
            %reduce_or3A_416 = arith.select %and3A_398, %reduce_or3A_414, %reduce_or3A_415 : vector<16xi1>, vector<16xf32>
            %reduce_or3A_417 = arith.constant true
            %reduce_or3A_418 = vector.broadcast %reduce_or3A_417 : i1 to vector<16xi1>
            %reduce_or3A_419 = tpu.scan <max>, %reduce_or3A_416 masked %reduce_or3A_418 : vector<16xf32>, vector<16xi1> -> vector<16xf32>
            %reduce_or3A_420 = vector.extract %reduce_or3A_419[15] : f32 from vector<16xf32>
            %reduce_or3A_421 = arith.constant 0.000000e+00 : f32
            %reduce_or3A_422 = arith.cmpf ogt, %reduce_or3A_420, %reduce_or3A_421 : f32
            %convert_element_type3A_423 = arith.extui %reduce_or3A_422 : i1 to i32
            %cond3A_424 = arith.constant 0 : i32
            %cond3A_425 = arith.cmpi ne, %convert_element_type3A_423, %cond3A_424 : i32
            scf.if %cond3A_425 {
              %swap3A_437 = arith.index_cast %while3A_373 : i32 to index
              %swap3A_438 = tpu.vector_load %arg12[%swap3A_437] masked %and3A_398 {strides = array<i32>} : memref<2192xi32, #tpu.memory_space<vmem>>, vector<16xi32>, vector<16xi1>
              tpu.vector_store %arg12[%swap3A_437], %get3A_376 masked %and3A_398 {strides = array<i32>} : memref<2192xi32, #tpu.memory_space<vmem>>, vector<16xi32>, vector<16xi1>
              %swap3A_439 = arith.index_cast %while3A_373 : i32 to index
              %swap3A_440 = tpu.vector_load %arg13[%swap3A_439] masked %and3A_398 {strides = array<i32>} : memref<2192xi32, #tpu.memory_space<vmem>>, vector<16xi32>, vector<16xi1>
              tpu.vector_store %arg13[%swap3A_439], %get3A_380 masked %and3A_398 {strides = array<i32>} : memref<2192xi32, #tpu.memory_space<vmem>>, vector<16xi32>, vector<16xi1>
            } else {
            }
            %convert_element_type3A_426 = arith.extui %and3A_395 : vector<16xi1> to vector<16xi32>
            %reduce_sum3A = arith.constant true
            %reduce_sum3A_427 = vector.broadcast %reduce_sum3A : i1 to vector<16xi1>
            %reduce_sum3A_428 = tpu.scan <sum>, %convert_element_type3A_426 masked %reduce_sum3A_427 : vector<16xi32>, vector<16xi1> -> vector<16xi32>
            %reduce_sum3A_429 = vector.extract %reduce_sum3A_428[15] : i32 from vector<16xi32>
            %add3A_430 = arith.addi %while3A_372, %reduce_sum3A_429 : i32
            %convert_element_type3A_431 = arith.extui %and3A_398 : vector<16xi1> to vector<16xi32>
            %reduce_sum3A_432 = arith.constant true
            %reduce_sum3A_433 = vector.broadcast %reduce_sum3A_432 : i1 to vector<16xi1>
            %reduce_sum3A_434 = tpu.scan <sum>, %convert_element_type3A_431 masked %reduce_sum3A_433 : vector<16xi32>, vector<16xi1> -> vector<16xi32>
            %reduce_sum3A_435 = vector.extract %reduce_sum3A_434[15] : i32 from vector<16xi32>
            %add3A_436 = arith.addi %while3A_373, %reduce_sum3A_435 : i32
            scf.yield %add3A_430, %add3A_436 : i32, i32
          }
          %while3A_329 = arith.constant 1 : i32
          %while3A_330:2 = scf.for %while3A_371 = %while3A_326 to %while3A_322 step %while3A_329 iter_args(%while3A_372 = %while3A_328#0, %while3A_373 = %while3A_328#1) -> (i32, i32)  : i32 {
            %mul3A_374 = arith.constant 16 : i32
            %mul3A_375 = arith.muli %while3A_371, %mul3A_374 : i32
            %get3A = arith.index_cast %mul3A_375 : i32 to index
            %get3A_376 = tpu.vector_load %arg10[%get3A] {strides = array<i32>} : memref<2192xi32, #tpu.memory_space<vmem>>, vector<16xi32>,
            %mul3A_377 = arith.constant 16 : i32
            %mul3A_378 = arith.muli %while3A_371, %mul3A_377 : i32
            %get3A_379 = arith.index_cast %mul3A_378 : i32 to index
            %get3A_380 = tpu.vector_load %arg11[%get3A_379] {strides = array<i32>} : memref<2192xi32, #tpu.memory_space<vmem>>, vector<16xi32>,
            %mul3A_381 = arith.constant 16 : i32
            %mul3A_382 = arith.muli %while3A_371, %mul3A_381 : i32
            %add3A_383 = vector.broadcast %mul3A_382 : i32 to vector<16xi32>
            %add3A_384 = arith.addi %add3A_383, %iota3A : vector<16xi32>
            %lt3A = vector.broadcast %scan3A_259 : i32 to vector<16xi32>
            %lt3A_385 = arith.cmpi slt, %add3A_384, %lt3A : vector<16xi32>
            %xor3A_386 = arith.constant -2147483648 : i32
            %xor3A_387 = vector.broadcast %xor3A_386 : i32 to vector<16xi32>
            %xor3A_388 = arith.xori %get3A_376, %xor3A_387 : vector<16xi32>
            %broadcast_in_dim3A_389 = vector.broadcast %sub3A_265 : i32 to vector<16xi32>
            %shift_right_logical3A = arith.shrui %xor3A_388, %broadcast_in_dim3A_389 : vector<16xi32>
            %and3A_390 = arith.constant 255 : i32
            %and3A_391 = vector.broadcast %and3A_390 : i32 to vector<16xi32>
            %and3A_392 = arith.andi %shift_right_logical3A, %and3A_391 : vector<16xi32>
            %gt3A_393 = vector.broadcast %scan3A_317#1 : i32 to vector<16xi32>
            %gt3A_394 = arith.cmpi sgt, %and3A_392, %gt3A_393 : vector<16xi32>
            %and3A_395 = arith.andi %lt3A_385, %gt3A_394 : vector<16xi1>
            %eq3A_396 = vector.broadcast %scan3A_317#1 : i32 to vector<16xi32>
            %eq3A_397 = arith.cmpi eq, %and3A_392, %eq3A_396 : vector<16xi32>
            %and3A_398 = arith.andi %lt3A_385, %eq3A_397 : vector<16xi1>
            %reduce_or3A = arith.constant 1.000000e+00 : f32
            %reduce_or3A_399 = arith.constant 0.000000e+00 : f32
            %reduce_or3A_400 = vector.broadcast %reduce_or3A : f32 to vector<16xf32>
            %reduce_or3A_401 = vector.broadcast %reduce_or3A_399 : f32 to vector<16xf32>
            %reduce_or3A_402 = arith.select %and3A_395, %reduce_or3A_400, %reduce_or3A_401 : vector<16xi1>, vector<16xf32>
            %reduce_or3A_403 = arith.constant true
            %reduce_or3A_404 = vector.broadcast %reduce_or3A_403 : i1 to vector<16xi1>
            %reduce_or3A_405 = tpu.scan <max>, %reduce_or3A_402 masked %reduce_or3A_404 : vector<16xf32>, vector<16xi1> -> vector<16xf32>
            %reduce_or3A_406 = vector.extract %reduce_or3A_405[15] : f32 from vector<16xf32>
            %reduce_or3A_407 = arith.constant 0.000000e+00 : f32
            %reduce_or3A_408 = arith.cmpf ogt, %reduce_or3A_406, %reduce_or3A_407 : f32
            %convert_element_type3A_409 = arith.extui %reduce_or3A_408 : i1 to i32
            %cond3A_410 = arith.constant 0 : i32
            %cond3A_411 = arith.cmpi ne, %convert_element_type3A_409, %cond3A_410 : i32
            scf.if %cond3A_411 {
              %swap3A_437 = arith.index_cast %while3A_372 : i32 to index
              %swap3A_438 = tpu.vector_load %arg8[%swap3A_437] masked %and3A_395 {strides = array<i32>} : memref<144xi32, #tpu.memory_space<vmem>>, vector<16xi32>, vector<16xi1>
              tpu.vector_store %arg8[%swap3A_437], %get3A_376 masked %and3A_395 {strides = array<i32>} : memref<144xi32, #tpu.memory_space<vmem>>, vector<16xi32>, vector<16xi1>
              %swap3A_439 = arith.index_cast %while3A_372 : i32 to index
              %swap3A_440 = tpu.vector_load %arg9[%swap3A_439] masked %and3A_395 {strides = array<i32>} : memref<144xi32, #tpu.memory_space<vmem>>, vector<16xi32>, vector<16xi1>
              tpu.vector_store %arg9[%swap3A_439], %get3A_380 masked %and3A_395 {strides = array<i32>} : memref<144xi32, #tpu.memory_space<vmem>>, vector<16xi32>, vector<16xi1>
            } else {
            }
            %reduce_or3A_412 = arith.constant 1.000000e+00 : f32
            %reduce_or3A_413 = arith.constant 0.000000e+00 : f32
            %reduce_or3A_414 = vector.broadcast %reduce_or3A_412 : f32 to vector<16xf32>
            %reduce_or3A_415 = vector.broadcast %reduce_or3A_413 : f32 to vector<16xf32>
            %reduce_or3A_416 = arith.select %and3A_398, %reduce_or3A_414, %reduce_or3A_415 : vector<16xi1>, vector<16xf32>
            %reduce_or3A_417 = arith.constant true
            %reduce_or3A_418 = vector.broadcast %reduce_or3A_417 : i1 to vector<16xi1>
            %reduce_or3A_419 = tpu.scan <max>, %reduce_or3A_416 masked %reduce_or3A_418 : vector<16xf32>, vector<16xi1> -> vector<16xf32>
            %reduce_or3A_420 = vector.extract %reduce_or3A_419[15] : f32 from vector<16xf32>
            %reduce_or3A_421 = arith.constant 0.000000e+00 : f32
            %reduce_or3A_422 = arith.cmpf ogt, %reduce_or3A_420, %reduce_or3A_421 : f32
            %convert_element_type3A_423 = arith.extui %reduce_or3A_422 : i1 to i32
            %cond3A_424 = arith.constant 0 : i32
            %cond3A_425 = arith.cmpi ne, %convert_element_type3A_423, %cond3A_424 : i32
            scf.if %cond3A_425 {
              %swap3A_437 = arith.index_cast %while3A_373 : i32 to index
              %swap3A_438 = tpu.vector_load %arg12[%swap3A_437] masked %and3A_398 {strides = array<i32>} : memref<2192xi32, #tpu.memory_space<vmem>>, vector<16xi32>, vector<16xi1>
              tpu.vector_store %arg12[%swap3A_437], %get3A_376 masked %and3A_398 {strides = array<i32>} : memref<2192xi32, #tpu.memory_space<vmem>>, vector<16xi32>, vector<16xi1>
              %swap3A_439 = arith.index_cast %while3A_373 : i32 to index
              %swap3A_440 = tpu.vector_load %arg13[%swap3A_439] masked %and3A_398 {strides = array<i32>} : memref<2192xi32, #tpu.memory_space<vmem>>, vector<16xi32>, vector<16xi1>
              tpu.vector_store %arg13[%swap3A_439], %get3A_380 masked %and3A_398 {strides = array<i32>} : memref<2192xi32, #tpu.memory_space<vmem>>, vector<16xi32>, vector<16xi1>
            } else {
            }
            %convert_element_type3A_426 = arith.extui %and3A_395 : vector<16xi1> to vector<16xi32>
            %reduce_sum3A = arith.constant true
            %reduce_sum3A_427 = vector.broadcast %reduce_sum3A : i1 to vector<16xi1>
            %reduce_sum3A_428 = tpu.scan <sum>, %convert_element_type3A_426 masked %reduce_sum3A_427 : vector<16xi32>, vector<16xi1> -> vector<16xi32>
            %reduce_sum3A_429 = vector.extract %reduce_sum3A_428[15] : i32 from vector<16xi32>
            %add3A_430 = arith.addi %while3A_372, %reduce_sum3A_429 : i32
            %convert_element_type3A_431 = arith.extui %and3A_398 : vector<16xi1> to vector<16xi32>
            %reduce_sum3A_432 = arith.constant true
            %reduce_sum3A_433 = vector.broadcast %reduce_sum3A_432 : i1 to vector<16xi1>
            %reduce_sum3A_434 = tpu.scan <sum>, %convert_element_type3A_431 masked %reduce_sum3A_433 : vector<16xi32>, vector<16xi1> -> vector<16xi32>
            %reduce_sum3A_435 = vector.extract %reduce_sum3A_434[15] : i32 from vector<16xi32>
            %add3A_436 = arith.addi %while3A_373, %reduce_sum3A_435 : i32
            scf.yield %add3A_430, %add3A_436 : i32, i32
          }
          %sub3A_331 = arith.subi %while3A_330#0, %scan3A_261 : i32
          %sub3A_332 = arith.subi %scan3A_260, %sub3A_331 : i32
          %add3A_333 = arith.constant 15 : i32
          %add3A_334 = arith.addi %while3A_330#1, %add3A_333 : i32
          %jit3A_335 = arith.constant 16 : i32
          %div3A_336 = arith.divsi %add3A_334, %jit3A_335 : i32
          %sign3A_337 = arith.constant 0 : i32
          %sign3A_338 = arith.cmpi sgt, %add3A_334, %sign3A_337 : i32
          %sign3A_339 = arith.extui %sign3A_338 : i1 to i32
          %sign3A_340 = arith.constant 0 : i32
          %sign3A_341 = arith.cmpi slt, %add3A_334, %sign3A_340 : i32
          %sign3A_342 = arith.extui %sign3A_341 : i1 to i32
          %sign3A_343 = arith.subi %sign3A_339, %sign3A_342 : i32
          %sign3A_344 = arith.constant 0 : i32
          %sign3A_345 = arith.cmpi sgt, %jit3A_335, %sign3A_344 : i32
          %sign3A_346 = arith.extui %sign3A_345 : i1 to i32
          %sign3A_347 = arith.constant 0 : i32
          %sign3A_348 = arith.cmpi slt, %jit3A_335, %sign3A_347 : i32
          %sign3A_349 = arith.extui %sign3A_348 : i1 to i32
          %sign3A_350 = arith.subi %sign3A_346, %sign3A_349 : i32
          %ne3A_351 = arith.cmpi ne, %sign3A_343, %sign3A_350 : i32
          %rem3A_352 = arith.remsi %add3A_334, %jit3A_335 : i32
          %ne3A_353 = arith.constant 0 : i32
          %ne3A_354 = arith.cmpi ne, %rem3A_352, %ne3A_353 : i32
          %and3A_355 = arith.andi %ne3A_351, %ne3A_354 : i1
          %sub3A_356 = arith.constant 1 : i32
          %sub3A_357 = arith.subi %div3A_336, %sub3A_356 : i32
          %select_n3A_358 = arith.select %and3A_355, %sub3A_357, %div3A_336 : i32
          %while3A_359 = arith.constant 0 : i32
          %while3A_360 = arith.constant 0 : i32
          %while3A_361 = arith.subi %select_n3A_358, %while3A_359 : i32
          %while3A_362 = arith.addi %while3A_359, %while3A_361 : i32
          %while3A_363 = arith.constant 1 : i32
          %while3A_364 = arith.divsi %while3A_361, %while3A_363 : i32
          %while3A_365 = arith.muli %while3A_364, %while3A_363 : i32
          %while3A_366 = arith.addi %while3A_359, %while3A_365 : i32
          %while3A_367 = arith.constant 1 : i32
          %while3A_368 = scf.for %while3A_371 = %while3A_359 to %while3A_366 step %while3A_367 iter_args(%while3A_372 = %while3A_360) -> (i32)  : i32 {
            %mul3A_373 = arith.constant 16 : i32
            %mul3A_374 = arith.muli %while3A_371, %mul3A_373 : i32
            %get3A = arith.index_cast %mul3A_374 : i32 to index
            %get3A_375 = tpu.vector_load %arg12[%get3A] {strides = array<i32>} : memref<2192xi32, #tpu.memory_space<vmem>>, vector<16xi32>,
            %swap3A_376 = arith.index_cast %mul3A_374 : i32 to index
            %swap3A_377 = tpu.vector_load %arg10[%swap3A_376] {strides = array<i32>} : memref<2192xi32, #tpu.memory_space<vmem>>, vector<16xi32>,
            tpu.vector_store %arg10[%swap3A_376], %get3A_375 {strides = array<i32>} : memref<2192xi32, #tpu.memory_space<vmem>>, vector<16xi32>,
            %get3A_378 = arith.index_cast %mul3A_374 : i32 to index
            %get3A_379 = tpu.vector_load %arg13[%get3A_378] {strides = array<i32>} : memref<2192xi32, #tpu.memory_space<vmem>>, vector<16xi32>,
            %swap3A_380 = arith.index_cast %mul3A_374 : i32 to index
            %swap3A_381 = tpu.vector_load %arg11[%swap3A_380] {strides = array<i32>} : memref<2192xi32, #tpu.memory_space<vmem>>, vector<16xi32>,
            tpu.vector_store %arg11[%swap3A_380], %get3A_379 {strides = array<i32>} : memref<2192xi32, #tpu.memory_space<vmem>>, vector<16xi32>,
            %while3A_382 = arith.constant 0 : i32
            scf.yield %while3A_382 : i32
          }
          %while3A_369 = arith.constant 1 : i32
          %while3A_370 = scf.for %while3A_371 = %while3A_366 to %while3A_362 step %while3A_369 iter_args(%while3A_372 = %while3A_368) -> (i32)  : i32 {
            %mul3A_373 = arith.constant 16 : i32
            %mul3A_374 = arith.muli %while3A_371, %mul3A_373 : i32
            %get3A = arith.index_cast %mul3A_374 : i32 to index
            %get3A_375 = tpu.vector_load %arg12[%get3A] {strides = array<i32>} : memref<2192xi32, #tpu.memory_space<vmem>>, vector<16xi32>,
            %swap3A_376 = arith.index_cast %mul3A_374 : i32 to index
            %swap3A_377 = tpu.vector_load %arg10[%swap3A_376] {strides = array<i32>} : memref<2192xi32, #tpu.memory_space<vmem>>, vector<16xi32>,
            tpu.vector_store %arg10[%swap3A_376], %get3A_375 {strides = array<i32>} : memref<2192xi32, #tpu.memory_space<vmem>>, vector<16xi32>,
            %get3A_378 = arith.index_cast %mul3A_374 : i32 to index
            %get3A_379 = tpu.vector_load %arg13[%get3A_378] {strides = array<i32>} : memref<2192xi32, #tpu.memory_space<vmem>>, vector<16xi32>,
            %swap3A_380 = arith.index_cast %mul3A_374 : i32 to index
            %swap3A_381 = tpu.vector_load %arg11[%swap3A_380] {strides = array<i32>} : memref<2192xi32, #tpu.memory_space<vmem>>, vector<16xi32>,
            tpu.vector_store %arg11[%swap3A_380], %get3A_379 {strides = array<i32>} : memref<2192xi32, #tpu.memory_space<vmem>>, vector<16xi32>,
            %while3A_382 = arith.constant 0 : i32
            scf.yield %while3A_382 : i32
          }
          scf.yield %while3A_330#1, %sub3A_332, %while3A_330#0 : i32, i32, i32
        }
        %scan3A_203 = arith.constant 4 : i32
        %add3A_204 = arith.constant 15 : i32
        %add3A_205 = arith.addi %scan3A_202#0, %add3A_204 : i32
        %jit3A_206 = arith.constant 16 : i32
        %div3A_207 = arith.divsi %add3A_205, %jit3A_206 : i32
        %sign3A_208 = arith.constant 0 : i32
        %sign3A_209 = arith.cmpi sgt, %add3A_205, %sign3A_208 : i32
        %sign3A_210 = arith.extui %sign3A_209 : i1 to i32
        %sign3A_211 = arith.constant 0 : i32
        %sign3A_212 = arith.cmpi slt, %add3A_205, %sign3A_211 : i32
        %sign3A_213 = arith.extui %sign3A_212 : i1 to i32
        %sign3A_214 = arith.subi %sign3A_210, %sign3A_213 : i32
        %sign3A_215 = arith.constant 0 : i32
        %sign3A_216 = arith.cmpi sgt, %jit3A_206, %sign3A_215 : i32
        %sign3A_217 = arith.extui %sign3A_216 : i1 to i32
        %sign3A_218 = arith.constant 0 : i32
        %sign3A_219 = arith.cmpi slt, %jit3A_206, %sign3A_218 : i32
        %sign3A_220 = arith.extui %sign3A_219 : i1 to i32
        %sign3A_221 = arith.subi %sign3A_217, %sign3A_220 : i32
        %ne3A_222 = arith.cmpi ne, %sign3A_214, %sign3A_221 : i32
        %rem3A_223 = arith.remsi %add3A_205, %jit3A_206 : i32
        %ne3A_224 = arith.constant 0 : i32
        %ne3A_225 = arith.cmpi ne, %rem3A_223, %ne3A_224 : i32
        %and3A_226 = arith.andi %ne3A_222, %ne3A_225 : i1
        %sub3A_227 = arith.constant 1 : i32
        %sub3A_228 = arith.subi %div3A_207, %sub3A_227 : i32
        %select_n3A_229 = arith.select %and3A_226, %sub3A_228, %div3A_207 : i32
        %while3A_230 = arith.constant 0 : i32
        %while3A_231 = arith.constant 0 : i32
        %while3A_232 = arith.subi %select_n3A_229, %while3A_230 : i32
        %while3A_233 = arith.addi %while3A_230, %while3A_232 : i32
        %while3A_234 = arith.constant 1 : i32
        %while3A_235 = arith.divsi %while3A_232, %while3A_234 : i32
        %while3A_236 = arith.muli %while3A_235, %while3A_234 : i32
        %while3A_237 = arith.addi %while3A_230, %while3A_236 : i32
        %while3A_238 = arith.constant 1 : i32
        %while3A_239:2 = scf.for %while3A_258 = %while3A_230 to %while3A_237 step %while3A_238 iter_args(%while3A_259 = %scan3A_202#2, %while3A_260 = %while3A_231) -> (i32, i32)  : i32 {
          %mul3A_261 = arith.constant 16 : i32
          %mul3A_262 = arith.muli %while3A_258, %mul3A_261 : i32
          %get3A = arith.index_cast %mul3A_262 : i32 to index
          %get3A_263 = tpu.vector_load %arg10[%get3A] {strides = array<i32>} : memref<2192xi32, #tpu.memory_space<vmem>>, vector<16xi32>,
          %mul3A_264 = arith.constant 16 : i32
          %mul3A_265 = arith.muli %while3A_258, %mul3A_264 : i32
          %get3A_266 = arith.index_cast %mul3A_265 : i32 to index
          %get3A_267 = tpu.vector_load %arg11[%get3A_266] {strides = array<i32>} : memref<2192xi32, #tpu.memory_space<vmem>>, vector<16xi32>,
          %mul3A_268 = arith.constant 16 : i32
          %mul3A_269 = arith.muli %while3A_258, %mul3A_268 : i32
          %add3A_270 = vector.broadcast %mul3A_269 : i32 to vector<16xi32>
          %add3A_271 = arith.addi %add3A_270, %iota3A : vector<16xi32>
          %lt3A = vector.broadcast %scan3A_202#0 : i32 to vector<16xi32>
          %lt3A_272 = arith.cmpi slt, %add3A_271, %lt3A : vector<16xi32>
          %convert_element_type3A_273 = arith.extui %lt3A_272 : vector<16xi1> to vector<16xi32>
          %broadcast_in_dim3A_274 = arith.constant true
          %broadcast_in_dim3A_275 = vector.broadcast %broadcast_in_dim3A_274 : i1 to vector<16xi1>
          %masked_cumsum3A = tpu.scan <sum>, %convert_element_type3A_273 masked %broadcast_in_dim3A_275 : vector<16xi32>, vector<16xi1> -> vector<16xi32>
          %convert_element_type3A_276 = arith.extui %lt3A_272 : vector<16xi1> to vector<16xi32>
          %sub3A_277 = arith.subi %masked_cumsum3A, %convert_element_type3A_276 : vector<16xi32>
          %add3A_278 = vector.broadcast %while3A_260 : i32 to vector<16xi32>
          %add3A_279 = arith.addi %add3A_278, %sub3A_277 : vector<16xi32>
          %lt3A_280 = vector.broadcast %scan3A_202#1 : i32 to vector<16xi32>
          %lt3A_281 = arith.cmpi slt, %add3A_279, %lt3A_280 : vector<16xi32>
          %and3A_282 = arith.andi %lt3A_272, %lt3A_281 : vector<16xi1>
          %reduce_or3A = arith.constant 1.000000e+00 : f32
          %reduce_or3A_283 = arith.constant 0.000000e+00 : f32
          %reduce_or3A_284 = vector.broadcast %reduce_or3A : f32 to vector<16xf32>
          %reduce_or3A_285 = vector.broadcast %reduce_or3A_283 : f32 to vector<16xf32>
          %reduce_or3A_286 = arith.select %and3A_282, %reduce_or3A_284, %reduce_or3A_285 : vector<16xi1>, vector<16xf32>
          %reduce_or3A_287 = arith.constant true
          %reduce_or3A_288 = vector.broadcast %reduce_or3A_287 : i1 to vector<16xi1>
          %reduce_or3A_289 = tpu.scan <max>, %reduce_or3A_286 masked %reduce_or3A_288 : vector<16xf32>, vector<16xi1> -> vector<16xf32>
          %reduce_or3A_290 = vector.extract %reduce_or3A_289[15] : f32 from vector<16xf32>
          %reduce_or3A_291 = arith.constant 0.000000e+00 : f32
          %reduce_or3A_292 = arith.cmpf ogt, %reduce_or3A_290, %reduce_or3A_291 : f32
          %convert_element_type3A_293 = arith.extui %reduce_or3A_292 : i1 to i32
          %cond3A_294 = arith.constant 0 : i32
          %cond3A_295 = arith.cmpi ne, %convert_element_type3A_293, %cond3A_294 : i32
          scf.if %cond3A_295 {
            %swap3A_307 = arith.index_cast %while3A_259 : i32 to index
            %swap3A_308 = tpu.vector_load %arg8[%swap3A_307] masked %and3A_282 {strides = array<i32>} : memref<144xi32, #tpu.memory_space<vmem>>, vector<16xi32>, vector<16xi1>
            tpu.vector_store %arg8[%swap3A_307], %get3A_263 masked %and3A_282 {strides = array<i32>} : memref<144xi32, #tpu.memory_space<vmem>>, vector<16xi32>, vector<16xi1>
            %swap3A_309 = arith.index_cast %while3A_259 : i32 to index
            %swap3A_310 = tpu.vector_load %arg9[%swap3A_309] masked %and3A_282 {strides = array<i32>} : memref<144xi32, #tpu.memory_space<vmem>>, vector<16xi32>, vector<16xi1>
            tpu.vector_store %arg9[%swap3A_309], %get3A_267 masked %and3A_282 {strides = array<i32>} : memref<144xi32, #tpu.memory_space<vmem>>, vector<16xi32>, vector<16xi1>
          } else {
          }
          %convert_element_type3A_296 = arith.extui %and3A_282 : vector<16xi1> to vector<16xi32>
          %reduce_sum3A = arith.constant true
          %reduce_sum3A_297 = vector.broadcast %reduce_sum3A : i1 to vector<16xi1>
          %reduce_sum3A_298 = tpu.scan <sum>, %convert_element_type3A_296 masked %reduce_sum3A_297 : vector<16xi32>, vector<16xi1> -> vector<16xi32>
          %reduce_sum3A_299 = vector.extract %reduce_sum3A_298[15] : i32 from vector<16xi32>
          %add3A_300 = arith.addi %while3A_259, %reduce_sum3A_299 : i32
          %convert_element_type3A_301 = arith.extui %lt3A_272 : vector<16xi1> to vector<16xi32>
          %reduce_sum3A_302 = arith.constant true
          %reduce_sum3A_303 = vector.broadcast %reduce_sum3A_302 : i1 to vector<16xi1>
          %reduce_sum3A_304 = tpu.scan <sum>, %convert_element_type3A_301 masked %reduce_sum3A_303 : vector<16xi32>, vector<16xi1> -> vector<16xi32>
          %reduce_sum3A_305 = vector.extract %reduce_sum3A_304[15] : i32 from vector<16xi32>
          %add3A_306 = arith.addi %while3A_260, %reduce_sum3A_305 : i32
          scf.yield %add3A_300, %add3A_306 : i32, i32
        }
        %while3A_240 = arith.constant 1 : i32
        %while3A_241:2 = scf.for %while3A_258 = %while3A_237 to %while3A_233 step %while3A_240 iter_args(%while3A_259 = %while3A_239#0, %while3A_260 = %while3A_239#1) -> (i32, i32)  : i32 {
          %mul3A_261 = arith.constant 16 : i32
          %mul3A_262 = arith.muli %while3A_258, %mul3A_261 : i32
          %get3A = arith.index_cast %mul3A_262 : i32 to index
          %get3A_263 = tpu.vector_load %arg10[%get3A] {strides = array<i32>} : memref<2192xi32, #tpu.memory_space<vmem>>, vector<16xi32>,
          %mul3A_264 = arith.constant 16 : i32
          %mul3A_265 = arith.muli %while3A_258, %mul3A_264 : i32
          %get3A_266 = arith.index_cast %mul3A_265 : i32 to index
          %get3A_267 = tpu.vector_load %arg11[%get3A_266] {strides = array<i32>} : memref<2192xi32, #tpu.memory_space<vmem>>, vector<16xi32>,
          %mul3A_268 = arith.constant 16 : i32
          %mul3A_269 = arith.muli %while3A_258, %mul3A_268 : i32
          %add3A_270 = vector.broadcast %mul3A_269 : i32 to vector<16xi32>
          %add3A_271 = arith.addi %add3A_270, %iota3A : vector<16xi32>
          %lt3A = vector.broadcast %scan3A_202#0 : i32 to vector<16xi32>
          %lt3A_272 = arith.cmpi slt, %add3A_271, %lt3A : vector<16xi32>
          %convert_element_type3A_273 = arith.extui %lt3A_272 : vector<16xi1> to vector<16xi32>
          %broadcast_in_dim3A_274 = arith.constant true
          %broadcast_in_dim3A_275 = vector.broadcast %broadcast_in_dim3A_274 : i1 to vector<16xi1>
          %masked_cumsum3A = tpu.scan <sum>, %convert_element_type3A_273 masked %broadcast_in_dim3A_275 : vector<16xi32>, vector<16xi1> -> vector<16xi32>
          %convert_element_type3A_276 = arith.extui %lt3A_272 : vector<16xi1> to vector<16xi32>
          %sub3A_277 = arith.subi %masked_cumsum3A, %convert_element_type3A_276 : vector<16xi32>
          %add3A_278 = vector.broadcast %while3A_260 : i32 to vector<16xi32>
          %add3A_279 = arith.addi %add3A_278, %sub3A_277 : vector<16xi32>
          %lt3A_280 = vector.broadcast %scan3A_202#1 : i32 to vector<16xi32>
          %lt3A_281 = arith.cmpi slt, %add3A_279, %lt3A_280 : vector<16xi32>
          %and3A_282 = arith.andi %lt3A_272, %lt3A_281 : vector<16xi1>
          %reduce_or3A = arith.constant 1.000000e+00 : f32
          %reduce_or3A_283 = arith.constant 0.000000e+00 : f32
          %reduce_or3A_284 = vector.broadcast %reduce_or3A : f32 to vector<16xf32>
          %reduce_or3A_285 = vector.broadcast %reduce_or3A_283 : f32 to vector<16xf32>
          %reduce_or3A_286 = arith.select %and3A_282, %reduce_or3A_284, %reduce_or3A_285 : vector<16xi1>, vector<16xf32>
          %reduce_or3A_287 = arith.constant true
          %reduce_or3A_288 = vector.broadcast %reduce_or3A_287 : i1 to vector<16xi1>
          %reduce_or3A_289 = tpu.scan <max>, %reduce_or3A_286 masked %reduce_or3A_288 : vector<16xf32>, vector<16xi1> -> vector<16xf32>
          %reduce_or3A_290 = vector.extract %reduce_or3A_289[15] : f32 from vector<16xf32>
          %reduce_or3A_291 = arith.constant 0.000000e+00 : f32
          %reduce_or3A_292 = arith.cmpf ogt, %reduce_or3A_290, %reduce_or3A_291 : f32
          %convert_element_type3A_293 = arith.extui %reduce_or3A_292 : i1 to i32
          %cond3A_294 = arith.constant 0 : i32
          %cond3A_295 = arith.cmpi ne, %convert_element_type3A_293, %cond3A_294 : i32
          scf.if %cond3A_295 {
            %swap3A_307 = arith.index_cast %while3A_259 : i32 to index
            %swap3A_308 = tpu.vector_load %arg8[%swap3A_307] masked %and3A_282 {strides = array<i32>} : memref<144xi32, #tpu.memory_space<vmem>>, vector<16xi32>, vector<16xi1>
            tpu.vector_store %arg8[%swap3A_307], %get3A_263 masked %and3A_282 {strides = array<i32>} : memref<144xi32, #tpu.memory_space<vmem>>, vector<16xi32>, vector<16xi1>
            %swap3A_309 = arith.index_cast %while3A_259 : i32 to index
            %swap3A_310 = tpu.vector_load %arg9[%swap3A_309] masked %and3A_282 {strides = array<i32>} : memref<144xi32, #tpu.memory_space<vmem>>, vector<16xi32>, vector<16xi1>
            tpu.vector_store %arg9[%swap3A_309], %get3A_267 masked %and3A_282 {strides = array<i32>} : memref<144xi32, #tpu.memory_space<vmem>>, vector<16xi32>, vector<16xi1>
          } else {
          }
          %convert_element_type3A_296 = arith.extui %and3A_282 : vector<16xi1> to vector<16xi32>
          %reduce_sum3A = arith.constant true
          %reduce_sum3A_297 = vector.broadcast %reduce_sum3A : i1 to vector<16xi1>
          %reduce_sum3A_298 = tpu.scan <sum>, %convert_element_type3A_296 masked %reduce_sum3A_297 : vector<16xi32>, vector<16xi1> -> vector<16xi32>
          %reduce_sum3A_299 = vector.extract %reduce_sum3A_298[15] : i32 from vector<16xi32>
          %add3A_300 = arith.addi %while3A_259, %reduce_sum3A_299 : i32
          %convert_element_type3A_301 = arith.extui %lt3A_272 : vector<16xi1> to vector<16xi32>
          %reduce_sum3A_302 = arith.constant true
          %reduce_sum3A_303 = vector.broadcast %reduce_sum3A_302 : i1 to vector<16xi1>
          %reduce_sum3A_304 = tpu.scan <sum>, %convert_element_type3A_301 masked %reduce_sum3A_303 : vector<16xi32>, vector<16xi1> -> vector<16xi32>
          %reduce_sum3A_305 = vector.extract %reduce_sum3A_304[15] : i32 from vector<16xi32>
          %add3A_306 = arith.addi %while3A_260, %reduce_sum3A_305 : i32
          scf.yield %add3A_300, %add3A_306 : i32, i32
        }
        %scan3A_242 = arith.constant 2147483647 : i32
        %scan3A_243 = arith.constant 0 : i32
        %scan3A_244 = arith.constant 8 : i32
        %scan3A_245 = arith.addi %scan3A_243, %scan3A_244 : i32
        %scan3A_246 = arith.constant 1 : i32
        %scan3A_247 = scf.for %scan3A_258 = %scan3A_243 to %scan3A_245 step %scan3A_246 iter_args(%scan3A_259 = %scan3A_242) -> (i32)  : i32 {
          %mul3A_260 = arith.constant 16 : i32
          %mul3A_261 = arith.muli %scan3A_258, %mul3A_260 : i32
          %get3A = arith.index_cast %mul3A_261 : i32 to index
          %get3A_262 = tpu.vector_load %arg8[%get3A] {strides = array<i32>} : memref<144xi32, #tpu.memory_space<vmem>>, vector<16xi32>,
          %reduce_min3A = arith.constant true
          %reduce_min3A_263 = vector.broadcast %reduce_min3A : i1 to vector<16xi1>
          %reduce_min3A_264 = arith.constant -2147483648 : i32
          %reduce_min3A_265 = vector.broadcast %reduce_min3A_264 : i32 to vector<16xi32>
          %reduce_min3A_266 = arith.xori %get3A_262, %reduce_min3A_265 : vector<16xi32>
          %reduce_min3A_267 = tpu.scan <min>, %reduce_min3A_266 masked %reduce_min3A_263 : vector<16xi32>, vector<16xi1> -> vector<16xi32>
          %reduce_min3A_268 = arith.xori %reduce_min3A_267, %reduce_min3A_265 : vector<16xi32>
          %reduce_min3A_269 = vector.extract %reduce_min3A_268[15] : i32 from vector<16xi32>
          %min3A = arith.minsi %scan3A_259, %reduce_min3A_269 : i32
          scf.yield %min3A : i32
        }
        %scan3A_248 = arith.constant 8 : i32
        %ge3A_249 = arith.constant 0 : i32
        %ge3A_250 = arith.cmpi sge, %scan3A_247, %ge3A_249 : i32
        %xor3A_251 = arith.constant -2147483648 : i32
        %xor3A_252 = arith.xori %scan3A_247, %xor3A_251 : i32
        %not3A_253 = arith.constant -1 : i32
        %not3A_254 = arith.xori %xor3A_252, %not3A_253 : i32
        %select_n3A_255 = arith.select %ge3A_250, %scan3A_247, %not3A_254 : i32
        %bitcast_convert_type3A_256 = arith.bitcast %select_n3A_255 : i32 to f32
        %cond3A_257 = arith.constant 0.000000e+00 : f32
        scf.yield %cond3A_257 : f32
      } else {
        %cond3A_128 = arith.constant 0.000000e+00 : f32
        scf.yield %cond3A_128 : f32
      }
      %mul3A_125 = arith.constant 128 : i32
      %mul3A_126 = arith.muli %add3A_12, %mul3A_125 : i32
      "tpu.region"() ({
        %run_scoped3A = tpu.sem_alloc : memref<!tpu.dma_semaphore, #tpu.memory_space<semaphore_mem>>
        %dma_start3A_128 = arith.constant 0 : i32
        %dma_start3A_129 = tpu.memref_slice %arg9[%dma_start3A_128] : memref<144xi32, #tpu.memory_space<vmem>> -> memref<128xi32, #tpu.memory_space<vmem>>
        %dma_start3A_130 = tpu.memref_slice %arg4[%mul3A_126] : memref<131072xi32, #tpu.memory_space<hbm>> -> memref<128xi32, #tpu.memory_space<hbm>>
        %dma_start3A_131 = tpu.memref_slice %arg4[%mul3A_126] : memref<131072xi32, #tpu.memory_space<hbm>> -> memref<128xi32, #tpu.memory_space<hbm>>
        %dma_start3A_132 = arith.constant 0 : i32
        %dma_start3A_133 = tpu.memref_slice %arg9[%dma_start3A_132] : memref<144xi32, #tpu.memory_space<vmem>> -> memref<128xi32, #tpu.memory_space<vmem>>
        tpu.enqueue_dma source(%dma_start3A_133 : memref<128xi32, #tpu.memory_space<vmem>>) target(%dma_start3A_131 : memref<128xi32, #tpu.memory_space<hbm>>) target_semaphore(%run_scoped3A : memref<!tpu.dma_semaphore, #tpu.memory_space<semaphore_mem>>)
        %dma_wait3A = arith.constant 0 : i32
        %dma_wait3A_134 = tpu.memref_slice %arg9[%dma_wait3A] : memref<144xi32, #tpu.memory_space<vmem>> -> memref<128xi32, #tpu.memory_space<vmem>>
        %dma_wait3A_135 = tpu.memref_slice %arg4[%mul3A_126] : memref<131072xi32, #tpu.memory_space<hbm>> -> memref<128xi32, #tpu.memory_space<hbm>>
        %dma_wait3A_136 = tpu.memref_slice %arg4[%mul3A_126] : memref<131072xi32, #tpu.memory_space<hbm>> -> memref<128xi32, #tpu.memory_space<hbm>>
        %dma_wait3A_137 = arith.constant 0 : i32
        %dma_wait3A_138 = tpu.memref_slice %arg9[%dma_wait3A_137] : memref<144xi32, #tpu.memory_space<vmem>> -> memref<128xi32, #tpu.memory_space<vmem>>
        tpu.wait_dma2 semaphore(%run_scoped3A : memref<!tpu.dma_semaphore, #tpu.memory_space<semaphore_mem>>) src(%dma_wait3A_138 : memref<128xi32, #tpu.memory_space<vmem>>) dst(%dma_wait3A_136 : memref<128xi32, #tpu.memory_space<hbm>>)
        tpu.yield
      }) : () -> ()
      %scan3A_127 = arith.constant 0 : i32
      scf.yield %scan3A_127 : i32
    }
    %scan3A_7 = arith.constant 32 : i32
    return
  }
}

module attributes {stable_mosaic.version = 14 : i64} {
  func.func @_xb_s1_kernel(%arg0: i32, %arg1: memref<1024x128xf32, #tpu.memory_space<vmem>>, %arg2: memref<128x128xf32, #tpu.memory_space<vmem>>, %arg3: memref<1024x32xf32, #tpu.memory_space<vmem>>, %arg4: memref<1024x128xf32, #tpu.memory_space<vmem>>, %arg5: memref<1024x1024xf32, #tpu.memory_space<vmem>>, %arg6: memref<1x1024x8xf32, #tpu.memory_space<vmem>>) attributes {dimension_semantics = [#tpu.dimension_semantics<arbitrary>], iteration_bounds = array<i64: 98>, scalar_prefetch = 0 : i64, scratch_operands = 0 : i64, tpu.core_type = #tpu.core_type<tc>, window_params = [{transform_indices = @transform_0, window_bounds = array<i64: 1024, 128>}, {pipeline_mode = #tpu.pipeline_mode<synchronous>, transform_indices = @transform_1, window_bounds = array<i64: 128, 128>}, {pipeline_mode = #tpu.pipeline_mode<synchronous>, transform_indices = @transform_2, window_bounds = array<i64: 1024, 32>}, {transform_indices = @transform_3, window_bounds = array<i64: 1024, 128>}, {transform_indices = @transform_4, window_bounds = array<i64: 1024, 1024>}, {transform_indices = @transform_5, window_bounds = array<i64: 1, 1024, 8>}]} {
    %get3A = arith.constant 0 : index
    %get3A_0 = arith.constant 0 : index
    %get3A_1 = vector.load %arg1[%get3A, %get3A_0] : memref<1024x128xf32, #tpu.memory_space<vmem>>, vector<1024x128xf32>
    %get3A_2 = arith.constant 0 : index
    %get3A_3 = arith.constant 0 : index
    %get3A_4 = vector.load %arg2[%get3A_2, %get3A_3] : memref<128x128xf32, #tpu.memory_space<vmem>>, vector<128x128xf32>
    %dot_general3A = arith.constant dense<0.000000e+00> : vector<1024x128xf32>
    %dot_general3A_5 = tpu.matmul %get3A_1, %get3A_4, %dot_general3A {dimension_numbers = #tpu.dot_dimension_numbers<[1], [1], [0], [0], [0, 0, 1, 0], [], []>, transpose_lhs_hint = false} : vector<1024x128xf32>, vector<128x128xf32>, vector<1024x128xf32> -> vector<1024x128xf32>
    %swap3A = arith.constant 0 : index
    %swap3A_6 = arith.constant 0 : index
    %swap3A_7 = vector.load %arg4[%swap3A, %swap3A_6] : memref<1024x128xf32, #tpu.memory_space<vmem>>, vector<1024x128xf32>
    tpu.vector_store %arg4[%swap3A, %swap3A_6], %dot_general3A_5 {strides = array<i32>} : memref<1024x128xf32, #tpu.memory_space<vmem>>, vector<1024x128xf32>,
    %get3A_8 = arith.constant 0 : index
    %get3A_9 = arith.constant 0 : index
    %get3A_10 = vector.load %arg3[%get3A_8, %get3A_9] : memref<1024x32xf32, #tpu.memory_space<vmem>>, vector<1024x32xf32>
    %broadcast_in_dim3A = arith.constant 0.000000e+00 : f32
    %broadcast_in_dim3A_11 = vector.broadcast %broadcast_in_dim3A : f32 to vector<1024x96xf32>
    %concatenate3A = tpu.concatenate %get3A_10, %broadcast_in_dim3A_11 in 1 : vector<1024x32xf32>, vector<1024x96xf32> -> vector<1024x128xf32>
    %dot_general3A_12 = arith.constant dense<0.000000e+00> : vector<1024x1024xf32>
    %dot_general3A_13 = tpu.matmul %concatenate3A, %dot_general3A_5, %dot_general3A_12 {dimension_numbers = #tpu.dot_dimension_numbers<[1], [1], [0], [0], [0, 0, 1, 0], [], []>, transpose_lhs_hint = false} : vector<1024x128xf32>, vector<1024x128xf32>, vector<1024x1024xf32> -> vector<1024x1024xf32>
    %mul3A = arith.constant 1024 : i32
    %mul3A_14 = arith.muli %arg0, %mul3A : i32
    %iota3A = tpu.iota {dimensions = array<i32: 1>} : vector<1024x1024xi32>
    %add3A = vector.broadcast %mul3A_14 : i32 to vector<1024x1024xi32>
    %add3A_15 = arith.addi %add3A, %iota3A : vector<1024x1024xi32>
    %lt3A = arith.constant 100000 : i32
    %lt3A_16 = vector.broadcast %lt3A : i32 to vector<1024x1024xi32>
    %lt3A_17 = arith.cmpi slt, %add3A_15, %lt3A_16 : vector<1024x1024xi32>
    %jit3A = arith.constant 0xFF800000 : f32
    %broadcast_in_dim3A_18 = vector.broadcast %jit3A : f32 to vector<1024x1024xf32>
    %select_n3A = arith.select %lt3A_17, %dot_general3A_13, %broadcast_in_dim3A_18 : vector<1024x1024xi1>, vector<1024x1024xf32>
    %swap3A_19 = arith.constant 0 : index
    %swap3A_20 = arith.constant 0 : index
    %swap3A_21 = vector.load %arg5[%swap3A_19, %swap3A_20] : memref<1024x1024xf32, #tpu.memory_space<vmem>>, vector<1024x1024xf32>
    tpu.vector_store %arg5[%swap3A_19, %swap3A_20], %select_n3A {strides = array<i32>} : memref<1024x1024xf32, #tpu.memory_space<vmem>>, vector<1024x1024xf32>,
    %reshape3A = vector.shape_cast %select_n3A : vector<1024x1024xf32> to vector<1024x8x128xf32>
    %reduce_max3A = arith.constant dense<0xFF800000> : vector<1024x8xf32>
    %reduce_max3A_22 = vector.multi_reduction <maximumf>, %reshape3A, %reduce_max3A [2] : vector<1024x8x128xf32> to vector<1024x8xf32>
    %broadcast_in_dim3A_23 = vector.shape_cast %reduce_max3A_22 : vector<1024x8xf32> to vector<1x1024x8xf32>
    %swap3A_24 = arith.constant 0 : index
    %swap3A_25 = arith.constant 0 : index
    %swap3A_26 = arith.constant 0 : index
    %swap3A_27 = vector.load %arg6[%swap3A_24, %swap3A_25, %swap3A_26] : memref<1x1024x8xf32, #tpu.memory_space<vmem>>, vector<1x1024x8xf32>
    tpu.vector_store %arg6[%swap3A_24, %swap3A_25, %swap3A_26], %broadcast_in_dim3A_23 {strides = array<i32>} : memref<1x1024x8xf32, #tpu.memory_space<vmem>>, vector<1x1024x8xf32>,
    return
  }
  func.func @transform_0(%arg0: i32) -> (i32, i32) {
    %c0_i32 = arith.constant 0 : i32
    %c0_i32_0 = arith.constant 0 : i32
    return %arg0, %c0_i32 : i32, i32
  }
  func.func @transform_1(%arg0: i32) -> (i32, i32) {
    %c0_i32 = arith.constant 0 : i32
    %c0_i32_0 = arith.constant 0 : i32
    %c0_i32_1 = arith.constant 0 : i32
    return %c0_i32, %c0_i32_0 : i32, i32
  }
  func.func @transform_2(%arg0: i32) -> (i32, i32) {
    %c0_i32 = arith.constant 0 : i32
    %c0_i32_0 = arith.constant 0 : i32
    %c0_i32_1 = arith.constant 0 : i32
    return %c0_i32, %c0_i32_0 : i32, i32
  }
  func.func @transform_3(%arg0: i32) -> (i32, i32) {
    %c0_i32 = arith.constant 0 : i32
    %c0_i32_0 = arith.constant 0 : i32
    return %arg0, %c0_i32 : i32, i32
  }
  func.func @transform_4(%arg0: i32) -> (i32, i32) {
    %c0_i32 = arith.constant 0 : i32
    %c0_i32_0 = arith.constant 0 : i32
    return %c0_i32, %arg0 : i32, i32
  }
  func.func @transform_5(%arg0: i32) -> (i32, i32, i32) {
    %c0_i32 = arith.constant 0 : i32
    %c0_i32_0 = arith.constant 0 : i32
    %c0_i32_1 = arith.constant 0 : i32
    return %arg0, %c0_i32, %c0_i32_0 : i32, i32, i32
  }
}

module attributes {stable_mosaic.version = 14 : i64} {
  func.func @_qp_kernel(%arg0: memref<1024x128xf32, #tpu.memory_space<vmem>>, %arg1: memref<128x128xf32, #tpu.memory_space<vmem>>, %arg2: memref<1024x128xf32, #tpu.memory_space<vmem>>) attributes {dimension_semantics = [], scalar_prefetch = 0 : i64, scratch_operands = 0 : i64, tpu.core_type = #tpu.core_type<tc>} {
    %get3A = arith.constant 0 : index
    %get3A_0 = arith.constant 0 : index
    %get3A_1 = vector.load %arg0[%get3A, %get3A_0] : memref<1024x128xf32, #tpu.memory_space<vmem>>, vector<1024x128xf32>
    %get3A_2 = arith.constant 0 : index
    %get3A_3 = arith.constant 0 : index
    %get3A_4 = vector.load %arg1[%get3A_2, %get3A_3] : memref<128x128xf32, #tpu.memory_space<vmem>>, vector<128x128xf32>
    %dot_general3A = arith.constant dense<0.000000e+00> : vector<1024x128xf32>
    %dot_general3A_5 = tpu.matmul %get3A_1, %get3A_4, %dot_general3A {dimension_numbers = #tpu.dot_dimension_numbers<[1], [1], [0], [0], [0, 0, 1, 0], [], []>, transpose_lhs_hint = false} : vector<1024x128xf32>, vector<128x128xf32>, vector<1024x128xf32> -> vector<1024x128xf32>
    %swap3A = arith.constant 0 : index
    %swap3A_6 = arith.constant 0 : index
    %swap3A_7 = vector.load %arg2[%swap3A, %swap3A_6] : memref<1024x128xf32, #tpu.memory_space<vmem>>, vector<1024x128xf32>
    tpu.vector_store %arg2[%swap3A, %swap3A_6], %dot_general3A_5 {strides = array<i32>} : memref<1024x128xf32, #tpu.memory_space<vmem>>, vector<1024x128xf32>,
    return
  }
}

module attributes {stable_mosaic.version = 14 : i64} {
  func.func @_rerank_kernel(%arg0: i32, %arg1: memref<64x128xf32, #tpu.memory_space<vmem>>, %arg2: memref<64x128x128xf32, #tpu.memory_space<vmem>>, %arg3: memref<64x128xi32, #tpu.memory_space<vmem>>, %arg4: memref<64x16xi32, #tpu.memory_space<vmem>>, %arg5: memref<64x16xf32, #tpu.memory_space<vmem>>) attributes {dimension_semantics = [#tpu.dimension_semantics<arbitrary>], iteration_bounds = array<i64: 16>, scalar_prefetch = 0 : i64, scratch_operands = 0 : i64, tpu.core_type = #tpu.core_type<tc>, window_params = [{transform_indices = @transform_0, window_bounds = array<i64: 64, 128>}, {transform_indices = @transform_1, window_bounds = array<i64: 64, 128, 128>}, {transform_indices = @transform_2, window_bounds = array<i64: 64, 128>}, {transform_indices = @transform_3, window_bounds = array<i64: 64, 16>}, {transform_indices = @transform_4, window_bounds = array<i64: 64, 16>}]} {
    %get3A = arith.constant 0 : index
    %get3A_0 = arith.constant 0 : index
    %get3A_1 = vector.load %arg1[%get3A, %get3A_0] : memref<64x128xf32, #tpu.memory_space<vmem>>, vector<64x128xf32>
    %convert_element_type3A = arith.truncf %get3A_1 : vector<64x128xf32> to vector<64x128xbf16>
    %convert_element_type3A_2 = arith.extf %convert_element_type3A : vector<64x128xbf16> to vector<64x128xf32>
    %get3A_3 = arith.constant 0 : index
    %get3A_4 = arith.constant 0 : index
    %get3A_5 = arith.constant 0 : index
    %get3A_6 = vector.load %arg2[%get3A_3, %get3A_4, %get3A_5] : memref<64x128x128xf32, #tpu.memory_space<vmem>>, vector<64x128x128xf32>
    %convert_element_type3A_7 = arith.truncf %get3A_6 : vector<64x128x128xf32> to vector<64x128x128xbf16>
    %convert_element_type3A_8 = arith.extf %convert_element_type3A_7 : vector<64x128x128xbf16> to vector<64x128x128xf32>
    %get3A_9 = arith.constant 0 : index
    %get3A_10 = arith.constant 0 : index
    %get3A_11 = vector.load %arg3[%get3A_9, %get3A_10] : memref<64x128xi32, #tpu.memory_space<vmem>>, vector<64x128xi32>
    %broadcast_in_dim3A = vector.shape_cast %convert_element_type3A_2 : vector<64x128xf32> to vector<64x1x128xf32>
    %mul3A = vector.broadcast %broadcast_in_dim3A : vector<64x1x128xf32> to vector<64x128x128xf32>
    %mul3A_12 = arith.mulf %convert_element_type3A_8, %mul3A : vector<64x128x128xf32>
    %reduce_sum3A = arith.constant dense<0.000000e+00> : vector<64x128xf32>
    %reduce_sum3A_13 = vector.multi_reduction <add>, %mul3A_12, %reduce_sum3A [2] : vector<64x128x128xf32> to vector<64x128xf32>
    %iota3A = tpu.iota {dimensions = array<i32: 1>} : vector<64x128xi32>
    %reduce_max3A = arith.constant dense<0xFF800000> : vector<64xf32>
    %reduce_max3A_14 = vector.multi_reduction <maximumf>, %reduce_sum3A_13, %reduce_max3A [1] : vector<64x128xf32> to vector<64xf32>
    %broadcast_in_dim3A_15 = vector.shape_cast %reduce_max3A_14 : vector<64xf32> to vector<64x1xf32>
    %eq3A = vector.broadcast %broadcast_in_dim3A_15 : vector<64x1xf32> to vector<64x128xf32>
    %eq3A_16 = arith.cmpf oeq, %reduce_sum3A_13, %eq3A : vector<64x128xf32>
    %jit3A = arith.constant 128 : i32
    %broadcast_in_dim3A_17 = vector.broadcast %jit3A : i32 to vector<64x128xi32>
    %select_n3A = arith.select %eq3A_16, %iota3A, %broadcast_in_dim3A_17 : vector<64x128xi1>, vector<64x128xi32>
    %reduce_min3A = arith.constant dense<2147483647> : vector<64xi32>
    %reduce_min3A_18 = vector.multi_reduction <minsi>, %select_n3A, %reduce_min3A [1] : vector<64x128xi32> to vector<64xi32>
    %broadcast_in_dim3A_19 = vector.shape_cast %reduce_min3A_18 : vector<64xi32> to vector<64x1xi32>
    %eq3A_20 = vector.broadcast %broadcast_in_dim3A_19 : vector<64x1xi32> to vector<64x128xi32>
    %eq3A_21 = arith.cmpi eq, %iota3A, %eq3A_20 : vector<64x128xi32>
    %jit3A_22 = arith.constant 0 : i32
    %broadcast_in_dim3A_23 = vector.broadcast %jit3A_22 : i32 to vector<64x128xi32>
    %select_n3A_24 = arith.select %eq3A_21, %get3A_11, %broadcast_in_dim3A_23 : vector<64x128xi1>, vector<64x128xi32>
    %reduce_sum3A_25 = arith.constant dense<0> : vector<64xi32>
    %reduce_sum3A_26 = vector.multi_reduction <add>, %select_n3A_24, %reduce_sum3A_25 [1] : vector<64x128xi32> to vector<64xi32>
    %broadcast_in_dim3A_27 = vector.shape_cast %reduce_sum3A_26 : vector<64xi32> to vector<64x1xi32>
    %swap3A = arith.constant 0 : index
    %swap3A_28 = arith.constant 0 : index
    %swap3A_29 = vector.load %arg4[%swap3A, %swap3A_28] : memref<64x16xi32, #tpu.memory_space<vmem>>, vector<64x1xi32>
    tpu.vector_store %arg4[%swap3A, %swap3A_28], %broadcast_in_dim3A_27 {strides = array<i32>} : memref<64x16xi32, #tpu.memory_space<vmem>>, vector<64x1xi32>,
    %swap3A_30 = arith.constant 0 : index
    %swap3A_31 = arith.constant 0 : index
    %swap3A_32 = vector.load %arg5[%swap3A_30, %swap3A_31] : memref<64x16xf32, #tpu.memory_space<vmem>>, vector<64x1xf32>
    tpu.vector_store %arg5[%swap3A_30, %swap3A_31], %broadcast_in_dim3A_15 {strides = array<i32>} : memref<64x16xf32, #tpu.memory_space<vmem>>, vector<64x1xf32>,
    %jit3A_33 = arith.constant 0xFF800000 : f32
    %broadcast_in_dim3A_34 = vector.broadcast %jit3A_33 : f32 to vector<64x128xf32>
    %select_n3A_35 = arith.select %eq3A_21, %broadcast_in_dim3A_34, %reduce_sum3A_13 : vector<64x128xi1>, vector<64x128xf32>
    %reduce_max3A_36 = arith.constant dense<0xFF800000> : vector<64xf32>
    %reduce_max3A_37 = vector.multi_reduction <maximumf>, %select_n3A_35, %reduce_max3A_36 [1] : vector<64x128xf32> to vector<64xf32>
    %broadcast_in_dim3A_38 = vector.shape_cast %reduce_max3A_37 : vector<64xf32> to vector<64x1xf32>
    %eq3A_39 = vector.broadcast %broadcast_in_dim3A_38 : vector<64x1xf32> to vector<64x128xf32>
    %eq3A_40 = arith.cmpf oeq, %select_n3A_35, %eq3A_39 : vector<64x128xf32>
    %jit3A_41 = arith.constant 128 : i32
    %broadcast_in_dim3A_42 = vector.broadcast %jit3A_41 : i32 to vector<64x128xi32>
    %select_n3A_43 = arith.select %eq3A_40, %iota3A, %broadcast_in_dim3A_42 : vector<64x128xi1>, vector<64x128xi32>
    %reduce_min3A_44 = arith.constant dense<2147483647> : vector<64xi32>
    %reduce_min3A_45 = vector.multi_reduction <minsi>, %select_n3A_43, %reduce_min3A_44 [1] : vector<64x128xi32> to vector<64xi32>
    %broadcast_in_dim3A_46 = vector.shape_cast %reduce_min3A_45 : vector<64xi32> to vector<64x1xi32>
    %eq3A_47 = vector.broadcast %broadcast_in_dim3A_46 : vector<64x1xi32> to vector<64x128xi32>
    %eq3A_48 = arith.cmpi eq, %iota3A, %eq3A_47 : vector<64x128xi32>
    %jit3A_49 = arith.constant 0 : i32
    %broadcast_in_dim3A_50 = vector.broadcast %jit3A_49 : i32 to vector<64x128xi32>
    %select_n3A_51 = arith.select %eq3A_48, %get3A_11, %broadcast_in_dim3A_50 : vector<64x128xi1>, vector<64x128xi32>
    %reduce_sum3A_52 = arith.constant dense<0> : vector<64xi32>
    %reduce_sum3A_53 = vector.multi_reduction <add>, %select_n3A_51, %reduce_sum3A_52 [1] : vector<64x128xi32> to vector<64xi32>
    %broadcast_in_dim3A_54 = vector.shape_cast %reduce_sum3A_53 : vector<64xi32> to vector<64x1xi32>
    %swap3A_55 = arith.constant 0 : index
    %swap3A_56 = arith.constant 1 : index
    %swap3A_57 = vector.load %arg4[%swap3A_55, %swap3A_56] : memref<64x16xi32, #tpu.memory_space<vmem>>, vector<64x1xi32>
    tpu.vector_store %arg4[%swap3A_55, %swap3A_56], %broadcast_in_dim3A_54 {strides = array<i32>} : memref<64x16xi32, #tpu.memory_space<vmem>>, vector<64x1xi32>,
    %swap3A_58 = arith.constant 0 : index
    %swap3A_59 = arith.constant 1 : index
    %swap3A_60 = vector.load %arg5[%swap3A_58, %swap3A_59] : memref<64x16xf32, #tpu.memory_space<vmem>>, vector<64x1xf32>
    tpu.vector_store %arg5[%swap3A_58, %swap3A_59], %broadcast_in_dim3A_38 {strides = array<i32>} : memref<64x16xf32, #tpu.memory_space<vmem>>, vector<64x1xf32>,
    %jit3A_61 = arith.constant 0xFF800000 : f32
    %broadcast_in_dim3A_62 = vector.broadcast %jit3A_61 : f32 to vector<64x128xf32>
    %select_n3A_63 = arith.select %eq3A_48, %broadcast_in_dim3A_62, %select_n3A_35 : vector<64x128xi1>, vector<64x128xf32>
    %reduce_max3A_64 = arith.constant dense<0xFF800000> : vector<64xf32>
    %reduce_max3A_65 = vector.multi_reduction <maximumf>, %select_n3A_63, %reduce_max3A_64 [1] : vector<64x128xf32> to vector<64xf32>
    %broadcast_in_dim3A_66 = vector.shape_cast %reduce_max3A_65 : vector<64xf32> to vector<64x1xf32>
    %eq3A_67 = vector.broadcast %broadcast_in_dim3A_66 : vector<64x1xf32> to vector<64x128xf32>
    %eq3A_68 = arith.cmpf oeq, %select_n3A_63, %eq3A_67 : vector<64x128xf32>
    %jit3A_69 = arith.constant 128 : i32
    %broadcast_in_dim3A_70 = vector.broadcast %jit3A_69 : i32 to vector<64x128xi32>
    %select_n3A_71 = arith.select %eq3A_68, %iota3A, %broadcast_in_dim3A_70 : vector<64x128xi1>, vector<64x128xi32>
    %reduce_min3A_72 = arith.constant dense<2147483647> : vector<64xi32>
    %reduce_min3A_73 = vector.multi_reduction <minsi>, %select_n3A_71, %reduce_min3A_72 [1] : vector<64x128xi32> to vector<64xi32>
    %broadcast_in_dim3A_74 = vector.shape_cast %reduce_min3A_73 : vector<64xi32> to vector<64x1xi32>
    %eq3A_75 = vector.broadcast %broadcast_in_dim3A_74 : vector<64x1xi32> to vector<64x128xi32>
    %eq3A_76 = arith.cmpi eq, %iota3A, %eq3A_75 : vector<64x128xi32>
    %jit3A_77 = arith.constant 0 : i32
    %broadcast_in_dim3A_78 = vector.broadcast %jit3A_77 : i32 to vector<64x128xi32>
    %select_n3A_79 = arith.select %eq3A_76, %get3A_11, %broadcast_in_dim3A_78 : vector<64x128xi1>, vector<64x128xi32>
    %reduce_sum3A_80 = arith.constant dense<0> : vector<64xi32>
    %reduce_sum3A_81 = vector.multi_reduction <add>, %select_n3A_79, %reduce_sum3A_80 [1] : vector<64x128xi32> to vector<64xi32>
    %broadcast_in_dim3A_82 = vector.shape_cast %reduce_sum3A_81 : vector<64xi32> to vector<64x1xi32>
    %swap3A_83 = arith.constant 0 : index
    %swap3A_84 = arith.constant 2 : index
    %swap3A_85 = vector.load %arg4[%swap3A_83, %swap3A_84] : memref<64x16xi32, #tpu.memory_space<vmem>>, vector<64x1xi32>
    tpu.vector_store %arg4[%swap3A_83, %swap3A_84], %broadcast_in_dim3A_82 {strides = array<i32>} : memref<64x16xi32, #tpu.memory_space<vmem>>, vector<64x1xi32>,
    %swap3A_86 = arith.constant 0 : index
    %swap3A_87 = arith.constant 2 : index
    %swap3A_88 = vector.load %arg5[%swap3A_86, %swap3A_87] : memref<64x16xf32, #tpu.memory_space<vmem>>, vector<64x1xf32>
    tpu.vector_store %arg5[%swap3A_86, %swap3A_87], %broadcast_in_dim3A_66 {strides = array<i32>} : memref<64x16xf32, #tpu.memory_space<vmem>>, vector<64x1xf32>,
    %jit3A_89 = arith.constant 0xFF800000 : f32
    %broadcast_in_dim3A_90 = vector.broadcast %jit3A_89 : f32 to vector<64x128xf32>
    %select_n3A_91 = arith.select %eq3A_76, %broadcast_in_dim3A_90, %select_n3A_63 : vector<64x128xi1>, vector<64x128xf32>
    %reduce_max3A_92 = arith.constant dense<0xFF800000> : vector<64xf32>
    %reduce_max3A_93 = vector.multi_reduction <maximumf>, %select_n3A_91, %reduce_max3A_92 [1] : vector<64x128xf32> to vector<64xf32>
    %broadcast_in_dim3A_94 = vector.shape_cast %reduce_max3A_93 : vector<64xf32> to vector<64x1xf32>
    %eq3A_95 = vector.broadcast %broadcast_in_dim3A_94 : vector<64x1xf32> to vector<64x128xf32>
    %eq3A_96 = arith.cmpf oeq, %select_n3A_91, %eq3A_95 : vector<64x128xf32>
    %jit3A_97 = arith.constant 128 : i32
    %broadcast_in_dim3A_98 = vector.broadcast %jit3A_97 : i32 to vector<64x128xi32>
    %select_n3A_99 = arith.select %eq3A_96, %iota3A, %broadcast_in_dim3A_98 : vector<64x128xi1>, vector<64x128xi32>
    %reduce_min3A_100 = arith.constant dense<2147483647> : vector<64xi32>
    %reduce_min3A_101 = vector.multi_reduction <minsi>, %select_n3A_99, %reduce_min3A_100 [1] : vector<64x128xi32> to vector<64xi32>
    %broadcast_in_dim3A_102 = vector.shape_cast %reduce_min3A_101 : vector<64xi32> to vector<64x1xi32>
    %eq3A_103 = vector.broadcast %broadcast_in_dim3A_102 : vector<64x1xi32> to vector<64x128xi32>
    %eq3A_104 = arith.cmpi eq, %iota3A, %eq3A_103 : vector<64x128xi32>
    %jit3A_105 = arith.constant 0 : i32
    %broadcast_in_dim3A_106 = vector.broadcast %jit3A_105 : i32 to vector<64x128xi32>
    %select_n3A_107 = arith.select %eq3A_104, %get3A_11, %broadcast_in_dim3A_106 : vector<64x128xi1>, vector<64x128xi32>
    %reduce_sum3A_108 = arith.constant dense<0> : vector<64xi32>
    %reduce_sum3A_109 = vector.multi_reduction <add>, %select_n3A_107, %reduce_sum3A_108 [1] : vector<64x128xi32> to vector<64xi32>
    %broadcast_in_dim3A_110 = vector.shape_cast %reduce_sum3A_109 : vector<64xi32> to vector<64x1xi32>
    %swap3A_111 = arith.constant 0 : index
    %swap3A_112 = arith.constant 3 : index
    %swap3A_113 = vector.load %arg4[%swap3A_111, %swap3A_112] : memref<64x16xi32, #tpu.memory_space<vmem>>, vector<64x1xi32>
    tpu.vector_store %arg4[%swap3A_111, %swap3A_112], %broadcast_in_dim3A_110 {strides = array<i32>} : memref<64x16xi32, #tpu.memory_space<vmem>>, vector<64x1xi32>,
    %swap3A_114 = arith.constant 0 : index
    %swap3A_115 = arith.constant 3 : index
    %swap3A_116 = vector.load %arg5[%swap3A_114, %swap3A_115] : memref<64x16xf32, #tpu.memory_space<vmem>>, vector<64x1xf32>
    tpu.vector_store %arg5[%swap3A_114, %swap3A_115], %broadcast_in_dim3A_94 {strides = array<i32>} : memref<64x16xf32, #tpu.memory_space<vmem>>, vector<64x1xf32>,
    %jit3A_117 = arith.constant 0xFF800000 : f32
    %broadcast_in_dim3A_118 = vector.broadcast %jit3A_117 : f32 to vector<64x128xf32>
    %select_n3A_119 = arith.select %eq3A_104, %broadcast_in_dim3A_118, %select_n3A_91 : vector<64x128xi1>, vector<64x128xf32>
    %reduce_max3A_120 = arith.constant dense<0xFF800000> : vector<64xf32>
    %reduce_max3A_121 = vector.multi_reduction <maximumf>, %select_n3A_119, %reduce_max3A_120 [1] : vector<64x128xf32> to vector<64xf32>
    %broadcast_in_dim3A_122 = vector.shape_cast %reduce_max3A_121 : vector<64xf32> to vector<64x1xf32>
    %eq3A_123 = vector.broadcast %broadcast_in_dim3A_122 : vector<64x1xf32> to vector<64x128xf32>
    %eq3A_124 = arith.cmpf oeq, %select_n3A_119, %eq3A_123 : vector<64x128xf32>
    %jit3A_125 = arith.constant 128 : i32
    %broadcast_in_dim3A_126 = vector.broadcast %jit3A_125 : i32 to vector<64x128xi32>
    %select_n3A_127 = arith.select %eq3A_124, %iota3A, %broadcast_in_dim3A_126 : vector<64x128xi1>, vector<64x128xi32>
    %reduce_min3A_128 = arith.constant dense<2147483647> : vector<64xi32>
    %reduce_min3A_129 = vector.multi_reduction <minsi>, %select_n3A_127, %reduce_min3A_128 [1] : vector<64x128xi32> to vector<64xi32>
    %broadcast_in_dim3A_130 = vector.shape_cast %reduce_min3A_129 : vector<64xi32> to vector<64x1xi32>
    %eq3A_131 = vector.broadcast %broadcast_in_dim3A_130 : vector<64x1xi32> to vector<64x128xi32>
    %eq3A_132 = arith.cmpi eq, %iota3A, %eq3A_131 : vector<64x128xi32>
    %jit3A_133 = arith.constant 0 : i32
    %broadcast_in_dim3A_134 = vector.broadcast %jit3A_133 : i32 to vector<64x128xi32>
    %select_n3A_135 = arith.select %eq3A_132, %get3A_11, %broadcast_in_dim3A_134 : vector<64x128xi1>, vector<64x128xi32>
    %reduce_sum3A_136 = arith.constant dense<0> : vector<64xi32>
    %reduce_sum3A_137 = vector.multi_reduction <add>, %select_n3A_135, %reduce_sum3A_136 [1] : vector<64x128xi32> to vector<64xi32>
    %broadcast_in_dim3A_138 = vector.shape_cast %reduce_sum3A_137 : vector<64xi32> to vector<64x1xi32>
    %swap3A_139 = arith.constant 0 : index
    %swap3A_140 = arith.constant 4 : index
    %swap3A_141 = vector.load %arg4[%swap3A_139, %swap3A_140] : memref<64x16xi32, #tpu.memory_space<vmem>>, vector<64x1xi32>
    tpu.vector_store %arg4[%swap3A_139, %swap3A_140], %broadcast_in_dim3A_138 {strides = array<i32>} : memref<64x16xi32, #tpu.memory_space<vmem>>, vector<64x1xi32>,
    %swap3A_142 = arith.constant 0 : index
    %swap3A_143 = arith.constant 4 : index
    %swap3A_144 = vector.load %arg5[%swap3A_142, %swap3A_143] : memref<64x16xf32, #tpu.memory_space<vmem>>, vector<64x1xf32>
    tpu.vector_store %arg5[%swap3A_142, %swap3A_143], %broadcast_in_dim3A_122 {strides = array<i32>} : memref<64x16xf32, #tpu.memory_space<vmem>>, vector<64x1xf32>,
    %jit3A_145 = arith.constant 0xFF800000 : f32
    %broadcast_in_dim3A_146 = vector.broadcast %jit3A_145 : f32 to vector<64x128xf32>
    %select_n3A_147 = arith.select %eq3A_132, %broadcast_in_dim3A_146, %select_n3A_119 : vector<64x128xi1>, vector<64x128xf32>
    %reduce_max3A_148 = arith.constant dense<0xFF800000> : vector<64xf32>
    %reduce_max3A_149 = vector.multi_reduction <maximumf>, %select_n3A_147, %reduce_max3A_148 [1] : vector<64x128xf32> to vector<64xf32>
    %broadcast_in_dim3A_150 = vector.shape_cast %reduce_max3A_149 : vector<64xf32> to vector<64x1xf32>
    %eq3A_151 = vector.broadcast %broadcast_in_dim3A_150 : vector<64x1xf32> to vector<64x128xf32>
    %eq3A_152 = arith.cmpf oeq, %select_n3A_147, %eq3A_151 : vector<64x128xf32>
    %jit3A_153 = arith.constant 128 : i32
    %broadcast_in_dim3A_154 = vector.broadcast %jit3A_153 : i32 to vector<64x128xi32>
    %select_n3A_155 = arith.select %eq3A_152, %iota3A, %broadcast_in_dim3A_154 : vector<64x128xi1>, vector<64x128xi32>
    %reduce_min3A_156 = arith.constant dense<2147483647> : vector<64xi32>
    %reduce_min3A_157 = vector.multi_reduction <minsi>, %select_n3A_155, %reduce_min3A_156 [1] : vector<64x128xi32> to vector<64xi32>
    %broadcast_in_dim3A_158 = vector.shape_cast %reduce_min3A_157 : vector<64xi32> to vector<64x1xi32>
    %eq3A_159 = vector.broadcast %broadcast_in_dim3A_158 : vector<64x1xi32> to vector<64x128xi32>
    %eq3A_160 = arith.cmpi eq, %iota3A, %eq3A_159 : vector<64x128xi32>
    %jit3A_161 = arith.constant 0 : i32
    %broadcast_in_dim3A_162 = vector.broadcast %jit3A_161 : i32 to vector<64x128xi32>
    %select_n3A_163 = arith.select %eq3A_160, %get3A_11, %broadcast_in_dim3A_162 : vector<64x128xi1>, vector<64x128xi32>
    %reduce_sum3A_164 = arith.constant dense<0> : vector<64xi32>
    %reduce_sum3A_165 = vector.multi_reduction <add>, %select_n3A_163, %reduce_sum3A_164 [1] : vector<64x128xi32> to vector<64xi32>
    %broadcast_in_dim3A_166 = vector.shape_cast %reduce_sum3A_165 : vector<64xi32> to vector<64x1xi32>
    %swap3A_167 = arith.constant 0 : index
    %swap3A_168 = arith.constant 5 : index
    %swap3A_169 = vector.load %arg4[%swap3A_167, %swap3A_168] : memref<64x16xi32, #tpu.memory_space<vmem>>, vector<64x1xi32>
    tpu.vector_store %arg4[%swap3A_167, %swap3A_168], %broadcast_in_dim3A_166 {strides = array<i32>} : memref<64x16xi32, #tpu.memory_space<vmem>>, vector<64x1xi32>,
    %swap3A_170 = arith.constant 0 : index
    %swap3A_171 = arith.constant 5 : index
    %swap3A_172 = vector.load %arg5[%swap3A_170, %swap3A_171] : memref<64x16xf32, #tpu.memory_space<vmem>>, vector<64x1xf32>
    tpu.vector_store %arg5[%swap3A_170, %swap3A_171], %broadcast_in_dim3A_150 {strides = array<i32>} : memref<64x16xf32, #tpu.memory_space<vmem>>, vector<64x1xf32>,
    %jit3A_173 = arith.constant 0xFF800000 : f32
    %broadcast_in_dim3A_174 = vector.broadcast %jit3A_173 : f32 to vector<64x128xf32>
    %select_n3A_175 = arith.select %eq3A_160, %broadcast_in_dim3A_174, %select_n3A_147 : vector<64x128xi1>, vector<64x128xf32>
    %reduce_max3A_176 = arith.constant dense<0xFF800000> : vector<64xf32>
    %reduce_max3A_177 = vector.multi_reduction <maximumf>, %select_n3A_175, %reduce_max3A_176 [1] : vector<64x128xf32> to vector<64xf32>
    %broadcast_in_dim3A_178 = vector.shape_cast %reduce_max3A_177 : vector<64xf32> to vector<64x1xf32>
    %eq3A_179 = vector.broadcast %broadcast_in_dim3A_178 : vector<64x1xf32> to vector<64x128xf32>
    %eq3A_180 = arith.cmpf oeq, %select_n3A_175, %eq3A_179 : vector<64x128xf32>
    %jit3A_181 = arith.constant 128 : i32
    %broadcast_in_dim3A_182 = vector.broadcast %jit3A_181 : i32 to vector<64x128xi32>
    %select_n3A_183 = arith.select %eq3A_180, %iota3A, %broadcast_in_dim3A_182 : vector<64x128xi1>, vector<64x128xi32>
    %reduce_min3A_184 = arith.constant dense<2147483647> : vector<64xi32>
    %reduce_min3A_185 = vector.multi_reduction <minsi>, %select_n3A_183, %reduce_min3A_184 [1] : vector<64x128xi32> to vector<64xi32>
    %broadcast_in_dim3A_186 = vector.shape_cast %reduce_min3A_185 : vector<64xi32> to vector<64x1xi32>
    %eq3A_187 = vector.broadcast %broadcast_in_dim3A_186 : vector<64x1xi32> to vector<64x128xi32>
    %eq3A_188 = arith.cmpi eq, %iota3A, %eq3A_187 : vector<64x128xi32>
    %jit3A_189 = arith.constant 0 : i32
    %broadcast_in_dim3A_190 = vector.broadcast %jit3A_189 : i32 to vector<64x128xi32>
    %select_n3A_191 = arith.select %eq3A_188, %get3A_11, %broadcast_in_dim3A_190 : vector<64x128xi1>, vector<64x128xi32>
    %reduce_sum3A_192 = arith.constant dense<0> : vector<64xi32>
    %reduce_sum3A_193 = vector.multi_reduction <add>, %select_n3A_191, %reduce_sum3A_192 [1] : vector<64x128xi32> to vector<64xi32>
    %broadcast_in_dim3A_194 = vector.shape_cast %reduce_sum3A_193 : vector<64xi32> to vector<64x1xi32>
    %swap3A_195 = arith.constant 0 : index
    %swap3A_196 = arith.constant 6 : index
    %swap3A_197 = vector.load %arg4[%swap3A_195, %swap3A_196] : memref<64x16xi32, #tpu.memory_space<vmem>>, vector<64x1xi32>
    tpu.vector_store %arg4[%swap3A_195, %swap3A_196], %broadcast_in_dim3A_194 {strides = array<i32>} : memref<64x16xi32, #tpu.memory_space<vmem>>, vector<64x1xi32>,
    %swap3A_198 = arith.constant 0 : index
    %swap3A_199 = arith.constant 6 : index
    %swap3A_200 = vector.load %arg5[%swap3A_198, %swap3A_199] : memref<64x16xf32, #tpu.memory_space<vmem>>, vector<64x1xf32>
    tpu.vector_store %arg5[%swap3A_198, %swap3A_199], %broadcast_in_dim3A_178 {strides = array<i32>} : memref<64x16xf32, #tpu.memory_space<vmem>>, vector<64x1xf32>,
    %jit3A_201 = arith.constant 0xFF800000 : f32
    %broadcast_in_dim3A_202 = vector.broadcast %jit3A_201 : f32 to vector<64x128xf32>
    %select_n3A_203 = arith.select %eq3A_188, %broadcast_in_dim3A_202, %select_n3A_175 : vector<64x128xi1>, vector<64x128xf32>
    %reduce_max3A_204 = arith.constant dense<0xFF800000> : vector<64xf32>
    %reduce_max3A_205 = vector.multi_reduction <maximumf>, %select_n3A_203, %reduce_max3A_204 [1] : vector<64x128xf32> to vector<64xf32>
    %broadcast_in_dim3A_206 = vector.shape_cast %reduce_max3A_205 : vector<64xf32> to vector<64x1xf32>
    %eq3A_207 = vector.broadcast %broadcast_in_dim3A_206 : vector<64x1xf32> to vector<64x128xf32>
    %eq3A_208 = arith.cmpf oeq, %select_n3A_203, %eq3A_207 : vector<64x128xf32>
    %jit3A_209 = arith.constant 128 : i32
    %broadcast_in_dim3A_210 = vector.broadcast %jit3A_209 : i32 to vector<64x128xi32>
    %select_n3A_211 = arith.select %eq3A_208, %iota3A, %broadcast_in_dim3A_210 : vector<64x128xi1>, vector<64x128xi32>
    %reduce_min3A_212 = arith.constant dense<2147483647> : vector<64xi32>
    %reduce_min3A_213 = vector.multi_reduction <minsi>, %select_n3A_211, %reduce_min3A_212 [1] : vector<64x128xi32> to vector<64xi32>
    %broadcast_in_dim3A_214 = vector.shape_cast %reduce_min3A_213 : vector<64xi32> to vector<64x1xi32>
    %eq3A_215 = vector.broadcast %broadcast_in_dim3A_214 : vector<64x1xi32> to vector<64x128xi32>
    %eq3A_216 = arith.cmpi eq, %iota3A, %eq3A_215 : vector<64x128xi32>
    %jit3A_217 = arith.constant 0 : i32
    %broadcast_in_dim3A_218 = vector.broadcast %jit3A_217 : i32 to vector<64x128xi32>
    %select_n3A_219 = arith.select %eq3A_216, %get3A_11, %broadcast_in_dim3A_218 : vector<64x128xi1>, vector<64x128xi32>
    %reduce_sum3A_220 = arith.constant dense<0> : vector<64xi32>
    %reduce_sum3A_221 = vector.multi_reduction <add>, %select_n3A_219, %reduce_sum3A_220 [1] : vector<64x128xi32> to vector<64xi32>
    %broadcast_in_dim3A_222 = vector.shape_cast %reduce_sum3A_221 : vector<64xi32> to vector<64x1xi32>
    %swap3A_223 = arith.constant 0 : index
    %swap3A_224 = arith.constant 7 : index
    %swap3A_225 = vector.load %arg4[%swap3A_223, %swap3A_224] : memref<64x16xi32, #tpu.memory_space<vmem>>, vector<64x1xi32>
    tpu.vector_store %arg4[%swap3A_223, %swap3A_224], %broadcast_in_dim3A_222 {strides = array<i32>} : memref<64x16xi32, #tpu.memory_space<vmem>>, vector<64x1xi32>,
    %swap3A_226 = arith.constant 0 : index
    %swap3A_227 = arith.constant 7 : index
    %swap3A_228 = vector.load %arg5[%swap3A_226, %swap3A_227] : memref<64x16xf32, #tpu.memory_space<vmem>>, vector<64x1xf32>
    tpu.vector_store %arg5[%swap3A_226, %swap3A_227], %broadcast_in_dim3A_206 {strides = array<i32>} : memref<64x16xf32, #tpu.memory_space<vmem>>, vector<64x1xf32>,
    %jit3A_229 = arith.constant 0xFF800000 : f32
    %broadcast_in_dim3A_230 = vector.broadcast %jit3A_229 : f32 to vector<64x128xf32>
    %select_n3A_231 = arith.select %eq3A_216, %broadcast_in_dim3A_230, %select_n3A_203 : vector<64x128xi1>, vector<64x128xf32>
    %reduce_max3A_232 = arith.constant dense<0xFF800000> : vector<64xf32>
    %reduce_max3A_233 = vector.multi_reduction <maximumf>, %select_n3A_231, %reduce_max3A_232 [1] : vector<64x128xf32> to vector<64xf32>
    %broadcast_in_dim3A_234 = vector.shape_cast %reduce_max3A_233 : vector<64xf32> to vector<64x1xf32>
    %eq3A_235 = vector.broadcast %broadcast_in_dim3A_234 : vector<64x1xf32> to vector<64x128xf32>
    %eq3A_236 = arith.cmpf oeq, %select_n3A_231, %eq3A_235 : vector<64x128xf32>
    %jit3A_237 = arith.constant 128 : i32
    %broadcast_in_dim3A_238 = vector.broadcast %jit3A_237 : i32 to vector<64x128xi32>
    %select_n3A_239 = arith.select %eq3A_236, %iota3A, %broadcast_in_dim3A_238 : vector<64x128xi1>, vector<64x128xi32>
    %reduce_min3A_240 = arith.constant dense<2147483647> : vector<64xi32>
    %reduce_min3A_241 = vector.multi_reduction <minsi>, %select_n3A_239, %reduce_min3A_240 [1] : vector<64x128xi32> to vector<64xi32>
    %broadcast_in_dim3A_242 = vector.shape_cast %reduce_min3A_241 : vector<64xi32> to vector<64x1xi32>
    %eq3A_243 = vector.broadcast %broadcast_in_dim3A_242 : vector<64x1xi32> to vector<64x128xi32>
    %eq3A_244 = arith.cmpi eq, %iota3A, %eq3A_243 : vector<64x128xi32>
    %jit3A_245 = arith.constant 0 : i32
    %broadcast_in_dim3A_246 = vector.broadcast %jit3A_245 : i32 to vector<64x128xi32>
    %select_n3A_247 = arith.select %eq3A_244, %get3A_11, %broadcast_in_dim3A_246 : vector<64x128xi1>, vector<64x128xi32>
    %reduce_sum3A_248 = arith.constant dense<0> : vector<64xi32>
    %reduce_sum3A_249 = vector.multi_reduction <add>, %select_n3A_247, %reduce_sum3A_248 [1] : vector<64x128xi32> to vector<64xi32>
    %broadcast_in_dim3A_250 = vector.shape_cast %reduce_sum3A_249 : vector<64xi32> to vector<64x1xi32>
    %swap3A_251 = arith.constant 0 : index
    %swap3A_252 = arith.constant 8 : index
    %swap3A_253 = vector.load %arg4[%swap3A_251, %swap3A_252] : memref<64x16xi32, #tpu.memory_space<vmem>>, vector<64x1xi32>
    tpu.vector_store %arg4[%swap3A_251, %swap3A_252], %broadcast_in_dim3A_250 {strides = array<i32>} : memref<64x16xi32, #tpu.memory_space<vmem>>, vector<64x1xi32>,
    %swap3A_254 = arith.constant 0 : index
    %swap3A_255 = arith.constant 8 : index
    %swap3A_256 = vector.load %arg5[%swap3A_254, %swap3A_255] : memref<64x16xf32, #tpu.memory_space<vmem>>, vector<64x1xf32>
    tpu.vector_store %arg5[%swap3A_254, %swap3A_255], %broadcast_in_dim3A_234 {strides = array<i32>} : memref<64x16xf32, #tpu.memory_space<vmem>>, vector<64x1xf32>,
    %jit3A_257 = arith.constant 0xFF800000 : f32
    %broadcast_in_dim3A_258 = vector.broadcast %jit3A_257 : f32 to vector<64x128xf32>
    %select_n3A_259 = arith.select %eq3A_244, %broadcast_in_dim3A_258, %select_n3A_231 : vector<64x128xi1>, vector<64x128xf32>
    %reduce_max3A_260 = arith.constant dense<0xFF800000> : vector<64xf32>
    %reduce_max3A_261 = vector.multi_reduction <maximumf>, %select_n3A_259, %reduce_max3A_260 [1] : vector<64x128xf32> to vector<64xf32>
    %broadcast_in_dim3A_262 = vector.shape_cast %reduce_max3A_261 : vector<64xf32> to vector<64x1xf32>
    %eq3A_263 = vector.broadcast %broadcast_in_dim3A_262 : vector<64x1xf32> to vector<64x128xf32>
    %eq3A_264 = arith.cmpf oeq, %select_n3A_259, %eq3A_263 : vector<64x128xf32>
    %jit3A_265 = arith.constant 128 : i32
    %broadcast_in_dim3A_266 = vector.broadcast %jit3A_265 : i32 to vector<64x128xi32>
    %select_n3A_267 = arith.select %eq3A_264, %iota3A, %broadcast_in_dim3A_266 : vector<64x128xi1>, vector<64x128xi32>
    %reduce_min3A_268 = arith.constant dense<2147483647> : vector<64xi32>
    %reduce_min3A_269 = vector.multi_reduction <minsi>, %select_n3A_267, %reduce_min3A_268 [1] : vector<64x128xi32> to vector<64xi32>
    %broadcast_in_dim3A_270 = vector.shape_cast %reduce_min3A_269 : vector<64xi32> to vector<64x1xi32>
    %eq3A_271 = vector.broadcast %broadcast_in_dim3A_270 : vector<64x1xi32> to vector<64x128xi32>
    %eq3A_272 = arith.cmpi eq, %iota3A, %eq3A_271 : vector<64x128xi32>
    %jit3A_273 = arith.constant 0 : i32
    %broadcast_in_dim3A_274 = vector.broadcast %jit3A_273 : i32 to vector<64x128xi32>
    %select_n3A_275 = arith.select %eq3A_272, %get3A_11, %broadcast_in_dim3A_274 : vector<64x128xi1>, vector<64x128xi32>
    %reduce_sum3A_276 = arith.constant dense<0> : vector<64xi32>
    %reduce_sum3A_277 = vector.multi_reduction <add>, %select_n3A_275, %reduce_sum3A_276 [1] : vector<64x128xi32> to vector<64xi32>
    %broadcast_in_dim3A_278 = vector.shape_cast %reduce_sum3A_277 : vector<64xi32> to vector<64x1xi32>
    %swap3A_279 = arith.constant 0 : index
    %swap3A_280 = arith.constant 9 : index
    %swap3A_281 = vector.load %arg4[%swap3A_279, %swap3A_280] : memref<64x16xi32, #tpu.memory_space<vmem>>, vector<64x1xi32>
    tpu.vector_store %arg4[%swap3A_279, %swap3A_280], %broadcast_in_dim3A_278 {strides = array<i32>} : memref<64x16xi32, #tpu.memory_space<vmem>>, vector<64x1xi32>,
    %swap3A_282 = arith.constant 0 : index
    %swap3A_283 = arith.constant 9 : index
    %swap3A_284 = vector.load %arg5[%swap3A_282, %swap3A_283] : memref<64x16xf32, #tpu.memory_space<vmem>>, vector<64x1xf32>
    tpu.vector_store %arg5[%swap3A_282, %swap3A_283], %broadcast_in_dim3A_262 {strides = array<i32>} : memref<64x16xf32, #tpu.memory_space<vmem>>, vector<64x1xf32>,
    %broadcast_in_dim3A_285 = arith.constant 0 : i32
    %broadcast_in_dim3A_286 = vector.broadcast %broadcast_in_dim3A_285 : i32 to vector<64x1xi32>
    %swap3A_287 = arith.constant 0 : index
    %swap3A_288 = arith.constant 10 : index
    %swap3A_289 = vector.load %arg4[%swap3A_287, %swap3A_288] : memref<64x16xi32, #tpu.memory_space<vmem>>, vector<64x1xi32>
    tpu.vector_store %arg4[%swap3A_287, %swap3A_288], %broadcast_in_dim3A_286 {strides = array<i32>} : memref<64x16xi32, #tpu.memory_space<vmem>>, vector<64x1xi32>,
    %broadcast_in_dim3A_290 = arith.constant 0.000000e+00 : f32
    %broadcast_in_dim3A_291 = vector.broadcast %broadcast_in_dim3A_290 : f32 to vector<64x1xf32>
    %swap3A_292 = arith.constant 0 : index
    %swap3A_293 = arith.constant 10 : index
    %swap3A_294 = vector.load %arg5[%swap3A_292, %swap3A_293] : memref<64x16xf32, #tpu.memory_space<vmem>>, vector<64x1xf32>
    tpu.vector_store %arg5[%swap3A_292, %swap3A_293], %broadcast_in_dim3A_291 {strides = array<i32>} : memref<64x16xf32, #tpu.memory_space<vmem>>, vector<64x1xf32>,
    %broadcast_in_dim3A_295 = arith.constant 0 : i32
    %broadcast_in_dim3A_296 = vector.broadcast %broadcast_in_dim3A_295 : i32 to vector<64x1xi32>
    %swap3A_297 = arith.constant 0 : index
    %swap3A_298 = arith.constant 11 : index
    %swap3A_299 = vector.load %arg4[%swap3A_297, %swap3A_298] : memref<64x16xi32, #tpu.memory_space<vmem>>, vector<64x1xi32>
    tpu.vector_store %arg4[%swap3A_297, %swap3A_298], %broadcast_in_dim3A_296 {strides = array<i32>} : memref<64x16xi32, #tpu.memory_space<vmem>>, vector<64x1xi32>,
    %broadcast_in_dim3A_300 = arith.constant 0.000000e+00 : f32
    %broadcast_in_dim3A_301 = vector.broadcast %broadcast_in_dim3A_300 : f32 to vector<64x1xf32>
    %swap3A_302 = arith.constant 0 : index
    %swap3A_303 = arith.constant 11 : index
    %swap3A_304 = vector.load %arg5[%swap3A_302, %swap3A_303] : memref<64x16xf32, #tpu.memory_space<vmem>>, vector<64x1xf32>
    tpu.vector_store %arg5[%swap3A_302, %swap3A_303], %broadcast_in_dim3A_301 {strides = array<i32>} : memref<64x16xf32, #tpu.memory_space<vmem>>, vector<64x1xf32>,
    %broadcast_in_dim3A_305 = arith.constant 0 : i32
    %broadcast_in_dim3A_306 = vector.broadcast %broadcast_in_dim3A_305 : i32 to vector<64x1xi32>
    %swap3A_307 = arith.constant 0 : index
    %swap3A_308 = arith.constant 12 : index
    %swap3A_309 = vector.load %arg4[%swap3A_307, %swap3A_308] : memref<64x16xi32, #tpu.memory_space<vmem>>, vector<64x1xi32>
    tpu.vector_store %arg4[%swap3A_307, %swap3A_308], %broadcast_in_dim3A_306 {strides = array<i32>} : memref<64x16xi32, #tpu.memory_space<vmem>>, vector<64x1xi32>,
    %broadcast_in_dim3A_310 = arith.constant 0.000000e+00 : f32
    %broadcast_in_dim3A_311 = vector.broadcast %broadcast_in_dim3A_310 : f32 to vector<64x1xf32>
    %swap3A_312 = arith.constant 0 : index
    %swap3A_313 = arith.constant 12 : index
    %swap3A_314 = vector.load %arg5[%swap3A_312, %swap3A_313] : memref<64x16xf32, #tpu.memory_space<vmem>>, vector<64x1xf32>
    tpu.vector_store %arg5[%swap3A_312, %swap3A_313], %broadcast_in_dim3A_311 {strides = array<i32>} : memref<64x16xf32, #tpu.memory_space<vmem>>, vector<64x1xf32>,
    %broadcast_in_dim3A_315 = arith.constant 0 : i32
    %broadcast_in_dim3A_316 = vector.broadcast %broadcast_in_dim3A_315 : i32 to vector<64x1xi32>
    %swap3A_317 = arith.constant 0 : index
    %swap3A_318 = arith.constant 13 : index
    %swap3A_319 = vector.load %arg4[%swap3A_317, %swap3A_318] : memref<64x16xi32, #tpu.memory_space<vmem>>, vector<64x1xi32>
    tpu.vector_store %arg4[%swap3A_317, %swap3A_318], %broadcast_in_dim3A_316 {strides = array<i32>} : memref<64x16xi32, #tpu.memory_space<vmem>>, vector<64x1xi32>,
    %broadcast_in_dim3A_320 = arith.constant 0.000000e+00 : f32
    %broadcast_in_dim3A_321 = vector.broadcast %broadcast_in_dim3A_320 : f32 to vector<64x1xf32>
    %swap3A_322 = arith.constant 0 : index
    %swap3A_323 = arith.constant 13 : index
    %swap3A_324 = vector.load %arg5[%swap3A_322, %swap3A_323] : memref<64x16xf32, #tpu.memory_space<vmem>>, vector<64x1xf32>
    tpu.vector_store %arg5[%swap3A_322, %swap3A_323], %broadcast_in_dim3A_321 {strides = array<i32>} : memref<64x16xf32, #tpu.memory_space<vmem>>, vector<64x1xf32>,
    %broadcast_in_dim3A_325 = arith.constant 0 : i32
    %broadcast_in_dim3A_326 = vector.broadcast %broadcast_in_dim3A_325 : i32 to vector<64x1xi32>
    %swap3A_327 = arith.constant 0 : index
    %swap3A_328 = arith.constant 14 : index
    %swap3A_329 = vector.load %arg4[%swap3A_327, %swap3A_328] : memref<64x16xi32, #tpu.memory_space<vmem>>, vector<64x1xi32>
    tpu.vector_store %arg4[%swap3A_327, %swap3A_328], %broadcast_in_dim3A_326 {strides = array<i32>} : memref<64x16xi32, #tpu.memory_space<vmem>>, vector<64x1xi32>,
    %broadcast_in_dim3A_330 = arith.constant 0.000000e+00 : f32
    %broadcast_in_dim3A_331 = vector.broadcast %broadcast_in_dim3A_330 : f32 to vector<64x1xf32>
    %swap3A_332 = arith.constant 0 : index
    %swap3A_333 = arith.constant 14 : index
    %swap3A_334 = vector.load %arg5[%swap3A_332, %swap3A_333] : memref<64x16xf32, #tpu.memory_space<vmem>>, vector<64x1xf32>
    tpu.vector_store %arg5[%swap3A_332, %swap3A_333], %broadcast_in_dim3A_331 {strides = array<i32>} : memref<64x16xf32, #tpu.memory_space<vmem>>, vector<64x1xf32>,
    %broadcast_in_dim3A_335 = arith.constant 0 : i32
    %broadcast_in_dim3A_336 = vector.broadcast %broadcast_in_dim3A_335 : i32 to vector<64x1xi32>
    %swap3A_337 = arith.constant 0 : index
    %swap3A_338 = arith.constant 15 : index
    %swap3A_339 = vector.load %arg4[%swap3A_337, %swap3A_338] : memref<64x16xi32, #tpu.memory_space<vmem>>, vector<64x1xi32>
    tpu.vector_store %arg4[%swap3A_337, %swap3A_338], %broadcast_in_dim3A_336 {strides = array<i32>} : memref<64x16xi32, #tpu.memory_space<vmem>>, vector<64x1xi32>,
    %broadcast_in_dim3A_340 = arith.constant 0.000000e+00 : f32
    %broadcast_in_dim3A_341 = vector.broadcast %broadcast_in_dim3A_340 : f32 to vector<64x1xf32>
    %swap3A_342 = arith.constant 0 : index
    %swap3A_343 = arith.constant 15 : index
    %swap3A_344 = vector.load %arg5[%swap3A_342, %swap3A_343] : memref<64x16xf32, #tpu.memory_space<vmem>>, vector<64x1xf32>
    tpu.vector_store %arg5[%swap3A_342, %swap3A_343], %broadcast_in_dim3A_341 {strides = array<i32>} : memref<64x16xf32, #tpu.memory_space<vmem>>, vector<64x1xf32>,
    return
  }
  func.func @transform_0(%arg0: i32) -> (i32, i32) {
    %c0_i32 = arith.constant 0 : i32
    %c0_i32_0 = arith.constant 0 : i32
    return %arg0, %c0_i32 : i32, i32
  }
  func.func @transform_1(%arg0: i32) -> (i32, i32, i32) {
    %c0_i32 = arith.constant 0 : i32
    %c0_i32_0 = arith.constant 0 : i32
    %c0_i32_1 = arith.constant 0 : i32
    return %arg0, %c0_i32, %c0_i32_0 : i32, i32, i32
  }
  func.func @transform_2(%arg0: i32) -> (i32, i32) {
    %c0_i32 = arith.constant 0 : i32
    %c0_i32_0 = arith.constant 0 : i32
    return %arg0, %c0_i32 : i32, i32
  }
  func.func @transform_3(%arg0: i32) -> (i32, i32) {
    %c0_i32 = arith.constant 0 : i32
    %c0_i32_0 = arith.constant 0 : i32
    return %arg0, %c0_i32 : i32, i32
  }
  func.func @transform_4(%arg0: i32) -> (i32, i32) {
    %c0_i32 = arith.constant 0 : i32
    %c0_i32_0 = arith.constant 0 : i32
    return %arg0, %c0_i32 : i32, i32
  }
}

</mosaic_0001>

<sc_bundles>
// kernel: kernel.10.cloned.1.call-start
scs
__scs_entry_jumppad:
0x0: {  	(pc) =	sbr.rel $0x88, $3  }
0x1: {  	(tag) =	ssettag $0x0;
	lr =	simm.s32 $0x1  }
0x2: {  	[smem:$0x3F9C] =	sst lr;
	_ =	strace $0xD0000000  }
0x3: {  	_ = 	snop  }
0x4: {  	_ = 	snop  }
0x5: {  	_ = 	snop  }
0x6: {  	_ = 	snop  }
0x7: {  	_ = 	snop  }
__scs_overlays_trampoline_lowered:
0x8: {  	[smem:$0x3FAB] =	sst s0  }
0x9: {  	[smem:$0x3FAC] =	sst s1  }
0xa: {  	[smem:$0x3FAD] =	sst s2  }
0xb: {  	[smem:$0x3FAE] =	sst s3  }
0xc: {  	[smem:$0x3FAF] =	sst s4  }
0xd: {  	[smem:$0x3FB0] =	sst s5  }
0xe: {  	[smem:$0x3FB1] =	sst s6  }
0xf: {  	[smem:$0x3FB2] =	sst s7  }
0x10: {  	[smem:$0x3FB3] =	sst s8  }
0x11: {  	[smem:$0x3FB4] =	sst s9;
	s0 =	simm.s32 @!p0 $0x0  }
0x12: {  	s1 =	sld [smem:$0x3F9A];
	s0 =	simm.s32 @p0 $0x1  }
0x13: {  	[smem:$0x3FB5] =	sst s0;
	s0 =	simm.s32 @!p1 $0x0  }
0x14: {  	s2 =	sld [smem:$0x3F99];
	s0 =	simm.s32 @p1 $0x1  }
0x15: {  	[smem:$0x3FB6] =	sst s0;
	s0 =	simm.s32 @!p2 $0x0  }
0x16: {  	s3 =	sld [smem:$0x3FDB];
	s0 =	simm.s32 @p2 $0x1  }
0x17: {  	s4 =	simm.s32 $0x1BF5;
	[smem:$0x3FB8] =	sst s0  }
0x18: {  	s0 =	sld [smem:$0x3F9B];
	_ =	swait.ge [sflag:s4], $0x0  }
0x19: {  	s7 =	sld [smem:$0x3F9C]  }
0x1a: {  	s8 =	sadd.s32 $0xFFFFE003, lr  }
0x1b: {  	s9 =	sadd.s32 $0xFFFFFEF7, lr;
	s5 =	simm.s32 $0xFFFFFFFF;
	p2 =	slt.u32 s8, $0xFFFFF086  }
0x1c: {  	p1 =	slt.u32 s9, $0xF7A;
	s5 =	simm.s32 @!p2 $0x0  }
0x1d: {  	s5 =	simm.s32 @p1 $0x1;
	p0 =	seq.s32 s7, s2  }
0x1e: {  	s7 =	smul.u32 @!p0 $0xF7A, s2;
	p2 =	seq.s32 @!p0 s5, $0x0  }
0x1f: {  	s9 =	smul.u32 $0xF7A, s1;
	s8 =	simm.s32 @!p0 $0x1BF5;
	p2 =	por !p2, p0  }
0x20: {  	[sflag:s8] =	ssyncset.s32 @!p0 $0xFFFFF086;
	s6 =	sadd.s32 @!p0 s3, s7;
	s7 =	simm.s32 @!p0 $0x108  }
0x21: {  	s3 =	sadd.s32 s3, s9;
	s6 =	sadd.s32 @!p0 $0x88, s6;
	s7 =	simm.s32 @p2 $0x1082  }
0x22: {  	[simem:s7], [sflag:s8] =	dma.local @!p0 [hbm:s6], $0xF7A  }
0x23: {  	s9 =	sor.u32 $0xD0000000, s2;
	s6 =	simm.s32 $0x108;
	_ =	swait.ge @!p0 [sflag:s8], $0x0  }
0x24: {  	s3 =	sadd.s32 $0x88, s3;
	s6 =	simm.s32 @!p1 $0x1082;
	[sflag:s4] =	ssyncset.s32 $0xFFFFF086  }
0x25: {  	[simem:s6], [sflag:s4] =	dma.local [hbm:s3], $0xF7A  }
0x26: {  	[smem:$0x3F9C] =	sst s1;
	(tag) =	ssettag s2;
	_ =	strace s9  }
0x27: {  	s1 =	sld [smem:$0x3FAC]  }
0x28: {  	s2 =	sld [smem:$0x3FAD]  }
0x29: {  	s4 =	sld [smem:$0x3FAF]  }
0x2a: {  	p0 =	seq.s32 s5, $0x0;
	s5 =	sld [smem:$0x3FB0]  }
0x2b: {  	s6 =	sld [smem:$0x3FB1]  }
0x2c: {  	s7 =	sld [smem:$0x3FB2]  }
0x2d: {  	s3 =	simm.s32 $0x108;
	s8 =	sld [smem:$0x3FB3]  }
0x2e: {  	s3 =	simm.s32 @!p0 $0x1082;
	s9 =	sld [smem:$0x3FB4]  }
0x2f: {  	lr =	sadd.s32 s0, s3;
	s0 =	sld [smem:$0x3FAB]  }
0x30: {  	s3 =	sld [smem:$0x3FAE]  }
0x31: {  	[smem:$0x3FB7] =	sst s10  }
0x32: {  	s10 =	sld [smem:$0x3FB5];
	_ =	sdelay $0x3  }
0x33: {  	p0 =	seq.s32 s10, $0x1;
	s10 =	sld [smem:$0x3FB7];
	_ =	sdelay $0x3  }
0x34: {  	[smem:$0x3FB7] =	sst s10  }
0x35: {  	s10 =	sld [smem:$0x3FB6];
	_ =	sdelay $0x3  }
0x36: {  	p1 =	seq.s32 s10, $0x1;
	s10 =	sld [smem:$0x3FB7];
	_ =	sdelay $0x3  }
0x37: {  	[smem:$0x3FB7] =	sst s10  }
0x38: {  	s10 =	sld [smem:$0x3FB8]  }
0x39: {  	_ = 	snop;
	(pc) =	sbr.ind lr, $3  }
0x3a: {  	_ = 	snop  }
0x3b: {  	_ = 	snop  }
0x3c: {  	p2 =	seq.s32 s10, $0x1;
	s10 =	sld [smem:$0x3FB7]  }
0x3d: {  	_ =	shalt  }
0x3e: {  	_ =	shalt  }
0x3f: {  	_ =	shalt  }
0x40: {  	_ =	shalt  }
0x41: {  	_ =	shalt  }
0x42: {  	_ =	shalt  }
0x43: {  	_ =	shalt  }
0x44: {  	_ =	shalt  }
0x45: {  	_ =	shalt  }
0x46: {  	_ =	shalt  }
0x47: {  	_ =	shalt  }
0x48: {  	_ =	shalt  }
0x49: {  	_ =	shalt  }
0x4a: {  	_ =	shalt  }
0x4b: {  	_ =	shalt  }
0x4c: {  	_ =	shalt  }
0x4d: {  	_ =	shalt  }
0x4e: {  	_ =	shalt  }
0x4f: {  	_ =	shalt  }
0x50: {  	_ =	shalt  }
0x51: {  	_ =	shalt  }
0x52: {  	_ =	shalt  }
0x53: {  	_ =	shalt  }
0x54: {  	_ =	shalt  }
0x55: {  	_ =	shalt  }
0x56: {  	_ =	shalt  }
0x57: {  	_ =	shalt  }
0x58: {  	_ =	shalt  }
0x59: {  	_ =	shalt  }
0x5a: {  	_ =	shalt  }
0x5b: {  	_ =	shalt  }
0x5c: {  	_ =	shalt  }
0x5d: {  	_ =	shalt  }
0x5e: {  	_ =	shalt  }
0x5f: {  	_ =	shalt  }
0x60: {  	_ =	shalt  }
0x61: {  	_ =	shalt  }
0x62: {  	_ =	shalt  }
0x63: {  	_ =	shalt  }
0x64: {  	_ =	shalt  }
0x65: {  	_ =	shalt  }
0x66: {  	_ =	shalt  }
0x67: {  	_ =	shalt  }
0x68: {  	_ =	shalt  }
0x69: {  	_ =	shalt  }
0x6a: {  	_ =	shalt  }
0x6b: {  	_ =	shalt  }
0x6c: {  	_ =	shalt  }
0x6d: {  	_ =	shalt  }
0x6e: {  	_ =	shalt  }
0x6f: {  	_ =	shalt  }
0x70: {  	_ =	shalt  }
0x71: {  	_ =	shalt  }
0x72: {  	_ =	shalt  }
0x73: {  	_ =	shalt  }
0x74: {  	_ =	shalt  }
0x75: {  	_ =	shalt  }
0x76: {  	_ =	shalt  }
0x77: {  	_ =	shalt  }
0x78: {  	_ =	shalt  }
0x79: {  	_ =	shalt  }
0x7a: {  	_ =	shalt  }
0x7b: {  	_ =	shalt  }
0x7c: {  	_ =	shalt  }
0x7d: {  	_ =	shalt  }
0x7e: {  	_ =	shalt  }
0x7f: {  	_ =	shalt  }
0x80: {  	_ =	shalt  }
0x81: {  	_ =	shalt  }
0x82: {  	_ =	shalt  }
0x83: {  	_ =	shalt  }
0x84: {  	_ =	shalt  }
0x85: {  	_ =	shalt  }
0x86: {  	_ =	shalt  }
0x87: {  	_ =	shalt  }
.Lfunc_end0:
.L_simem_size_0:
called_computation.1_lowered:
.L_overlay_start_0:
0x88: {  	s2 =	sld [smem:$0x3FD9]  }
0x89: {  	s3 =	sld [smem:$0x3FFE];
	_ =	sdelay $0x1  }
0x8a: {  	s1 =	srdreg.scid  }
0x8b: {  	s0 =	sand.u32 $0x1, s1  }
0x8c: {  	s16 =	sshll.u32 s0, $0xA;
	s2 =	sadd.s32 s3, s2  }
0x8d: {  	s2 =	sadd.s32 s2, s16  }
0x8e: {  	[smem:$0x3FC3] =	sst s2  }
0x8f: {  	_ = 	snop  }
0x90: {  	(tm) =	ssettm $0x1  }
0x91: {  	s17 =	sld [smem:$0x3FFB];
	_ =	sdelay $0x3  }
0x92: {  	_ =	strace s17  }
0x93: {  	s2 =	sld [smem:$0x3FFC];
	_ =	sdelay $0x3  }
0x94: {  	_ =	strace s2  }
0x95: {  	s2 =	sld [smem:$0x3FFD];
	_ =	sdelay $0x3  }
0x96: {  	_ =	strace s2  }
0x97: {  	_ =	strace $0x8FFFFFFF  }
0x98: {  	s18 =	sld [smem:$0x3FDB];
	_ =	sdelay $0x1  }
0x99: {  	s19 =	simm.s32 $_scs_section_size  }
0x9a: {  	s4 =	simm.s32 $_size__tile_overlayer_lowered;
	s5 =	simm.s32 $_tile_overlayer_lowered  }
0x9b: {  	s22 =	simm.s32 $0x1BFF;
	s21 =	sshll.u32 s5, $0x1;
	s2 =	sadd.s32 s19, s18  }
0x9c: {  	s6 =	simm.s32 $0x0;
	s20 =	sshll.u32 s4, $0x1;
	s4 =	sadd.s32 s21, s2  }
0x9d: {  	[timem:s6], [sflag:s22] =	dma.local [hbm:s4], s20  }
0x9e: {  	_ =	swait.ge [sflag:s22], s20  }
0x9f: {  	s3 =	ssub.s32 $0x0, s20;
	[sflag:s22] =	ssyncset.done $0x0  }
0xa0: {  	[sflag:s22] =	ssyncadd.s32 s3;
	_ =	sdelay $0x1  }
0xa1: {  	s23 =	simm.s32 $0x1B8B  }
0xa2: {  	_ =	swait.ge [sflag:s23], $0x1  }
0xa3: {  	[sflag:s23] =	ssyncset.done $0x0  }
0xa4: {  	s25 =	simm.s32 $0x1B8E;
	s24 =	sld [smem:$0x3FFE];
	[sflag:s23] =	ssyncadd.s32 $0xFFFFFFFF  }
0xa5: {  	s26 =	simm.s32 $execute0_lowered;
	[smem:$0x3FD2] =	sst s25  }
0xa6: {  	s4 =	sshll.u32 s26, $0x1;
	_ =	strace $0x80000049;
	[dreg:$0x1] =	wrdreg $0xFFFFFFFF  }
0xa7: {  	s28 =	simm.s32 $_size_execute0_lowered;
	s2 =	sadd.s32 s2, s4;
	[dreg:$0x0] =	wrdreg $0x0  }
0xa8: {  	s4 =	sshll.u32 s28, $0x1;
	[dreg:$0x2] =	wrdreg s2  }
0xa9: {  	[dreg:$0x3] =	wrdreg s4  }
0xaa: {  	[dreg:$0x4] =	wrdreg $0xC0  }
0xab: {  	_ =	task [dreg:s6], $0x5FFFF  }
0xac: {  	[dreg:$0x1] =	wrdreg $0xFFFFFFFF  }
0xad: {  	[dreg:$0x0] =	wrdreg $0x60  }
0xae: {  	[dreg:$0x2] =	wrdreg s24  }
0xaf: {  	[dreg:$0x3] =	wrdreg $0x9  }
0xb0: {  	_ =	task.clear_ibuf [dreg:s6], $0x4FFFF;
	_ =	strace $0x90000049  }
0xb1: {  	s29 =	simm.s32 $0x9;
	_ =	strace $0x8000004B  }
0xb2: {  	_ =	swait.ge [sflag:s29], $0x1  }
0xb3: {  	[sflag:s29] =	ssyncadd.s32 $0xFFFFFFFF  }
0xb4: {  	_ =	strace $0x9000004B  }
0xb5: {  	_ =	sfence  }
0xb6: {  	s30 =	sld [smem:$0x0];
	_ =	sdelay $0x2  }
0xb7: {  	s31 =	sshll.u32 s1, $0xD;
	s1 =	sshrl.u32 s1, $0x2  }
0xb8: {  	s3 =	sand.u32 $0x4000, s31;
	s1 =	sadd.s32 s1, s30  }
0xb9: {  	s0 =	sor.u32 s3, s0;
	s1 =	sshll.u32 s1, $0x11  }
0xba: {  	s0 =	sor.u32 s1, s0  }
0xbb: {  	s0 =	sadd.s32 $0x8F2B, s0  }
0xbc: {  	[sflag:s0] =	ssyncadd.remote.s32 $0x1  }
0xbd: {  	_ =	sfence.sel $0xFFFF  }
0xbe: {  	[dreg:$0x0] =	wrdreg $0xFFFFFFFF;
	(pc) =	sbr.abs _section_cstart, $3  }
0xbf: {  	[dreg:$0x1] =	wrdreg $0xFFFFFFFF  }
0xc0: {  	_ =	task.clear_ibuf [dreg:s6], $0x2FFFF;
	_ =	strace $0x9FFFFFFF  }
0xc1: {  	(tm) =	ssettm $0x7FFFFFFF  }
tec
execute0_lowered:
.L_overlay_start_1:
0x0: {  	(tag) =	ssettag $0x1  }
0x1: {  	s4 =	rddreg [dreg:$0x0]  }
0x2: {  	s0 =	rddreg [dreg:$0x1];
	s2 =	simm.s32 $0x0;
	s3 =	srdreg.scid  }
0x3: {  	s1 =	stileid.u32;
	s10 =	simm.s32 $0x0;
	[smem:$0x7FF] =	sst s2  }
0x4: {  	s5 =	sand.u32 $0x1, s3;
	s6 =	sshll.u32 s1, $0xD;
	s3 =	sadd.s32 $0xF55600, s4  }
0x5: {  	s8 =	sshll.u32 s1, $0x11;
	_ =	strace $0x8000004A;
	s7 =	sshll.u32 s5, $0xC  }
0x6: {  	s31 =	ssub.s32 $0x2, s5;
	s8 =	sadd.s32 s8, s4;
	s5 =	sshll.u32 s5, $0x10  }
0x7: {  	s6 =	sor.u32 s7, s6;
	s9 =	sshrl.u32 s31, $0x1;
	s5 =	sadd.s32 s5, s8  }
0x8: {  	s8 =	simm.s32 $0x200;
	s6 =	sshrl.u32 s6, $0x3;
	s7 =	ssub.s32 s31, s9  }
0x9: {  	s5 =	sadd.s32 $0x21E00, s5;
	s9 =	simm.s32 $0x1;
	s6 =	sadd.s32 s6, s4  }
0xa: {  	s4 =	smax.u32 s7, $0x1;
	s7 =	simm.s32 $0x2;
	s6 =	sadd.s32 $0x1DE00, s6  }
.LBB2_1:
0xb: {  	s11 =	sadd.s32 $0x0, s6  }
0xc: {  	[tilespmem:s2], [sflag:$0x2] =	stream.linear.gather [hbm4b:s11+s2], $0x200, $0x38;
	[tilespmem:$0x10200] =	vst v63  }
0xd: {  	_ =	swait.ge [sflag:s7], $0x200  }
0xe: {  	[sflag:s7] =	ssyncset.done $0x0  }
0xf: {  	[sflag:s7] =	ssyncadd.s32 $0xFFFFFE00  }
0x10: {  	[tilespmem:s8], [sflag:$0x1] =	stream.indirect.gather [hbm4b:s3+s8], $0x80, s2, s8, $0xb8;
	[tilespmem:$0x10200] =	vst v63  }
0x11: {  	_ =	swait.ge [sflag:s9], $0x10000  }
0x12: {  	[sflag:s9] =	ssyncset.done $0x0  }
0x13: {  	[sflag:s9] =	ssyncadd.s32 $0xFFFF0000  }
0x14: {  	[hbm4b:s5+s2] =	stream.linear.scatter [tilespmem:s8], [sflag:$0x2], $0x10000, $0x38;
	[tilespmem:$0x10200] =	vst v63  }
0x15: {  	s12 =	simm.s32 $0x40;
	_ =	swait.ge [sflag:s7], $0x10000  }
0x16: {  	s13 =	simm.s32 $0x80;
	s11 =	sadd.s32 $0x2000, s5;
	[sflag:s7] =	ssyncset.done $0x0  }
.LBB2_2:
0x17: {  	s14 =	sadd.s32 s12, s6  }
0x18: {  	[sflag:s7] =	ssyncadd.s32 $0xFFFF0000;
	s12 =	smov.u32 s13;
	s15 =	sadd.s32 $0x40, s13  }
0x19: {  	[tilespmem:s2], [sflag:$0x2] =	stream.linear.gather [hbm4b:s14+s2], $0x200, $0x38;
	[tilespmem:$0x10200] =	vst v63  }
0x1a: {  	p0 =	sne.s32 s13, $0x1C0;
	_ =	swait.ge [sflag:s7], $0x200  }
0x1b: {  	[sflag:s7] =	ssyncset.done $0x0  }
0x1c: {  	[sflag:s7] =	ssyncadd.s32 $0xFFFFFE00  }
0x1d: {  	[tilespmem:s8], [sflag:$0x1] =	stream.indirect.gather [hbm4b:s3+s8], $0x80, s2, s8, $0xb8;
	[tilespmem:$0x10200] =	vst v63  }
0x1e: {  	_ =	swait.ge [sflag:s9], $0x10000  }
.Ltmp0:
0x1f: {  	[sflag:s9] =	ssyncset.done $0x0;
	(pc) =	sbr.rel @p0 .LBB2_2-.Ltmp0, $4  }
0x20: {  	[sflag:s9] =	ssyncadd.s32 $0xFFFF0000  }
0x21: {  	[hbm4b:s11+s2] =	stream.linear.scatter [tilespmem:s8], [sflag:$0x2], $0x10000, $0x38;
	[tilespmem:$0x10200] =	vst v63  }
0x22: {  	_ =	swait.ge [sflag:s7], $0x10000  }
0x23: {  	s13 =	smov.u32 s15;
	s11 =	sadd.s32 $0x2000, s11;
	[sflag:s7] =	ssyncset.done $0x0  }
0x24: {  	s12 =	sadd.s32 s12, s6;
	[sflag:s7] =	ssyncadd.s32 $0xFFFF0000  }
0x25: {  	[tilespmem:s2], [sflag:$0x2] =	stream.linear.gather [hbm4b:s12+s2], $0x200, $0x38;
	[tilespmem:$0x10200] =	vst v63  }
0x26: {  	_ =	swait.ge [sflag:s7], $0x200  }
0x27: {  	[sflag:s7] =	ssyncset.done $0x0  }
0x28: {  	[sflag:s7] =	ssyncadd.s32 $0xFFFFFE00  }
0x29: {  	[tilespmem:s8], [sflag:$0x1] =	stream.indirect.gather [hbm4b:s3+s8], $0x80, s2, s8, $0xb8;
	[tilespmem:$0x10200] =	vst v63  }
0x2a: {  	s10 =	sadd.s32 $0x1, s10;
	_ =	swait.ge [sflag:s9], $0x10000  }
0x2b: {  	p0 =	sne.s32 s10, s4;
	[sflag:s9] =	ssyncset.done $0x0  }
.Ltmp1:
0x2c: {  	[sflag:s9] =	ssyncadd.s32 $0xFFFF0000;
	(pc) =	sbr.rel @p0 .LBB2_1-.Ltmp1, $4  }
0x2d: {  	[hbm4b:s11+s2] =	stream.linear.scatter [tilespmem:s8], [sflag:$0x2], $0x10000, $0x38;
	[tilespmem:$0x10200] =	vst v63  }
0x2e: {  	_ =	swait.ge [sflag:s7], $0x10000  }
0x2f: {  	[sflag:s7] =	ssyncset.done $0x0  }
0x30: {  	[sflag:s7] =	ssyncadd.s32 $0xFFFF0000  }
0x31: {  	_ =	sfence.sel $0x180000  }
0x32: {  	[bflag:$0x0] =	sbarrier.arrive $0xFFFF  }
0x33: {  	p0 =	sne.s32 s1, $0x0;
	_ =	strace $0x9000004A  }
0x34: {  	s0 =	sadd.s32 @!p0 $0x100000, s0;
	[bflag:$0x2] =	sbarrier.arrive $0xFFFF  }
0x35: {  	[sflag:s0] =	ssyncadd.tile.s32 @!p0 $0x1;
	_ =	shalt  }
.Lfunc_end2:
_tile_overlayer_lowered:
.L_overlay_start_2:
0x36: {  	(tag) =	ssettag $0x2  }
0x37: {  	s0 =	rddreg [dreg:$0x0];
	s2 =	stileid.u32  }
0x38: {  	s1 =	rddreg [dreg:$0x1];
	p0 =	sne.s32 s2, $0x0  }
0x39: {  	s3 =	rddreg [dreg:$0x2];
	[bflag:$0x3] =	sbarrier.arrive $0xFFFF;
	s2 =	simm.s32 @!p0 $0x1C02  }
0x3a: {  	[timem:s3], [sflag:s2] =	dma.local @!p0 [hbm:s0], s1  }
0x3b: {  	s0 =	simm.s32 @!p0 $0x2  }
0x3c: {  	_ =	swait.ge @!p0 [sflag:s0], s1  }
0x3d: {  	s1 =	ssub.s32 @!p0 $0x0, s1;
	[sflag:s0] =	ssyncset.done @!p0 $0x0  }
0x3e: {  	[sflag:s0] =	ssyncadd.s32 @!p0 s1  }
0x3f: {  	[bflag:$0x3] =	sbarrier.arrive $0xFFFF  }
0x40: {  	_ =	shalt  }

// kernel: kernel.7.cloned.1.call-start
scs
__scs_entry_jumppad:
0x0: {  	(pc) =	sbr.rel $0x88, $3  }
0x1: {  	(tag) =	ssettag $0x0;
	lr =	simm.s32 $0x1  }
0x2: {  	[smem:$0x3F9C] =	sst lr;
	_ =	strace $0xD0000000  }
0x3: {  	_ = 	snop  }
0x4: {  	_ = 	snop  }
0x5: {  	_ = 	snop  }
0x6: {  	_ = 	snop  }
0x7: {  	_ = 	snop  }
__scs_overlays_trampoline_lowered:
0x8: {  	[smem:$0x3FAB] =	sst s0  }
0x9: {  	[smem:$0x3FAC] =	sst s1  }
0xa: {  	[smem:$0x3FAD] =	sst s2  }
0xb: {  	[smem:$0x3FAE] =	sst s3  }
0xc: {  	[smem:$0x3FAF] =	sst s4  }
0xd: {  	[smem:$0x3FB0] =	sst s5  }
0xe: {  	[smem:$0x3FB1] =	sst s6  }
0xf: {  	[smem:$0x3FB2] =	sst s7  }
0x10: {  	[smem:$0x3FB3] =	sst s8  }
0x11: {  	[smem:$0x3FB4] =	sst s9;
	s0 =	simm.s32 @!p0 $0x0  }
0x12: {  	s1 =	sld [smem:$0x3F9A];
	s0 =	simm.s32 @p0 $0x1  }
0x13: {  	[smem:$0x3FB5] =	sst s0;
	s0 =	simm.s32 @!p1 $0x0  }
0x14: {  	s2 =	sld [smem:$0x3F99];
	s0 =	simm.s32 @p1 $0x1  }
0x15: {  	[smem:$0x3FB6] =	sst s0;
	s0 =	simm.s32 @!p2 $0x0  }
0x16: {  	s3 =	sld [smem:$0x3FDB];
	s0 =	simm.s32 @p2 $0x1  }
0x17: {  	s4 =	simm.s32 $0x1BF5;
	[smem:$0x3FB8] =	sst s0  }
0x18: {  	s0 =	sld [smem:$0x3F9B];
	_ =	swait.ge [sflag:s4], $0x0  }
0x19: {  	s7 =	sld [smem:$0x3F9C]  }
0x1a: {  	s8 =	sadd.s32 $0xFFFFE003, lr  }
0x1b: {  	s9 =	sadd.s32 $0xFFFFFEF7, lr;
	s5 =	simm.s32 $0xFFFFFFFF;
	p2 =	slt.u32 s8, $0xFFFFF086  }
0x1c: {  	p1 =	slt.u32 s9, $0xF7A;
	s5 =	simm.s32 @!p2 $0x0  }
0x1d: {  	s5 =	simm.s32 @p1 $0x1;
	p0 =	seq.s32 s7, s2  }
0x1e: {  	s7 =	smul.u32 @!p0 $0xF7A, s2;
	p2 =	seq.s32 @!p0 s5, $0x0  }
0x1f: {  	s9 =	smul.u32 $0xF7A, s1;
	s8 =	simm.s32 @!p0 $0x1BF5;
	p2 =	por !p2, p0  }
0x20: {  	[sflag:s8] =	ssyncset.s32 @!p0 $0xFFFFF086;
	s6 =	sadd.s32 @!p0 s3, s7;
	s7 =	simm.s32 @!p0 $0x108  }
0x21: {  	s3 =	sadd.s32 s3, s9;
	s6 =	sadd.s32 @!p0 $0x88, s6;
	s7 =	simm.s32 @p2 $0x1082  }
0x22: {  	[simem:s7], [sflag:s8] =	dma.local @!p0 [hbm:s6], $0xF7A  }
0x23: {  	s9 =	sor.u32 $0xD0000000, s2;
	s6 =	simm.s32 $0x108;
	_ =	swait.ge @!p0 [sflag:s8], $0x0  }
0x24: {  	s3 =	sadd.s32 $0x88, s3;
	s6 =	simm.s32 @!p1 $0x1082;
	[sflag:s4] =	ssyncset.s32 $0xFFFFF086  }
0x25: {  	[simem:s6], [sflag:s4] =	dma.local [hbm:s3], $0xF7A  }
0x26: {  	[smem:$0x3F9C] =	sst s1;
	(tag) =	ssettag s2;
	_ =	strace s9  }
0x27: {  	s1 =	sld [smem:$0x3FAC]  }
0x28: {  	s2 =	sld [smem:$0x3FAD]  }
0x29: {  	s4 =	sld [smem:$0x3FAF]  }
0x2a: {  	p0 =	seq.s32 s5, $0x0;
	s5 =	sld [smem:$0x3FB0]  }
0x2b: {  	s6 =	sld [smem:$0x3FB1]  }
0x2c: {  	s7 =	sld [smem:$0x3FB2]  }
0x2d: {  	s3 =	simm.s32 $0x108;
	s8 =	sld [smem:$0x3FB3]  }
0x2e: {  	s3 =	simm.s32 @!p0 $0x1082;
	s9 =	sld [smem:$0x3FB4]  }
0x2f: {  	lr =	sadd.s32 s0, s3;
	s0 =	sld [smem:$0x3FAB]  }
0x30: {  	s3 =	sld [smem:$0x3FAE]  }
0x31: {  	[smem:$0x3FB7] =	sst s10  }
0x32: {  	s10 =	sld [smem:$0x3FB5];
	_ =	sdelay $0x3  }
0x33: {  	p0 =	seq.s32 s10, $0x1;
	s10 =	sld [smem:$0x3FB7];
	_ =	sdelay $0x3  }
0x34: {  	[smem:$0x3FB7] =	sst s10  }
0x35: {  	s10 =	sld [smem:$0x3FB6];
	_ =	sdelay $0x3  }
0x36: {  	p1 =	seq.s32 s10, $0x1;
	s10 =	sld [smem:$0x3FB7];
	_ =	sdelay $0x3  }
0x37: {  	[smem:$0x3FB7] =	sst s10  }
0x38: {  	s10 =	sld [smem:$0x3FB8]  }
0x39: {  	_ = 	snop;
	(pc) =	sbr.ind lr, $3  }
0x3a: {  	_ = 	snop  }
0x3b: {  	_ = 	snop  }
0x3c: {  	p2 =	seq.s32 s10, $0x1;
	s10 =	sld [smem:$0x3FB7]  }
0x3d: {  	_ =	shalt  }
0x3e: {  	_ =	shalt  }
0x3f: {  	_ =	shalt  }
0x40: {  	_ =	shalt  }
0x41: {  	_ =	shalt  }
0x42: {  	_ =	shalt  }
0x43: {  	_ =	shalt  }
0x44: {  	_ =	shalt  }
0x45: {  	_ =	shalt  }
0x46: {  	_ =	shalt  }
0x47: {  	_ =	shalt  }
0x48: {  	_ =	shalt  }
0x49: {  	_ =	shalt  }
0x4a: {  	_ =	shalt  }
0x4b: {  	_ =	shalt  }
0x4c: {  	_ =	shalt  }
0x4d: {  	_ =	shalt  }
0x4e: {  	_ =	shalt  }
0x4f: {  	_ =	shalt  }
0x50: {  	_ =	shalt  }
0x51: {  	_ =	shalt  }
0x52: {  	_ =	shalt  }
0x53: {  	_ =	shalt  }
0x54: {  	_ =	shalt  }
0x55: {  	_ =	shalt  }
0x56: {  	_ =	shalt  }
0x57: {  	_ =	shalt  }
0x58: {  	_ =	shalt  }
0x59: {  	_ =	shalt  }
0x5a: {  	_ =	shalt  }
0x5b: {  	_ =	shalt  }
0x5c: {  	_ =	shalt  }
0x5d: {  	_ =	shalt  }
0x5e: {  	_ =	shalt  }
0x5f: {  	_ =	shalt  }
0x60: {  	_ =	shalt  }
0x61: {  	_ =	shalt  }
0x62: {  	_ =	shalt  }
0x63: {  	_ =	shalt  }
0x64: {  	_ =	shalt  }
0x65: {  	_ =	shalt  }
0x66: {  	_ =	shalt  }
0x67: {  	_ =	shalt  }
0x68: {  	_ =	shalt  }
0x69: {  	_ =	shalt  }
0x6a: {  	_ =	shalt  }
0x6b: {  	_ =	shalt  }
0x6c: {  	_ =	shalt  }
0x6d: {  	_ =	shalt  }
0x6e: {  	_ =	shalt  }
0x6f: {  	_ =	shalt  }
0x70: {  	_ =	shalt  }
0x71: {  	_ =	shalt  }
0x72: {  	_ =	shalt  }
0x73: {  	_ =	shalt  }
0x74: {  	_ =	shalt  }
0x75: {  	_ =	shalt  }
0x76: {  	_ =	shalt  }
0x77: {  	_ =	shalt  }
0x78: {  	_ =	shalt  }
0x79: {  	_ =	shalt  }
0x7a: {  	_ =	shalt  }
0x7b: {  	_ =	shalt  }
0x7c: {  	_ =	shalt  }
0x7d: {  	_ =	shalt  }
0x7e: {  	_ =	shalt  }
0x7f: {  	_ =	shalt  }
0x80: {  	_ =	shalt  }
0x81: {  	_ =	shalt  }
0x82: {  	_ =	shalt  }
0x83: {  	_ =	shalt  }
0x84: {  	_ =	shalt  }
0x85: {  	_ =	shalt  }
0x86: {  	_ =	shalt  }
0x87: {  	_ =	shalt  }
.Lfunc_end0:
.L_simem_size_0:
called_computation_lowered:
.L_overlay_start_0:
0x88: {  	s2 =	sld [smem:$0x3FD9]  }
0x89: {  	s3 =	sld [smem:$0x3FFE];
	_ =	sdelay $0x1  }
0x8a: {  	s1 =	srdreg.scid  }
0x8b: {  	s0 =	sand.u32 $0x1, s1  }
0x8c: {  	s16 =	sshll.u32 s0, $0xA;
	s2 =	sadd.s32 s3, s2  }
0x8d: {  	s2 =	sadd.s32 s2, s16  }
0x8e: {  	[smem:$0x3FC3] =	sst s2  }
0x8f: {  	_ = 	snop  }
0x90: {  	(tm) =	ssettm $0x1  }
0x91: {  	s17 =	sld [smem:$0x3FFB];
	_ =	sdelay $0x3  }
0x92: {  	_ =	strace s17  }
0x93: {  	s2 =	sld [smem:$0x3FFC];
	_ =	sdelay $0x3  }
0x94: {  	_ =	strace s2  }
0x95: {  	s2 =	sld [smem:$0x3FFD];
	_ =	sdelay $0x3  }
0x96: {  	_ =	strace s2  }
0x97: {  	_ =	strace $0x8FFFFFFF  }
0x98: {  	s18 =	sld [smem:$0x3FDB];
	_ =	sdelay $0x1  }
0x99: {  	s19 =	simm.s32 $_scs_section_size  }
0x9a: {  	s4 =	simm.s32 $_size__tile_overlayer_lowered;
	s5 =	simm.s32 $_tile_overlayer_lowered  }
0x9b: {  	s22 =	simm.s32 $0x1BFF;
	s21 =	sshll.u32 s5, $0x1;
	s2 =	sadd.s32 s19, s18  }
0x9c: {  	s6 =	simm.s32 $0x0;
	s20 =	sshll.u32 s4, $0x1;
	s4 =	sadd.s32 s21, s2  }
0x9d: {  	[timem:s6], [sflag:s22] =	dma.local [hbm:s4], s20  }
0x9e: {  	_ =	swait.ge [sflag:s22], s20  }
0x9f: {  	s3 =	ssub.s32 $0x0, s20;
	[sflag:s22] =	ssyncset.done $0x0  }
0xa0: {  	[sflag:s22] =	ssyncadd.s32 s3;
	_ =	sdelay $0x1  }
0xa1: {  	s23 =	simm.s32 $0x1B8B  }
0xa2: {  	_ =	swait.ge [sflag:s23], $0x1  }
0xa3: {  	[sflag:s23] =	ssyncset.done $0x0  }
0xa4: {  	s25 =	simm.s32 $0x1B8E;
	s24 =	sld [smem:$0x3FFE];
	[sflag:s23] =	ssyncadd.s32 $0xFFFFFFFF  }
0xa5: {  	s26 =	simm.s32 $execute0_lowered;
	[smem:$0x3FD2] =	sst s25  }
0xa6: {  	s4 =	sshll.u32 s26, $0x1;
	_ =	strace $0x80000046;
	[dreg:$0x1] =	wrdreg $0xFFFFFFFF  }
0xa7: {  	s28 =	simm.s32 $_size_execute0_lowered;
	s2 =	sadd.s32 s2, s4;
	[dreg:$0x0] =	wrdreg $0x0  }
0xa8: {  	s4 =	sshll.u32 s28, $0x1;
	[dreg:$0x2] =	wrdreg s2  }
0xa9: {  	[dreg:$0x3] =	wrdreg s4  }
0xaa: {  	[dreg:$0x4] =	wrdreg $0xC0  }
0xab: {  	_ =	task [dreg:s6], $0x5FFFF  }
0xac: {  	[dreg:$0x1] =	wrdreg $0xFFFFFFFF  }
0xad: {  	[dreg:$0x0] =	wrdreg $0x60  }
0xae: {  	[dreg:$0x2] =	wrdreg s24  }
0xaf: {  	[dreg:$0x3] =	wrdreg $0x9  }
0xb0: {  	_ =	task.clear_ibuf [dreg:s6], $0x4FFFF;
	_ =	strace $0x90000046  }
0xb1: {  	s29 =	simm.s32 $0x9;
	_ =	strace $0x80000048  }
0xb2: {  	_ =	swait.ge [sflag:s29], $0x1  }
0xb3: {  	[sflag:s29] =	ssyncadd.s32 $0xFFFFFFFF  }
0xb4: {  	_ =	strace $0x90000048  }
0xb5: {  	_ =	sfence  }
0xb6: {  	s30 =	sld [smem:$0x0];
	_ =	sdelay $0x2  }
0xb7: {  	s31 =	sshll.u32 s1, $0xD;
	s1 =	sshrl.u32 s1, $0x2  }
0xb8: {  	s3 =	sand.u32 $0x4000, s31;
	s1 =	sadd.s32 s1, s30  }
0xb9: {  	s0 =	sor.u32 s3, s0;
	s1 =	sshll.u32 s1, $0x11  }
0xba: {  	s0 =	sor.u32 s1, s0  }
0xbb: {  	s0 =	sadd.s32 $0x8F2B, s0  }
0xbc: {  	[sflag:s0] =	ssyncadd.remote.s32 $0x1  }
0xbd: {  	_ =	sfence.sel $0xFFFF  }
0xbe: {  	[dreg:$0x0] =	wrdreg $0xFFFFFFFF;
	(pc) =	sbr.abs _section_cstart, $3  }
0xbf: {  	[dreg:$0x1] =	wrdreg $0xFFFFFFFF  }
0xc0: {  	_ =	task.clear_ibuf [dreg:s6], $0x2FFFF;
	_ =	strace $0x9FFFFFFF  }
0xc1: {  	(tm) =	ssettm $0x7FFFFFFF  }
tec
execute0_lowered:
.L_overlay_start_1:
0x0: {  	(tag) =	ssettag $0x1  }
0x1: {  	s0 =	rddreg [dreg:$0x0];
	s2 =	simm.s32 $0x0;
	s1 =	srdreg.scid  }
0x2: {  	s4 =	stileid.u32;
	[smem:$0x7FF] =	sst s2  }
0x3: {  	s1 =	sand.u32 $0x1, s1;
	s25 =	sadd.s32 $0x315600, s0;
	s3 =	sadd.s32 $0x5600, s0  }
0x4: {  	s29 =	sshll.u32 s4, $0x6;
	s0 =	sadd.s32 $0x1DE00, s0;
	_ =	strace $0x80000047  }
.Ltmp0:
0x5: {  	[dreg:$0x2] =	wrdreg s25;
	s26 =	ssub.s32 $0x2, s1;
	(pc) =	sbr.rel .LBB2_1-.Ltmp0, $4  }
0x6: {  	v0 =	vlaneseq.u32;
	[dreg:$0x3] =	wrdreg s3;
	s1 =	sshll.u32 s1, $0x5;
	s28 =	sshrl.u32 s26, $0x1  }
0x7: {  	v1 =	vmul.u32 $0xFFFFFFFF, v0;
	[dreg:$0x4] =	wrdreg s0;
	s30 =	sor.u32 s1, s29;
	s2 =	ssub.s32 s26, s28  }
0x8: {  	s10 =	simm.s32 $0x11700;
	v2 =	vimm.f32 $-Inf;
	v3 =	vimm.s32 $0x0;
	[dreg:$0x5] =	wrdreg s30;
	s31 =	smax.u32 s2, $0x1  }
0x9: {  	v4 =	vimm.s32 $0x1;
	v6 =	vimm.f32 $0.0e+00;
	s3 =	simm.s32 $0x2;
	v5 =	vadd.s32 $0xF, v1;
	s1 =	simm.s32 $0x0;
	[dreg:$0x6] =	wrdreg s31  }
.LBB2_165:
0xa: {  	s1 =	rddreg [dreg:$0x7]  }
0xb: {  	s0 =	rddreg [dreg:$0x6];
	s1 =	sadd.s32 $0x1, s1  }
0xc: {  	p0 =	sne.s32 s1, s0  }
.Ltmp1:
0xd: {  	_ = 	snop;
	(pc) =	sbr.rel @!p0 .LBB2_166-.Ltmp1, $1  }
0xe: {  	_ =	sdelay $0x3  }
.LBB2_1:
.Ltmp2:
0xf: {  	(pc) =	sbr.rel .LBB2_2-.Ltmp2, $2  }
0x10: {  	_ =	sdelay $0x2  }
0x11: {  	[dreg:$0x7] =	wrdreg s1;
	s13 =	simm.s32 $0x0  }
.LBB2_144:
0x12: {  	p0 =	por $0x0, $0x0  }
0x13: {  	s4 =	simm.s32 @!p0 $0x0  }
0x14: {  	s4 =	simm.s32 @p0 $0x1;
	p0 =	por $0x0, $0x0  }
0x15: {  	[smem:$0x7E2] =	sst s4;
	s4 =	simm.s32 @!p0 $0x0  }
0x16: {  	s4 =	simm.s32 @p0 $0x1;
	p0 =	por $0x0, $0x0  }
0x17: {  	[smem:$0x7E3] =	sst s4;
	s4 =	simm.s32 @!p0 $0x0  }
0x18: {  	s4 =	simm.s32 @p0 $0x1;
	p0 =	por $0x0, $0x0  }
0x19: {  	[smem:$0x7E4] =	sst s4;
	s4 =	simm.s32 @!p0 $0x0  }
0x1a: {  	p1 =	por $0x0, $0x0;
	s4 =	simm.s32 @p0 $0x1  }
0x1b: {  	[smem:$0x7E5] =	sst s4;
	s4 =	simm.s32 @!p1 $0x0  }
0x1c: {  	p2 =	por $0x0, $0x0;
	s4 =	simm.s32 @p1 $0x1  }
0x1d: {  	[smem:$0x7E6] =	sst s4;
	s4 =	simm.s32 @!p2 $0x0  }
0x1e: {  	p3 =	por $0x0, $0x0;
	s5 =	simm.s32 $0x0;
	s4 =	simm.s32 @p2 $0x1  }
0x1f: {  	s6 =	smov.u32 s0;
	[smem:$0x7E7] =	sst s4;
	s4 =	simm.s32 @!p3 $0x0  }
0x20: {  	s9 =	simm.s32 $0xF300;
	s8 =	simm.s32 $0xFC00;
	s4 =	simm.s32 @p3 $0x1  }
0x21: {  	p1 =	por $0x0, $0x0;
	[smem:$0x7E8] =	sst s4;
	s4 =	simm.s32 $0x0  }
.LBB2_163:
0x22: {  	s13 =	sld [smem:$0x7E2]  }
0x23: {  	s19 =	sld [smem:$0x7E6]  }
0x24: {  	p2 =	por @p1 p5, p5;
	s20 =	sld [smem:$0x7E5]  }
0x25: {  	s22 =	sld [smem:$0x7E1];
	s14 =	simm.s32 @!p2 $0x0  }
0x26: {  	s24 =	sld [smem:$0x7E4];
	s14 =	simm.s32 @p2 $0x1  }
0x27: {  	p2 =	por !p2, !p1;
	p0 =	seq.s32 s13, $0x1;
	s13 =	simm.s32 $0xF300  }
0x28: {  	v18 =	vor.u32 s5, v0;
	[smem:$0x7D5] =	sst s14;
	p3 =	seq.s32 s20, $0x1;
	s5 =	simm.s32 @!p2 $0x0  }
0x29: {  	s9 =	sadd.s32 @p0 $0x10, s9;
	p4 =	por !p6, !p0;
	p6 =	seq.s32 s19, $0x1  }
0x2a: {  	s5 =	simm.s32 @p2 $0x1;
	s25 =	sld [smem:$0x7D5];
	s13 =	smov.u32 @p0 s9  }
0x2b: {  	s9 =	spop @p6 (v2sf);
	[tilespmem:s6+$0xF200] =	vst.msk @!p4 vm10, v15;
	p4 =	por !p5, !p1;
	[smem:$0x7D4] =	sst s5  }
0x2c: {  	s5 =	sadd.s32 @p0 s6, s7;
	s6 =	smov.u32 s0;
	s14 =	spop @p3 (v2sf)  }
0x2d: {  	v15 =	vld @!p4 [tilespmem:s13+$0x0];
	s6 =	smov.u32 @p0 s5;
	p0 =	seq.s32 s22, $0x1;
	p4 =	sgt.f32 @p3 s14, $0.0e+00  }
0x2e: {  	v19 =	vld @!p2 [tilespmem:s8+$0x0];
	s4 =	sadd.s32 @p6 s4, s9;
	p2 =	por p3, p3;
	s9 =	spop @p3 (v2sf)  }
0x2f: {  	p4 =	por @!p3 p0, p0;
	p0 =	seq.s32 s24, $0x1;
	p3 =	seq.s32 s25, $0x1  }
0x30: {  	s21 =	sld [smem:$0x7E3];
	s7 =	simm.s32 $0x0;
	p3 =	por @!p1 p0, p0  }
0x31: {  	s23 =	sld [smem:$0x7E7];
	s7 =	smov.u32 @p6 s4;
	s4 =	simm.s32 @!p3 $0x0  }
0x32: {  	s26 =	sld [smem:$0x7D4];
	s4 =	simm.s32 @p3 $0x1  }
0x33: {  	s5 =	simm.s32 @!p4 $0x0;
	[smem:$0x7D5] =	sst s4  }
0x34: {  	v11 =	vadd.s32 @p6 v11, v12;
	s5 =	simm.s32 @p4 $0x1;
	s28 =	sld [smem:$0x7D5]  }
0x35: {  	p5 =	seq.s32 s21, $0x1;
	vm1 =	vlt.s32 @p6 v11, v7;
	[smem:$0x7D6] =	sst s5  }
0x36: {  	v12, _, _ =	vpop @p5 (xrf0);
	vm6 =	vmand @p6 vm6, vm1;
	vm1 =	vmmov @p0 vm3;
	vm3 =	vmmov @p1 vm12;
	p4 =	seq.s32 s23, $0x1;
	p3 =	seq.s32 s26, $0x1;
	s29 =	sld [smem:$0x7D6]  }
0x37: {  	(v2sf) =	vpush @p5 v12, $0xF;
	v11, _, _ =	vpop @p4 (xrf0);
	[tilespmem:s6+$0xF100] =	vst.msk @!p3 vm3, v15;
	p3 =	seq.s32 s28, $0x1  }
0x38: {  	(v2sf) =	vpush @p4 v11, $0xF;
	v11 =	vpsel p1, v19, v0;
	vm3 =	vmmov @p1 vm3;
	p3 =	por !p3, !p1  }
0x39: {  	s5 =	smov.u32 @p1 s12;
	s30 =	sld [smem:$0x7D6];
	[tilespmem:s6+$0xF200] =	vst.msk @!p3 vm3, v11;
	p3 =	seq.s32 s29, $0x1  }
0x3a: {  	s12 =	simm.s32 $0xF300;
	s4 =	sadd.s32 @p1 $0x10, s13;
	p3 =	por !p3, !p2  }
0x3b: {  	s12 =	smov.u32 @p1 s4;
	s4 =	simm.s32 @!p3 $0x0  }
0x3c: {  	s4 =	simm.s32 @p3 $0x1;
	p3 =	seq.s32 s30, $0x1  }
0x3d: {  	p3 =	por @p2 p3, p3  }
0x3e: {  	[smem:$0x7D7] =	sst s4;
	s4 =	simm.s32 @!p3 $0x0  }
0x3f: {  	s31 =	sld [smem:$0x7D7];
	s4 =	simm.s32 @p3 $0x1  }
0x40: {  	s8 =	sadd.s32 @p1 $0x10, s8;
	s13 =	simm.s32 $0xFC00;
	[smem:$0x7D9] =	sst s4  }
0x41: {  	s13 =	smov.u32 @p1 s8;
	s8 =	sld [smem:$0x7D9];
	_ =	sdelay $0x1  }
0x42: {  	p3 =	seq.s32 s31, $0x1  }
0x43: {  	s14 =	sld [smem:$0x7E8];
	s5 =	smov.u32 @p1 s5;
	v11 =	vld @!p3 [tilespmem:s12+$0x0];
	p3 =	seq.s32 s8, $0x1  }
0x44: {  	s5 =	sadd.s32 @p1 s6, s5;
	s4 =	smov.u32 s0;
	p3 =	por !p3, !p2  }
0x45: {  	v9 =	vpsel p0, v9, v13;
	v13, _, _ =	vpop @p4 (xrf0);
	s4 =	smov.u32 @p1 s5;
	s6 =	simm.s32 @!p3 $0x0  }
0x46: {  	(v2sf) =	vpush @p4 v13, $0xF;
	s5 =	spop @p0 (v2sf);
	v13 =	vld @!p3 [tilespmem:s13+$0x0];
	s6 =	simm.s32 @p3 $0x1;
	p3 =	seq.s32 s14, $0x1  }
0x47: {  	[smem:$0x7D8] =	sst s6;
	s6 =	spop @p3 (v2sf)  }
0x48: {  	p1 =	sgt.f32 @p3 s6, $0.0e+00;
	_ =	sdelay $0x1  }
0x49: {  	vm10 =	vlt.s32 v18, v8;
	s15 =	sld [smem:$0x7D9];
	s6 =	simm.s32 @!p1 $0x0  }
0x4a: {  	v8 =	vsel vm10, $0x1, v3;
	s6 =	simm.s32 @p1 $0x1  }
0x4b: {  	(xrf0) =	vadd.scan.msk.s32 $0xffff, v8;
	v8 =	vsel @p6 vm6, $0x3F800000, v6;
	[smem:$0x7DA] =	sst s6  }
0x4c: {  	(xrf0) =	vmax.scan.msk.f32 @p6 $0xffff, v8;
	v8 =	vsel @p0 vm1, $0xFFFFFFFF, v3;
	p1 =	seq.s32 s15, $0x1;
	s16 =	sld [smem:$0x7DA]  }
0x4d: {  	v58 =	vld [tilespmem:$0x1FF80];
	v8 =	vadd.s32 @p0 s7, v8;
	s5 =	sadd.s32 @p0 s7, s5;
	s7 =	simm.s32 $0x0;
	p1 =	por @!p2 p0, p0  }
0x4e: {  	s7 =	smov.u32 @p0 s5;
	s5 =	simm.s32 @!p1 $0x0  }
0x4f: {  	v8 =	vpsel p0, v8, v17;
	s5 =	simm.s32 @p1 $0x1;
	p1 =	seq.s32 s16, $0x1  }
0x50: {  	vm0 =	vmmov @p5 vm0;
	v8 =	vadd.s32 @p0 v9, v8;
	s17 =	sld [smem:$0x7D8];
	p1 =	por @!p3 p0, p0  }
0x51: {  	vm4 =	vmmov @p5 vm0;
	vm5 =	vmmov @p0 vm1;
	vm0 =	vlt.s32 @p0 v8, v7;
	[smem:$0x7D9] =	sst s5;
	s5 =	simm.s32 @!p1 $0x0  }
0x52: {  	vm1 =	vmmov @p2 vm7;
	vm0 =	vmand @p0 vm5, vm0;
	vm5 =	vnez.u8 v58;
	s18 =	sld [smem:$0x7D9];
	s5 =	simm.s32 @p1 $0x1  }
0x53: {  	v8 =	vsel @p6 vm6, $0x1, v3;
	vm5 =	vmmov @p2 vm1;
	[smem:$0x7DA] =	sst s5  }
0x54: {  	v57, _, _ =	vpop (xrf0);
	(xrf0) =	vadd.scan.msk.s32 @p6 $0xffff, v8;
	v8 =	vsel @p0 vm0, $0x3F800000, v6;
	vm3 =	vmmov @p5 vm4;
	vm1 =	vmmov @p2 vm5;
	p1 =	seq.s32 s17, $0x1;
	s19 =	sld [smem:$0x7DA]  }
0x55: {  	v15, _, _ =	vpop @p6 (xrf0);
	(xrf0) =	vmax.scan.msk.f32 @p0 $0xffff, v8;
	v8 =	vpsel p5, v12, v14;
	v12 =	vsel @p5 vm3, $0xFFFFFFFF, v3;
	[tilespmem:s4+$0xF100] =	vst.msk @!p1 vm1, v11;
	p1 =	seq.s32 s18, $0x1  }
0x56: {  	s11 =	smov.u32 @p2 s9;
	v11 =	vadd.s32 @p5 s7, v12;
	v12 =	vpsel p2, v13, v0;
	vm1 =	vmmov @p2 vm1;
	p1 =	por !p1, !p2  }
0x57: {  	s9 =	sadd.s32 @p2 $0x10, s12;
	s20 =	sld [smem:$0x7DA];
	[tilespmem:s4+$0xF200] =	vst.msk @!p1 vm1, v12;
	p1 =	seq.s32 s19, $0x1  }
0x58: {  	s6 =	smov.u32 @p2 s11;
	s11 =	simm.s32 $0xF300;
	p1 =	por !p1, !p3  }
0x59: {  	s11 =	smov.u32 @p2 s9;
	s9 =	simm.s32 @!p1 $0x0  }
0x5a: {  	s9 =	simm.s32 @p1 $0x1;
	p1 =	seq.s32 s20, $0x1  }
0x5b: {  	p1 =	por @p3 p1, p1  }
0x5c: {  	[smem:$0x7DB] =	sst s9;
	s9 =	simm.s32 @!p1 $0x0  }
0x5d: {  	s21 =	sld [smem:$0x7DB];
	s9 =	simm.s32 @p1 $0x1  }
0x5e: {  	[smem:$0x7DC] =	sst s9  }
0x5f: {  	s22 =	sld [smem:$0x7DC];
	_ =	sdelay $0x1  }
0x60: {  	p1 =	seq.s32 s21, $0x1  }
0x61: {  	v8 =	vpsel p5, v8, v10;
	v10 =	vld @!p1 [tilespmem:s11+$0x0];
	p1 =	seq.s32 s22, $0x1  }
0x62: {  	s8 =	sadd.s32 @p2 $0x10, s13;
	s5 =	simm.s32 $0xFC00;
	p1 =	por !p1, !p3  }
0x63: {  	s5 =	smov.u32 @p2 s8;
	s8 =	simm.s32 @!p1 $0x0  }
0x64: {  	s8 =	simm.s32 @p1 $0x1  }
0x65: {  	v59 =	vld [tilespmem:$0x1FF60];
	[smem:$0x7DD] =	sst s8  }
0x66: {  	s8 =	sld [smem:$0x7DD];
	_ =	sdelay $0x1  }
0x67: {  	s9 =	spop @p3 (v2sf)  }
0x68: {  	s6 =	smov.u32 @p2 s6;
	v11 =	vpsel p5, v11, v16;
	p1 =	seq.s32 s8, $0x1;
	s8 =	spop @p5 (v2sf)  }
0x69: {  	vm4 =	vnez.u8 v59;
	vm1 =	vmmov @p3 vm2;
	v8 =	vadd.s32 @p5 v8, v11;
	s4 =	sadd.s32 @p2 s4, s6;
	s6 =	spop @p4 (v2sf)  }
0x6a: {  	vm4 =	vmmov @p3 vm1;
	vm1 =	vlt.s32 @p5 v8, v7;
	v8 =	vld @!p1 [tilespmem:s5+$0x0];
	p1 =	sgt.f32 @p4 s6, $0.0e+00;
	_ =	sdelay $0x1  }
0x6b: {  	p1 =	por @!p4 p0, p0  }
0x6c: {  	s23 =	sld [smem:$0x7DC];
	s6 =	sadd.s32 @p5 s7, s8;
	s7 =	simm.s32 @!p1 $0x0  }
0x6d: {  	s24 =	sld [smem:$0x7DD];
	s7 =	simm.s32 @p1 $0x1  }
0x6e: {  	vm11 =	vmmov @p5 vm3;
	[smem:$0x7DE] =	sst s7  }
0x6f: {  	s12 =	smov.u32 s0;
	vm2 =	vmand @p5 vm11, vm1;
	vm1 =	vmmov @p3 vm4;
	s25 =	sld [smem:$0x7DE]  }
0x70: {  	(v2sf) =	vpush v57, $0xF;
	s12 =	smov.u32 @p2 s4;
	vm1 =	vmmov @p3 vm1;
	p2 =	seq.s32 s23, $0x1  }
0x71: {  	(v2sf) =	vpush @p6 v15, $0xF;
	vm1 =	vmmov @p3 vm1;
	p2 =	por @!p3 p0, p0;
	p1 =	seq.s32 s24, $0x1  }
0x72: {  	s4 =	smov.u32 @p3 s9;
	p2 =	por !p2, !p3;
	v8 =	vpsel p3, v8, v0;
	[tilespmem:s12+$0xF100] =	vst.msk @!p1 vm1, v10;
	vm1 =	vmmov @p3 vm1;
	p1 =	seq.s32 s25, $0x1  }
0x73: {  	s9 =	simm.s32 $0xF300;
	s8 =	sadd.s32 @p3 $0x10, s11;
	[tilespmem:s12+$0xF200] =	vst.msk @!p2 vm1, v8;
	p2 =	por !p1, !p4  }
0x74: {  	vm10 =	vmmov vm10;
	s9 =	smov.u32 @p3 s8;
	s8 =	simm.s32 @!p2 $0x0  }
0x75: {  	vm3 =	vmmov vm10;
	s8 =	simm.s32 @p2 $0x1  }
0x76: {  	vm11 =	vmmov vm3;
	v8 =	vld [tilespmem:$0x1FF70];
	[smem:$0x7DF] =	sst s8  }
0x77: {  	v11, _, _ =	vpop @p6 (xrf0);
	v60 =	vsel vm11, $0xFFFFFFFF, v3;
	s3 =	smov.u32 @p5 s6;
	s26 =	sld [smem:$0x7DF]  }
0x78: {  	v12 =	vsel @p0 vm0, $0x1, v3;
	(v2sf) =	vpush @p6 v11, $0xF;
	v11, _, _ =	vpop @p0 (xrf0);
	v62 =	vadd.s32 s3, v60  }
0x79: {  	v61 =	vld [tilespmem:$0x1FF90];
	(xrf0) =	vadd.scan.msk.s32 @p0 $0xffff, v12;
	v12 =	vsel @p5 vm2, $0x3F800000, v6;
	(v2sf) =	vpush @p0 v11, $0xF;
	v9 =	vadd.s32 v57, v62  }
0x7a: {  	(xrf0) =	vmax.scan.msk.f32 @p5 $0xffff, v12;
	vm12 =	vlt.s32 v9, v7;
	v7 =	vld [tilespmem:$0x1FF50];
	p2 =	por @p4 p1, p1;
	p1 =	seq.s32 s26, $0x1  }
0x7b: {  	s5 =	sadd.s32 @p3 $0x10, s5;
	s7 =	simm.s32 $0xFC00;
	vm4 =	vnez.u8 v8;
	v8 =	vld @!p1 [tilespmem:s9+$0x0];
	p1 =	por !p2, !p4  }
0x7c: {  	vm1 =	vmmov @p4 vm8;
	s7 =	smov.u32 @p3 s5;
	s5 =	simm.s32 @!p1 $0x0  }
0x7d: {  	vm4 =	vmmov @p4 vm1;
	s5 =	simm.s32 @p1 $0x1  }
0x7e: {  	vm5 =	vnez.u8 v61;
	s3 =	smov.u32 @p3 s4;
	s8 =	spop @p4 (v2sf);
	vm4 =	vmmov @p4 vm4;
	v12 =	vld @!p1 [tilespmem:s7+$0x0];
	[smem:$0x7E0] =	sst s5  }
0x7f: {  	vm3 =	vmmov @p6 vm6;
	s6 =	sadd.s32 @p4 $0x10, s9;
	v10, _, _ =	vpop @p0 (xrf0);
	vm6 =	vnez.u8 v7;
	s28 =	spop (v2sf);
	vm5 =	vmmov @p4 vm4;
	s29 =	sld [smem:$0x7E0]  }
0x80: {  	s3 =	sadd.s32 @p3 s12, s3;
	v11, _, _ =	vpop @p5 (xrf0);
	vm6 =	vmmov @p6 vm3;
	(v2sf) =	vpush @p0 v10, $0xF;
	s4 =	spop @p6 (v2sf);
	vm4 =	vmmov @p4 vm5;
	p2 =	por @!p4 p0, p0  }
0x81: {  	vm1 =	vmand vm11, vm12;
	(v2sf) =	vpush @p5 v11, $0xF;
	vm4 =	vmmov @p4 vm4;
	p2 =	por !p2, !p4;
	p1 =	sgt.f32 @p6 s4, $0.0e+00;
	s5 =	smov.u32 s0  }
0x82: {  	v7 =	vsel vm1, $0x3F800000, v6;
	v10 =	vsel @p5 vm2, $0x1, v3;
	vm3 =	vmmov @p4 vm4;
	s4 =	simm.s32 $0xFC00;
	s5 =	smov.u32 @p3 s3;
	p3 =	seq.s32 s29, $0x1  }
0x83: {  	(xrf0) =	vadd.scan.msk.s32 @p5 $0xffff, v10;
	s3 =	sadd.s32 @p4 $0x10, s7;
	p1 =	por @!p6 p0, p0;
	s7 =	simm.s32 $0xF300;
	[tilespmem:s5+$0xF100] =	vst.msk @!p3 vm3, v8;
	v8 =	vpsel p4, v12, v0;
	vm3 =	vmmov @p4 vm3  }
0x84: {  	(xrf0) =	vmax.scan.msk.f32 $0xffff, v7;
	s7 =	smov.u32 @p4 s6;
	p3 =	por !p1, !p6;
	[tilespmem:s5+$0xF200] =	vst.msk @!p2 vm3, v8;
	vm3 =	vmmov @p6 vm6;
	p2 =	por @p6 p1, p1  }
0x85: {  	s6 =	smov.u32 @p4 s8;
	s4 =	smov.u32 @p4 s3;
	vm15 =	vmmov @p6 vm3;
	v7 =	vld @!p3 [tilespmem:s7+$0x0];
	p3 =	por !p2, !p6  }
0x86: {  	s3 =	smov.u32 @p4 s6;
	vm3 =	vmmov @p6 vm15;
	v8 =	vld @!p3 [tilespmem:s4+$0x0]  }
0x87: {  	s6 =	spop @p6 (v2sf);
	s3 =	smov.u32 @p4 s3;
	vm3 =	vmmov @p6 vm3  }
0x88: {  	s8 =	spop @p0 (v2sf);
	s3 =	sadd.s32 @p4 s5, s3;
	s5 =	smov.u32 s0;
	vm3 =	vmmov @p6 vm3  }
0x89: {  	vm0 =	vmmov @p0 vm0;
	v9, _, _ =	vpop @p5 (xrf0);
	p1 =	sgt.f32 @p0 s8, $0.0e+00;
	s8 =	simm.s32 $0xF300;
	s5 =	smov.u32 @p4 s3;
	vm3 =	vmmov @p6 vm3  }
0x8a: {  	vm14 =	vmmov @p0 vm0;
	v63, _, _ =	vpop (xrf0);
	(v2sf) =	vpush @p5 v9, $0xF;
	s3 =	sadd.s32 @p6 $0x10, s4;
	p2 =	por @!p6 p0, p0;
	s7 =	sadd.s32 @p6 $0x10, s7;
	vm0 =	vmmov @p6 vm3  }
0x8b: {  	(v2sf) =	vpush v63, $0xF;
	p1 =	por @!p0 p0, p0;
	s4 =	simm.s32 $0xFC00;
	[tilespmem:s5+$0xF100] =	vst.msk @!p3 vm0, v7;
	v7 =	vpsel p6, v8, v0;
	vm0 =	vmmov @p6 vm0;
	p3 =	por !p2, !p6  }
0x8c: {  	s8 =	smov.u32 @p6 s7;
	p4 =	por !p1, !p0;
	[tilespmem:s5+$0xF200] =	vst.msk @!p3 vm0, v7;
	vm0 =	vmmov @p0 vm14;
	v7 =	vsel vm1, $0x1, v3;
	p3 =	por @p0 p1, p1  }
0x8d: {  	s6 =	smov.u32 @p6 s6;
	s4 =	smov.u32 @p6 s3;
	vm13 =	vmmov @p0 vm0;
	(xrf0) =	vadd.scan.msk.s32 $0xffff, v7;
	v7 =	vld @!p4 [tilespmem:s8+$0x0];
	p1 =	por !p3, !p0  }
0x8e: {  	s3 =	smov.u32 @p6 s6;
	vm0 =	vmmov @p0 vm13;
	v8 =	vld @!p1 [tilespmem:s4+$0x0]  }
0x8f: {  	s6 =	spop @p0 (v2sf);
	s3 =	smov.u32 @p6 s3;
	vm0 =	vmmov @p0 vm0  }
0x90: {  	s7 =	spop @p5 (v2sf);
	s3 =	sadd.s32 @p6 s5, s3;
	s5 =	smov.u32 s0;
	vm0 =	vmmov @p0 vm0  }
0x91: {  	p4 =	sgt.f32 @p5 s7, $0.0e+00;
	s5 =	smov.u32 @p6 s3;
	s3 =	sadd.s32 @p0 $0x10, s4;
	vm0 =	vmmov @p0 vm0  }
0x92: {  	vm2 =	vmmov @p5 vm2;
	p3 =	por @!p0 p0, p0;
	s7 =	sadd.s32 @p0 $0x10, s8;
	s8 =	simm.s32 $0xF300;
	vm0 =	vmmov @p0 vm0  }
0x93: {  	vm9 =	vmmov @p5 vm2;
	s4 =	simm.s32 $0xFC00;
	p4 =	por @!p5 p0, p0;
	[tilespmem:s5+$0xF100] =	vst.msk @!p1 vm0, v7;
	v7, _, _ =	vpop (xrf0);
	v8 =	vpsel p0, v8, v0;
	vm0 =	vmmov @p0 vm0;
	p1 =	por !p3, !p0  }
0x94: {  	s8 =	smov.u32 @p0 s7;
	p3 =	por !p4, !p5;
	[tilespmem:s5+$0xF200] =	vst.msk @!p1 vm0, v8;
	vm0 =	vmmov @p5 vm9;
	(v2sf) =	vpush v7, $0xF;
	p1 =	por @p5 p4, p4  }
0x95: {  	s6 =	smov.u32 @p0 s6;
	s4 =	smov.u32 @p0 s3;
	vm0 =	vmmov @p5 vm0;
	v7 =	vld @!p3 [tilespmem:s8+$0x0];
	p3 =	por !p1, !p5  }
0x96: {  	s3 =	smov.u32 @p0 s6;
	vm0 =	vmmov @p5 vm0;
	v8 =	vld @!p3 [tilespmem:s4+$0x0]  }
0x97: {  	s3 =	smov.u32 @p0 s3;
	vm0 =	vmmov @p5 vm0  }
0x98: {  	s3 =	sadd.s32 @p0 s5, s3;
	s5 =	smov.u32 s0;
	vm0 =	vmmov @p5 vm0  }
0x99: {  	s5 =	smov.u32 @p0 s3;
	s3 =	spop @p5 (v2sf);
	vm0 =	vmmov @p5 vm0  }
0x9a: {  	p1 =	por @!p5 p0, p0;
	s30 =	spop (v2sf);
	vm0 =	vmmov @p5 vm0  }
0x9b: {  	s6 =	sadd.s32 @p5 $0x10, s8;
	p1 =	por !p1, !p5;
	p0 =	sgt.f32 s30, $0.0e+00;
	[tilespmem:s5+$0xF100] =	vst.msk @!p3 vm0, v7;
	v7 =	vpsel p5, v8, v0;
	vm0 =	vmmov @p5 vm0  }
0x9c: {  	s2 =	smov.u32 @p5 s6;
	s4 =	sadd.s32 @p5 $0x10, s4;
	[tilespmem:s5+$0xF200] =	vst.msk @!p1 vm0, v7  }
0x9d: {  	vm15 =	vmmov vm1;
	s3 =	smov.u32 @p5 s3;
	s1 =	smov.u32 @p5 s4;
	v7 =	vld @p0 [tilespmem:s2+$0x0];
	p0 =	por p0, p0  }
0x9e: {  	vm0 =	vmmov vm15;
	s2 =	smov.u32 @p5 s3;
	v8 =	vld @p0 [tilespmem:s1+$0x0]  }
0x9f: {  	vm0 =	vmmov vm0;
	s1 =	smov.u32 @p5 s2  }
0xa0: {  	vm0 =	vmmov vm0;
	s1 =	sadd.s32 @p5 s5, s1  }
0xa1: {  	vm0 =	vmmov vm0;
	s0 =	smov.u32 @p5 s1  }
0xa2: {  	[tilespmem:s0+$0xF100] =	vst.msk @p0 vm0, v7  }
0xa3: {  	[tilespmem:s0+$0xF200] =	vst.msk @p0 vm0, v8;
	s31 =	spop (v2sf)  }
.LBB2_164:
0xa4: {  	s0 =	rddreg [dreg:$0x9]  }
0xa5: {  	s1 =	rddreg [dreg:$0x4];
	s31 =	simm.s32 $0x0;
	s0 =	sshll.u32 s0, $0x4  }
0xa6: {  	s2 =	simm.s32 $0xF200;
	s3 =	simm.s32 $0x2;
	s0 =	sadd.s32 s1, s0  }
0xa7: {  	[hbm4b:s0+s31] =	stream.linear.scatter [tilespmem:s2], [sflag:$0x2], $0x80, $0x38;
	[tilespmem:$0x11B80] =	vst v63  }
0xa8: {  	_ =	swait.ge [sflag:s3], $0x80  }
0xa9: {  	s13 =	rddreg [dreg:$0x8]  }
0xaa: {  	s13 =	sadd.s32 $0x1, s13  }
0xab: {  	p0 =	sne.s32 s13, $0x20  }
.Ltmp3:
0xac: {  	_ = 	snop;
	(pc) =	sbr.rel @!p0 .LBB2_165-.Ltmp3, $3  }
0xad: {  	_ =	sdelay $0x1  }
0xae: {  	[sflag:s3] =	ssyncset.done $0x0  }
0xaf: {  	[sflag:s3] =	ssyncadd.s32 $0xFFFFFF80  }
.LBB2_2:
0xb0: {  	s0 =	rddreg [dreg:$0x5]  }
0xb1: {  	s14 =	sadd.s32 s0, s13  }
0xb2: {  	s0 =	smul.u32 $0x62, s14  }
0xb3: {  	s1 =	rddreg [dreg:$0x3]  }
0xb4: {  	[tilespmem:$0x11B10] =	vst v2;
	s2 =	simm.s32 $0x11800;
	s0 =	sadd.s32 s1, s0;
	s1 =	simm.s32 $0x0  }
0xb5: {  	[tilespmem:s2], [sflag:$0x2] =	stream.linear.gather [hbm4b:s0+s1], $0x310, $0x38;
	[tilespmem:$0x11B80] =	vst v63  }
0xb6: {  	_ =	swait.ge [sflag:s3], $0x310  }
0xb7: {  	[sflag:s3] =	ssyncset.done $0x0  }
0xb8: {  	[sflag:s3] =	ssyncadd.s32 $0xFFFFFCF0  }
0xb9: {  	[tilespmem:$0x11700] =	vst v3  }
0xba: {  	[tilespmem:$0x11710] =	vst v3  }
0xbb: {  	[tilespmem:$0x11720] =	vst v3  }
0xbc: {  	[tilespmem:$0x11730] =	vst v3  }
0xbd: {  	[tilespmem:$0x11740] =	vst v3  }
0xbe: {  	[tilespmem:$0x11750] =	vst v3  }
0xbf: {  	[tilespmem:$0x11760] =	vst v3  }
0xc0: {  	[tilespmem:$0x11770] =	vst v3  }
0xc1: {  	[tilespmem:$0x11780] =	vst v3  }
0xc2: {  	[tilespmem:$0x11790] =	vst v3  }
0xc3: {  	[tilespmem:$0x117A0] =	vst v3  }
0xc4: {  	[tilespmem:$0x117B0] =	vst v3  }
0xc5: {  	[tilespmem:$0x117C0] =	vst v3  }
0xc6: {  	[tilespmem:$0x117D0] =	vst v3  }
0xc7: {  	[tilespmem:$0x117E0] =	vst v3  }
0xc8: {  	s0 =	simm.s32 $0x0;
	[tilespmem:$0x117F0] =	vst v3  }
.LBB2_3:
0xc9: {  	s2 =	sshra.s32 s0, $0x2  }
0xca: {  	v7 =	vld [tilespmem:s2+$0x11800];
	_ =	sdelay $0x4  }
0xcb: {  	v8 =	vshra.s32 v7, $0x1F  }
0xcc: {  	v8 =	vor.u32 $0x80000000, v8  }
0xcd: {  	v7 =	vxor.u32 v7, v8  }
0xce: {  	p0 =	seq.s32 s0, $0xC00;
	v7 =	vshrl.u32 v7, $0x18  }
.Ltmp4:
0xcf: {  	_ = 	snop;
	(pc) =	sbr.rel @!p0 .LBB2_3-.Ltmp4, $2  }
0xd0: {  	_ =	sdelay $0x2  }
0xd1: {  	s0 =	sadd.s32 $0x40, s0;
	[tilespmem:v7+s10+$0x0] =	vst.idx.add.s32.msk $0xffff, v4  }
0xd2: {  	s3 =	simm.s32 $0x117F0  }
0xd3: {  	v7 =	vld [tilespmem:s3+$0x0];
	_ =	sdelay $0x3  }
0xd4: {  	s15 =	simm.s32 $0x117E0  }
0xd5: {  	v8 =	vld [tilespmem:s15+$0x0];
	(xrf0) =	vadd.scan.msk.s32 $0xffff, v7;
	_ =	sdelay $0x4  }
0xd6: {  	(xrf0) =	vadd.scan.msk.s32 $0xffff, v8  }
0xd7: {  	v9, _, _ =	vpop (xrf0)  }
0xd8: {  	s16 =	simm.s32 $0x117D0;
	v7 =	vperm.xlane v7, v5;
	(v2sf) =	vpush v9, $0xF  }
0xd9: {  	v10 =	vld [tilespmem:s16+$0x0];
	_ =	sdelay $0x1  }
0xda: {  	(xrf0) =	vadd.scan.msk.s32 $0xffff, v7  }
0xdb: {  	v7, _, _ =	vpop (xrf0)  }
0xdc: {  	s17 =	simm.s32 $0x117C0;
	(v2sf) =	vpush v7, $0xF;
	v7 =	vperm.xlane v8, v5  }
0xdd: {  	(xrf0) =	vadd.scan.msk.s32 $0xffff, v10;
	v9 =	vld [tilespmem:s17+$0x0];
	_ =	sdelay $0x2  }
0xde: {  	s2 =	simm.s32 $0xFF;
	(xrf0) =	vadd.scan.msk.s32 $0xffff, v7;
	v7, _, _ =	vpop (xrf0)  }
0xdf: {  	v11 =	vadd.s32 s2, v1;
	v7 =	vadd.s32 s1, v7  }
0xe0: {  	(xrf0) =	vadd.scan.msk.s32 $0xffff, v9;
	vm0 =	vgt.s32 v7, $0x7F;
	v7 =	vxor.u32 $0x80000000, v11  }
0xe1: {  	v8, _, _ =	vpop (xrf0);
	v7 =	vnsel vm0, $0x7FFFFFFF, v7  }
0xe2: {  	(v2sf) =	vpush v8, $0xF;
	(xrf0) =	vmax.scan.msk.u32 $0xffff, v7;
	v7 =	vperm.xlane v10, v5;
	_ =	sdelay $0x1  }
0xe3: {  	s18 =	simm.s32 $0x117B0;
	s19 =	spop (v2sf)  }
0xe4: {  	s20 =	simm.s32 $0xEF;
	v8 =	vld [tilespmem:s18+$0x0];
	v10, _, _ =	vpop (xrf0);
	(xrf0) =	vadd.scan.msk.s32 $0xffff, v7;
	s1 =	sadd.s32 $0x0, s19  }
0xe5: {  	v11 =	vadd.s32 s20, v1;
	v7, _, _ =	vpop (xrf0);
	v10 =	vadd.s32 s1, v10  }
0xe6: {  	(v2sf) =	vpush v7, $0xF;
	v7 =	vxor.u32 $0x80000000, v11;
	vm12 =	vgt.s32 v10, $0x7F  }
0xe7: {  	v7 =	vnsel vm12, $0x7FFFFFFF, v7;
	_ =	sdelay $0x1  }
0xe8: {  	s21 =	simm.s32 $0x117A0;
	v9 =	vperm.xlane v9, v5;
	(xrf0) =	vadd.scan.msk.s32 $0xffff, v8;
	s22 =	spop (v2sf);
	v10, _, _ =	vpop (xrf0)  }
0xe9: {  	s23 =	simm.s32 $0xDF;
	v11 =	vld [tilespmem:s21+$0x0];
	s1 =	sadd.s32 s1, s22;
	(xrf0) =	vmax.scan.msk.u32 $0xffff, v7;
	v7, _, _ =	vpop (xrf0)  }
0xea: {  	(xrf0) =	vadd.scan.msk.s32 $0xffff, v9;
	v9 =	vadd.s32 s23, v1;
	v7 =	vadd.s32 s1, v7  }
0xeb: {  	vm13 =	vgt.s32 v7, $0x7F;
	v7 =	vxor.u32 $0x80000000, v9  }
0xec: {  	v8 =	vperm.xlane v8, v5;
	v7 =	vnsel vm13, $0x7FFFFFFF, v7  }
0xed: {  	(v2sf) =	vpush v10, $0xF  }
0xee: {  	(xrf0) =	vadd.scan.msk.s32 $0xffff, v11;
	v9, _, _ =	vpop (xrf0)  }
0xef: {  	s24 =	simm.s32 $0x11790;
	s25 =	spop (v2sf);
	(xrf0) =	vmax.scan.msk.u32 $0xffff, v7;
	v7, _, _ =	vpop (xrf0)  }
0xf0: {  	s26 =	simm.s32 $0xCF;
	v10 =	vld [tilespmem:s24+$0x0];
	s1 =	sadd.s32 s1, s25;
	(xrf0) =	vadd.scan.msk.s32 $0xffff, v8;
	v8, _, _ =	vpop (xrf0)  }
0xf1: {  	v12 =	vadd.s32 s26, v1;
	v8 =	vadd.s32 s1, v8  }
0xf2: {  	vm14 =	vgt.s32 v8, $0x7F;
	v8 =	vxor.u32 $0x80000000, v12  }
0xf3: {  	v8 =	vnsel vm14, $0x7FFFFFFF, v8  }
0xf4: {  	(v2sf) =	vpush v9, $0xF  }
0xf5: {  	(xrf0) =	vadd.scan.msk.s32 $0xffff, v10;
	s29 =	spop (v2sf);
	(v2sf) =	vpush v7, $0xF;
	v62, _, _ =	vpop (xrf0)  }
0xf6: {  	(v2sf) =	vpush v62, $0xF;
	(xrf0) =	vmax.scan.msk.u32 $0xffff, v8;
	v8, _, _ =	vpop (xrf0)  }
0xf7: {  	v11 =	vperm.xlane v11, v5;
	(v2sf) =	vpush v8, $0xF;
	_ =	sdelay $0x2  }
0xf8: {  	v9, _, _ =	vpop (xrf0)  }
0xf9: {  	(xrf0) =	vadd.scan.msk.s32 $0xffff, v11;
	v11, _, _ =	vpop (xrf0)  }
0xfa: {  	s28 =	simm.s32 $0x11780;
	s31 =	spop (v2sf);
	(v2sf) =	vpush v11, $0xF  }
0xfb: {  	v13 =	vld [tilespmem:s28+$0x0];
	_ =	sdelay $0x1  }
0xfc: {  	s30 =	simm.s32 $0xBF;
	s5 =	sadd.s32 s1, s29  }
0xfd: {  	v7 =	vadd.s32 s5, v9;
	v9 =	vadd.s32 s30, v1  }
0xfe: {  	s0 =	simm.s32 $0xFFFFFFFF;
	s6 =	simm.s32 $0xAF;
	s4 =	simm.s32 $0x9F;
	vm15 =	vgt.s32 v7, $0x7F;
	v7 =	vxor.u32 $0x80000000, v9  }
0xff: {  	s7 =	simm.s32 $0x11770;
	s8 =	simm.s32 $0x6F;
	(xrf0) =	vadd.scan.msk.s32 $0xffff, v13;
	s3 =	sxor.u32 $0x80000000, s31;
	v63 =	vnsel vm15, $0x7FFFFFFF, v7  }
0x100: {  	s2 =	simm.s32 $0x8F;
	s1 =	simm.s32 $0x7F;
	v8 =	vld [tilespmem:s7+$0x0];
	v9 =	vperm.xlane v10, v5;
	p0 =	slt.s32 s3, $0xFFFFFFFF;
	v7 =	vperm.xlane v13, v5;
	v10, _, _ =	vpop (xrf0);
	(xrf0) =	vmax.scan.msk.u32 $0xffff, v63  }
.LBB2_5:
0x101: {  	s9 =	smov.u32 s0  }
0x102: {  	s0 =	smov.u32 s3;
	s3 =	smov.u32 s8;
	p1 =	seq.s32 s8, $0xF  }
0x103: {  	s11 =	spop (v2sf);
	(v2sf) =	vpush v10, $0xF;
	s0 =	smov.u32 @p0 s9;
	s9 =	sadd.s32 $0xFFFFFFF0, s8  }
.Ltmp5:
0x104: {  	(xrf0) =	vadd.scan.msk.s32 $0xffff, v9;
	v10, _, _ =	vpop (xrf0);
	s5 =	sadd.s32 s5, s11;
	v9 =	vmov v7;
	(pc) =	sbr.rel @!p1 .LBB2_5-.Ltmp5, $4  }
0x105: {  	s7 =	sadd.s32 $0xFFFFFFF0, s7;
	v12 =	vadd.s32 s6, v1;
	s6 =	smov.u32 s4;
	s4 =	smov.u32 s2;
	v7 =	vperm.xlane v8, v5;
	(xrf0) =	vadd.scan.msk.s32 $0xffff, v8;
	v11, _, _ =	vpop (xrf0);
	v10 =	vadd.s32 s5, v10  }
0x106: {  	s2 =	smov.u32 s1;
	v12 =	vxor.u32 $0x80000000, v12;
	s1 =	smov.u32 s3;
	v8 =	vld [tilespmem:s7+$0x0];
	(v2sf) =	vpush v11, $0xF;
	vm0 =	vgt.s32 v10, $0x7F;
	s8 =	spop (v2sf)  }
0x107: {  	v11 =	vnsel vm0, $0x7FFFFFFF, v12;
	s3 =	sxor.u32 $0x80000000, s8  }
0x108: {  	s8 =	smov.u32 s9;
	(xrf0) =	vmax.scan.msk.u32 $0xffff, v11;
	v10, _, _ =	vpop (xrf0);
	p0 =	sgt.s32 s0, s3  }
0x109: {  	_ = 	snop  }
0x10a: {  	v11, _, _ =	vpop (xrf0)  }
0x10b: {  	(v2sf) =	vpush v10, $0xF;
	(xrf0) =	vadd.scan.msk.s32 $0xffff, v9;
	v9, _, _ =	vpop (xrf0)  }
0x10c: {  	(v2sf) =	vpush v9, $0xF;
	_ =	sdelay $0x1  }
0x10d: {  	s7 =	spop (v2sf);
	v10 =	vadd.s32 s6, v1  }
0x10e: {  	s5 =	sadd.s32 s5, s7;
	s11 =	spop (v2sf)  }
0x10f: {  	s12 =	spop (v2sf);
	v9 =	vadd.s32 s5, v11;
	v11, _, _ =	vpop (xrf0)  }
0x110: {  	s5 =	sadd.s32 s5, s12;
	vm0 =	vgt.s32 v9, $0x7F;
	v9 =	vxor.u32 $0x80000000, v10;
	v10, _, _ =	vpop (xrf0)  }
0x111: {  	v12 =	vadd.s32 s4, v1;
	(xrf0) =	vadd.scan.msk.s32 $0xffff, v8;
	v9 =	vnsel vm0, $0x7FFFFFFF, v9;
	v10 =	vadd.s32 s5, v10  }
0x112: {  	(xrf0) =	vmax.scan.msk.u32 $0xffff, v9;
	v9 =	vxor.u32 $0x80000000, v12;
	vm9 =	vgt.s32 v10, $0x7F  }
0x113: {  	v8 =	vperm.xlane v8, v5;
	(xrf0) =	vadd.scan.msk.s32 $0xffff, v7;
	v7 =	vnsel vm9, $0x7FFFFFFF, v9  }
0x114: {  	(xrf0) =	vmax.scan.msk.u32 $0xffff, v7  }
0x115: {  	(xrf0) =	vadd.scan.msk.s32 $0xffff, v8;
	_ =	sdelay $0x1  }
0x116: {  	s15 =	spop (v2sf);
	v7, _, _ =	vpop (xrf0)  }
0x117: {  	v10 =	vadd.s32 s2, v1;
	s16 =	spop (v2sf);
	v8, _, _ =	vpop (xrf0)  }
0x118: {  	s5 =	sadd.s32 s5, s16;
	v9, _, _ =	vpop (xrf0);
	s17 =	spop (v2sf)  }
0x119: {  	v9 =	vadd.s32 s5, v9;
	v63, _, _ =	vpop (xrf0);
	s18 =	spop (v2sf)  }
0x11a: {  	vm10 =	vgt.s32 v9, $0x7F;
	v9 =	vxor.u32 $0x80000000, v10;
	v10, _, _ =	vpop (xrf0);
	s2 =	sadd.s32 s5, s18  }
0x11b: {  	v13 =	vadd.s32 s1, v1;
	v9 =	vnsel vm10, $0x7FFFFFFF, v9;
	v10 =	vadd.s32 s2, v10  }
0x11c: {  	(xrf0) =	vmax.scan.msk.u32 $0xffff, v9;
	v9 =	vxor.u32 $0x80000000, v13;
	vm11 =	vgt.s32 v10, $0x7F  }
0x11d: {  	(v2sf) =	vpush v11, $0xF;
	v9 =	vnsel vm11, $0x7FFFFFFF, v9  }
0x11e: {  	(v2sf) =	vpush v7, $0xF;
	(xrf0) =	vmax.scan.msk.u32 $0xffff, v9  }
0x11f: {  	(v2sf) =	vpush v8, $0xF;
	_ =	sdelay $0x1  }
0x120: {  	(v2sf) =	vpush v63, $0xF  }
0x121: {  	v7, _, _ =	vpop (xrf0)  }
0x122: {  	(v2sf) =	vpush v7, $0xF  }
0x123: {  	v7, _, _ =	vpop (xrf0)  }
0x124: {  	(v2sf) =	vpush v7, $0xF;
	_ =	sdelay $0x1  }
0x125: {  	s3 =	smov.u32 @p0 s0;
	s0 =	sxor.u32 $0x80000000, s11  }
0x126: {  	p0 =	sgt.s32 s3, s0  }
0x127: {  	s0 =	smov.u32 @p0 s3;
	s1 =	sxor.u32 $0x80000000, s15  }
0x128: {  	p0 =	sgt.s32 s0, s1  }
0x129: {  	s1 =	smov.u32 @p0 s0;
	s0 =	sxor.u32 $0x80000000, s17  }
0x12a: {  	p0 =	sgt.s32 s1, s0;
	s19 =	spop (v2sf)  }
0x12b: {  	s0 =	smov.u32 @p0 s1;
	s1 =	sxor.u32 $0x80000000, s19;
	s20 =	spop (v2sf)  }
0x12c: {  	p0 =	sgt.s32 s0, s1;
	s2 =	spop (v2sf)  }
0x12d: {  	s1 =	smov.u32 @p0 s0;
	s0 =	sxor.u32 $0x80000000, s2  }
0x12e: {  	p0 =	sgt.s32 s1, s0;
	s21 =	spop (v2sf)  }
0x12f: {  	s0 =	smov.u32 @p0 s1;
	s1 =	sxor.u32 $0x80000000, s21  }
0x130: {  	p0 =	sgt.s32 s0, s1;
	s22 =	spop (v2sf)  }
0x131: {  	s1 =	smov.u32 @p0 s0;
	s2 =	sxor.u32 $0x80000000, s22  }
0x132: {  	s24 =	simm.s32 $0x11700;
	p0 =	sgt.s32 s1, s2;
	s23 =	spop (v2sf)  }
0x133: {  	s25 =	simm.s32 $0x11710;
	v8 =	vld [tilespmem:s24+$0x0];
	s2 =	smov.u32 @p0 s1;
	s0 =	sxor.u32 $0x80000000, s23  }
0x134: {  	v9 =	vld [tilespmem:s25+$0x0];
	p0 =	sgt.s32 s2, s0  }
0x135: {  	s1 =	simm.s32 $0x0;
	s0 =	smov.u32 @p0 s2  }
0x136: {  	s26 =	simm.s32 $0x10;
	v10 =	vor.u32 s1, v0;
	v7 =	vmov s0  }
0x137: {  	vm12 =	vgt.s32 v10, v7;
	v10 =	vor.u32 s26, v0  }
0x138: {  	v8 =	vnsel vm12, $0x0, v8;
	vm13 =	vgt.s32 v10, v7  }
0x139: {  	(xrf0) =	vadd.scan.msk.s32 $0xffff, v8;
	v8 =	vnsel vm13, $0x0, v9  }
0x13a: {  	(xrf0) =	vadd.scan.msk.s32 $0xffff, v8  }
0x13b: {  	s30 =	simm.s32 $0x20  }
0x13c: {  	s31 =	simm.s32 $0x30;
	v10 =	vor.u32 s30, v0  }
0x13d: {  	vm14 =	vgt.s32 v10, v7;
	v10 =	vor.u32 s31, v0  }
0x13e: {  	s28 =	simm.s32 $0x11720  }
0x13f: {  	v8 =	vld [tilespmem:s28+$0x0];
	v11, _, _ =	vpop (xrf0)  }
0x140: {  	vm15 =	vgt.s32 v10, v7;
	(v2sf) =	vpush v11, $0xF;
	v10, _, _ =	vpop (xrf0)  }
0x141: {  	(v2sf) =	vpush v10, $0xF;
	_ =	sdelay $0x2  }
0x142: {  	s29 =	simm.s32 $0x11730;
	v8 =	vnsel vm14, $0x0, v8  }
0x143: {  	v9 =	vld [tilespmem:s29+$0x0];
	(xrf0) =	vadd.scan.msk.s32 $0xffff, v8;
	_ =	sdelay $0x4  }
0x144: {  	s3 =	simm.s32 $0x11740;
	s2 =	simm.s32 $0x40;
	v8 =	vnsel vm15, $0x0, v9  }
.LBB2_7:
0x145: {  	v9 =	vld [tilespmem:s3+$0x0];
	p0 =	seq.s32 s2, $0xF0;
	(xrf0) =	vadd.scan.msk.s32 $0xffff, v8;
	v8, _, _ =	vpop (xrf0);
	s4 =	smov.u32 s2;
	s2 =	sadd.s32 $0x10, s2  }
.Ltmp6:
0x146: {  	(v2sf) =	vpush v8, $0xF;
	(pc) =	sbr.rel @!p0 .LBB2_7-.Ltmp6, $4  }
0x147: {  	_ = 	snop  }
0x148: {  	v8 =	vor.u32 s4, v0  }
0x149: {  	vm0 =	vgt.s32 v8, v7;
	s4 =	spop (v2sf)  }
0x14a: {  	s3 =	sadd.s32 $0x10, s3;
	v8 =	vnsel vm0, $0x0, v9;
	s1 =	sadd.s32 s1, s4  }
0x14b: {  	(xrf0) =	vadd.scan.msk.s32 $0xffff, v8;
	_ =	sdelay $0x4  }
0x14c: {  	v8, _, _ =	vpop (xrf0)  }
0x14d: {  	(v2sf) =	vpush v8, $0xF;
	v8, _, _ =	vpop (xrf0)  }
0x14e: {  	(v2sf) =	vpush v8, $0xF  }
0x14f: {  	[tilespmem:$0x11700] =	vst v3  }
0x150: {  	[tilespmem:$0x11710] =	vst v3  }
0x151: {  	[tilespmem:$0x11720] =	vst v3  }
0x152: {  	[tilespmem:$0x11730] =	vst v3  }
0x153: {  	[tilespmem:$0x11740] =	vst v3  }
0x154: {  	[tilespmem:$0x11750] =	vst v3  }
0x155: {  	[tilespmem:$0x11760] =	vst v3  }
0x156: {  	[tilespmem:$0x11770] =	vst v3  }
0x157: {  	[tilespmem:$0x11780] =	vst v3  }
0x158: {  	[tilespmem:$0x11790] =	vst v3  }
0x159: {  	[tilespmem:$0x117A0] =	vst v3  }
0x15a: {  	s2 =	spop (v2sf);
	[tilespmem:$0x117B0] =	vst v3  }
0x15b: {  	[tilespmem:$0x117C0] =	vst v3;
	s1 =	sadd.s32 s1, s2;
	s29 =	spop (v2sf)  }
0x15c: {  	[tilespmem:$0x117D0] =	vst v3;
	s1 =	sadd.s32 s1, s29;
	s30 =	spop (v2sf)  }
0x15d: {  	[tilespmem:$0x117E0] =	vst v3;
	s1 =	sadd.s32 s1, s30;
	s31 =	spop (v2sf)  }
0x15e: {  	[tilespmem:$0x117F0] =	vst v3;
	s3 =	simm.s32 $0x0;
	s2 =	simm.s32 $0x40;
	s1 =	sadd.s32 s1, s31  }
.LBB2_9:
0x15f: {  	p0 =	sne.s32 s2, $0xC00;
	v8 =	vld [tilespmem:s3+$0x11800];
	_ =	sdelay $0x4  }
0x160: {  	vm0 =	vlt.s32 v8, $0x0;
	v9 =	vxor.u32 $0x7FFFFFFF, v8  }
0x161: {  	v8 =	vsel vm0, v9, v8  }
0x162: {  	v9 =	vshrl.u32 v8, $0x18  }
0x163: {  	v9 =	vxor.u32 v7, v9  }
0x164: {  	v8 =	vshrl.u32 v8, $0x10;
	vm0 =	veq.s32 v9, $0x80  }
0x165: {  	v8 =	vand.u32 $0xFF, v8  }
.Ltmp7:
0x166: {  	(pc) =	sbr.rel @p0 .LBB2_9-.Ltmp7, $2  }
0x167: {  	_ =	sdelay $0x2  }
0x168: {  	s3 =	sshra.s32 s2, $0x2;
	s2 =	sadd.s32 $0x40, s2;
	[tilespmem:v8+s10+$0x0] =	vst.idx.add.s32.msk vm0, v4  }
0x169: {  	v8 =	vld [tilespmem:s3+$0x11800];
	_ =	sdelay $0x4  }
0x16a: {  	vm0 =	vlt.s32 v8, $0x0;
	v9 =	vxor.u32 $0x7FFFFFFF, v8  }
0x16b: {  	v8 =	vsel vm0, v9, v8  }
0x16c: {  	v9 =	vshrl.u32 v8, $0x18  }
0x16d: {  	v7 =	vxor.u32 v7, v9  }
0x16e: {  	v8 =	vshrl.u32 v8, $0x10;
	vm10 =	veq.s32 v7, $0x80  }
0x16f: {  	v7 =	vand.u32 $0xFF, v8;
	_ =	sdelay $0x4  }
0x170: {  	s2 =	simm.s32 $0x117F0;
	[tilespmem:v7+s10+$0x0] =	vst.idx.add.s32.msk vm10, v4  }
0x171: {  	v7 =	vld [tilespmem:s2+$0x0];
	_ =	sdelay $0x4  }
0x172: {  	s11 =	simm.s32 $0x117E0;
	(xrf0) =	vadd.scan.msk.s32 $0xffff, v7  }
0x173: {  	v8 =	vld [tilespmem:s11+$0x0];
	_ =	sdelay $0x4  }
0x174: {  	(xrf0) =	vadd.scan.msk.s32 $0xffff, v8;
	v9, _, _ =	vpop (xrf0)  }
0x175: {  	s12 =	simm.s32 $0x117D0;
	(v2sf) =	vpush v9, $0xF  }
0x176: {  	v10 =	vld [tilespmem:s12+$0x0];
	v7 =	vperm.xlane v7, v5;
	_ =	sdelay $0x1  }
0x177: {  	(xrf0) =	vadd.scan.msk.s32 $0xffff, v7;
	_ =	sdelay $0x1  }
0x178: {  	s15 =	simm.s32 $0x117C0;
	v7, _, _ =	vpop (xrf0)  }
0x179: {  	(xrf0) =	vadd.scan.msk.s32 $0xffff, v10;
	v9 =	vld [tilespmem:s15+$0x0];
	(v2sf) =	vpush v7, $0xF;
	_ =	sdelay $0x1  }
0x17a: {  	v7 =	vperm.xlane v8, v5  }
0x17b: {  	s1 =	ssub.s32 $0x80, s1;
	s16 =	simm.s32 $0x0;
	s17 =	simm.s32 $0xFF;
	v8, _, _ =	vpop (xrf0)  }
0x17c: {  	v12 =	vadd.s32 s17, v1;
	v8 =	vadd.s32 s16, v8;
	(xrf0) =	vadd.scan.msk.s32 $0xffff, v7;
	v7 =	vmov s1  }
0x17d: {  	vm11 =	vlt.s32 v8, v7;
	v8 =	vxor.u32 $0x80000000, v12;
	(xrf0) =	vadd.scan.msk.s32 $0xffff, v9  }
0x17e: {  	v11, _, _ =	vpop (xrf0);
	v8 =	vsel vm11, $0x7FFFFFFF, v8  }
0x17f: {  	(v2sf) =	vpush v11, $0xF;
	(xrf0) =	vmax.scan.msk.u32 $0xffff, v8;
	v8 =	vperm.xlane v10, v5;
	_ =	sdelay $0x1  }
0x180: {  	s18 =	simm.s32 $0x117B0;
	s19 =	spop (v2sf)  }
0x181: {  	s20 =	simm.s32 $0xEF;
	v10 =	vld [tilespmem:s18+$0x0];
	v11, _, _ =	vpop (xrf0);
	(xrf0) =	vadd.scan.msk.s32 $0xffff, v8;
	s1 =	sadd.s32 $0x0, s19  }
0x182: {  	v59 =	vadd.s32 s20, v1;
	v8, _, _ =	vpop (xrf0);
	v11 =	vadd.s32 s1, v11  }
0x183: {  	(v2sf) =	vpush v8, $0xF;
	v8 =	vxor.u32 $0x80000000, v59;
	vm12 =	vlt.s32 v11, v7  }
0x184: {  	v8 =	vsel vm12, $0x7FFFFFFF, v8;
	_ =	sdelay $0x1  }
0x185: {  	s21 =	simm.s32 $0x117A0;
	v9 =	vperm.xlane v9, v5;
	(xrf0) =	vadd.scan.msk.s32 $0xffff, v10;
	s22 =	spop (v2sf);
	v11, _, _ =	vpop (xrf0)  }
0x186: {  	s23 =	simm.s32 $0xDF;
	v60 =	vld [tilespmem:s21+$0x0];
	s1 =	sadd.s32 s1, s22;
	(xrf0) =	vmax.scan.msk.u32 $0xffff, v8;
	v8, _, _ =	vpop (xrf0)  }
0x187: {  	(xrf0) =	vadd.scan.msk.s32 $0xffff, v9;
	v9 =	vadd.s32 s23, v1;
	v8 =	vadd.s32 s1, v8  }
0x188: {  	vm13 =	vlt.s32 v8, v7;
	v8 =	vxor.u32 $0x80000000, v9  }
0x189: {  	v9 =	vperm.xlane v10, v5;
	v8 =	vsel vm13, $0x7FFFFFFF, v8  }
0x18a: {  	(v2sf) =	vpush v11, $0xF  }
0x18b: {  	(xrf0) =	vadd.scan.msk.s32 $0xffff, v60;
	v10, _, _ =	vpop (xrf0)  }
0x18c: {  	s24 =	simm.s32 $0x11790;
	s25 =	spop (v2sf);
	(xrf0) =	vmax.scan.msk.u32 $0xffff, v8;
	v8, _, _ =	vpop (xrf0)  }
0x18d: {  	s26 =	simm.s32 $0xCF;
	v11 =	vld [tilespmem:s24+$0x0];
	s1 =	sadd.s32 s1, s25;
	(xrf0) =	vadd.scan.msk.s32 $0xffff, v9;
	v9, _, _ =	vpop (xrf0)  }
0x18e: {  	v13 =	vadd.s32 s26, v1;
	v9 =	vadd.s32 s1, v9  }
0x18f: {  	vm14 =	vlt.s32 v9, v7;
	v9 =	vxor.u32 $0x80000000, v13  }
0x190: {  	v9 =	vsel vm14, $0x7FFFFFFF, v9  }
0x191: {  	(v2sf) =	vpush v10, $0xF  }
0x192: {  	s29 =	spop (v2sf);
	(xrf0) =	vadd.scan.msk.s32 $0xffff, v11;
	(v2sf) =	vpush v8, $0xF;
	v61, _, _ =	vpop (xrf0)  }
0x193: {  	(v2sf) =	vpush v61, $0xF;
	(xrf0) =	vmax.scan.msk.u32 $0xffff, v9;
	v9, _, _ =	vpop (xrf0)  }
0x194: {  	(v2sf) =	vpush v9, $0xF;
	_ =	sdelay $0x2  }
0x195: {  	v10, _, _ =	vpop (xrf0)  }
0x196: {  	v62, _, _ =	vpop (xrf0)  }
0x197: {  	s28 =	simm.s32 $0x11780;
	s31 =	spop (v2sf);
	(v2sf) =	vpush v62, $0xF  }
0x198: {  	v14 =	vld [tilespmem:s28+$0x0];
	_ =	sdelay $0x1  }
0x199: {  	s30 =	simm.s32 $0xBF;
	v12 =	vperm.xlane v60, v5;
	s6 =	sadd.s32 s1, s29  }
0x19a: {  	v8 =	vadd.s32 s6, v10;
	v10 =	vadd.s32 s30, v1  }
0x19b: {  	s7 =	simm.s32 $0xAF;
	s5 =	simm.s32 $0x9F;
	s3 =	simm.s32 $0x8F;
	(xrf0) =	vadd.scan.msk.s32 $0xffff, v12;
	vm15 =	vlt.s32 v8, v7;
	v8 =	vxor.u32 $0x80000000, v10  }
0x19c: {  	s8 =	simm.s32 $0x11770;
	s9 =	simm.s32 $0x6F;
	(xrf0) =	vadd.scan.msk.s32 $0xffff, v14;
	s4 =	sxor.u32 $0x80000000, s31;
	v63 =	vsel vm15, $0x7FFFFFFF, v8  }
0x19d: {  	s2 =	simm.s32 $0x7F;
	s1 =	simm.s32 $0xFFFFFFFF;
	v9 =	vld [tilespmem:s8+$0x0];
	v10 =	vperm.xlane v11, v5;
	p0 =	slt.s32 s4, $0xFFFFFFFF;
	v8 =	vperm.xlane v14, v5;
	v11, _, _ =	vpop (xrf0);
	(xrf0) =	vmax.scan.msk.u32 $0xffff, v63  }
.LBB2_11:
0x19e: {  	s11 =	smov.u32 s1  }
0x19f: {  	s1 =	smov.u32 s4;
	s4 =	smov.u32 s9;
	p1 =	sne.s32 s9, $0xF  }
0x1a0: {  	s12 =	spop (v2sf);
	(v2sf) =	vpush v11, $0xF;
	s1 =	smov.u32 @p0 s11;
	s11 =	sadd.s32 $0xFFFFFFF0, s9  }
.Ltmp8:
0x1a1: {  	(xrf0) =	vadd.scan.msk.s32 $0xffff, v10;
	v11, _, _ =	vpop (xrf0);
	s6 =	sadd.s32 s6, s12;
	v10 =	vmov v8;
	(pc) =	sbr.rel @p1 .LBB2_11-.Ltmp8, $4  }
0x1a2: {  	s8 =	sadd.s32 $0xFFFFFFF0, s8;
	v13 =	vadd.s32 s7, v1;
	s7 =	smov.u32 s5;
	s5 =	smov.u32 s3;
	v8 =	vperm.xlane v9, v5;
	(xrf0) =	vadd.scan.msk.s32 $0xffff, v9;
	v12, _, _ =	vpop (xrf0);
	v11 =	vadd.s32 s6, v11  }
0x1a3: {  	s3 =	smov.u32 s2;
	v13 =	vxor.u32 $0x80000000, v13;
	s2 =	smov.u32 s4;
	v9 =	vld [tilespmem:s8+$0x0];
	(v2sf) =	vpush v12, $0xF;
	vm0 =	vlt.s32 v11, v7;
	s9 =	spop (v2sf)  }
0x1a4: {  	v12 =	vsel vm0, $0x7FFFFFFF, v13;
	s4 =	sxor.u32 $0x80000000, s9  }
0x1a5: {  	s9 =	smov.u32 s11;
	(xrf0) =	vmax.scan.msk.u32 $0xffff, v12;
	v11, _, _ =	vpop (xrf0);
	p0 =	sgt.s32 s1, s4  }
0x1a6: {  	_ = 	snop  }
0x1a7: {  	v12, _, _ =	vpop (xrf0)  }
0x1a8: {  	(v2sf) =	vpush v11, $0xF;
	(xrf0) =	vadd.scan.msk.s32 $0xffff, v10;
	v50, _, _ =	vpop (xrf0)  }
0x1a9: {  	(v2sf) =	vpush v50, $0xF;
	_ =	sdelay $0x1  }
0x1aa: {  	s8 =	spop (v2sf)  }
0x1ab: {  	s6 =	sadd.s32 s6, s8;
	s22 =	spop (v2sf)  }
0x1ac: {  	v52 =	vadd.s32 s7, v1;
	v51 =	vadd.s32 s6, v12;
	s23 =	spop (v2sf);
	v53, _, _ =	vpop (xrf0)  }
0x1ad: {  	v54 =	vxor.u32 $0x80000000, v52;
	vm0 =	vlt.s32 v51, v7;
	s6 =	sadd.s32 s6, s23;
	v55, _, _ =	vpop (xrf0)  }
0x1ae: {  	v13 =	vadd.s32 s5, v1;
	(xrf0) =	vadd.scan.msk.s32 $0xffff, v9;
	v10 =	vsel vm0, $0x7FFFFFFF, v54;
	v11 =	vadd.s32 s6, v55  }
0x1af: {  	v56 =	vxor.u32 $0x80000000, v13;
	(xrf0) =	vmax.scan.msk.u32 $0xffff, v10;
	vm13 =	vlt.s32 v11, v7  }
0x1b0: {  	v57 =	vperm.xlane v9, v5;
	(xrf0) =	vadd.scan.msk.s32 $0xffff, v8;
	v8 =	vsel vm13, $0x7FFFFFFF, v56  }
0x1b1: {  	(xrf0) =	vmax.scan.msk.u32 $0xffff, v8  }
0x1b2: {  	(xrf0) =	vadd.scan.msk.s32 $0xffff, v57;
	_ =	sdelay $0x1  }
0x1b3: {  	s24 =	spop (v2sf);
	v8, _, _ =	vpop (xrf0)  }
0x1b4: {  	s25 =	spop (v2sf);
	v58, _, _ =	vpop (xrf0)  }
0x1b5: {  	s6 =	sadd.s32 s6, s25;
	v59, _, _ =	vpop (xrf0);
	s26 =	spop (v2sf)  }
0x1b6: {  	v60 =	vadd.s32 s3, v1;
	v14 =	vadd.s32 s2, v1;
	v10 =	vadd.s32 s6, v59;
	v61, _, _ =	vpop (xrf0);
	s31 =	spop (v2sf)  }
0x1b7: {  	v62 =	vxor.u32 $0x80000000, v60;
	(v2sf) =	vpush v53, $0xF;
	vm14 =	vlt.s32 v10, v7;
	v63, _, _ =	vpop (xrf0);
	s3 =	sadd.s32 s6, s31  }
0x1b8: {  	(v2sf) =	vpush v8, $0xF;
	v10 =	vsel vm14, $0x7FFFFFFF, v62;
	v11 =	vadd.s32 s3, v63  }
0x1b9: {  	(v2sf) =	vpush v58, $0xF;
	(xrf0) =	vmax.scan.msk.u32 $0xffff, v10;
	vm15 =	vlt.s32 v11, v7;
	v7 =	vxor.u32 $0x80000000, v14  }
0x1ba: {  	v7 =	vsel vm15, $0x7FFFFFFF, v7  }
0x1bb: {  	(xrf0) =	vmax.scan.msk.u32 $0xffff, v7;
	_ =	sdelay $0x1  }
0x1bc: {  	(v2sf) =	vpush v61, $0xF;
	_ =	sdelay $0x1  }
0x1bd: {  	v7, _, _ =	vpop (xrf0)  }
0x1be: {  	(v2sf) =	vpush v7, $0xF  }
0x1bf: {  	s4 =	smov.u32 @p0 s1;
	s1 =	sxor.u32 $0x80000000, s22;
	v7, _, _ =	vpop (xrf0)  }
0x1c0: {  	[dreg:$0x9] =	wrdreg s14;
	p0 =	sgt.s32 s4, s1;
	(v2sf) =	vpush v7, $0xF  }
0x1c1: {  	s16 =	sshrl.u32 s14, $0x3;
	s1 =	smov.u32 @p0 s4;
	s2 =	sxor.u32 $0x80000000, s24  }
0x1c2: {  	[dreg:$0x8] =	wrdreg s13;
	s17 =	sshll.u32 s13, $0x7;
	p0 =	sgt.s32 s1, s2  }
0x1c3: {  	s20 =	rddreg [dreg:$0x2];
	s2 =	smov.u32 @p0 s1;
	s1 =	sxor.u32 $0x80000000, s26  }
0x1c4: {  	s21 =	simm.s32 $0x400;
	p0 =	sgt.s32 s2, s1;
	s9 =	spop (v2sf)  }
0x1c5: {  	s1 =	smov.u32 @p0 s2;
	s2 =	sxor.u32 $0x80000000, s9;
	s11 =	spop (v2sf)  }
0x1c6: {  	s0 =	sshll.u32 s0, $0x18;
	p0 =	sgt.s32 s1, s2;
	s3 =	spop (v2sf)  }
0x1c7: {  	s2 =	smov.u32 @p0 s1;
	s1 =	sxor.u32 $0x80000000, s3;
	s3 =	smul.u32 $0xC4000, s16  }
0x1c8: {  	s28 =	simm.s32 $0x280;
	s29 =	simm.s32 $0x300;
	s4 =	sand.u32 $0x380, s17  }
0x1c9: {  	s22 =	simm.s32 $0x80;
	s23 =	simm.s32 $0x0;
	s19 =	sor.u32 s4, s3  }
0x1ca: {  	p0 =	sgt.s32 s2, s1;
	s12 =	spop (v2sf);
	s3 =	sshrl.u32 s19, $0x3  }
0x1cb: {  	s1 =	smov.u32 @p0 s2;
	s2 =	sxor.u32 $0x80000000, s12;
	s3 =	sadd.s32 s20, s3  }
0x1cc: {  	[tilespmem:s23], [sflag:$0x1] =	stream.strided.gather [hbm4b:s3+s22], $0x3800, s21, s22, $0x38;
	[tilespmem:$0x11B80] =	vst v63  }
0x1cd: {  	s30 =	simm.s32 $0x380;
	p0 =	sgt.s32 s1, s2;
	s15 =	spop (v2sf)  }
0x1ce: {  	s7 =	simm.s32 $0x0;
	s2 =	smov.u32 @p0 s1;
	s1 =	sxor.u32 $0x80000000, s15  }
0x1cf: {  	s25 =	simm.s32 $0x3800;
	p0 =	sgt.s32 s2, s1;
	s18 =	spop (v2sf)  }
0x1d0: {  	s31 =	simm.s32 $0x7000;
	s1 =	smov.u32 @p0 s2;
	s2 =	sxor.u32 $0x80000000, s18  }
0x1d1: {  	s24 =	sadd.s32 $0x1C000, s19;
	[dreg:$0xa] =	wrdreg s19;
	p0 =	sgt.s32 s1, s2  }
0x1d2: {  	s26 =	sadd.s32 $0x38000, s19;
	s2 =	smov.u32 @p0 s1;
	s1 =	sshrl.u32 s24, $0x3  }
0x1d3: {  	s19 =	simm.s32 $0x0;
	s2 =	sshll.u32 s2, $0x10;
	s1 =	sadd.s32 s20, s1  }
0x1d4: {  	[tilespmem:s25], [sflag:$0x1] =	stream.strided.gather [hbm4b:s1+s22], $0x3800, s21, s22, $0x38;
	[tilespmem:$0x11B80] =	vst v63  }
0x1d5: {  	s24 =	simm.s32 $0x100;
	s0 =	sor.u32 s0, s2;
	s25 =	simm.s32 $0x180  }
.Ltmp9:
0x1d6: {  	p0 =	seq.s32 s0, $0x0;
	s3 =	sadd.s32 $0x7FFFFFFF, s0;
	(pc) =	sbr.rel .LBB2_13-.Ltmp9, $4  }
0x1d7: {  	s0 =	sshrl.u32 s26, $0x3;
	s26 =	simm.s32 $0x200;
	s3 =	simm.s32 @p0 $0x80000000  }
0x1d8: {  	s0 =	sadd.s32 s20, s0;
	s1 =	sxor.u32 $0x7FFFFFFF, s3;
	p0 =	slt.s32 s3, $0x0  }
0x1d9: {  	[tilespmem:s31], [sflag:$0x1] =	stream.strided.gather [hbm4b:s0+s22], $0x3800, s21, s22, $0x38;
	[tilespmem:$0x11B80] =	vst v63  }
0x1da: {  	s20 =	simm.s32 $0x0;
	s0 =	simm.s32 $0x0;
	s3 =	smov.u32 @p0 s1  }
.LBB2_87:
0x1db: {  	s7 =	rddreg [dreg:$0x14]  }
0x1dc: {  	s23 =	rddreg [dreg:$0xc]  }
0x1dd: {  	s0 =	rddreg [dreg:$0x13]  }
0x1de: {  	s22 =	rddreg [dreg:$0xb]  }
0x1df: {  	s24 =	rddreg [dreg:$0xd]  }
0x1e0: {  	s25 =	rddreg [dreg:$0xe]  }
0x1e1: {  	s26 =	rddreg [dreg:$0xf];
	s7 =	sadd.s32 $0x1, s7  }
0x1e2: {  	s28 =	rddreg [dreg:$0x10];
	p0 =	sne.s32 s7, $0x7  }
.Ltmp10:
0x1e3: {  	s29 =	rddreg [dreg:$0x11];
	(pc) =	sbr.rel @!p0 .LBB2_88-.Ltmp10, $4  }
0x1e4: {  	s30 =	rddreg [dreg:$0x12]  }
0x1e5: {  	s23 =	sadd.s32 $0x3800, s23;
	s0 =	sadd.s32 $0x1, s0;
	s22 =	sadd.s32 $0x3800, s22  }
0x1e6: {  	s24 =	sadd.s32 $0x3800, s24;
	s25 =	sadd.s32 $0x3800, s25;
	s26 =	sadd.s32 $0x3800, s26  }
0x1e7: {  	s28 =	sadd.s32 $0x3800, s28;
	s29 =	sadd.s32 $0x3800, s29;
	s30 =	sadd.s32 $0x3800, s30  }
.LBB2_13:
0x1e8: {  	s17 =	sand.u32 $0x3, s0;
	p0 =	sgt.u32 s7, $0x3  }
0x1e9: {  	[dreg:$0x13] =	wrdreg s0;
	s0 =	smul.u32 $0xE000, s17;
	s1 =	sadd.s32 @!p0 $0x3, s7  }
0x1ea: {  	[dreg:$0x14] =	wrdreg s7;
	s4 =	smul.u32 @!p0 $0x1C000, s1  }
0x1eb: {  	s2 =	sshrl.u32 s0, $0x2;
	s0 =	sand.u32 @!p0 $0x3, s1;
	s1 =	rddreg [dreg:$0xa]  }
0x1ec: {  	s21 =	simm.s32 $0x1;
	s4 =	sadd.s32 @!p0 s1, s4;
	s0 =	smul.u32 @!p0 $0xE000, s0  }
0x1ed: {  	s5 =	simm.s32 @!p0 $0x80;
	s1 =	rddreg [dreg:$0x2];
	s4 =	sshrl.u32 @!p0 s4, $0x3  }
0x1ee: {  	s6 =	simm.s32 @!p0 $0x400;
	s0 =	sshrl.u32 @!p0 s0, $0x2;
	s4 =	sadd.s32 @!p0 s1, s4  }
0x1ef: {  	[tilespmem:s0], [sflag:$0x1] =	stream.strided.gather @!p0 [hbm4b:s4+s5], $0x3800, s6, s5, $0x38;
	[tilespmem:$0x11B80] =	vst v63  }
0x1f0: {  	s18 =	smul.u32 $0x1C0, s7;
	_ =	swait.ge [sflag:s21], $0x3800;
	[dreg:$0x12] =	wrdreg s30  }
0x1f1: {  	s14 =	simm.s32 $0x0;
	[dreg:$0x11] =	wrdreg s29  }
0x1f2: {  	s31 =	sshra.s32 s18, $0x2;
	s8 =	sor.u32 $0x380, s2;
	[dreg:$0x10] =	wrdreg s28  }
.Ltmp11:
0x1f3: {  	s12 =	sor.u32 $0x300, s2;
	[dreg:$0xf] =	wrdreg s26;
	(pc) =	sbr.rel .LBB2_14-.Ltmp11, $4  }
0x1f4: {  	s16 =	sor.u32 $0x280, s2;
	s17 =	sor.u32 $0x200, s2;
	[dreg:$0xe] =	wrdreg s25  }
0x1f5: {  	s13 =	sor.u32 $0x100, s2;
	s15 =	sor.u32 $0x80, s2;
	[dreg:$0xd] =	wrdreg s24  }
0x1f6: {  	s0 =	sadd.s32 $0x11800, s31;
	[dreg:$0xb] =	wrdreg s22;
	[sflag:s21] =	ssyncset.done $0x0  }
0x1f7: {  	s6 =	sor.u32 $0x180, s2;
	v7 =	vmov s0;
	[dreg:$0xc] =	wrdreg s23;
	[sflag:s21] =	ssyncadd.s32 $0xFFFFC800  }
.LBB2_83:
0x1f8: {  	p0 =	por $0x0, $0x0  }
0x1f9: {  	s0 =	simm.s32 @!p0 $0x0  }
0x1fa: {  	s0 =	simm.s32 @p0 $0x1;
	p0 =	por $0x0, $0x0  }
0x1fb: {  	[smem:$0x7F7] =	sst s0;
	s0 =	simm.s32 @!p0 $0x0  }
0x1fc: {  	s0 =	simm.s32 @p0 $0x1;
	p0 =	por $0x0, $0x0  }
0x1fd: {  	[smem:$0x7F8] =	sst s0;
	s0 =	simm.s32 @!p0 $0x0  }
0x1fe: {  	s0 =	simm.s32 @p0 $0x1;
	p0 =	por $0x0, $0x0  }
0x1ff: {  	[smem:$0x7F9] =	sst s0;
	s0 =	simm.s32 @!p0 $0x0  }
0x200: {  	p1 =	por $0x0, $0x0;
	s0 =	simm.s32 @p0 $0x1  }
0x201: {  	[smem:$0x7FA] =	sst s0;
	s0 =	simm.s32 @!p1 $0x0  }
0x202: {  	p2 =	por $0x0, $0x0;
	s0 =	simm.s32 @p1 $0x1  }
0x203: {  	[smem:$0x7FB] =	sst s0;
	s0 =	simm.s32 @!p2 $0x0  }
0x204: {  	p3 =	por $0x0, $0x0;
	s11 =	simm.s32 $0x0;
	s0 =	simm.s32 @p2 $0x1  }
0x205: {  	s6 =	smov.u32 s21;
	[smem:$0x7FC] =	sst s0;
	s0 =	simm.s32 @!p3 $0x0  }
0x206: {  	s17 =	simm.s32 $0xF300;
	s4 =	simm.s32 $0xFC00;
	s0 =	simm.s32 @p3 $0x1  }
0x207: {  	s9 =	simm.s32 $0x0;
	p0 =	por $0x0, $0x0;
	[smem:$0x7FD] =	sst s0  }
.LBB2_110:
0x208: {  	s1 =	sld [smem:$0x7F7];
	_ =	sdelay $0x1  }
0x209: {  	s3 =	simm.s32 $0xF300;
	p2 =	por @p0 p5, p5  }
0x20a: {  	s8 =	sld [smem:$0x7FB];
	s7 =	simm.s32 @!p2 $0x0;
	p1 =	seq.s32 s1, $0x1  }
0x20b: {  	s7 =	simm.s32 @p2 $0x1;
	s1 =	sadd.s32 @p1 $0x10, s17;
	s17 =	sld [smem:$0x7F8]  }
0x20c: {  	p3 =	por !p5, !p0;
	[smem:$0x7EA] =	sst s7;
	p4 =	por !p6, !p1  }
0x20d: {  	p6 =	seq.s32 s8, $0x1;
	s5 =	sadd.s32 @p1 s6, s5;
	s8 =	sld [smem:$0x7F6]  }
0x20e: {  	s3 =	smov.u32 @p1 s1;
	s1 =	spop @p6 (v2sf);
	[tilespmem:s6+$0xF200] =	vst.msk @!p4 vm10, v16;
	p4 =	seq.s32 s17, $0x1  }
0x20f: {  	s6 =	smov.u32 s21;
	v16 =	vld @!p3 [tilespmem:s3+$0x0];
	p3 =	por !p2, !p0;
	s7 =	spop @p4 (v2sf)  }
0x210: {  	s6 =	smov.u32 @p1 s5;
	p5 =	sgt.f32 @p4 s7, $0.0e+00;
	s7 =	simm.s32 @!p3 $0x0  }
0x211: {  	p1 =	seq.s32 s8, $0x1;
	s8 =	sld [smem:$0x7EA];
	s7 =	simm.s32 @p3 $0x1  }
0x212: {  	[smem:$0x7E9] =	sst s7  }
0x213: {  	s7 =	sld [smem:$0x7F9]  }
0x214: {  	v20 =	vld @!p3 [tilespmem:s4+$0x0];
	p3 =	seq.s32 s8, $0x1  }
0x215: {  	v19 =	vor.u32 s11, v0;
	s11 =	sld [smem:$0x7FC];
	p3 =	por @!p0 p0, p0  }
0x216: {  	s17 =	sld [smem:$0x7FA];
	p2 =	seq.s32 s7, $0x1;
	s7 =	simm.s32 @!p3 $0x0  }
0x217: {  	p5 =	por @!p4 p1, p1;
	s8 =	sld [smem:$0x7E9];
	s7 =	simm.s32 @p3 $0x1  }
0x218: {  	s5 =	simm.s32 @!p5 $0x0;
	[smem:$0x7EA] =	sst s7  }
0x219: {  	v12 =	vadd.s32 @p6 v12, v13;
	s1 =	sadd.s32 @p6 s9, s1;
	s5 =	simm.s32 @p5 $0x1;
	s9 =	sld [smem:$0x7EA]  }
0x21a: {  	vm1 =	vlt.s32 @p6 v12, v8;
	p1 =	seq.s32 s17, $0x1;
	[smem:$0x7EB] =	sst s5  }
0x21b: {  	vm6 =	vmand @p6 vm6, vm1;
	vm1 =	vmmov @p1 vm3;
	vm3 =	vmmov @p0 vm12;
	p5 =	seq.s32 s11, $0x1;
	v13, _, _ =	vpop @p2 (xrf0);
	p3 =	seq.s32 s8, $0x1;
	s11 =	sld [smem:$0x7EB]  }
0x21c: {  	(v2sf) =	vpush @p2 v13, $0xF;
	v12, _, _ =	vpop @p5 (xrf0);
	[tilespmem:s6+$0xF100] =	vst.msk @!p3 vm3, v16;
	p3 =	seq.s32 s9, $0x1  }
0x21d: {  	vm3 =	vmmov @p0 vm3;
	(v2sf) =	vpush @p5 v12, $0xF;
	v12 =	vpsel p0, v20, v0;
	p3 =	por !p3, !p0  }
0x21e: {  	s17 =	sld [smem:$0x7EB];
	[tilespmem:s6+$0xF200] =	vst.msk @!p3 vm3, v12;
	p3 =	seq.s32 s11, $0x1  }
0x21f: {  	p3 =	por !p3, !p4  }
0x220: {  	s8 =	simm.s32 @!p3 $0x0  }
0x221: {  	s8 =	simm.s32 @p3 $0x1;
	p3 =	seq.s32 s17, $0x1  }
0x222: {  	p3 =	por @p4 p3, p3  }
0x223: {  	[smem:$0x7EC] =	sst s8;
	s8 =	simm.s32 @!p3 $0x0  }
0x224: {  	s9 =	sld [smem:$0x7EC];
	s8 =	simm.s32 @p3 $0x1  }
0x225: {  	s0 =	smov.u32 @p0 s0;
	[smem:$0x7EE] =	sst s8  }
0x226: {  	s3 =	sadd.s32 @p0 $0x10, s3;
	s5 =	simm.s32 $0x0;
	s11 =	sld [smem:$0x7EE]  }
0x227: {  	s4 =	sadd.s32 @p0 $0x10, s4;
	s5 =	smov.u32 @p6 s1;
	s7 =	simm.s32 $0xF300  }
0x228: {  	s7 =	smov.u32 @p0 s3;
	s3 =	simm.s32 $0xFC00;
	p3 =	seq.s32 s9, $0x1  }
0x229: {  	s3 =	smov.u32 @p0 s4;
	s17 =	sld [smem:$0x7FD];
	v12 =	vld @!p3 [tilespmem:s7+$0x0];
	p3 =	seq.s32 s11, $0x1  }
0x22a: {  	s4 =	sadd.s32 @p0 s6, s0;
	s0 =	smov.u32 s21;
	p3 =	por !p3, !p4  }
0x22b: {  	v10 =	vpsel p1, v10, v14;
	s1 =	spop @p4 (v2sf);
	v14, _, _ =	vpop @p5 (xrf0);
	s0 =	smov.u32 @p0 s4;
	s6 =	simm.s32 @!p3 $0x0  }
0x22c: {  	(v2sf) =	vpush @p5 v14, $0xF;
	s4 =	spop @p1 (v2sf);
	v14 =	vld @!p3 [tilespmem:s3+$0x0];
	s6 =	simm.s32 @p3 $0x1;
	p3 =	seq.s32 s17, $0x1  }
0x22d: {  	s31 =	smov.u32 @p4 s1;
	s1 =	spop @p3 (v2sf)  }
0x22e: {  	p0 =	sgt.f32 @p3 s1, $0.0e+00;
	_ =	sdelay $0x1  }
0x22f: {  	s1 =	simm.s32 @!p0 $0x0  }
0x230: {  	s1 =	simm.s32 @p0 $0x1  }
0x231: {  	[smem:$0x7EF] =	sst s1  }
0x232: {  	vm10 =	vlt.s32 v19, v9;
	s1 =	smov.u32 @p4 s31;
	s31 =	sld [smem:$0x7EE]  }
0x233: {  	v9 =	vsel vm10, $0x1, v3  }
0x234: {  	(xrf0) =	vadd.scan.msk.s32 $0xffff, v9;
	v9 =	vsel @p6 vm6, $0x3F800000, v6;
	[smem:$0x7ED] =	sst s6  }
0x235: {  	(xrf0) =	vmax.scan.msk.f32 @p6 $0xffff, v9;
	v9 =	vsel @p1 vm1, $0xFFFFFFFF, v3;
	s6 =	sld [smem:$0x7EF];
	p0 =	seq.s32 s31, $0x1  }
0x236: {  	v56 =	vld [tilespmem:$0x1FFE0];
	v9 =	vadd.s32 @p1 s5, v9;
	s4 =	sadd.s32 @p1 s5, s4;
	s5 =	simm.s32 $0x0;
	p0 =	por @!p4 p0, p0  }
0x237: {  	s5 =	smov.u32 @p1 s4;
	s4 =	simm.s32 @!p0 $0x0  }
0x238: {  	v9 =	vpsel p1, v9, v18;
	s4 =	simm.s32 @p0 $0x1;
	p0 =	seq.s32 s6, $0x1  }
0x239: {  	vm0 =	vmmov @p2 vm0;
	v9 =	vadd.s32 @p1 v10, v9;
	s6 =	sld [smem:$0x7ED];
	p0 =	por @!p3 p0, p0  }
0x23a: {  	vm5 =	vmmov @p1 vm1;
	vm4 =	vmmov @p2 vm0;
	vm0 =	vlt.s32 @p1 v9, v8;
	[smem:$0x7EE] =	sst s4;
	s4 =	simm.s32 @!p0 $0x0  }
0x23b: {  	vm1 =	vmmov @p4 vm7;
	vm0 =	vmand @p1 vm5, vm0;
	vm5 =	vnez.u8 v56;
	s8 =	sld [smem:$0x7EE];
	s4 =	simm.s32 @p0 $0x1  }
0x23c: {  	vm5 =	vmmov @p4 vm1;
	[smem:$0x7EF] =	sst s4  }
0x23d: {  	vm3 =	vmmov @p2 vm4;
	vm1 =	vmmov @p4 vm5;
	p0 =	seq.s32 s6, $0x1;
	s9 =	sld [smem:$0x7EF]  }
0x23e: {  	v57 =	vpsel p2, v13, v15;
	v13 =	vsel @p2 vm3, $0xFFFFFFFF, v3;
	[tilespmem:s0+$0xF100] =	vst.msk @!p0 vm1, v12;
	p0 =	seq.s32 s8, $0x1  }
0x23f: {  	v12 =	vadd.s32 @p2 s5, v13;
	v13 =	vpsel p4, v14, v0;
	vm1 =	vmmov @p4 vm1;
	p0 =	por !p0, !p4  }
0x240: {  	s11 =	sld [smem:$0x7EF];
	[tilespmem:s0+$0xF200] =	vst.msk @!p0 vm1, v13;
	p0 =	seq.s32 s9, $0x1  }
0x241: {  	s6 =	sadd.s32 @p4 $0x10, s7;
	s7 =	simm.s32 $0xF300;
	p0 =	por !p0, !p3  }
0x242: {  	s7 =	smov.u32 @p4 s6;
	s6 =	simm.s32 @!p0 $0x0  }
0x243: {  	s6 =	simm.s32 @p0 $0x1;
	p0 =	seq.s32 s11, $0x1  }
0x244: {  	p0 =	por @p3 p0, p0  }
0x245: {  	[smem:$0x7F0] =	sst s6;
	s6 =	simm.s32 @!p0 $0x0  }
0x246: {  	s17 =	sld [smem:$0x7F0];
	s6 =	simm.s32 @p0 $0x1  }
0x247: {  	[smem:$0x7F1] =	sst s6  }
0x248: {  	s31 =	sld [smem:$0x7F1]  }
0x249: {  	v9 =	vsel @p6 vm6, $0x1, v3  }
0x24a: {  	v55, _, _ =	vpop (xrf0);
	(xrf0) =	vadd.scan.msk.s32 @p6 $0xffff, v9;
	v9 =	vsel @p1 vm0, $0x3F800000, v6;
	p0 =	seq.s32 s17, $0x1  }
0x24b: {  	v16, _, _ =	vpop @p6 (xrf0);
	(xrf0) =	vmax.scan.msk.f32 @p1 $0xffff, v9;
	v9 =	vpsel p2, v57, v11;
	v11 =	vld @!p0 [tilespmem:s7+$0x0];
	p0 =	seq.s32 s31, $0x1  }
0x24c: {  	s3 =	sadd.s32 @p4 $0x10, s3;
	s4 =	simm.s32 $0xFC00;
	p0 =	por !p0, !p3  }
0x24d: {  	s1 =	smov.u32 @p4 s1;
	s4 =	smov.u32 @p4 s3;
	s3 =	simm.s32 @!p0 $0x0  }
0x24e: {  	v58 =	vld [tilespmem:$0x1FFC0];
	s8 =	smov.u32 s21;
	s6 =	spop @p3 (v2sf);
	s3 =	simm.s32 @p0 $0x1  }
0x24f: {  	s0 =	sadd.s32 @p4 s0, s1;
	[smem:$0x7F2] =	sst s3;
	s3 =	spop @p2 (v2sf)  }
0x250: {  	s8 =	smov.u32 @p4 s0;
	s1 =	spop @p5 (v2sf)  }
0x251: {  	p4 =	sgt.f32 @p5 s1, $0.0e+00;
	s1 =	sadd.s32 @p2 s5, s3;
	s5 =	sld [smem:$0x7F1]  }
0x252: {  	v12 =	vpsel p2, v12, v17  }
0x253: {  	vm4 =	vnez.u8 v58;
	v9 =	vadd.s32 @p2 v9, v12;
	vm1 =	vmmov @p3 vm2  }
0x254: {  	vm4 =	vmmov @p3 vm1;
	vm1 =	vlt.s32 @p2 v9, v8;
	v9 =	vld @!p0 [tilespmem:s4+$0x0];
	p0 =	seq.s32 s5, $0x1  }
0x255: {  	p0 =	por @!p3 p0, p0  }
0x256: {  	p4 =	por @!p5 p0, p0  }
0x257: {  	s3 =	sadd.s32 @p3 $0x10, s4;
	s4 =	simm.s32 @!p4 $0x0  }
0x258: {  	vm11 =	vmmov @p2 vm3;
	s0 =	smov.u32 @p3 s6;
	s6 =	sld [smem:$0x7F2];
	s4 =	simm.s32 @p4 $0x1  }
0x259: {  	vm2 =	vmand @p2 vm11, vm1;
	vm1 =	vmmov @p3 vm4;
	[smem:$0x7F3] =	sst s4  }
0x25a: {  	(v2sf) =	vpush v55, $0xF;
	vm1 =	vmmov @p3 vm1;
	s5 =	sadd.s32 @p3 $0x10, s7;
	s7 =	sld [smem:$0x7F3]  }
0x25b: {  	(v2sf) =	vpush @p6 v16, $0xF;
	vm1 =	vmmov @p3 vm1;
	p4 =	seq.s32 s6, $0x1  }
0x25c: {  	v9 =	vpsel p3, v9, v0;
	p0 =	por !p0, !p3;
	[tilespmem:s8+$0xF100] =	vst.msk @!p4 vm1, v11;
	vm1 =	vmmov @p3 vm1  }
0x25d: {  	[tilespmem:s8+$0xF200] =	vst.msk @!p0 vm1, v9;
	p0 =	seq.s32 s7, $0x1  }
0x25e: {  	s6 =	simm.s32 $0xF300;
	p4 =	por !p0, !p5  }
0x25f: {  	vm10 =	vmmov vm10;
	s6 =	smov.u32 @p3 s5;
	s5 =	simm.s32 @!p4 $0x0  }
0x260: {  	vm3 =	vmmov vm10;
	s5 =	simm.s32 @p4 $0x1  }
0x261: {  	v12, _, _ =	vpop @p6 (xrf0);
	vm11 =	vmmov vm3;
	[smem:$0x7F4] =	sst s5  }
0x262: {  	v59 =	vld [tilespmem:$0x1FFD0];
	v60 =	vsel vm11, $0xFFFFFFFF, v3;
	(v2sf) =	vpush @p6 v12, $0xF;
	v12, _, _ =	vpop @p1 (xrf0);
	s18 =	smov.u32 @p2 s1;
	s9 =	sld [smem:$0x7F4]  }
0x263: {  	v13 =	vsel @p1 vm0, $0x1, v3;
	(v2sf) =	vpush @p1 v12, $0xF;
	v62 =	vadd.s32 s18, v60  }
0x264: {  	v61 =	vld [tilespmem:$0x1FFF0];
	(xrf0) =	vadd.scan.msk.s32 @p1 $0xffff, v13;
	v13 =	vsel @p2 vm2, $0x3F800000, v6;
	v10 =	vadd.s32 v55, v62  }
0x265: {  	(xrf0) =	vmax.scan.msk.f32 @p2 $0xffff, v13;
	vm12 =	vlt.s32 v10, v8;
	v8 =	vld [tilespmem:$0x1FFB0];
	p4 =	por @p5 p0, p0;
	p0 =	seq.s32 s9, $0x1  }
0x266: {  	s4 =	simm.s32 $0xFC00;
	v9 =	vld @!p0 [tilespmem:s6+$0x0];
	p0 =	por !p4, !p5  }
0x267: {  	vm4 =	vnez.u8 v59;
	vm1 =	vmmov @p5 vm8;
	s4 =	smov.u32 @p3 s3;
	s3 =	simm.s32 @!p0 $0x0  }
0x268: {  	vm4 =	vmmov @p5 vm1;
	s5 =	spop @p5 (v2sf);
	s3 =	simm.s32 @p0 $0x1  }
0x269: {  	vm5 =	vnez.u8 v61;
	vm4 =	vmmov @p5 vm4;
	s11 =	spop (v2sf);
	v13 =	vld @!p0 [tilespmem:s4+$0x0];
	[smem:$0x7F5] =	sst s3  }
0x26a: {  	vm3 =	vmmov @p6 vm6;
	s0 =	smov.u32 @p3 s0;
	v11, _, _ =	vpop @p1 (xrf0);
	vm6 =	vnez.u8 v8;
	vm5 =	vmmov @p5 vm4;
	s1 =	spop @p6 (v2sf);
	s17 =	sld [smem:$0x7F5]  }
0x26b: {  	s0 =	sadd.s32 @p3 s8, s0;
	v12, _, _ =	vpop @p2 (xrf0);
	vm6 =	vmmov @p6 vm3;
	vm4 =	vmmov @p5 vm5;
	(v2sf) =	vpush @p1 v11, $0xF;
	p0 =	sgt.f32 @p6 s1, $0.0e+00;
	s3 =	smov.u32 s21  }
0x26c: {  	vm1 =	vmand vm11, vm12;
	vm4 =	vmmov @p5 vm4;
	(v2sf) =	vpush @p2 v12, $0xF;
	s1 =	simm.s32 $0xFC00;
	s3 =	smov.u32 @p3 s0;
	s0 =	sadd.s32 @p5 $0x10, s4  }
0x26d: {  	v8 =	vsel vm1, $0x3F800000, v6;
	vm3 =	vmmov @p5 vm4;
	v11 =	vsel @p2 vm2, $0x1, v3;
	p4 =	por @!p5 p0, p0;
	p0 =	por @!p6 p0, p0;
	p3 =	seq.s32 s17, $0x1  }
0x26e: {  	(xrf0) =	vadd.scan.msk.s32 @p2 $0xffff, v11;
	s4 =	sadd.s32 @p5 $0x10, s6;
	s6 =	simm.s32 $0xF300;
	p4 =	por !p4, !p5;
	[tilespmem:s3+$0xF100] =	vst.msk @!p3 vm3, v9;
	v9 =	vpsel p5, v13, v0;
	vm3 =	vmmov @p5 vm3  }
0x26f: {  	(xrf0) =	vmax.scan.msk.f32 $0xffff, v8;
	s6 =	smov.u32 @p5 s4;
	p3 =	por !p0, !p6;
	[tilespmem:s3+$0xF200] =	vst.msk @!p4 vm3, v9;
	vm3 =	vmmov @p6 vm6;
	p4 =	por @p6 p0, p0  }
0x270: {  	s4 =	smov.u32 @p5 s5;
	s1 =	smov.u32 @p5 s0;
	vm15 =	vmmov @p6 vm3;
	v8 =	vld @!p3 [tilespmem:s6+$0x0];
	p3 =	por !p4, !p6  }
0x271: {  	s0 =	smov.u32 @p5 s4;
	s4 =	spop @p6 (v2sf);
	vm3 =	vmmov @p6 vm15;
	v9 =	vld @!p3 [tilespmem:s1+$0x0]  }
0x272: {  	s0 =	smov.u32 @p5 s0;
	s5 =	spop @p1 (v2sf);
	vm3 =	vmmov @p6 vm3  }
0x273: {  	s0 =	sadd.s32 @p5 s3, s0;
	p0 =	sgt.f32 @p1 s5, $0.0e+00;
	s3 =	smov.u32 s21;
	vm3 =	vmmov @p6 vm3  }
0x274: {  	vm0 =	vmmov @p1 vm0;
	v10, _, _ =	vpop @p2 (xrf0);
	s5 =	sadd.s32 @p6 $0x10, s6;
	s3 =	smov.u32 @p5 s0;
	vm3 =	vmmov @p6 vm3  }
0x275: {  	vm14 =	vmmov @p1 vm0;
	v63, _, _ =	vpop (xrf0);
	(v2sf) =	vpush @p2 v10, $0xF;
	s0 =	sadd.s32 @p6 $0x10, s1;
	s6 =	simm.s32 $0xF300;
	p4 =	por @!p6 p0, p0;
	vm0 =	vmmov @p6 vm3  }
0x276: {  	(v2sf) =	vpush v63, $0xF;
	p0 =	por @!p1 p0, p0;
	s1 =	simm.s32 $0xFC00;
	[tilespmem:s3+$0xF100] =	vst.msk @!p3 vm0, v8;
	v8 =	vpsel p6, v9, v0;
	vm0 =	vmmov @p6 vm0;
	p3 =	por !p4, !p6  }
0x277: {  	s6 =	smov.u32 @p6 s5;
	p4 =	por !p0, !p1;
	[tilespmem:s3+$0xF200] =	vst.msk @!p3 vm0, v8;
	vm0 =	vmmov @p1 vm14;
	v8 =	vsel vm1, $0x1, v3;
	p3 =	por @p1 p0, p0  }
0x278: {  	s4 =	smov.u32 @p6 s4;
	s1 =	smov.u32 @p6 s0;
	vm13 =	vmmov @p1 vm0;
	(xrf0) =	vadd.scan.msk.s32 $0xffff, v8;
	v8 =	vld @!p4 [tilespmem:s6+$0x0];
	p5 =	por !p3, !p1  }
0x279: {  	s0 =	smov.u32 @p6 s4;
	vm0 =	vmmov @p1 vm13;
	v9 =	vld @!p5 [tilespmem:s1+$0x0]  }
0x27a: {  	s4 =	spop @p1 (v2sf);
	s0 =	smov.u32 @p6 s0;
	vm0 =	vmmov @p1 vm0  }
0x27b: {  	s5 =	spop @p2 (v2sf);
	s0 =	sadd.s32 @p6 s3, s0;
	s3 =	smov.u32 s21;
	vm0 =	vmmov @p1 vm0  }
0x27c: {  	p4 =	sgt.f32 @p2 s5, $0.0e+00;
	s3 =	smov.u32 @p6 s0;
	s0 =	sadd.s32 @p1 $0x10, s1;
	vm0 =	vmmov @p1 vm0  }
0x27d: {  	vm2 =	vmmov @p2 vm2;
	p3 =	por @!p1 p0, p0;
	s5 =	sadd.s32 @p1 $0x10, s6;
	s6 =	simm.s32 $0xF300;
	vm0 =	vmmov @p1 vm0  }
0x27e: {  	vm9 =	vmmov @p2 vm2;
	s1 =	simm.s32 $0xFC00;
	p4 =	por @!p2 p0, p0;
	p0 =	por !p3, !p1;
	[tilespmem:s3+$0xF100] =	vst.msk @!p5 vm0, v8;
	v8, _, _ =	vpop (xrf0);
	v9 =	vpsel p1, v9, v0;
	vm0 =	vmmov @p1 vm0  }
0x27f: {  	s6 =	smov.u32 @p1 s5;
	p3 =	por !p4, !p2;
	p4 =	por @p2 p4, p4;
	[tilespmem:s3+$0xF200] =	vst.msk @!p0 vm0, v9;
	vm0 =	vmmov @p2 vm9;
	(v2sf) =	vpush v8, $0xF  }
0x280: {  	s4 =	smov.u32 @p1 s4;
	s1 =	smov.u32 @p1 s0;
	vm0 =	vmmov @p2 vm0;
	v8 =	vld @!p3 [tilespmem:s6+$0x0];
	p3 =	por !p4, !p2  }
0x281: {  	s0 =	smov.u32 @p1 s4;
	vm0 =	vmmov @p2 vm0;
	v9 =	vld @!p3 [tilespmem:s1+$0x0]  }
0x282: {  	s0 =	smov.u32 @p1 s0;
	vm0 =	vmmov @p2 vm0  }
0x283: {  	s0 =	sadd.s32 @p1 s3, s0;
	s3 =	smov.u32 s21;
	vm0 =	vmmov @p2 vm0  }
0x284: {  	s3 =	smov.u32 @p1 s0;
	s0 =	spop @p2 (v2sf);
	vm0 =	vmmov @p2 vm0  }
0x285: {  	p4 =	por @!p2 p0, p0;
	s18 =	spop (v2sf);
	vm0 =	vmmov @p2 vm0  }
0x286: {  	s4 =	sadd.s32 @p2 $0x10, s6;
	p1 =	por !p4, !p2;
	p0 =	sgt.f32 s18, $0.0e+00;
	[tilespmem:s3+$0xF100] =	vst.msk @!p3 vm0, v8;
	v8 =	vpsel p2, v9, v0;
	vm0 =	vmmov @p2 vm0  }
0x287: {  	s16 =	smov.u32 @p2 s4;
	s1 =	sadd.s32 @p2 $0x10, s1;
	[tilespmem:s3+$0xF200] =	vst.msk @!p1 vm0, v8  }
0x288: {  	vm15 =	vmmov vm1;
	s12 =	smov.u32 @p2 s1;
	v8 =	vld @p0 [tilespmem:s16+$0x0];
	p0 =	por p0, p0  }
0x289: {  	s0 =	smov.u32 @p2 s0;
	vm0 =	vmmov vm15;
	v9 =	vld @p0 [tilespmem:s12+$0x0]  }
0x28a: {  	s0 =	smov.u32 @p2 s0;
	vm0 =	vmmov vm0  }
0x28b: {  	s0 =	sadd.s32 @p2 s3, s0;
	vm0 =	vmmov vm0  }
0x28c: {  	s21 =	smov.u32 @p2 s0;
	vm0 =	vmmov vm0  }
0x28d: {  	[tilespmem:s21+$0xF100] =	vst.msk @p0 vm0, v8  }
0x28e: {  	[tilespmem:s21+$0xF200] =	vst.msk @p0 vm0, v9;
	s31 =	spop (v2sf)  }
.LBB2_85:
0x28f: {  	v8 =	vld [tilespmem:$0xF100]  }
0x290: {  	v9 =	vld [tilespmem:$0xF110];
	_ =	sdelay $0x1  }
0x291: {  	v10 =	vld [tilespmem:$0xF120];
	_ =	sdelay $0x1  }
0x292: {  	v11 =	vld [tilespmem:$0xF130];
	v8 =	vxor.u32 $0x80000000, v8  }
0x293: {  	(xrf0) =	vmin.scan.msk.u32 $0xffff, v8;
	v8 =	vxor.u32 $0x80000000, v9  }
0x294: {  	(xrf0) =	vmin.scan.msk.u32 $0xffff, v8;
	v8 =	vld [tilespmem:$0xF140]  }
0x295: {  	v54 =	vxor.u32 $0x80000000, v10  }
0x296: {  	v55 =	vld [tilespmem:$0xF150];
	(xrf0) =	vmin.scan.msk.u32 $0xffff, v54  }
0x297: {  	v56 =	vxor.u32 $0x80000000, v11  }
0x298: {  	v57 =	vld [tilespmem:$0xF160];
	(xrf0) =	vmin.scan.msk.u32 $0xffff, v56  }
0x299: {  	v58, _, _ =	vpop (xrf0);
	v8 =	vxor.u32 $0x80000000, v8  }
0x29a: {  	(v2sf) =	vpush v58, $0xF;
	v59, _, _ =	vpop (xrf0);
	(xrf0) =	vmin.scan.msk.u32 $0xffff, v8;
	v8 =	vld [tilespmem:$0xF170]  }
0x29b: {  	v9 =	vxor.u32 $0x80000000, v55;
	(v2sf) =	vpush v59, $0xF  }
0x29c: {  	v60, _, _ =	vpop (xrf0);
	(xrf0) =	vmin.scan.msk.u32 $0xffff, v9  }
0x29d: {  	v61 =	vxor.u32 $0x80000000, v57;
	(v2sf) =	vpush v60, $0xF  }
0x29e: {  	v62, _, _ =	vpop (xrf0);
	(xrf0) =	vmin.scan.msk.u32 $0xffff, v61  }
0x29f: {  	(v2sf) =	vpush v62, $0xF;
	v8 =	vxor.u32 $0x80000000, v8  }
0x2a0: {  	v63, _, _ =	vpop (xrf0);
	(xrf0) =	vmin.scan.msk.u32 $0xffff, v8  }
0x2a1: {  	(v2sf) =	vpush v63, $0xF  }
0x2a2: {  	v8, _, _ =	vpop (xrf0)  }
0x2a3: {  	(v2sf) =	vpush v8, $0xF  }
0x2a4: {  	v8, _, _ =	vpop (xrf0)  }
0x2a5: {  	(v2sf) =	vpush v8, $0xF  }
0x2a6: {  	v8, _, _ =	vpop (xrf0)  }
0x2a7: {  	(v2sf) =	vpush v8, $0xF;
	_ =	sdelay $0x1  }
0x2a8: {  	s0 =	spop (v2sf)  }
0x2a9: {  	s1 =	spop (v2sf)  }
0x2aa: {  	s0 =	sxor.u32 $0x80000000, s0;
	s1 =	sxor.u32 $0x80000000, s1  }
0x2ab: {  	s3 =	spop (v2sf);
	p0 =	slt.s32 s0, s1  }
0x2ac: {  	s1 =	smov.u32 @p0 s0;
	s0 =	sxor.u32 $0x80000000, s3  }
0x2ad: {  	s16 =	spop (v2sf);
	p0 =	slt.s32 s1, s0  }
0x2ae: {  	s0 =	smov.u32 @p0 s1;
	s1 =	sxor.u32 $0x80000000, s16  }
0x2af: {  	s17 =	spop (v2sf);
	p0 =	slt.s32 s0, s1  }
0x2b0: {  	s1 =	smov.u32 @p0 s0;
	s0 =	sxor.u32 $0x80000000, s17  }
0x2b1: {  	s18 =	spop (v2sf);
	p0 =	slt.s32 s1, s0  }
0x2b2: {  	s0 =	smov.u32 @p0 s1;
	s1 =	sxor.u32 $0x80000000, s18  }
0x2b3: {  	s21 =	spop (v2sf);
	p0 =	slt.s32 s0, s1  }
0x2b4: {  	s1 =	smov.u32 @p0 s0;
	s0 =	sxor.u32 $0x80000000, s21  }
0x2b5: {  	p0 =	slt.s32 s1, s0;
	s31 =	spop (v2sf)  }
0x2b6: {  	s8 =	rddreg [dreg:$0x15];
	s0 =	smov.u32 @p0 s1;
	s3 =	sxor.u32 $0x80000000, s31  }
0x2b7: {  	s12 =	rddreg [dreg:$0x16];
	p0 =	slt.s32 s0, s3  }
0x2b8: {  	s6 =	rddreg [dreg:$0x19];
	s3 =	smov.u32 @p0 s0  }
0x2b9: {  	s16 =	rddreg [dreg:$0x17];
	s0 =	sxor.u32 $0x7FFFFFFF, s3;
	p0 =	slt.s32 s3, $0x0  }
0x2ba: {  	s17 =	rddreg [dreg:$0x18];
	s3 =	smov.u32 @p0 s0  }
.LBB2_86:
0x2bb: {  	p0 =	sgt.s32 s20, $0x400  }
0x2bc: {  	s14 =	sadd.s32 $0x1, s14;
	s23 =	sadd.s32 $0x400, s23;
	s2 =	sadd.s32 $0x400, s2  }
0x2bd: {  	s19 =	simm.s32 @p0 $0x80;
	s20 =	simm.s32 @p0 $0x0;
	p0 =	sne.s32 s14, $0xE  }
.Ltmp12:
0x2be: {  	s22 =	sadd.s32 $0x400, s22;
	s15 =	sadd.s32 $0x400, s15;
	(pc) =	sbr.rel @!p0 .LBB2_87-.Ltmp12, $4  }
0x2bf: {  	s24 =	sadd.s32 $0x400, s24;
	s13 =	sadd.s32 $0x400, s13;
	s25 =	sadd.s32 $0x400, s25  }
0x2c0: {  	s6 =	sadd.s32 $0x400, s6;
	s26 =	sadd.s32 $0x400, s26;
	s17 =	sadd.s32 $0x400, s17  }
0x2c1: {  	s28 =	sadd.s32 $0x400, s28;
	s16 =	sadd.s32 $0x400, s16;
	s29 =	sadd.s32 $0x400, s29  }
0x2c2: {  	s12 =	sadd.s32 $0x400, s12;
	s30 =	sadd.s32 $0x400, s30;
	s8 =	sadd.s32 $0x400, s8  }
.LBB2_14:
0x2c3: {  	_ =	sdelay $0x1  }
0x2c4: {  	s0 =	sshll.u32 s14, $0x3  }
0x2c5: {  	s0 =	sand.u32 $0x3FFFFFF8, s0  }
0x2c6: {  	v9 =	vld.idx.msk [tilespmem:v7+s0+$0x0 ss:$0x1], $0xffff;
	_ =	sdelay $0x4  }
0x2c7: {  	(v2sf) =	vpush v9, $0x0;
	_ =	sdelay $0xe  }
0x2c8: {  	s31 =	spop (v2sf)  }
0x2c9: {  	p0 =	sgt.f32 s31, s3  }
.Ltmp13:
0x2ca: {  	_ = 	snop;
	(pc) =	sbr.rel @!p0 .LBB2_18-.Ltmp13, $2  }
0x2cb: {  	_ =	sdelay $0x2  }
0x2cc: {  	v8 =	vmov s3  }
0x2cd: {  	v10 =	vmov s2;
	_ =	sdelay $0x3  }
0x2ce: {  	s0 =	simm.s32 $0x0  }
0x2cf: {  	v11 =	vld.idx.msk [tilespmem:v10+s0+$0x0 ss:$0x1], $0xffff;
	_ =	sdelay $0x4  }
0x2d0: {  	vm0 =	vgt.f32 v11, v8  }
0x2d1: {  	v12 =	vmpcnt.ones.xlane vm0;
	_ =	sdelay $0x1  }
0x2d2: {  	(v2sf) =	vpush v12, $0x0;
	_ =	sdelay $0x4  }
0x2d3: {  	[tilespmem:s20+$0xE000] =	vst.msk vm0, v11;
	v11 =	vor.u32 s23, v0  }
0x2d4: {  	s5 =	simm.s32 $0x10;
	s4 =	simm.s32 $0x80;
	s0 =	smov.u32 s23;
	[tilespmem:s20+$0xE880] =	vst.msk vm0, v11  }
.LBB2_16:
0x2d5: {  	p0 =	sne.s32 s4, $0x1C0;
	v11 =	vld.idx.msk [tilespmem:v10+s5+$0x0 ss:$0x1], $0xffff;
	_ =	sdelay $0x5  }
0x2d6: {  	vm0 =	vgt.f32 v11, v8  }
0x2d7: {  	v12 =	vmpcnt.ones.xlane vm0  }
0x2d8: {  	s5 =	spop (v2sf)  }
0x2d9: {  	s0 =	sadd.s32 $0x10, s0;
	(v2sf) =	vpush v12, $0x0;
	s20 =	sadd.s32 s20, s5  }
0x2da: {  	[tilespmem:s20+$0xE000] =	vst.msk vm0, v11;
	v11 =	vor.u32 s0, v0  }
.Ltmp14:
0x2db: {  	[tilespmem:s20+$0xE880] =	vst.msk vm0, v11;
	(pc) =	sbr.rel @p0 .LBB2_16-.Ltmp14, $2  }
0x2dc: {  	_ =	sdelay $0x2  }
0x2dd: {  	s5 =	sshra.s32 s4, $0x2;
	s4 =	sadd.s32 $0x40, s4  }
0x2de: {  	_ =	sdelay $0x3  }
0x2df: {  	v10 =	vld.idx.msk [tilespmem:v10+s5+$0x0 ss:$0x1], $0xffff;
	_ =	sdelay $0x4  }
0x2e0: {  	vm0 =	vgt.f32 v10, v8  }
0x2e1: {  	v11 =	vmpcnt.ones.xlane vm0;
	_ =	sdelay $0x1  }
0x2e2: {  	(v2sf) =	vpush v11, $0x0;
	_ =	sdelay $0xc  }
0x2e3: {  	s4 =	spop (v2sf)  }
0x2e4: {  	s0 =	sadd.s32 $0x10, s0;
	s4 =	sadd.s32 s20, s4  }
0x2e5: {  	[tilespmem:s4+$0xE000] =	vst.msk vm0, v10;
	v10 =	vor.u32 s0, v0;
	s31 =	spop (v2sf)  }
0x2e6: {  	[tilespmem:s4+$0xE880] =	vst.msk vm0, v10;
	s20 =	sadd.s32 s4, s31  }
.LBB2_18:
0x2e7: {  	(v2sf) =	vpush v9, $0x1;
	_ =	sdelay $0xe  }
0x2e8: {  	s0 =	spop (v2sf)  }
0x2e9: {  	p0 =	sgt.f32 s0, s3  }
.Ltmp15:
0x2ea: {  	_ = 	snop;
	(pc) =	sbr.rel @!p0 .LBB2_22-.Ltmp15, $1  }
0x2eb: {  	_ =	sdelay $0x3  }
0x2ec: {  	v10 =	vmov s15;
	_ =	sdelay $0x3  }
0x2ed: {  	s0 =	simm.s32 $0x0  }
0x2ee: {  	v11 =	vld.idx.msk [tilespmem:v10+s0+$0x0 ss:$0x1], $0xffff;
	_ =	sdelay $0x4  }
0x2ef: {  	vm0 =	vgt.f32 v11, v8  }
0x2f0: {  	v12 =	vmpcnt.ones.xlane vm0;
	_ =	sdelay $0x1  }
0x2f1: {  	(v2sf) =	vpush v12, $0x0;
	_ =	sdelay $0x4  }
0x2f2: {  	[tilespmem:s20+$0xE000] =	vst.msk vm0, v11;
	v11 =	vor.u32 s22, v0  }
0x2f3: {  	s5 =	simm.s32 $0x10;
	s4 =	simm.s32 $0x80;
	s0 =	smov.u32 s22;
	[tilespmem:s20+$0xE880] =	vst.msk vm0, v11  }
.LBB2_20:
0x2f4: {  	p0 =	sne.s32 s4, $0x1C0;
	v11 =	vld.idx.msk [tilespmem:v10+s5+$0x0 ss:$0x1], $0xffff;
	_ =	sdelay $0x5  }
0x2f5: {  	vm0 =	vgt.f32 v11, v8  }
0x2f6: {  	v12 =	vmpcnt.ones.xlane vm0  }
0x2f7: {  	s5 =	spop (v2sf)  }
0x2f8: {  	s0 =	sadd.s32 $0x10, s0;
	(v2sf) =	vpush v12, $0x0;
	s20 =	sadd.s32 s20, s5  }
0x2f9: {  	[tilespmem:s20+$0xE000] =	vst.msk vm0, v11;
	v11 =	vor.u32 s0, v0  }
.Ltmp16:
0x2fa: {  	[tilespmem:s20+$0xE880] =	vst.msk vm0, v11;
	(pc) =	sbr.rel @p0 .LBB2_20-.Ltmp16, $2  }
0x2fb: {  	_ =	sdelay $0x2  }
0x2fc: {  	s5 =	sshra.s32 s4, $0x2;
	s4 =	sadd.s32 $0x40, s4  }
0x2fd: {  	_ =	sdelay $0x3  }
0x2fe: {  	v10 =	vld.idx.msk [tilespmem:v10+s5+$0x0 ss:$0x1], $0xffff;
	_ =	sdelay $0x4  }
0x2ff: {  	vm0 =	vgt.f32 v10, v8  }
0x300: {  	v11 =	vmpcnt.ones.xlane vm0;
	_ =	sdelay $0x1  }
0x301: {  	(v2sf) =	vpush v11, $0x0;
	_ =	sdelay $0xc  }
0x302: {  	s4 =	spop (v2sf)  }
0x303: {  	s0 =	sadd.s32 $0x10, s0;
	s4 =	sadd.s32 s20, s4  }
0x304: {  	[tilespmem:s4+$0xE000] =	vst.msk vm0, v10;
	v10 =	vor.u32 s0, v0;
	s31 =	spop (v2sf)  }
0x305: {  	[tilespmem:s4+$0xE880] =	vst.msk vm0, v10;
	s20 =	sadd.s32 s4, s31  }
.LBB2_22:
0x306: {  	(v2sf) =	vpush v9, $0x2;
	_ =	sdelay $0xe  }
0x307: {  	s0 =	spop (v2sf)  }
0x308: {  	p0 =	sgt.f32 s0, s3  }
.Ltmp17:
0x309: {  	_ = 	snop;
	(pc) =	sbr.rel @!p0 .LBB2_26-.Ltmp17, $1  }
0x30a: {  	_ =	sdelay $0x3  }
0x30b: {  	v10 =	vmov s13;
	_ =	sdelay $0x3  }
0x30c: {  	s0 =	simm.s32 $0x0  }
0x30d: {  	v11 =	vld.idx.msk [tilespmem:v10+s0+$0x0 ss:$0x1], $0xffff;
	_ =	sdelay $0x4  }
0x30e: {  	vm0 =	vgt.f32 v11, v8  }
0x30f: {  	v12 =	vmpcnt.ones.xlane vm0;
	_ =	sdelay $0x1  }
0x310: {  	(v2sf) =	vpush v12, $0x0;
	_ =	sdelay $0x4  }
0x311: {  	[tilespmem:s20+$0xE000] =	vst.msk vm0, v11;
	v11 =	vor.u32 s24, v0  }
0x312: {  	s5 =	simm.s32 $0x10;
	s4 =	simm.s32 $0x80;
	s0 =	smov.u32 s24;
	[tilespmem:s20+$0xE880] =	vst.msk vm0, v11  }
.LBB2_24:
0x313: {  	p0 =	sne.s32 s4, $0x1C0;
	v11 =	vld.idx.msk [tilespmem:v10+s5+$0x0 ss:$0x1], $0xffff;
	_ =	sdelay $0x5  }
0x314: {  	vm0 =	vgt.f32 v11, v8  }
0x315: {  	v12 =	vmpcnt.ones.xlane vm0  }
0x316: {  	s5 =	spop (v2sf)  }
0x317: {  	s0 =	sadd.s32 $0x10, s0;
	(v2sf) =	vpush v12, $0x0;
	s20 =	sadd.s32 s20, s5  }
0x318: {  	[tilespmem:s20+$0xE000] =	vst.msk vm0, v11;
	v11 =	vor.u32 s0, v0  }
.Ltmp18:
0x319: {  	[tilespmem:s20+$0xE880] =	vst.msk vm0, v11;
	(pc) =	sbr.rel @p0 .LBB2_24-.Ltmp18, $2  }
0x31a: {  	_ =	sdelay $0x2  }
0x31b: {  	s5 =	sshra.s32 s4, $0x2;
	s4 =	sadd.s32 $0x40, s4  }
0x31c: {  	_ =	sdelay $0x3  }
0x31d: {  	v10 =	vld.idx.msk [tilespmem:v10+s5+$0x0 ss:$0x1], $0xffff;
	_ =	sdelay $0x4  }
0x31e: {  	vm0 =	vgt.f32 v10, v8  }
0x31f: {  	v11 =	vmpcnt.ones.xlane vm0;
	_ =	sdelay $0x1  }
0x320: {  	(v2sf) =	vpush v11, $0x0;
	_ =	sdelay $0xc  }
0x321: {  	s4 =	spop (v2sf)  }
0x322: {  	s0 =	sadd.s32 $0x10, s0;
	s4 =	sadd.s32 s20, s4  }
0x323: {  	[tilespmem:s4+$0xE000] =	vst.msk vm0, v10;
	v10 =	vor.u32 s0, v0;
	s31 =	spop (v2sf)  }
0x324: {  	[tilespmem:s4+$0xE880] =	vst.msk vm0, v10;
	s20 =	sadd.s32 s4, s31  }
.LBB2_26:
0x325: {  	(v2sf) =	vpush v9, $0x3;
	_ =	sdelay $0xe  }
0x326: {  	s0 =	spop (v2sf)  }
0x327: {  	p0 =	sgt.f32 s0, s3  }
.Ltmp19:
0x328: {  	_ = 	snop;
	(pc) =	sbr.rel @!p0 .LBB2_30-.Ltmp19, $1  }
0x329: {  	_ =	sdelay $0x3  }
0x32a: {  	v10 =	vmov s6;
	_ =	sdelay $0x3  }
0x32b: {  	s0 =	simm.s32 $0x0  }
0x32c: {  	v11 =	vld.idx.msk [tilespmem:v10+s0+$0x0 ss:$0x1], $0xffff;
	_ =	sdelay $0x4  }
0x32d: {  	vm0 =	vgt.f32 v11, v8  }
0x32e: {  	v12 =	vmpcnt.ones.xlane vm0;
	_ =	sdelay $0x1  }
0x32f: {  	(v2sf) =	vpush v12, $0x0;
	_ =	sdelay $0x4  }
0x330: {  	[tilespmem:s20+$0xE000] =	vst.msk vm0, v11;
	v11 =	vor.u32 s25, v0  }
0x331: {  	s5 =	simm.s32 $0x10;
	s4 =	simm.s32 $0x80;
	s0 =	smov.u32 s25;
	[tilespmem:s20+$0xE880] =	vst.msk vm0, v11  }
.LBB2_28:
0x332: {  	p0 =	sne.s32 s4, $0x1C0;
	v11 =	vld.idx.msk [tilespmem:v10+s5+$0x0 ss:$0x1], $0xffff;
	_ =	sdelay $0x5  }
0x333: {  	vm0 =	vgt.f32 v11, v8  }
0x334: {  	v12 =	vmpcnt.ones.xlane vm0  }
0x335: {  	s5 =	spop (v2sf)  }
0x336: {  	s0 =	sadd.s32 $0x10, s0;
	(v2sf) =	vpush v12, $0x0;
	s20 =	sadd.s32 s20, s5  }
0x337: {  	[tilespmem:s20+$0xE000] =	vst.msk vm0, v11;
	v11 =	vor.u32 s0, v0  }
.Ltmp20:
0x338: {  	[tilespmem:s20+$0xE880] =	vst.msk vm0, v11;
	(pc) =	sbr.rel @p0 .LBB2_28-.Ltmp20, $2  }
0x339: {  	_ =	sdelay $0x2  }
0x33a: {  	s5 =	sshra.s32 s4, $0x2;
	s4 =	sadd.s32 $0x40, s4  }
0x33b: {  	_ =	sdelay $0x3  }
0x33c: {  	v10 =	vld.idx.msk [tilespmem:v10+s5+$0x0 ss:$0x1], $0xffff;
	_ =	sdelay $0x4  }
0x33d: {  	vm0 =	vgt.f32 v10, v8  }
0x33e: {  	v11 =	vmpcnt.ones.xlane vm0;
	_ =	sdelay $0x1  }
0x33f: {  	(v2sf) =	vpush v11, $0x0;
	_ =	sdelay $0xc  }
0x340: {  	s4 =	spop (v2sf)  }
0x341: {  	s0 =	sadd.s32 $0x10, s0;
	s4 =	sadd.s32 s20, s4  }
0x342: {  	[tilespmem:s4+$0xE000] =	vst.msk vm0, v10;
	v10 =	vor.u32 s0, v0;
	s31 =	spop (v2sf)  }
0x343: {  	[tilespmem:s4+$0xE880] =	vst.msk vm0, v10;
	s20 =	sadd.s32 s4, s31  }
.LBB2_30:
0x344: {  	(v2sf) =	vpush v9, $0x4;
	_ =	sdelay $0xe  }
0x345: {  	s0 =	spop (v2sf)  }
0x346: {  	p0 =	sgt.f32 s0, s3  }
.Ltmp21:
0x347: {  	_ = 	snop;
	(pc) =	sbr.rel @!p0 .LBB2_34-.Ltmp21, $1  }
0x348: {  	_ =	sdelay $0x3  }
0x349: {  	v10 =	vmov s17;
	_ =	sdelay $0x3  }
0x34a: {  	s0 =	simm.s32 $0x0  }
0x34b: {  	v11 =	vld.idx.msk [tilespmem:v10+s0+$0x0 ss:$0x1], $0xffff;
	_ =	sdelay $0x4  }
0x34c: {  	vm0 =	vgt.f32 v11, v8  }
0x34d: {  	v12 =	vmpcnt.ones.xlane vm0;
	_ =	sdelay $0x1  }
0x34e: {  	(v2sf) =	vpush v12, $0x0;
	_ =	sdelay $0x4  }
0x34f: {  	[tilespmem:s20+$0xE000] =	vst.msk vm0, v11;
	v11 =	vor.u32 s26, v0  }
0x350: {  	s5 =	simm.s32 $0x10;
	s4 =	simm.s32 $0x80;
	s0 =	smov.u32 s26;
	[tilespmem:s20+$0xE880] =	vst.msk vm0, v11  }
.LBB2_32:
0x351: {  	p0 =	sne.s32 s4, $0x1C0;
	v11 =	vld.idx.msk [tilespmem:v10+s5+$0x0 ss:$0x1], $0xffff;
	_ =	sdelay $0x5  }
0x352: {  	vm0 =	vgt.f32 v11, v8  }
0x353: {  	v12 =	vmpcnt.ones.xlane vm0  }
0x354: {  	s5 =	spop (v2sf)  }
0x355: {  	s0 =	sadd.s32 $0x10, s0;
	(v2sf) =	vpush v12, $0x0;
	s20 =	sadd.s32 s20, s5  }
0x356: {  	[tilespmem:s20+$0xE000] =	vst.msk vm0, v11;
	v11 =	vor.u32 s0, v0  }
.Ltmp22:
0x357: {  	[tilespmem:s20+$0xE880] =	vst.msk vm0, v11;
	(pc) =	sbr.rel @p0 .LBB2_32-.Ltmp22, $2  }
0x358: {  	_ =	sdelay $0x2  }
0x359: {  	s5 =	sshra.s32 s4, $0x2;
	s4 =	sadd.s32 $0x40, s4  }
0x35a: {  	_ =	sdelay $0x3  }
0x35b: {  	v10 =	vld.idx.msk [tilespmem:v10+s5+$0x0 ss:$0x1], $0xffff;
	_ =	sdelay $0x4  }
0x35c: {  	vm0 =	vgt.f32 v10, v8  }
0x35d: {  	v11 =	vmpcnt.ones.xlane vm0;
	_ =	sdelay $0x1  }
0x35e: {  	(v2sf) =	vpush v11, $0x0;
	_ =	sdelay $0xc  }
0x35f: {  	s4 =	spop (v2sf)  }
0x360: {  	s0 =	sadd.s32 $0x10, s0;
	s4 =	sadd.s32 s20, s4  }
0x361: {  	[tilespmem:s4+$0xE000] =	vst.msk vm0, v10;
	v10 =	vor.u32 s0, v0;
	s31 =	spop (v2sf)  }
0x362: {  	[tilespmem:s4+$0xE880] =	vst.msk vm0, v10;
	s20 =	sadd.s32 s4, s31  }
.LBB2_34:
0x363: {  	(v2sf) =	vpush v9, $0x5;
	_ =	sdelay $0xe  }
0x364: {  	s0 =	spop (v2sf)  }
0x365: {  	p0 =	sgt.f32 s0, s3  }
.Ltmp23:
0x366: {  	_ = 	snop;
	(pc) =	sbr.rel @!p0 .LBB2_38-.Ltmp23, $1  }
0x367: {  	_ =	sdelay $0x3  }
0x368: {  	v10 =	vmov s16;
	_ =	sdelay $0x3  }
0x369: {  	s0 =	simm.s32 $0x0  }
0x36a: {  	v11 =	vld.idx.msk [tilespmem:v10+s0+$0x0 ss:$0x1], $0xffff;
	_ =	sdelay $0x4  }
0x36b: {  	vm0 =	vgt.f32 v11, v8  }
0x36c: {  	v12 =	vmpcnt.ones.xlane vm0;
	_ =	sdelay $0x1  }
0x36d: {  	(v2sf) =	vpush v12, $0x0;
	_ =	sdelay $0x4  }
0x36e: {  	[tilespmem:s20+$0xE000] =	vst.msk vm0, v11;
	v11 =	vor.u32 s28, v0  }
0x36f: {  	s5 =	simm.s32 $0x10;
	s4 =	simm.s32 $0x80;
	s0 =	smov.u32 s28;
	[tilespmem:s20+$0xE880] =	vst.msk vm0, v11  }
.LBB2_36:
0x370: {  	p0 =	sne.s32 s4, $0x1C0;
	v11 =	vld.idx.msk [tilespmem:v10+s5+$0x0 ss:$0x1], $0xffff;
	_ =	sdelay $0x5  }
0x371: {  	vm0 =	vgt.f32 v11, v8  }
0x372: {  	v12 =	vmpcnt.ones.xlane vm0  }
0x373: {  	s5 =	spop (v2sf)  }
0x374: {  	s0 =	sadd.s32 $0x10, s0;
	(v2sf) =	vpush v12, $0x0;
	s20 =	sadd.s32 s20, s5  }
0x375: {  	[tilespmem:s20+$0xE000] =	vst.msk vm0, v11;
	v11 =	vor.u32 s0, v0  }
.Ltmp24:
0x376: {  	[tilespmem:s20+$0xE880] =	vst.msk vm0, v11;
	(pc) =	sbr.rel @p0 .LBB2_36-.Ltmp24, $2  }
0x377: {  	_ =	sdelay $0x2  }
0x378: {  	s5 =	sshra.s32 s4, $0x2;
	s4 =	sadd.s32 $0x40, s4  }
0x379: {  	_ =	sdelay $0x3  }
0x37a: {  	v10 =	vld.idx.msk [tilespmem:v10+s5+$0x0 ss:$0x1], $0xffff;
	_ =	sdelay $0x4  }
0x37b: {  	vm0 =	vgt.f32 v10, v8  }
0x37c: {  	v11 =	vmpcnt.ones.xlane vm0;
	_ =	sdelay $0x1  }
0x37d: {  	(v2sf) =	vpush v11, $0x0;
	_ =	sdelay $0xc  }
0x37e: {  	s4 =	spop (v2sf)  }
0x37f: {  	s0 =	sadd.s32 $0x10, s0;
	s4 =	sadd.s32 s20, s4  }
0x380: {  	[tilespmem:s4+$0xE000] =	vst.msk vm0, v10;
	v10 =	vor.u32 s0, v0;
	s31 =	spop (v2sf)  }
0x381: {  	[tilespmem:s4+$0xE880] =	vst.msk vm0, v10;
	s20 =	sadd.s32 s4, s31  }
.LBB2_38:
0x382: {  	(v2sf) =	vpush v9, $0x6;
	_ =	sdelay $0xe  }
0x383: {  	s0 =	spop (v2sf)  }
0x384: {  	p0 =	sgt.f32 s0, s3  }
.Ltmp25:
0x385: {  	_ = 	snop;
	(pc) =	sbr.rel @!p0 .LBB2_42-.Ltmp25, $1  }
0x386: {  	_ =	sdelay $0x3  }
0x387: {  	v10 =	vmov s12;
	_ =	sdelay $0x3  }
0x388: {  	s0 =	simm.s32 $0x0  }
0x389: {  	v11 =	vld.idx.msk [tilespmem:v10+s0+$0x0 ss:$0x1], $0xffff;
	_ =	sdelay $0x4  }
0x38a: {  	vm0 =	vgt.f32 v11, v8  }
0x38b: {  	v12 =	vmpcnt.ones.xlane vm0;
	_ =	sdelay $0x1  }
0x38c: {  	(v2sf) =	vpush v12, $0x0;
	_ =	sdelay $0x4  }
0x38d: {  	[tilespmem:s20+$0xE000] =	vst.msk vm0, v11;
	v11 =	vor.u32 s29, v0  }
0x38e: {  	s5 =	simm.s32 $0x10;
	s4 =	simm.s32 $0x80;
	s0 =	smov.u32 s29;
	[tilespmem:s20+$0xE880] =	vst.msk vm0, v11  }
.LBB2_40:
0x38f: {  	p0 =	sne.s32 s4, $0x1C0;
	v11 =	vld.idx.msk [tilespmem:v10+s5+$0x0 ss:$0x1], $0xffff;
	_ =	sdelay $0x5  }
0x390: {  	vm0 =	vgt.f32 v11, v8  }
0x391: {  	v12 =	vmpcnt.ones.xlane vm0  }
0x392: {  	s5 =	spop (v2sf)  }
0x393: {  	s0 =	sadd.s32 $0x10, s0;
	(v2sf) =	vpush v12, $0x0;
	s20 =	sadd.s32 s20, s5  }
0x394: {  	[tilespmem:s20+$0xE000] =	vst.msk vm0, v11;
	v11 =	vor.u32 s0, v0  }
.Ltmp26:
0x395: {  	[tilespmem:s20+$0xE880] =	vst.msk vm0, v11;
	(pc) =	sbr.rel @p0 .LBB2_40-.Ltmp26, $2  }
0x396: {  	_ =	sdelay $0x2  }
0x397: {  	s5 =	sshra.s32 s4, $0x2;
	s4 =	sadd.s32 $0x40, s4  }
0x398: {  	_ =	sdelay $0x3  }
0x399: {  	v10 =	vld.idx.msk [tilespmem:v10+s5+$0x0 ss:$0x1], $0xffff;
	_ =	sdelay $0x4  }
0x39a: {  	vm0 =	vgt.f32 v10, v8  }
0x39b: {  	v11 =	vmpcnt.ones.xlane vm0;
	_ =	sdelay $0x1  }
0x39c: {  	(v2sf) =	vpush v11, $0x0;
	_ =	sdelay $0xc  }
0x39d: {  	s4 =	spop (v2sf)  }
0x39e: {  	s0 =	sadd.s32 $0x10, s0;
	s4 =	sadd.s32 s20, s4  }
0x39f: {  	[tilespmem:s4+$0xE000] =	vst.msk vm0, v10;
	v10 =	vor.u32 s0, v0;
	s31 =	spop (v2sf)  }
0x3a0: {  	[tilespmem:s4+$0xE880] =	vst.msk vm0, v10;
	s20 =	sadd.s32 s4, s31  }
.LBB2_42:
0x3a1: {  	(v2sf) =	vpush v9, $0x7;
	_ =	sdelay $0xe  }
0x3a2: {  	s0 =	spop (v2sf)  }
0x3a3: {  	p0 =	sgt.f32 s0, s3  }
.Ltmp27:
0x3a4: {  	_ = 	snop;
	(pc) =	sbr.rel @!p0 .LBB2_46-.Ltmp27, $1  }
0x3a5: {  	_ =	sdelay $0x3  }
0x3a6: {  	v9 =	vmov s8;
	_ =	sdelay $0x3  }
0x3a7: {  	s0 =	simm.s32 $0x0  }
0x3a8: {  	v10 =	vld.idx.msk [tilespmem:v9+s0+$0x0 ss:$0x1], $0xffff;
	_ =	sdelay $0x4  }
0x3a9: {  	vm0 =	vgt.f32 v10, v8  }
0x3aa: {  	v11 =	vmpcnt.ones.xlane vm0;
	_ =	sdelay $0x1  }
0x3ab: {  	(v2sf) =	vpush v11, $0x0;
	_ =	sdelay $0x4  }
0x3ac: {  	[tilespmem:s20+$0xE000] =	vst.msk vm0, v10;
	v10 =	vor.u32 s30, v0  }
0x3ad: {  	s5 =	simm.s32 $0x10;
	s4 =	simm.s32 $0x80;
	s0 =	smov.u32 s30;
	[tilespmem:s20+$0xE880] =	vst.msk vm0, v10  }
.LBB2_44:
0x3ae: {  	p0 =	sne.s32 s4, $0x1C0;
	v10 =	vld.idx.msk [tilespmem:v9+s5+$0x0 ss:$0x1], $0xffff;
	_ =	sdelay $0x5  }
0x3af: {  	vm0 =	vgt.f32 v10, v8  }
0x3b0: {  	v11 =	vmpcnt.ones.xlane vm0  }
0x3b1: {  	s5 =	spop (v2sf)  }
0x3b2: {  	s0 =	sadd.s32 $0x10, s0;
	(v2sf) =	vpush v11, $0x0;
	s20 =	sadd.s32 s20, s5  }
0x3b3: {  	[tilespmem:s20+$0xE000] =	vst.msk vm0, v10;
	v10 =	vor.u32 s0, v0  }
.Ltmp28:
0x3b4: {  	[tilespmem:s20+$0xE880] =	vst.msk vm0, v10;
	(pc) =	sbr.rel @p0 .LBB2_44-.Ltmp28, $2  }
0x3b5: {  	_ =	sdelay $0x2  }
0x3b6: {  	s5 =	sshra.s32 s4, $0x2;
	s4 =	sadd.s32 $0x40, s4  }
0x3b7: {  	_ =	sdelay $0x3  }
0x3b8: {  	v9 =	vld.idx.msk [tilespmem:v9+s5+$0x0 ss:$0x1], $0xffff;
	_ =	sdelay $0x4  }
0x3b9: {  	vm0 =	vgt.f32 v9, v8  }
0x3ba: {  	v8 =	vmpcnt.ones.xlane vm0;
	_ =	sdelay $0x1  }
0x3bb: {  	(v2sf) =	vpush v8, $0x0;
	_ =	sdelay $0xc  }
0x3bc: {  	s4 =	spop (v2sf)  }
0x3bd: {  	s0 =	sadd.s32 $0x10, s0;
	s4 =	sadd.s32 s20, s4  }
0x3be: {  	v8 =	vor.u32 s0, v0;
	[tilespmem:s4+$0xE000] =	vst.msk vm0, v9;
	s31 =	spop (v2sf)  }
0x3bf: {  	[tilespmem:s4+$0xE880] =	vst.msk vm0, v8;
	s20 =	sadd.s32 s4, s31  }
.LBB2_46:
0x3c0: {  	p0 =	slt.s32 s20, $0x401  }
.Ltmp29:
0x3c1: {  	_ = 	snop;
	(pc) =	sbr.rel @p0 .LBB2_86-.Ltmp29, $1  }
0x3c2: {  	_ =	sdelay $0x3  }
0x3c3: {  	p0 =	seq.s32 s19, $0x0  }
.Ltmp30:
0x3c4: {  	_ = 	snop;
	(pc) =	sbr.rel @p0 .LBB2_54-.Ltmp30, $2  }
0x3c5: {  	_ =	sdelay $0x2  }
0x3c6: {  	[dreg:$0x19] =	wrdreg s6  }
0x3c7: {  	s0 =	sshrl.u32 s19, $0x4  }
0x3c8: {  	s5 =	smax.u32 s0, $0x1  }
0x3c9: {  	p1 =	sne.s32 s5, $0x1  }
.Ltmp31:
0x3ca: {  	_ = 	snop;
	(pc) =	sbr.rel @!p1 .LBB2_49-.Ltmp31, $3  }
0x3cb: {  	_ =	sdelay $0x1  }
0x3cc: {  	s6 =	simm.s32 $0xF100;
	s4 =	simm.s32 $0xF300;
	s3 =	simm.s32 $0xF200  }
0x3cd: {  	p0 =	por $0x0, $0x0;
	s0 =	simm.s32 $0xFC00;
	v8 =	vld [tilespmem:s6+$0x0];
	s5 =	sadd.s32 $0xFFFFFFFF, s5  }
0x3ce: {  	_ =	sdelay $0x3  }
0x3cf: {  	[tilespmem:s4+$0x0] =	vst v8  }
0x3d0: {  	v8 =	vld [tilespmem:s3+$0x0]  }
0x3d1: {  	p1 =	sne.s32 s5, $0x1  }
.Ltmp32:
0x3d2: {  	_ = 	snop;
	(pc) =	sbr.rel @!p1 .LBB2_51-.Ltmp32, $3  }
0x3d3: {  	_ =	sdelay $0x1  }
0x3d4: {  	s9 =	simm.s32 $0xF110;
	s11 =	sadd.s32 $0xFFFFFFFF, s5;
	p0 =	por $0x1, $0x1;
	[tilespmem:s0+$0x0] =	vst v8  }
0x3d5: {  	s5 =	simm.s32 $0xF300;
	s7 =	simm.s32 $0xF200;
	s6 =	simm.s32 $0xFC00;
	v8 =	vld [tilespmem:s9+$0x0]  }
.LBB2_52:
0x3d6: {  	p1 =	sne.s32 s11, $0x1;
	_ =	sdelay $0x2  }
0x3d7: {  	s5 =	sadd.s32 $0x10, s5  }
0x3d8: {  	s7 =	sadd.s32 $0x10, s7;
	[tilespmem:s5+$0x0] =	vst v8  }
0x3d9: {  	v8 =	vld [tilespmem:s7+$0x0];
	_ =	sdelay $0x1  }
.Ltmp33:
0x3da: {  	(pc) =	sbr.rel @p1 .LBB2_52-.Ltmp33, $4  }
0x3db: {  	_ = 	snop  }
0x3dc: {  	s6 =	sadd.s32 $0x10, s6  }
0x3dd: {  	s9 =	sadd.s32 $0x10, s9;
	[tilespmem:s6+$0x0] =	vst v8  }
0x3de: {  	s11 =	sadd.s32 $0xFFFFFFFF, s11;
	v8 =	vld [tilespmem:s9+$0x0]  }
.LBB2_53:
0x3df: {  	_ =	sdelay $0x1  }
0x3e0: {  	s5 =	sadd.s32 @p0 $0x10, s5  }
0x3e1: {  	s4 =	smov.u32 @p0 s5;
	s5 =	sadd.s32 @p0 $0x10, s7  }
0x3e2: {  	s3 =	smov.u32 @p0 s5;
	[tilespmem:s4+$0x0] =	vst v8  }
0x3e3: {  	v8 =	vld [tilespmem:s3+$0x0];
	_ =	sdelay $0x2  }
0x3e4: {  	s3 =	sadd.s32 @p0 $0x10, s6  }
0x3e5: {  	s0 =	smov.u32 @p0 s3  }
0x3e6: {  	[tilespmem:s0+$0x0] =	vst v8  }
.LBB2_54:
0x3e7: {  	s0 =	sadd.s32 $0xF, s20  }
0x3e8: {  	s3 =	sand.u32 $0xF, s0  }
0x3e9: {  	s4 =	sshra.s32 s0, $0x1F;
	p0 =	slt.s32 s0, $0x0;
	p1 =	sne.s32 s3, $0x0  }
0x3ea: {  	s31 =	sshrl.u32 s4, $0x1C;
	p0 =	por !p0, !p1  }
0x3eb: {  	s3 =	simm.s32 $0x1;
	s0 =	sadd.s32 s31, s0;
	p0 =	por !p0, !p0  }
0x3ec: {  	s0 =	sshra.s32 s0, $0x4;
	s3 =	simm.s32 @!p0 $0x0  }
0x3ed: {  	s4 =	ssub.s32 s0, s3  }
0x3ee: {  	p0 =	slt.s32 s4, $0x1  }
.Ltmp34:
0x3ef: {  	_ = 	snop;
	(pc) =	sbr.rel @p0 .LBB2_61-.Ltmp34, $4  }
0x3f0: {  	[dreg:$0x18] =	wrdreg s17  }
0x3f1: {  	[dreg:$0x17] =	wrdreg s16  }
0x3f2: {  	[dreg:$0x16] =	wrdreg s12  }
0x3f3: {  	[dreg:$0x15] =	wrdreg s8  }
0x3f4: {  	p1 =	sne.s32 s4, $0x1  }
.Ltmp35:
0x3f5: {  	_ = 	snop;
	(pc) =	sbr.rel @!p1 .LBB2_56-.Ltmp35, $3  }
0x3f6: {  	_ =	sdelay $0x1  }
0x3f7: {  	s3 =	simm.s32 $0x0;
	s5 =	simm.s32 $0xE000  }
0x3f8: {  	s0 =	simm.s32 $0xE880;
	s4 =	sadd.s32 $0xFFFFFFFF, s4;
	p0 =	por $0x0, $0x0;
	v8 =	vld [tilespmem:s5+$0x0]  }
0x3f9: {  	_ =	sdelay $0x2  }
0x3fa: {  	s5 =	sadd.s32 $0x0, s19  }
0x3fb: {  	s6 =	sand.u32 $0x70, s3;
	s5 =	sand.u32 $0xFFFFFF80, s5;
	vm0 =	vlt.s32 v8, $0x0;
	v9 =	vxor.u32 $0x7FFFFFFF, v8  }
0x3fc: {  	s5 =	sor.u32 s6, s5;
	v8 =	vsel vm0, v9, v8  }
0x3fd: {  	[tilespmem:s5+$0xF300] =	vst v8  }
0x3fe: {  	v8 =	vld [tilespmem:s0+$0x0]  }
0x3ff: {  	p1 =	sne.s32 s4, $0x1  }
.Ltmp36:
0x400: {  	_ = 	snop;
	(pc) =	sbr.rel @!p1 .LBB2_58-.Ltmp36, $3  }
0x401: {  	_ =	sdelay $0x1  }
0x402: {  	s7 =	sadd.s32 $0xFFFFFFFF, s4;
	s6 =	simm.s32 $0xE010;
	[tilespmem:s5+$0xFC00] =	vst v8  }
0x403: {  	p0 =	por $0x1, $0x1;
	s4 =	simm.s32 $0xE880;
	s5 =	simm.s32 $0x0;
	v8 =	vld [tilespmem:s6+$0x0]  }
.LBB2_59:
0x404: {  	p1 =	sne.s32 s7, $0x1;
	_ =	sdelay $0x1  }
0x405: {  	s5 =	sadd.s32 $0x10, s5  }
0x406: {  	s9 =	sadd.s32 s5, s19  }
0x407: {  	s11 =	sand.u32 $0x70, s5;
	s9 =	sand.u32 $0xFFFFFF80, s9;
	vm0 =	vlt.s32 v8, $0x0;
	v9 =	vxor.u32 $0x7FFFFFFF, v8  }
0x408: {  	s9 =	sor.u32 s11, s9;
	v8 =	vsel vm0, v9, v8  }
0x409: {  	s4 =	sadd.s32 $0x10, s4;
	[tilespmem:s9+$0xF300] =	vst v8  }
0x40a: {  	v8 =	vld [tilespmem:s4+$0x0];
	_ =	sdelay $0x1  }
.Ltmp37:
0x40b: {  	(pc) =	sbr.rel @p1 .LBB2_59-.Ltmp37, $3  }
0x40c: {  	_ =	sdelay $0x1  }
0x40d: {  	s6 =	sadd.s32 $0x10, s6;
	[tilespmem:s9+$0xFC00] =	vst v8  }
0x40e: {  	s7 =	sadd.s32 $0xFFFFFFFF, s7;
	v8 =	vld [tilespmem:s6+$0x0]  }
.LBB2_60:
0x40f: {  	_ = 	snop  }
0x410: {  	s5 =	sadd.s32 @p0 $0x10, s5  }
0x411: {  	s3 =	smov.u32 @p0 s5  }
0x412: {  	s5 =	sadd.s32 s3, s19  }
0x413: {  	s3 =	sand.u32 $0x70, s3;
	s5 =	sand.u32 $0xFFFFFF80, s5;
	vm0 =	vlt.s32 v8, $0x0;
	v9 =	vxor.u32 $0x7FFFFFFF, v8  }
0x414: {  	s4 =	sadd.s32 @p0 $0x10, s4;
	s3 =	sor.u32 s3, s5;
	v8 =	vsel vm0, v9, v8  }
0x415: {  	s0 =	smov.u32 @p0 s4;
	[tilespmem:s3+$0xF300] =	vst v8  }
0x416: {  	v8 =	vld [tilespmem:s0+$0x0];
	_ =	sdelay $0x4  }
0x417: {  	[tilespmem:s3+$0xFC00] =	vst v8  }
.LBB2_61:
.Ltmp38:
0x418: {  	(pc) =	sbr.rel .LBB2_62-.Ltmp38, $3  }
0x419: {  	_ =	sdelay $0x1  }
0x41a: {  	s0 =	sadd.s32 s19, s20  }
0x41b: {  	s3 =	simm.s32 $0x80;
	s31 =	simm.s32 $0x0;
	s18 =	simm.s32 $0x0  }
.LBB2_84:
0x41c: {  	s18 =	sadd.s32 $0x1, s18  }
0x41d: {  	p0 =	seq.s32 s18, $0x4  }
.Ltmp39:
0x41e: {  	_ = 	snop;
	(pc) =	sbr.rel @p0 .LBB2_85-.Ltmp39, $2  }
0x41f: {  	_ =	sdelay $0x2  }
0x420: {  	s31 =	smov.u32 s21  }
.LBB2_62:
0x421: {  	[tilespmem:$0x11700] =	vst v3  }
0x422: {  	[tilespmem:$0x11710] =	vst v3  }
0x423: {  	[tilespmem:$0x11720] =	vst v3  }
0x424: {  	[tilespmem:$0x11730] =	vst v3;
	s4 =	sadd.s32 $0xF, s0  }
0x425: {  	[tilespmem:$0x11740] =	vst v3;
	s5 =	sand.u32 $0xF, s4  }
0x426: {  	[tilespmem:$0x11750] =	vst v3;
	s6 =	sshra.s32 s4, $0x1F;
	p0 =	slt.s32 s4, $0x1;
	p1 =	sne.s32 s5, $0x0  }
0x427: {  	[tilespmem:$0x11760] =	vst v3;
	s16 =	sshrl.u32 s6, $0x1C;
	p0 =	por !p0, !p1  }
0x428: {  	[tilespmem:$0x11770] =	vst v3;
	s5 =	simm.s32 $0x1;
	s4 =	sadd.s32 s16, s4;
	p0 =	por !p0, !p0  }
0x429: {  	[tilespmem:$0x11780] =	vst v3;
	s4 =	sshra.s32 s4, $0x4;
	s5 =	simm.s32 @!p0 $0x0  }
0x42a: {  	[tilespmem:$0x11790] =	vst v3;
	s9 =	ssub.s32 s4, s5  }
0x42b: {  	[tilespmem:$0x117A0] =	vst v3;
	p0 =	slt.s32 s9, $0x1  }
.Ltmp40:
0x42c: {  	[tilespmem:$0x117B0] =	vst v3;
	(pc) =	sbr.rel @p0 .LBB2_69-.Ltmp40, $4  }
0x42d: {  	[tilespmem:$0x117C0] =	vst v3  }
0x42e: {  	[tilespmem:$0x117D0] =	vst v3;
	s17 =	sshll.u32 s18, $0x3  }
0x42f: {  	[tilespmem:$0x117E0] =	vst v3;
	s21 =	ssub.s32 $0x18, s17  }
0x430: {  	[tilespmem:$0x117F0] =	vst v3;
	v8 =	vmov s0;
	v9 =	vmov s21  }
0x431: {  	p2 =	seq.s32 s9, $0x1  }
.Ltmp41:
0x432: {  	_ = 	snop;
	(pc) =	sbr.rel @p2 .LBB2_64-.Ltmp41, $3  }
0x433: {  	_ =	sdelay $0x1  }
0x434: {  	s4 =	simm.s32 $0xF300  }
0x435: {  	s0 =	simm.s32 $0x0;
	p1 =	por $0x0, $0x0;
	v10 =	vld [tilespmem:s4+$0x0];
	s4 =	sadd.s32 $0xFFFFFFFF, s9  }
0x436: {  	_ =	sdelay $0x3  }
0x437: {  	v11 =	vor.u32 s0, v0;
	v10 =	vxor.u32 $0x80000000, v10  }
0x438: {  	vm0 =	vlt.s32 v11, v8;
	v10 =	vshrl.u32 v10, v9  }
0x439: {  	v10 =	vand.u32 $0xFF, v10  }
0x43a: {  	p2 =	seq.s32 s4, $0x1  }
.Ltmp42:
0x43b: {  	_ = 	snop;
	(pc) =	sbr.rel @p2 .LBB2_66-.Ltmp42, $3  }
0x43c: {  	_ =	sdelay $0x1  }
0x43d: {  	s5 =	simm.s32 $0xF310;
	[tilespmem:v10+s10+$0x0] =	vst.idx.add.s32.msk vm0, v4  }
0x43e: {  	s6 =	sadd.s32 $0xFFFFFFFF, s4;
	p1 =	por $0x1, $0x1;
	s4 =	simm.s32 $0x0;
	v10 =	vld [tilespmem:s5+$0x0]  }
.LBB2_67:
0x43f: {  	p2 =	seq.s32 s6, $0x1;
	_ =	sdelay $0x2  }
0x440: {  	s4 =	sadd.s32 $0x10, s4  }
0x441: {  	v11 =	vor.u32 s4, v0;
	v10 =	vxor.u32 $0x80000000, v10  }
0x442: {  	vm0 =	vlt.s32 v11, v8;
	v10 =	vshrl.u32 v10, v9  }
0x443: {  	v10 =	vand.u32 $0xFF, v10;
	_ =	sdelay $0x1  }
.Ltmp43:
0x444: {  	(pc) =	sbr.rel @!p2 .LBB2_67-.Ltmp43, $3  }
0x445: {  	_ =	sdelay $0x1  }
0x446: {  	s5 =	sadd.s32 $0x10, s5;
	[tilespmem:v10+s10+$0x0] =	vst.idx.add.s32.msk vm0, v4  }
0x447: {  	s6 =	sadd.s32 $0xFFFFFFFF, s6;
	v10 =	vld [tilespmem:s5+$0x0]  }
.LBB2_68:
0x448: {  	_ =	sdelay $0x1  }
0x449: {  	s4 =	sadd.s32 @p1 $0x10, s4  }
0x44a: {  	s0 =	smov.u32 @p1 s4  }
0x44b: {  	v11 =	vor.u32 s0, v0;
	v10 =	vxor.u32 $0x80000000, v10  }
0x44c: {  	vm0 =	vlt.s32 v11, v8;
	v10 =	vshrl.u32 v10, v9  }
0x44d: {  	v10 =	vand.u32 $0xFF, v10;
	_ =	sdelay $0x4  }
0x44e: {  	[tilespmem:v10+s10+$0x0] =	vst.idx.add.s32.msk vm0, v4  }
.LBB2_69:
0x44f: {  	s0 =	simm.s32 $0x117F0  }
0x450: {  	v11 =	vld [tilespmem:s0+$0x0];
	_ =	sdelay $0x3  }
0x451: {  	s21 =	simm.s32 $0x117E0  }
0x452: {  	v12 =	vld [tilespmem:s21+$0x0];
	(xrf0) =	vadd.scan.msk.s32 $0xffff, v11;
	_ =	sdelay $0x4  }
0x453: {  	(xrf0) =	vadd.scan.msk.s32 $0xffff, v12  }
0x454: {  	v13, _, _ =	vpop (xrf0)  }
0x455: {  	s1 =	simm.s32 $0x117D0;
	v11 =	vperm.xlane v11, v5;
	(v2sf) =	vpush v13, $0xF  }
0x456: {  	v14 =	vld [tilespmem:s1+$0x0];
	_ =	sdelay $0x1  }
0x457: {  	(xrf0) =	vadd.scan.msk.s32 $0xffff, v11  }
0x458: {  	v11, _, _ =	vpop (xrf0)  }
0x459: {  	s7 =	simm.s32 $0x117C0;
	(v2sf) =	vpush v11, $0xF;
	v11 =	vperm.xlane v12, v5  }
0x45a: {  	(xrf0) =	vadd.scan.msk.s32 $0xffff, v14;
	v13 =	vld [tilespmem:s7+$0x0];
	_ =	sdelay $0x2  }
0x45b: {  	s4 =	simm.s32 $0x0;
	s5 =	simm.s32 $0xFF;
	(xrf0) =	vadd.scan.msk.s32 $0xffff, v11;
	v11, _, _ =	vpop (xrf0)  }
0x45c: {  	v10 =	vmov s3;
	v15 =	vadd.s32 s5, v1;
	v11 =	vadd.s32 s4, v11  }
0x45d: {  	(xrf0) =	vadd.scan.msk.s32 $0xffff, v13;
	vm0 =	vlt.s32 v11, v10;
	v11 =	vxor.u32 $0x80000000, v15  }
0x45e: {  	v12, _, _ =	vpop (xrf0);
	v11 =	vsel vm0, $0x7FFFFFFF, v11  }
0x45f: {  	(v2sf) =	vpush v12, $0xF;
	(xrf0) =	vmax.scan.msk.u32 $0xffff, v11;
	v11 =	vperm.xlane v14, v5;
	_ =	sdelay $0x1  }
0x460: {  	s8 =	simm.s32 $0x117B0;
	s11 =	spop (v2sf)  }
0x461: {  	s12 =	simm.s32 $0xEF;
	v12 =	vld [tilespmem:s8+$0x0];
	v14, _, _ =	vpop (xrf0);
	(xrf0) =	vadd.scan.msk.s32 $0xffff, v11;
	s4 =	sadd.s32 $0x0, s11  }
0x462: {  	v15 =	vadd.s32 s12, v1;
	v11, _, _ =	vpop (xrf0);
	v14 =	vadd.s32 s4, v14  }
0x463: {  	(v2sf) =	vpush v11, $0xF;
	v11 =	vxor.u32 $0x80000000, v15;
	vm12 =	vlt.s32 v14, v10  }
0x464: {  	v11 =	vsel vm12, $0x7FFFFFFF, v11;
	_ =	sdelay $0x1  }
0x465: {  	s16 =	simm.s32 $0x117A0;
	v13 =	vperm.xlane v13, v5;
	(xrf0) =	vadd.scan.msk.s32 $0xffff, v12;
	s17 =	spop (v2sf);
	v14, _, _ =	vpop (xrf0)  }
0x466: {  	s21 =	simm.s32 $0xDF;
	v15 =	vld [tilespmem:s16+$0x0];
	s4 =	sadd.s32 s4, s17;
	(xrf0) =	vmax.scan.msk.u32 $0xffff, v11;
	v11, _, _ =	vpop (xrf0)  }
0x467: {  	(xrf0) =	vadd.scan.msk.s32 $0xffff, v13;
	v13 =	vadd.s32 s21, v1;
	v11 =	vadd.s32 s4, v11  }
0x468: {  	vm13 =	vlt.s32 v11, v10;
	v11 =	vxor.u32 $0x80000000, v13  }
0x469: {  	v12 =	vperm.xlane v12, v5;
	v11 =	vsel vm13, $0x7FFFFFFF, v11  }
0x46a: {  	(v2sf) =	vpush v14, $0xF  }
0x46b: {  	(xrf0) =	vadd.scan.msk.s32 $0xffff, v15;
	v13, _, _ =	vpop (xrf0)  }
0x46c: {  	s0 =	simm.s32 $0x11790;
	s1 =	spop (v2sf);
	(xrf0) =	vmax.scan.msk.u32 $0xffff, v11;
	v11, _, _ =	vpop (xrf0)  }
0x46d: {  	s7 =	simm.s32 $0xCF;
	v14 =	vld [tilespmem:s0+$0x0];
	s4 =	sadd.s32 s4, s1;
	(xrf0) =	vadd.scan.msk.s32 $0xffff, v12;
	v12, _, _ =	vpop (xrf0)  }
0x46e: {  	v16 =	vadd.s32 s7, v1;
	v12 =	vadd.s32 s4, v12  }
0x46f: {  	vm14 =	vlt.s32 v12, v10;
	v12 =	vxor.u32 $0x80000000, v16  }
0x470: {  	v12 =	vsel vm14, $0x7FFFFFFF, v12  }
0x471: {  	(v2sf) =	vpush v13, $0xF  }
0x472: {  	(xrf0) =	vadd.scan.msk.s32 $0xffff, v14;
	s11 =	spop (v2sf);
	(v2sf) =	vpush v11, $0xF;
	v62, _, _ =	vpop (xrf0)  }
0x473: {  	(v2sf) =	vpush v62, $0xF;
	(xrf0) =	vmax.scan.msk.u32 $0xffff, v12;
	v12, _, _ =	vpop (xrf0)  }
0x474: {  	v15 =	vperm.xlane v15, v5;
	(v2sf) =	vpush v12, $0xF;
	_ =	sdelay $0x2  }
0x475: {  	v13, _, _ =	vpop (xrf0)  }
0x476: {  	(xrf0) =	vadd.scan.msk.s32 $0xffff, v15;
	v15, _, _ =	vpop (xrf0)  }
0x477: {  	s8 =	simm.s32 $0x11780;
	s16 =	spop (v2sf);
	(v2sf) =	vpush v15, $0xF  }
0x478: {  	v17 =	vld [tilespmem:s8+$0x0];
	_ =	sdelay $0x1  }
0x479: {  	s12 =	simm.s32 $0xBF;
	s17 =	sadd.s32 s4, s11  }
0x47a: {  	v11 =	vadd.s32 s17, v13;
	v13 =	vadd.s32 s12, v1  }
0x47b: {  	s6 =	simm.s32 $0xFFFFFFFF;
	s5 =	simm.s32 $0x8F;
	s7 =	simm.s32 $0x11770;
	vm15 =	vlt.s32 v11, v10;
	v11 =	vxor.u32 $0x80000000, v13  }
0x47c: {  	s21 =	simm.s32 $0xAF;
	s11 =	simm.s32 $0x9F;
	(xrf0) =	vadd.scan.msk.s32 $0xffff, v17;
	s1 =	sxor.u32 $0x80000000, s16;
	v63 =	vsel vm15, $0x7FFFFFFF, v11  }
0x47d: {  	s4 =	simm.s32 $0x7F;
	v12 =	vld [tilespmem:s7+$0x0];
	s16 =	simm.s32 $0x6F;
	v13 =	vperm.xlane v14, v5;
	p1 =	slt.s32 s1, $0xFFFFFFFF;
	v11 =	vperm.xlane v17, v5;
	v14, _, _ =	vpop (xrf0);
	(xrf0) =	vmax.scan.msk.u32 $0xffff, v63  }
.LBB2_70:
0x47e: {  	s0 =	smov.u32 s6  }
0x47f: {  	s6 =	smov.u32 s1;
	s12 =	sadd.s32 $0xFFFFFFF0, s16;
	p2 =	seq.s32 s16, $0xF  }
0x480: {  	s8 =	spop (v2sf);
	(v2sf) =	vpush v14, $0xF;
	s6 =	smov.u32 @p1 s0;
	s0 =	smov.u32 s16  }
.Ltmp44:
0x481: {  	(xrf0) =	vadd.scan.msk.s32 $0xffff, v13;
	v14, _, _ =	vpop (xrf0);
	s17 =	sadd.s32 s17, s8;
	v13 =	vmov v11;
	(pc) =	sbr.rel @!p2 .LBB2_70-.Ltmp44, $4  }
0x482: {  	s7 =	sadd.s32 $0xFFFFFFF0, s7;
	v16 =	vadd.s32 s21, v1;
	s21 =	smov.u32 s11;
	s11 =	smov.u32 s5;
	v11 =	vperm.xlane v12, v5;
	(xrf0) =	vadd.scan.msk.s32 $0xffff, v12;
	v15, _, _ =	vpop (xrf0);
	v14 =	vadd.s32 s17, v14  }
0x483: {  	s5 =	smov.u32 s4;
	v16 =	vxor.u32 $0x80000000, v16;
	s4 =	smov.u32 s0;
	v12 =	vld [tilespmem:s7+$0x0];
	(v2sf) =	vpush v15, $0xF;
	vm0 =	vlt.s32 v14, v10;
	s1 =	spop (v2sf)  }
0x484: {  	v15 =	vsel vm0, $0x7FFFFFFF, v16;
	s1 =	sxor.u32 $0x80000000, s1  }
0x485: {  	s16 =	smov.u32 s12;
	(xrf0) =	vmax.scan.msk.u32 $0xffff, v15;
	v14, _, _ =	vpop (xrf0);
	p1 =	sgt.s32 s6, s1  }
0x486: {  	_ = 	snop  }
0x487: {  	v15, _, _ =	vpop (xrf0)  }
0x488: {  	(v2sf) =	vpush v14, $0xF;
	(xrf0) =	vadd.scan.msk.s32 $0xffff, v13;
	v50, _, _ =	vpop (xrf0)  }
0x489: {  	(v2sf) =	vpush v50, $0xF;
	_ =	sdelay $0x1  }
0x48a: {  	s0 =	spop (v2sf)  }
0x48b: {  	s0 =	sadd.s32 s17, s0;
	s7 =	spop (v2sf)  }
0x48c: {  	v52 =	vadd.s32 s21, v1;
	v51 =	vadd.s32 s0, v15;
	s8 =	spop (v2sf);
	v53, _, _ =	vpop (xrf0)  }
0x48d: {  	v54 =	vxor.u32 $0x80000000, v52;
	vm0 =	vlt.s32 v51, v10;
	s0 =	sadd.s32 s0, s8;
	v55, _, _ =	vpop (xrf0)  }
0x48e: {  	v16 =	vadd.s32 s11, v1;
	(xrf0) =	vadd.scan.msk.s32 $0xffff, v12;
	v13 =	vsel vm0, $0x7FFFFFFF, v54;
	v14 =	vadd.s32 s0, v55  }
0x48f: {  	v56 =	vxor.u32 $0x80000000, v16;
	(xrf0) =	vmax.scan.msk.u32 $0xffff, v13;
	vm13 =	vlt.s32 v14, v10  }
0x490: {  	v57 =	vperm.xlane v12, v5;
	(xrf0) =	vadd.scan.msk.s32 $0xffff, v11;
	v11 =	vsel vm13, $0x7FFFFFFF, v56  }
0x491: {  	(xrf0) =	vmax.scan.msk.u32 $0xffff, v11  }
0x492: {  	(xrf0) =	vadd.scan.msk.s32 $0xffff, v57;
	_ =	sdelay $0x1  }
0x493: {  	s12 =	spop (v2sf);
	v11, _, _ =	vpop (xrf0)  }
0x494: {  	s16 =	spop (v2sf);
	v58, _, _ =	vpop (xrf0)  }
0x495: {  	s0 =	sadd.s32 s0, s16;
	v59, _, _ =	vpop (xrf0);
	s17 =	spop (v2sf)  }
0x496: {  	v60 =	vadd.s32 s5, v1;
	v13 =	vadd.s32 s0, v59;
	v61, _, _ =	vpop (xrf0);
	s21 =	spop (v2sf)  }
0x497: {  	v62 =	vxor.u32 $0x80000000, v60;
	vm14 =	vlt.s32 v13, v10;
	v63, _, _ =	vpop (xrf0);
	s0 =	sadd.s32 s0, s21  }
0x498: {  	v17 =	vadd.s32 s4, v1;
	v13 =	vsel vm14, $0x7FFFFFFF, v62;
	v14 =	vadd.s32 s0, v63  }
0x499: {  	(xrf0) =	vmax.scan.msk.u32 $0xffff, v13;
	vm15 =	vlt.s32 v14, v10;
	v10 =	vxor.u32 $0x80000000, v17  }
0x49a: {  	(v2sf) =	vpush v53, $0xF;
	v10 =	vsel vm15, $0x7FFFFFFF, v10  }
0x49b: {  	(v2sf) =	vpush v11, $0xF;
	(xrf0) =	vmax.scan.msk.u32 $0xffff, v10  }
0x49c: {  	(v2sf) =	vpush v58, $0xF;
	_ =	sdelay $0x1  }
0x49d: {  	(v2sf) =	vpush v61, $0xF  }
0x49e: {  	v10, _, _ =	vpop (xrf0)  }
0x49f: {  	(v2sf) =	vpush v10, $0xF  }
0x4a0: {  	v10, _, _ =	vpop (xrf0)  }
0x4a1: {  	(v2sf) =	vpush v10, $0xF;
	_ =	sdelay $0x1  }
0x4a2: {  	s1 =	smov.u32 @p1 s6;
	s0 =	sxor.u32 $0x80000000, s7  }
0x4a3: {  	p1 =	sgt.s32 s1, s0  }
0x4a4: {  	s0 =	smov.u32 @p1 s1;
	s1 =	sxor.u32 $0x80000000, s12  }
0x4a5: {  	p1 =	sgt.s32 s0, s1  }
0x4a6: {  	s1 =	smov.u32 @p1 s0;
	s0 =	sxor.u32 $0x80000000, s17  }
0x4a7: {  	s11 =	spop (v2sf);
	p1 =	sgt.s32 s1, s0  }
0x4a8: {  	s0 =	smov.u32 @p1 s1;
	s1 =	sxor.u32 $0x80000000, s11;
	s12 =	spop (v2sf)  }
0x4a9: {  	p1 =	sgt.s32 s0, s1;
	s4 =	spop (v2sf)  }
0x4aa: {  	s1 =	smov.u32 @p1 s0;
	s0 =	sxor.u32 $0x80000000, s4  }
0x4ab: {  	p1 =	sgt.s32 s1, s0;
	s16 =	spop (v2sf)  }
0x4ac: {  	s0 =	smov.u32 @p1 s1;
	s1 =	sxor.u32 $0x80000000, s16  }
0x4ad: {  	p1 =	sgt.s32 s0, s1;
	s17 =	spop (v2sf)  }
.Ltmp45:
0x4ae: {  	s1 =	smov.u32 @p1 s0;
	s4 =	sxor.u32 $0x80000000, s17;
	(pc) =	sbr.rel @p0 .LBB2_72-.Ltmp45, $4  }
0x4af: {  	p1 =	sgt.s32 s1, s4;
	s21 =	spop (v2sf)  }
0x4b0: {  	s4 =	smov.u32 @p1 s1;
	s0 =	sxor.u32 $0x80000000, s21  }
0x4b1: {  	p1 =	sgt.s32 s4, s0  }
0x4b2: {  	s0 =	smov.u32 @p1 s4  }
0x4b3: {  	s11 =	simm.s32 $0xF300  }
0x4b4: {  	v11 =	vld [tilespmem:s11+$0x0];
	_ =	sdelay $0x4  }
0x4b5: {  	v12 =	vxor.u32 $0x80000000, v11  }
0x4b6: {  	s5 =	simm.s32 $0x0;
	v12 =	vshrl.u32 v12, v9  }
0x4b7: {  	v10 =	vmov s0;
	v13 =	vor.u32 s5, v0;
	v12 =	vand.u32 $0xFF, v12  }
0x4b8: {  	vm0 =	vlt.s32 v13, v8;
	vm1 =	vgt.s32 v12, v10  }
0x4b9: {  	vm1 =	vmand vm0, vm1  }
0x4ba: {  	v56 =	vsel vm1, $0x3F800000, v6  }
0x4bb: {  	(xrf0) =	vmax.scan.msk.f32 $0xffff, v56;
	_ =	sdelay $0x1  }
0x4bc: {  	vm2 =	veq.s32 v12, v10  }
0x4bd: {  	vm0 =	vmand vm0, vm2;
	v57 =	vsel vm1, $0x1, v3  }
0x4be: {  	v58 =	vsel vm0, $0x3F800000, v6;
	(xrf0) =	vadd.scan.msk.s32 $0xffff, v57  }
0x4bf: {  	(xrf0) =	vmax.scan.msk.f32 $0xffff, v58  }
0x4c0: {  	v60, _, _ =	vpop (xrf0)  }
0x4c1: {  	v59 =	vsel vm0, $0x1, v3;
	(v2sf) =	vpush v60, $0xF  }
0x4c2: {  	(xrf0) =	vadd.scan.msk.s32 $0xffff, v59;
	_ =	sdelay $0x1  }
0x4c3: {  	v61, _, _ =	vpop (xrf0)  }
0x4c4: {  	v62, _, _ =	vpop (xrf0);
	(v2sf) =	vpush v61, $0xF  }
0x4c5: {  	(v2sf) =	vpush v62, $0xF;
	_ =	sdelay $0x1  }
0x4c6: {  	v63, _, _ =	vpop (xrf0)  }
0x4c7: {  	(v2sf) =	vpush v63, $0xF;
	_ =	sdelay $0x4  }
0x4c8: {  	s4 =	simm.s32 $0xFC00  }
0x4c9: {  	v12 =	vld [tilespmem:s4+$0x0]  }
0x4ca: {  	s12 =	spop (v2sf)  }
0x4cb: {  	p0 =	sgt.f32 s12, $0.0e+00;
	_ =	sdelay $0x1  }
0x4cc: {  	s6 =	sadd.s32 $0xFFFFFFFF, s9;
	[tilespmem:s31+$0xF100] =	vst.msk @p0 vm1, v11  }
0x4cd: {  	s16 =	spop (v2sf);
	[tilespmem:s31+$0xF200] =	vst.msk @p0 vm1, v12;
	p0 =	sne.s32 s6, $0x0  }
.Ltmp46:
0x4ce: {  	s1 =	spop (v2sf);
	(pc) =	sbr.rel @!p0 .LBB2_75-.Ltmp46, $3  }
0x4cf: {  	p1 =	sgt.f32 s1, $0.0e+00;
	_ =	sdelay $0x1  }
0x4d0: {  	s17 =	spop (v2sf);
	[tilespmem:s5+$0x10500] =	vst.msk @p1 vm0, v11  }
0x4d1: {  	s9 =	simm.s32 $0xF310;
	s21 =	sadd.s32 s31, s16;
	s0 =	sadd.s32 $0x0, s17;
	[tilespmem:s5+$0x10E00] =	vst.msk @p1 vm0, v12  }
.LBB2_74:
0x4d2: {  	v11 =	vld [tilespmem:s9+$0x0];
	s4 =	sadd.s32 $0x10, s4;
	s17 =	smov.u32 s21;
	s11 =	smov.u32 s0  }
0x4d3: {  	v12 =	vld [tilespmem:s4+$0x0];
	_ =	sdelay $0x1  }
0x4d4: {  	s6 =	sadd.s32 $0xFFFFFFFF, s6  }
0x4d5: {  	p0 =	sne.s32 s6, $0x0  }
0x4d6: {  	v13 =	vxor.u32 $0x80000000, v11  }
0x4d7: {  	s5 =	sadd.s32 $0x10, s5;
	v13 =	vshrl.u32 v13, v9  }
0x4d8: {  	v14 =	vor.u32 s5, v0;
	v13 =	vand.u32 $0xFF, v13  }
0x4d9: {  	vm1 =	vlt.s32 v14, v8;
	vm0 =	vgt.s32 v13, v10  }
0x4da: {  	vm0 =	vmand vm1, vm0  }
0x4db: {  	vm2 =	veq.s32 v13, v10;
	v13 =	vsel vm0, $0x3F800000, v6;
	v14 =	vsel vm0, $0x1, v3  }
0x4dc: {  	vm1 =	vmand vm1, vm2;
	(xrf0) =	vmax.scan.msk.f32 $0xffff, v13  }
0x4dd: {  	v15 =	vsel vm1, $0x1, v3;
	v13 =	vsel vm1, $0x3F800000, v6;
	(xrf0) =	vadd.scan.msk.s32 $0xffff, v14  }
0x4de: {  	(xrf0) =	vmax.scan.msk.f32 $0xffff, v13  }
0x4df: {  	(xrf0) =	vadd.scan.msk.s32 $0xffff, v15;
	_ =	sdelay $0x2  }
0x4e0: {  	v13, _, _ =	vpop (xrf0)  }
0x4e1: {  	(v2sf) =	vpush v13, $0xF;
	v13, _, _ =	vpop (xrf0)  }
0x4e2: {  	v14, _, _ =	vpop (xrf0);
	(v2sf) =	vpush v13, $0xF  }
0x4e3: {  	(v2sf) =	vpush v14, $0xF;
	v13, _, _ =	vpop (xrf0)  }
0x4e4: {  	(v2sf) =	vpush v13, $0xF;
	_ =	sdelay $0xb  }
0x4e5: {  	s1 =	spop (v2sf)  }
0x4e6: {  	p1 =	sgt.f32 s1, $0.0e+00;
	s1 =	spop (v2sf)  }
.Ltmp47:
0x4e7: {  	s21 =	sadd.s32 s21, s1;
	s1 =	spop (v2sf);
	(pc) =	sbr.rel @p0 .LBB2_74-.Ltmp47, $4  }
0x4e8: {  	[tilespmem:s17+$0xF100] =	vst.msk @p1 vm0, v11;
	p2 =	sgt.f32 s1, $0.0e+00;
	s1 =	spop (v2sf)  }
0x4e9: {  	[tilespmem:s17+$0xF200] =	vst.msk @p1 vm0, v12;
	s0 =	sadd.s32 s0, s1  }
0x4ea: {  	[tilespmem:s11+$0x10500] =	vst.msk @p2 vm1, v11  }
0x4eb: {  	s9 =	sadd.s32 $0x10, s9;
	[tilespmem:s11+$0x10E00] =	vst.msk @p2 vm1, v12  }
.Ltmp48:
0x4ec: {  	_ = 	snop;
	(pc) =	sbr.rel .LBB2_75-.Ltmp48, $1  }
0x4ed: {  	_ =	sdelay $0x3  }
.LBB2_72:
0x4ee: {  	s0 =	simm.s32 $0x0;
	s21 =	smov.u32 s31  }
.LBB2_75:
0x4ef: {  	s1 =	sadd.s32 $0xF, s0  }
0x4f0: {  	s4 =	sand.u32 $0xF, s1  }
0x4f1: {  	s17 =	sshra.s32 s1, $0x1F;
	p1 =	slt.s32 s1, $0x1;
	p0 =	sne.s32 s4, $0x0  }
0x4f2: {  	s4 =	sshrl.u32 s17, $0x1C;
	p2 =	por !p1, !p0  }
0x4f3: {  	s5 =	simm.s32 $0x1;
	s1 =	sadd.s32 s4, s1;
	p2 =	por !p2, !p2  }
0x4f4: {  	s4 =	sshra.s32 s1, $0x4;
	s5 =	simm.s32 @!p2 $0x0  }
0x4f5: {  	s9 =	ssub.s32 s4, s5  }
0x4f6: {  	p2 =	slt.s32 s9, $0x1  }
.Ltmp49:
0x4f7: {  	_ = 	snop;
	(pc) =	sbr.rel @p2 .LBB2_84-.Ltmp49, $3  }
0x4f8: {  	_ =	sdelay $0x1  }
0x4f9: {  	s31 =	sadd.s32 s3, s31  }
0x4fa: {  	s3 =	ssub.s32 s31, s21  }
0x4fb: {  	p3 =	sne.s32 s9, $0x1  }
.Ltmp50:
0x4fc: {  	_ = 	snop;
	(pc) =	sbr.rel @!p3 .LBB2_77-.Ltmp50, $3  }
0x4fd: {  	_ =	sdelay $0x1  }
0x4fe: {  	s1 =	simm.s32 $0x10500;
	s7 =	simm.s32 $0xF300;
	s6 =	simm.s32 $0x10E00  }
0x4ff: {  	s5 =	simm.s32 $0xFC00;
	s9 =	sadd.s32 $0xFFFFFFFF, s9;
	p2 =	por $0x0, $0x0;
	v8 =	vld [tilespmem:s1+$0x0]  }
0x500: {  	_ =	sdelay $0x3  }
0x501: {  	[tilespmem:s7+$0x0] =	vst v8  }
0x502: {  	v8 =	vld [tilespmem:s6+$0x0]  }
0x503: {  	p3 =	sne.s32 s9, $0x1  }
.Ltmp51:
0x504: {  	_ = 	snop;
	(pc) =	sbr.rel @!p3 .LBB2_79-.Ltmp51, $3  }
0x505: {  	_ =	sdelay $0x1  }
0x506: {  	s31 =	simm.s32 $0x10510;
	s16 =	sadd.s32 $0xFFFFFFFF, s9;
	p2 =	por $0x1, $0x1;
	[tilespmem:s5+$0x0] =	vst v8  }
0x507: {  	s9 =	simm.s32 $0xF300;
	s17 =	simm.s32 $0x10E00;
	s11 =	simm.s32 $0xFC00;
	v8 =	vld [tilespmem:s31+$0x0]  }
.LBB2_80:
0x508: {  	p3 =	sne.s32 s16, $0x1;
	_ =	sdelay $0x2  }
0x509: {  	s9 =	sadd.s32 $0x10, s9  }
0x50a: {  	s17 =	sadd.s32 $0x10, s17;
	[tilespmem:s9+$0x0] =	vst v8  }
0x50b: {  	v8 =	vld [tilespmem:s17+$0x0];
	_ =	sdelay $0x1  }
.Ltmp52:
0x50c: {  	(pc) =	sbr.rel @p3 .LBB2_80-.Ltmp52, $4  }
0x50d: {  	_ = 	snop  }
0x50e: {  	s11 =	sadd.s32 $0x10, s11  }
0x50f: {  	s31 =	sadd.s32 $0x10, s31;
	[tilespmem:s11+$0x0] =	vst v8  }
0x510: {  	s16 =	sadd.s32 $0xFFFFFFFF, s16;
	v8 =	vld [tilespmem:s31+$0x0]  }
.LBB2_81:
0x511: {  	_ =	sdelay $0x1  }
0x512: {  	s1 =	sadd.s32 @p2 $0x10, s9  }
0x513: {  	s7 =	smov.u32 @p2 s1;
	s1 =	sadd.s32 @p2 $0x10, s17  }
0x514: {  	s18 =	sadd.s32 $0x1, s18;
	s6 =	smov.u32 @p2 s1;
	s1 =	sadd.s32 @p2 $0x10, s11;
	[tilespmem:s7+$0x0] =	vst v8  }
0x515: {  	s5 =	smov.u32 @p2 s1;
	p2 =	seq.s32 s18, $0x4;
	v8 =	vld [tilespmem:s6+$0x0]  }
.Ltmp53:
0x516: {  	_ = 	snop;
	(pc) =	sbr.rel @!p2 .LBB2_62-.Ltmp53, $4  }
.Ltmp54:
0x517: {  	_ = 	snop;
	(pc) =	sbr.rel @p2 .LBB2_82-.Ltmp54, $4  }
0x518: {  	_ = 	snop  }
0x519: {  	_ = 	snop  }
0x51a: {  	s31 =	smov.u32 s21;
	[tilespmem:s5+$0x0] =	vst v8  }
0x51b: {  	_ = 	snop  }
.LBB2_64:
.Ltmp55:
0x51c: {  	(pc) =	sbr.rel .LBB2_68-.Ltmp55, $2  }
0x51d: {  	_ =	sdelay $0x2  }
0x51e: {  	s4 =	simm.s32 $0x0  }
.LBB2_77:
.Ltmp56:
0x51f: {  	(pc) =	sbr.rel .LBB2_81-.Ltmp56, $2  }
0x520: {  	_ =	sdelay $0x2  }
0x521: {  	s9 =	simm.s32 $0xF300;
	s17 =	simm.s32 $0x10E00;
	s11 =	simm.s32 $0xFC00  }
.LBB2_66:
.Ltmp57:
0x522: {  	(pc) =	sbr.rel .LBB2_68-.Ltmp57, $2  }
0x523: {  	_ =	sdelay $0x2  }
0x524: {  	s4 =	simm.s32 $0x0  }
.LBB2_79:
.Ltmp58:
0x525: {  	(pc) =	sbr.rel .LBB2_81-.Ltmp58, $2  }
0x526: {  	_ =	sdelay $0x2  }
0x527: {  	s9 =	simm.s32 $0xF300;
	s17 =	simm.s32 $0x10E00;
	s11 =	simm.s32 $0xFC00  }
.LBB2_82:
0x528: {  	p0 =	por !p0, !p1  }
0x529: {  	s1 =	simm.s32 $0x1;
	p0 =	por !p0, !p0  }
0x52a: {  	s1 =	simm.s32 @!p0 $0x0  }
0x52b: {  	s4 =	ssub.s32 s4, s1  }
0x52c: {  	v9 =	vmov s0;
	s0 =	sadd.s32 $0xFFFFFFFF, s4  }
0x52d: {  	p4 =	seq.s32 s0, $0x0  }
.Ltmp59:
0x52e: {  	_ = 	snop;
	(pc) =	sbr.rel @p4 .LBB2_83-.Ltmp59, $2  }
0x52f: {  	_ =	sdelay $0x2  }
0x530: {  	v8 =	vmov s3;
	s16 =	simm.s32 $0xF300;
	s12 =	simm.s32 $0xFC00;
	s18 =	simm.s32 $0x0  }
0x531: {  	s0 =	sadd.s32 $0xFFFFFFFF, s0  }
0x532: {  	p4 =	seq.s32 s0, $0x0  }
.Ltmp60:
0x533: {  	_ = 	snop;
	(pc) =	sbr.rel @p4 .LBB2_93-.Ltmp60, $4  }
0x534: {  	v10 =	vor.u32 s18, v0  }
0x535: {  	vm0 =	vlt.s32 v10, v9  }
0x536: {  	v10 =	vsel vm0, $0x1, v3  }
0x537: {  	s11 =	simm.s32 $0x10;
	vm0 =	vmmov vm0;
	(xrf0) =	vadd.scan.msk.s32 $0xffff, v10  }
0x538: {  	s0 =	sadd.s32 $0xFFFFFFFF, s0  }
0x539: {  	p4 =	seq.s32 s0, $0x0  }
.Ltmp61:
0x53a: {  	v10 =	vor.u32 s11, v0;
	(pc) =	sbr.rel @p4 .LBB2_95-.Ltmp61, $4  }
0x53b: {  	_ = 	snop  }
0x53c: {  	vm1 =	vlt.s32 v10, v9  }
0x53d: {  	v11 =	vsel vm1, $0x1, v3;
	v10, _, _ =	vpop (xrf0)  }
0x53e: {  	vm3 =	vmmov vm0;
	s11 =	simm.s32 $0x20;
	vm0 =	vmmov vm1;
	(xrf0) =	vadd.scan.msk.s32 $0xffff, v11;
	(v2sf) =	vpush v10, $0xF  }
0x53f: {  	s0 =	sadd.s32 $0xFFFFFFFF, s0  }
0x540: {  	p4 =	seq.s32 s0, $0x0  }
.Ltmp62:
0x541: {  	v11 =	vor.u32 s11, v0;
	(pc) =	sbr.rel @p4 .LBB2_97-.Ltmp62, $4  }
0x542: {  	_ = 	snop  }
0x543: {  	vm6 =	vmmov vm3;
	vm1 =	vlt.s32 v11, v9  }
0x544: {  	vm3 =	vmmov vm0;
	v13 =	vsel vm6, $0xFFFFFFFF, v3;
	v12 =	vsel vm1, $0x1, v3;
	v11, _, _ =	vpop (xrf0)  }
0x545: {  	s11 =	simm.s32 $0x30;
	vm0 =	vmmov vm1;
	v13 =	vadd.s32 s18, v13;
	(xrf0) =	vadd.scan.msk.s32 $0xffff, v12;
	(v2sf) =	vpush v11, $0xF  }
0x546: {  	_ =	sdelay $0x2  }
0x547: {  	s0 =	sadd.s32 $0xFFFFFFFF, s0  }
0x548: {  	v12 =	vor.u32 s11, v0;
	v10 =	vadd.s32 v10, v13;
	p4 =	seq.s32 s0, $0x0  }
.Ltmp63:
0x549: {  	vm1 =	vlt.s32 v12, v9;
	vm2 =	vlt.s32 v10, v8;
	(pc) =	sbr.rel @p4 .LBB2_99-.Ltmp63, $4  }
0x54a: {  	v12 =	vsel vm1, $0x1, v3;
	vm2 =	vmand vm6, vm2  }
0x54b: {  	vm6 =	vmmov vm3;
	vm3 =	vmmov vm0;
	v10, _, _ =	vpop (xrf0);
	(xrf0) =	vadd.scan.msk.s32 $0xffff, v12;
	v12 =	vsel vm2, $0x3F800000, v6;
	s1 =	spop (v2sf)  }
0x54c: {  	vm0 =	vmmov vm1;
	v13 =	vsel vm2, $0x1, v3;
	(xrf0) =	vmax.scan.msk.f32 $0xffff, v12;
	v12 =	vsel vm6, $0xFFFFFFFF, v3;
	s9 =	sadd.s32 $0x0, s1  }
0x54d: {  	s11 =	simm.s32 $0x40;
	vm8 =	vmmov vm2;
	(v2sf) =	vpush v10, $0xF;
	(xrf0) =	vadd.scan.msk.s32 $0xffff, v13;
	v13 =	vadd.s32 s9, v12  }
0x54e: {  	v12 =	vor.u32 s11, v0;
	v11 =	vadd.s32 v11, v13;
	s0 =	sadd.s32 $0xFFFFFFFF, s0  }
0x54f: {  	vm1 =	vlt.s32 v12, v9;
	p4 =	seq.s32 s0, $0x0  }
.Ltmp64:
0x550: {  	vm13 =	vmmov vm8;
	vm2 =	vlt.s32 v11, v8;
	v12 =	vsel vm1, $0x1, v3;
	(pc) =	sbr.rel @p4 .LBB2_101-.Ltmp64, $4  }
0x551: {  	vm2 =	vmand vm6, vm2;
	vm6 =	vmmov vm3;
	vm3 =	vmmov vm0;
	v11, _, _ =	vpop (xrf0)  }
0x552: {  	vm0 =	vmmov vm1;
	v13 =	vsel vm2, $0x3F800000, v6;
	(xrf0) =	vadd.scan.msk.s32 $0xffff, v12;
	(v2sf) =	vpush v11, $0xF;
	v14, _, _ =	vpop (xrf0);
	s1 =	spop (v2sf)  }
0x553: {  	v12 =	vsel vm2, $0x1, v3;
	(xrf0) =	vmax.scan.msk.f32 $0xffff, v13;
	v13 =	vsel vm6, $0xFFFFFFFF, v3;
	(v2sf) =	vpush v14, $0xF;
	v14, _, _ =	vpop (xrf0);
	s9 =	sadd.s32 s9, s1  }
0x554: {  	s11 =	simm.s32 $0x50;
	vm9 =	vmmov vm2;
	(xrf0) =	vadd.scan.msk.s32 $0xffff, v12;
	(v2sf) =	vpush v14, $0xF;
	v13 =	vadd.s32 s9, v13  }
0x555: {  	_ =	sdelay $0x1  }
0x556: {  	v12 =	vor.u32 s11, v0;
	v10 =	vadd.s32 v10, v13  }
0x557: {  	s0 =	sadd.s32 $0xFFFFFFFF, s0;
	vm1 =	vlt.s32 v12, v9;
	vm2 =	vlt.s32 v10, v8  }
0x558: {  	p4 =	seq.s32 s0, $0x0;
	v10 =	vsel vm1, $0x1, v3;
	vm2 =	vmand vm6, vm2  }
.Ltmp65:
0x559: {  	vm11 =	vmmov vm3;
	vm3 =	vmmov vm0;
	v14, _, _ =	vpop (xrf0);
	v12 =	vsel vm2, $0x3F800000, v6;
	(xrf0) =	vadd.scan.msk.s32 $0xffff, v10;
	(pc) =	sbr.rel @p4 .LBB2_103-.Ltmp65, $4  }
0x55a: {  	vm7 =	vmmov vm13;
	v10 =	vsel vm2, $0x1, v3;
	(v2sf) =	vpush v14, $0xF;
	v13, _, _ =	vpop (xrf0);
	(xrf0) =	vmax.scan.msk.f32 $0xffff, v12  }
0x55b: {  	vm15 =	vmmov vm9;
	(v2sf) =	vpush v13, $0xF;
	v13, _, _ =	vpop (xrf0);
	(xrf0) =	vadd.scan.msk.s32 $0xffff, v10;
	v10 =	vimm.s32 $0x0;
	s1 =	spop (v2sf)  }
0x55c: {  	vm0 =	vmmov vm1;
	v12 =	vsel vm11, $0xFFFFFFFF, v3;
	v10 =	vsel vm7, $0xFFFFFFFF, v10;
	s9 =	sadd.s32 s9, s1  }
0x55d: {  	s11 =	simm.s32 $0x60;
	vm14 =	vmmov vm2;
	(v2sf) =	vpush v13, $0xF;
	[tilespmem:$0x1FFF0] =	vst v10;
	v17 =	vadd.s32 s9, v12  }
0x55e: {  	p0 =	por $0x1, $0x1  }
0x55f: {  	s1 =	simm.s32 @!p0 $0x0  }
0x560: {  	v10 =	vor.u32 s11, v0;
	v12 =	vadd.s32 v11, v17;
	s1 =	simm.s32 @p0 $0x1;
	p0 =	por $0x1, $0x1  }
0x561: {  	vm2 =	vlt.s32 v10, v9;
	vm4 =	vlt.s32 v12, v8;
	v15, _, _ =	vpop (xrf0);
	[smem:$0x7F8] =	sst s1;
	s1 =	simm.s32 @!p0 $0x0  }
0x562: {  	v10 =	vsel vm2, $0x1, v3;
	vm6 =	vmand vm11, vm4;
	(v2sf) =	vpush v15, $0xF;
	s1 =	simm.s32 @p0 $0x1;
	p0 =	por $0x1, $0x1  }
0x563: {  	v13, _, _ =	vpop (xrf0);
	v12 =	vsel vm6, $0x3F800000, v6;
	(xrf0) =	vadd.scan.msk.s32 $0xffff, v10;
	[smem:$0x7F9] =	sst s1;
	s1 =	simm.s32 @!p0 $0x0  }
0x564: {  	p1 =	por $0x1, $0x1;
	p2 =	por $0x1, $0x1;
	v10 =	vsel vm6, $0x1, v3;
	(v2sf) =	vpush v13, $0xF;
	v13, _, _ =	vpop (xrf0);
	(xrf0) =	vmax.scan.msk.f32 $0xffff, v12;
	s1 =	simm.s32 @p0 $0x1  }
0x565: {  	p3 =	por $0x1, $0x1;
	vm1 =	vmmov vm6;
	(v2sf) =	vpush v13, $0xF;
	(xrf0) =	vadd.scan.msk.s32 $0xffff, v10;
	v10 =	vimm.s32 $0x0;
	[smem:$0x7FA] =	sst s1;
	s1 =	simm.s32 @!p1 $0x0  }
0x566: {  	s0 =	sadd.s32 $0xFFFFFFFF, s0;
	s11 =	spop (v2sf);
	v10 =	vsel vm1, $0xFFFFFFFF, v10;
	s1 =	simm.s32 @p1 $0x1  }
0x567: {  	vm12 =	vmmov vm7;
	vm7 =	vmmov vm15;
	s17 =	spop (v2sf);
	[tilespmem:$0x1FFB0] =	vst v10;
	v10 =	vimm.s32 $0x0;
	[smem:$0x7FB] =	sst s1;
	s1 =	simm.s32 @!p2 $0x0  }
0x568: {  	p4 =	seq.s32 s0, $0x0;
	vm4 =	vmmov vm0;
	p5 =	sgt.f32 s17, $0.0e+00;
	v10 =	vsel vm7, $0xFFFFFFFF, v10;
	s1 =	simm.s32 @p2 $0x1  }
.Ltmp66:
0x569: {  	vm0 =	vmmov vm2;
	vm2 =	vmmov vm14;
	[tilespmem:$0x1FFC0] =	vst v10;
	v10 =	vimm.s32 $0x0;
	[smem:$0x7FC] =	sst s1;
	s1 =	simm.s32 @!p3 $0x0;
	(pc) =	sbr.rel @p4 .LBB2_105-.Ltmp66, $4  }
0x56a: {  	v10 =	vsel vm2, $0xFFFFFFFF, v10;
	s1 =	simm.s32 @p3 $0x1  }
0x56b: {  	vm5 =	vmmov vm3;
	[tilespmem:$0x1FFD0] =	vst v10;
	v10 =	vimm.s32 $0x0;
	[smem:$0x7FD] =	sst s1;
	s1 =	simm.s32 @!p5 $0x0  }
0x56c: {  	s9 =	sadd.s32 s9, s11;
	s11 =	simm.s32 $0x70;
	v12 =	vsel vm5, $0xFFFFFFFF, v3;
	v10 =	vsel vm12, $0xFFFFFFFF, v10;
	s1 =	simm.s32 @p5 $0x1  }
0x56d: {  	s31 =	spop (v2sf);
	v18 =	vadd.s32 s9, v12;
	p0 =	por $0x1, $0x1;
	[tilespmem:$0x1FFE0] =	vst v10;
	[smem:$0x7F6] =	sst s1  }
0x56e: {  	v10 =	vimm.s32 $0x0  }
0x56f: {  	v10 =	vsel vm15, $0xFFFFFFFF, v10  }
0x570: {  	v12 =	vadd.s32 v14, v18;
	[tilespmem:$0x1FFA0] =	vst v10;
	v10 =	vor.u32 s11, v0  }
0x571: {  	vm15 =	vmmov vm14;
	vm14 =	vmmov vm13;
	vm13 =	vmmov vm9  }
0x572: {  	vm9 =	vmmov vm2;
	vm3 =	vlt.s32 v12, v8;
	vm2 =	vlt.s32 v10, v9  }
0x573: {  	vm8 =	vmand vm5, vm3;
	v13 =	vsel vm2, $0x1, v3;
	v10, _, _ =	vpop (xrf0)  }
0x574: {  	(xrf0) =	vadd.scan.msk.s32 $0xffff, v13;
	v13 =	vsel vm8, $0x3F800000, v6;
	(v2sf) =	vpush v10, $0xF;
	v16, _, _ =	vpop (xrf0)  }
0x575: {  	s11 =	spop (v2sf);
	(v2sf) =	vpush v16, $0xF;
	_ =	sdelay $0x1  }
0x576: {  	(xrf0) =	vmax.scan.msk.f32 $0xffff, v13;
	v13, _, _ =	vpop (xrf0)  }
0x577: {  	s17 =	spop (v2sf);
	(v2sf) =	vpush v13, $0xF  }
0x578: {  	s3 =	sadd.s32 $0xFFFFFFFF, s0  }
0x579: {  	p6 =	por p5, p5;
	v12 =	vld @p5 [tilespmem:s16+$0x0];
	p4 =	seq.s32 s3, $0x0  }
.Ltmp67:
0x57a: {  	p1 =	por $0x1, $0x1;
	v16 =	vld @p6 [tilespmem:s12+$0x0];
	(pc) =	sbr.rel @p4 .LBB2_107-.Ltmp67, $4  }
0x57b: {  	vm10 =	vmmov vm12;
	vm6 =	vmmov vm4;
	s4 =	simm.s32 $0xFC10;
	s1 =	simm.s32 @!p1 $0x0  }
0x57c: {  	vm12 =	vmmov vm7;
	s6 =	smov.u32 s21;
	s5 =	smov.u32 s31;
	v20 =	vsel vm6, $0xFFFFFFFF, v3;
	s1 =	simm.s32 @p1 $0x1;
	v19 =	vsel vm8, $0x1, v3  }
0x57d: {  	vm3 =	vmmov vm0;
	vm7 =	vmmov vm9;
	s9 =	sadd.s32 s9, s11;
	s11 =	simm.s32 $0x80;
	[smem:$0x7F7] =	sst s1;
	vm0 =	vmmov vm2;
	(xrf0) =	vadd.scan.msk.s32 $0xffff, v19  }
0x57e: {  	p5 =	sgt.f32 s17, $0.0e+00;
	s0 =	spop (v2sf);
	vm2 =	vmmov vm1;
	s17 =	simm.s32 $0xF300;
	vm8 =	vmmov vm8;
	[tilespmem:s21+$0xF100] =	vst.msk @p6 vm10, v12;
	v12 =	vmovc v15;
	v13 =	vadd.s32 s9, v20  }
.LBB2_108:
0x57f: {  	s3 =	sadd.s32 $0xFFFFFFFF, s3;
	v19 =	vor.u32 s11, v0;
	v13 =	vadd.s32 v12, v13;
	[tilespmem:s6+$0xF200] =	vst.msk @p6 vm10, v16;
	s6 =	sadd.s32 s6, s5;
	s17 =	sadd.s32 $0x10, s17;
	v12 =	vmovc v10;
	vm10 =	vmmov vm12  }
0x580: {  	vm12 =	vmmov vm7;
	s5 =	smov.u32 s0;
	p4 =	seq.s32 s3, $0x0;
	vm1 =	vlt.s32 v19, v9;
	vm9 =	vlt.s32 v13, v8;
	v19 =	vld @p5 [tilespmem:s17+$0x0];
	p6 =	por p5, p5  }
.Ltmp68:
0x581: {  	v23 =	vsel vm1, $0x1, v3;
	v10, _, _ =	vpop (xrf0);
	vm9 =	vmand vm6, vm9;
	v16 =	vld @p6 [tilespmem:s4+$0x0];
	vm6 =	vmmov vm3;
	(pc) =	sbr.rel @!p4 .LBB2_108-.Ltmp68, $4  }
0x582: {  	(xrf0) =	vadd.scan.msk.s32 $0xffff, v23;
	(v2sf) =	vpush v10, $0xF;
	v22 =	vsel vm9, $0x3F800000, v6;
	v20 =	vsel vm9, $0x1, v3;
	v21, _, _ =	vpop (xrf0)  }
0x583: {  	vm3 =	vmmov vm0;
	vm0 =	vmmov vm1;
	(xrf0) =	vmax.scan.msk.f32 $0xffff, v22;
	s0 =	spop (v2sf);
	(v2sf) =	vpush v21, $0xF;
	v13, _, _ =	vpop (xrf0)  }
0x584: {  	vm7 =	vmmov vm2;
	s4 =	sadd.s32 $0x10, s4;
	v21 =	vsel vm6, $0xFFFFFFFF, v3;
	s9 =	sadd.s32 s9, s0;
	(xrf0) =	vadd.scan.msk.s32 $0xffff, v20;
	(v2sf) =	vpush v13, $0xF;
	s0 =	spop (v2sf)  }
0x585: {  	s11 =	sadd.s32 $0x10, s11;
	vm2 =	vmmov vm8;
	vm8 =	vmmov vm9;
	v13 =	vadd.s32 s9, v21;
	p5 =	sgt.f32 s0, $0.0e+00;
	s0 =	spop (v2sf);
	[tilespmem:s6+$0xF100] =	vst.msk @p6 vm10, v19  }
0x586: {  	_ = 	snop  }
0x587: {  	v19 =	vld [tilespmem:$0x1FFA0]  }
.Ltmp69:
0x588: {  	_ = 	snop;
	(pc) =	sbr.rel .LBB2_110-.Ltmp69, $3  }
0x589: {  	_ =	sdelay $0x1  }
0x58a: {  	vm9 =	vmmov vm13  }
0x58b: {  	vm13 =	vmmov vm14;
	vm14 =	vmmov vm15;
	vm15 =	vnez.u8 v19  }
.LBB2_49:
.Ltmp70:
0x58c: {  	(pc) =	sbr.rel .LBB2_53-.Ltmp70, $2  }
0x58d: {  	_ =	sdelay $0x2  }
0x58e: {  	s5 =	simm.s32 $0xF300;
	s7 =	simm.s32 $0xF200;
	s6 =	simm.s32 $0xFC00  }
.LBB2_56:
.Ltmp71:
0x58f: {  	(pc) =	sbr.rel .LBB2_60-.Ltmp71, $2  }
0x590: {  	_ =	sdelay $0x2  }
0x591: {  	s5 =	simm.s32 $0x0;
	s4 =	simm.s32 $0xE880  }
.LBB2_51:
.Ltmp72:
0x592: {  	(pc) =	sbr.rel .LBB2_53-.Ltmp72, $2  }
0x593: {  	_ =	sdelay $0x2  }
0x594: {  	s5 =	simm.s32 $0xF300;
	s7 =	simm.s32 $0xF200;
	s6 =	simm.s32 $0xFC00  }
.LBB2_58:
.Ltmp73:
0x595: {  	(pc) =	sbr.rel .LBB2_60-.Ltmp73, $2  }
0x596: {  	_ =	sdelay $0x2  }
0x597: {  	s5 =	simm.s32 $0x0;
	s4 =	simm.s32 $0xE880  }
.LBB2_93:
0x598: {  	p0 =	por $0x0, $0x0  }
0x599: {  	s0 =	simm.s32 @!p0 $0x0  }
0x59a: {  	s0 =	simm.s32 @p0 $0x1;
	p0 =	por $0x0, $0x0  }
0x59b: {  	[smem:$0x7F7] =	sst s0;
	s0 =	simm.s32 @!p0 $0x0  }
0x59c: {  	s0 =	simm.s32 @p0 $0x1;
	p0 =	por $0x1, $0x1  }
0x59d: {  	[smem:$0x7F8] =	sst s0;
	s0 =	simm.s32 @!p0 $0x0  }
0x59e: {  	s0 =	simm.s32 @p0 $0x1;
	p0 =	por $0x0, $0x0  }
0x59f: {  	[smem:$0x7F9] =	sst s0;
	s0 =	simm.s32 @!p0 $0x0  }
0x5a0: {  	p1 =	por $0x0, $0x0;
	s0 =	simm.s32 @p0 $0x1  }
0x5a1: {  	[smem:$0x7FA] =	sst s0;
	s0 =	simm.s32 @!p1 $0x0  }
0x5a2: {  	p2 =	por $0x0, $0x0;
	s0 =	simm.s32 @p1 $0x1  }
.Ltmp74:
0x5a3: {  	[smem:$0x7FB] =	sst s0;
	s0 =	simm.s32 @!p2 $0x0;
	(pc) =	sbr.rel .LBB2_110-.Ltmp74, $4  }
0x5a4: {  	p3 =	por $0x0, $0x0;
	s0 =	simm.s32 @p2 $0x1  }
0x5a5: {  	s6 =	smov.u32 s21;
	[smem:$0x7FC] =	sst s0;
	s0 =	simm.s32 @!p3 $0x0  }
0x5a6: {  	s17 =	simm.s32 $0xF300;
	s4 =	simm.s32 $0xFC00;
	s0 =	simm.s32 @p3 $0x1  }
0x5a7: {  	s9 =	simm.s32 $0x0;
	p0 =	por $0x0, $0x0;
	[smem:$0x7FD] =	sst s0  }
.LBB2_95:
0x5a8: {  	p0 =	por $0x0, $0x0  }
0x5a9: {  	s0 =	simm.s32 @!p0 $0x0  }
0x5aa: {  	s0 =	simm.s32 @p0 $0x1;
	p0 =	por $0x0, $0x0  }
0x5ab: {  	[smem:$0x7F7] =	sst s0;
	s0 =	simm.s32 @!p0 $0x0  }
0x5ac: {  	s0 =	simm.s32 @p0 $0x1;
	p0 =	por $0x1, $0x1  }
0x5ad: {  	[smem:$0x7F8] =	sst s0;
	s0 =	simm.s32 @!p0 $0x0  }
0x5ae: {  	s0 =	simm.s32 @p0 $0x1;
	p0 =	por $0x1, $0x1  }
0x5af: {  	[smem:$0x7F9] =	sst s0;
	s0 =	simm.s32 @!p0 $0x0  }
0x5b0: {  	p1 =	por $0x0, $0x0;
	s0 =	simm.s32 @p0 $0x1  }
0x5b1: {  	[smem:$0x7FA] =	sst s0;
	s0 =	simm.s32 @!p1 $0x0  }
0x5b2: {  	p2 =	por $0x0, $0x0;
	s0 =	simm.s32 @p1 $0x1  }
.Ltmp75:
0x5b3: {  	[smem:$0x7FB] =	sst s0;
	s0 =	simm.s32 @!p2 $0x0;
	(pc) =	sbr.rel .LBB2_110-.Ltmp75, $4  }
0x5b4: {  	p3 =	por $0x0, $0x0;
	s0 =	simm.s32 @p2 $0x1  }
0x5b5: {  	s6 =	smov.u32 s21;
	[smem:$0x7FC] =	sst s0;
	s0 =	simm.s32 @!p3 $0x0  }
0x5b6: {  	s17 =	simm.s32 $0xF300;
	s4 =	simm.s32 $0xFC00;
	s0 =	simm.s32 @p3 $0x1  }
0x5b7: {  	s9 =	simm.s32 $0x0;
	p0 =	por $0x0, $0x0;
	[smem:$0x7FD] =	sst s0  }
.LBB2_97:
0x5b8: {  	p0 =	por $0x0, $0x0  }
0x5b9: {  	s0 =	simm.s32 @!p0 $0x0  }
0x5ba: {  	s0 =	simm.s32 @p0 $0x1;
	p0 =	por $0x0, $0x0  }
0x5bb: {  	[smem:$0x7F7] =	sst s0;
	s0 =	simm.s32 @!p0 $0x0  }
0x5bc: {  	s0 =	simm.s32 @p0 $0x1;
	p0 =	por $0x1, $0x1  }
0x5bd: {  	[smem:$0x7F8] =	sst s0;
	s0 =	simm.s32 @!p0 $0x0  }
0x5be: {  	s0 =	simm.s32 @p0 $0x1;
	p0 =	por $0x1, $0x1  }
0x5bf: {  	[smem:$0x7F9] =	sst s0;
	s0 =	simm.s32 @!p0 $0x0  }
0x5c0: {  	p1 =	por $0x1, $0x1;
	s0 =	simm.s32 @p0 $0x1  }
0x5c1: {  	[smem:$0x7FA] =	sst s0;
	s0 =	simm.s32 @!p1 $0x0  }
0x5c2: {  	p2 =	por $0x0, $0x0;
	s0 =	simm.s32 @p1 $0x1  }
.Ltmp76:
0x5c3: {  	[smem:$0x7FB] =	sst s0;
	s0 =	simm.s32 @!p2 $0x0;
	(pc) =	sbr.rel .LBB2_110-.Ltmp76, $4  }
0x5c4: {  	p3 =	por $0x0, $0x0;
	s0 =	simm.s32 @p2 $0x1  }
0x5c5: {  	s6 =	smov.u32 s21;
	[smem:$0x7FC] =	sst s0;
	s0 =	simm.s32 @!p3 $0x0  }
0x5c6: {  	s17 =	simm.s32 $0xF300;
	s4 =	simm.s32 $0xFC00;
	s0 =	simm.s32 @p3 $0x1  }
0x5c7: {  	v12 =	vmov v10;
	v10 =	vmov v11;
	s9 =	simm.s32 $0x0;
	p0 =	por $0x0, $0x0;
	[smem:$0x7FD] =	sst s0  }
.LBB2_99:
0x5c8: {  	p0 =	por $0x0, $0x0  }
0x5c9: {  	s0 =	simm.s32 @!p0 $0x0  }
0x5ca: {  	s0 =	simm.s32 @p0 $0x1;
	p0 =	por $0x0, $0x0  }
0x5cb: {  	[smem:$0x7F7] =	sst s0;
	s0 =	simm.s32 @!p0 $0x0  }
0x5cc: {  	s0 =	simm.s32 @p0 $0x1;
	p0 =	por $0x1, $0x1  }
0x5cd: {  	[smem:$0x7F8] =	sst s0;
	s0 =	simm.s32 @!p0 $0x0  }
0x5ce: {  	s0 =	simm.s32 @p0 $0x1;
	p0 =	por $0x1, $0x1  }
0x5cf: {  	[smem:$0x7F9] =	sst s0;
	s0 =	simm.s32 @!p0 $0x0  }
0x5d0: {  	p1 =	por $0x1, $0x1;
	s0 =	simm.s32 @p0 $0x1  }
0x5d1: {  	[smem:$0x7FA] =	sst s0;
	s0 =	simm.s32 @!p1 $0x0  }
0x5d2: {  	p2 =	por $0x1, $0x1;
	s0 =	simm.s32 @p1 $0x1  }
.Ltmp77:
0x5d3: {  	[smem:$0x7FB] =	sst s0;
	s0 =	simm.s32 @!p2 $0x0;
	(pc) =	sbr.rel .LBB2_110-.Ltmp77, $4  }
0x5d4: {  	p3 =	por $0x0, $0x0;
	s0 =	simm.s32 @p2 $0x1  }
0x5d5: {  	[smem:$0x7FC] =	sst s0;
	s0 =	simm.s32 @!p3 $0x0  }
0x5d6: {  	s6 =	smov.u32 s21;
	s17 =	simm.s32 $0xF300;
	s0 =	simm.s32 @p3 $0x1  }
0x5d7: {  	v12 =	vmov v11;
	s4 =	simm.s32 $0xFC00;
	p0 =	por $0x0, $0x0;
	[smem:$0x7FD] =	sst s0  }
.LBB2_101:
0x5d8: {  	p0 =	por $0x0, $0x0  }
0x5d9: {  	s0 =	simm.s32 @!p0 $0x0  }
0x5da: {  	s0 =	simm.s32 @p0 $0x1;
	p0 =	por $0x0, $0x0  }
0x5db: {  	[smem:$0x7F7] =	sst s0;
	s0 =	simm.s32 @!p0 $0x0  }
0x5dc: {  	s0 =	simm.s32 @p0 $0x1;
	p0 =	por $0x1, $0x1  }
0x5dd: {  	[smem:$0x7F8] =	sst s0;
	s0 =	simm.s32 @!p0 $0x0  }
0x5de: {  	s0 =	simm.s32 @p0 $0x1;
	p0 =	por $0x1, $0x1  }
0x5df: {  	[smem:$0x7F9] =	sst s0;
	s0 =	simm.s32 @!p0 $0x0  }
0x5e0: {  	p1 =	por $0x1, $0x1;
	s0 =	simm.s32 @p0 $0x1  }
0x5e1: {  	[smem:$0x7FA] =	sst s0;
	s0 =	simm.s32 @!p1 $0x0  }
0x5e2: {  	p2 =	por $0x1, $0x1;
	s0 =	simm.s32 @p1 $0x1  }
.Ltmp78:
0x5e3: {  	[smem:$0x7FB] =	sst s0;
	s0 =	simm.s32 @!p2 $0x0;
	(pc) =	sbr.rel .LBB2_110-.Ltmp78, $4  }
0x5e4: {  	p3 =	por $0x1, $0x1;
	s0 =	simm.s32 @p2 $0x1  }
0x5e5: {  	[smem:$0x7FC] =	sst s0;
	s0 =	simm.s32 @!p3 $0x0  }
0x5e6: {  	s6 =	smov.u32 s21;
	s17 =	simm.s32 $0xF300;
	s0 =	simm.s32 @p3 $0x1  }
0x5e7: {  	v12 =	vmovc v10;
	v10 =	vmov v11;
	s4 =	simm.s32 $0xFC00;
	vm2 =	vmmov vm13;
	vm8 =	vmmov vm9;
	p0 =	por $0x0, $0x0;
	[smem:$0x7FD] =	sst s0  }
.LBB2_103:
0x5e8: {  	p0 =	por $0x0, $0x0  }
0x5e9: {  	s0 =	simm.s32 @!p0 $0x0  }
0x5ea: {  	s0 =	simm.s32 @p0 $0x1;
	p0 =	por $0x1, $0x1  }
0x5eb: {  	[smem:$0x7F7] =	sst s0;
	s0 =	simm.s32 @!p0 $0x0  }
0x5ec: {  	s0 =	simm.s32 @p0 $0x1;
	p0 =	por $0x1, $0x1  }
0x5ed: {  	[smem:$0x7F8] =	sst s0;
	s0 =	simm.s32 @!p0 $0x0  }
0x5ee: {  	s0 =	simm.s32 @p0 $0x1;
	p0 =	por $0x1, $0x1  }
0x5ef: {  	[smem:$0x7F9] =	sst s0;
	s0 =	simm.s32 @!p0 $0x0  }
0x5f0: {  	p1 =	por $0x1, $0x1;
	s0 =	simm.s32 @p0 $0x1  }
0x5f1: {  	[smem:$0x7FA] =	sst s0;
	s0 =	simm.s32 @!p1 $0x0  }
0x5f2: {  	p2 =	por $0x1, $0x1;
	s0 =	simm.s32 @p1 $0x1  }
.Ltmp79:
0x5f3: {  	[smem:$0x7FB] =	sst s0;
	s0 =	simm.s32 @!p2 $0x0;
	(pc) =	sbr.rel .LBB2_110-.Ltmp79, $4  }
0x5f4: {  	p3 =	por $0x1, $0x1;
	s0 =	simm.s32 @p2 $0x1  }
0x5f5: {  	[smem:$0x7FC] =	sst s0;
	s0 =	simm.s32 @!p3 $0x0  }
0x5f6: {  	v10 =	vmov v14;
	s6 =	smov.u32 s21;
	s17 =	simm.s32 $0xF300;
	s0 =	simm.s32 @p3 $0x1  }
0x5f7: {  	v13 =	vmovc v17;
	v12 =	vmovc v11;
	vm6 =	vmmov vm11;
	s4 =	simm.s32 $0xFC00;
	vm2 =	vmmov vm15;
	vm8 =	vmmov vm14;
	p0 =	por $0x0, $0x0;
	[smem:$0x7FD] =	sst s0  }
.LBB2_105:
.Ltmp80:
0x5f8: {  	(pc) =	sbr.rel .LBB2_110-.Ltmp80, $4  }
0x5f9: {  	p1 =	por $0x0, $0x0  }
0x5fa: {  	s0 =	simm.s32 @!p1 $0x0  }
0x5fb: {  	v13 =	vmov v18;
	s6 =	smov.u32 s21;
	s17 =	simm.s32 $0xF300;
	s0 =	simm.s32 @p1 $0x1  }
0x5fc: {  	v12 =	vmovc v14;
	v10 =	vmovc v15;
	vm6 =	vmmov vm5;
	s4 =	simm.s32 $0xFC00;
	vm3 =	vmmov vm4;
	vm8 =	vmmov vm1;
	[smem:$0x7F7] =	sst s0;
	s0 =	smov.u32 s31  }
.LBB2_107:
0x5fd: {  	v19 =	vld [tilespmem:$0x1FFA0]  }
.Ltmp81:
0x5fe: {  	_ = 	snop;
	(pc) =	sbr.rel .LBB2_110-.Ltmp81, $3  }
0x5ff: {  	_ =	sdelay $0x1  }
0x600: {  	vm9 =	vmmov vm13  }
0x601: {  	v12 =	vmovc v15;
	s6 =	smov.u32 s21;
	s5 =	smov.u32 s31;
	s17 =	simm.s32 $0xF300;
	vm13 =	vmmov vm14;
	vm14 =	vmmov vm15;
	vm15 =	vnez.u8 v19  }
.LBB2_88:
0x602: {  	p0 =	slt.s32 s20, $0x1  }
.Ltmp82:
0x603: {  	_ = 	snop;
	(pc) =	sbr.rel @p0 .LBB2_164-.Ltmp82, $1  }
0x604: {  	_ =	sdelay $0x3  }
0x605: {  	s0 =	sand.u32 $0xF, s19  }
0x606: {  	p0 =	slt.s32 s19, $0x1;
	p1 =	sne.s32 s0, $0x0  }
0x607: {  	p0 =	por !p0, !p1  }
0x608: {  	s0 =	simm.s32 $0x1;
	p0 =	por !p0, !p0  }
0x609: {  	s1 =	sshrl.u32 s19, $0x4;
	s0 =	simm.s32 @!p0 $0x0  }
0x60a: {  	s3 =	ssub.s32 s1, s0  }
0x60b: {  	p0 =	slt.s32 s3, $0x1  }
.Ltmp83:
0x60c: {  	_ = 	snop;
	(pc) =	sbr.rel @p0 .LBB2_115-.Ltmp83, $1  }
0x60d: {  	_ =	sdelay $0x3  }
0x60e: {  	p1 =	sne.s32 s3, $0x1  }
.Ltmp84:
0x60f: {  	_ = 	snop;
	(pc) =	sbr.rel @!p1 .LBB2_91-.Ltmp84, $3  }
0x610: {  	_ =	sdelay $0x1  }
0x611: {  	s4 =	simm.s32 $0xF100;
	s2 =	simm.s32 $0xF300;
	s1 =	simm.s32 $0xF200  }
0x612: {  	s0 =	simm.s32 $0xFC00;
	s3 =	sadd.s32 $0xFFFFFFFF, s3;
	p0 =	por $0x0, $0x0;
	v7 =	vld [tilespmem:s4+$0x0]  }
0x613: {  	_ =	sdelay $0x3  }
0x614: {  	[tilespmem:s2+$0x0] =	vst v7  }
0x615: {  	v7 =	vld [tilespmem:s1+$0x0]  }
0x616: {  	p1 =	sne.s32 s3, $0x1  }
.Ltmp85:
0x617: {  	_ = 	snop;
	(pc) =	sbr.rel @!p1 .LBB2_112-.Ltmp85, $3  }
0x618: {  	_ =	sdelay $0x1  }
0x619: {  	s6 =	simm.s32 $0xF110;
	s7 =	sadd.s32 $0xFFFFFFFF, s3;
	p0 =	por $0x1, $0x1;
	[tilespmem:s0+$0x0] =	vst v7  }
0x61a: {  	s3 =	simm.s32 $0xF300;
	s5 =	simm.s32 $0xF200;
	s4 =	simm.s32 $0xFC00;
	v7 =	vld [tilespmem:s6+$0x0]  }
.LBB2_113:
0x61b: {  	p1 =	sne.s32 s7, $0x1;
	_ =	sdelay $0x2  }
0x61c: {  	s3 =	sadd.s32 $0x10, s3  }
0x61d: {  	s5 =	sadd.s32 $0x10, s5;
	[tilespmem:s3+$0x0] =	vst v7  }
0x61e: {  	v7 =	vld [tilespmem:s5+$0x0];
	_ =	sdelay $0x1  }
.Ltmp86:
0x61f: {  	(pc) =	sbr.rel @p1 .LBB2_113-.Ltmp86, $4  }
0x620: {  	_ = 	snop  }
0x621: {  	s4 =	sadd.s32 $0x10, s4  }
0x622: {  	s6 =	sadd.s32 $0x10, s6;
	[tilespmem:s4+$0x0] =	vst v7  }
0x623: {  	s7 =	sadd.s32 $0xFFFFFFFF, s7;
	v7 =	vld [tilespmem:s6+$0x0]  }
.LBB2_114:
0x624: {  	_ =	sdelay $0x1  }
0x625: {  	s3 =	sadd.s32 @p0 $0x10, s3  }
0x626: {  	s2 =	smov.u32 @p0 s3;
	s3 =	sadd.s32 @p0 $0x10, s5  }
0x627: {  	s1 =	smov.u32 @p0 s3;
	[tilespmem:s2+$0x0] =	vst v7  }
0x628: {  	v7 =	vld [tilespmem:s1+$0x0];
	_ =	sdelay $0x2  }
0x629: {  	s1 =	sadd.s32 @p0 $0x10, s4  }
0x62a: {  	s0 =	smov.u32 @p0 s1  }
0x62b: {  	[tilespmem:s0+$0x0] =	vst v7  }
.LBB2_115:
0x62c: {  	s0 =	sadd.s32 $0xF, s20  }
0x62d: {  	s1 =	sand.u32 $0xF, s0  }
0x62e: {  	s2 =	sshra.s32 s0, $0x1F;
	p0 =	slt.s32 s0, $0x0;
	p1 =	sne.s32 s1, $0x0  }
0x62f: {  	s31 =	sshrl.u32 s2, $0x1C;
	p0 =	por !p0, !p1  }
0x630: {  	s1 =	simm.s32 $0x1;
	s0 =	sadd.s32 s31, s0;
	p0 =	por !p0, !p0  }
0x631: {  	s0 =	sshra.s32 s0, $0x4;
	s1 =	simm.s32 @!p0 $0x0  }
0x632: {  	s3 =	ssub.s32 s0, s1  }
0x633: {  	p0 =	slt.s32 s3, $0x1  }
.Ltmp87:
0x634: {  	_ = 	snop;
	(pc) =	sbr.rel @p0 .LBB2_122-.Ltmp87, $1  }
0x635: {  	_ =	sdelay $0x3  }
0x636: {  	p1 =	sne.s32 s3, $0x1  }
.Ltmp88:
0x637: {  	_ = 	snop;
	(pc) =	sbr.rel @!p1 .LBB2_117-.Ltmp88, $4  }
0x638: {  	_ = 	snop  }
0x639: {  	s0 =	sshll.u32 s19, $0x2;
	s4 =	simm.s32 $0xE000  }
0x63a: {  	s2 =	simm.s32 $0xE880;
	s3 =	sadd.s32 $0xFFFFFFFF, s3;
	s0 =	sshra.s32 s0, $0x2  }
0x63b: {  	p0 =	por $0x0, $0x0;
	v7 =	vld [tilespmem:s4+$0x0];
	s1 =	sadd.s32 $0xF300, s0;
	s0 =	sadd.s32 $0xFC00, s0  }
0x63c: {  	_ =	sdelay $0x3  }
0x63d: {  	vm0 =	vlt.s32 v7, $0x0;
	v8 =	vxor.u32 $0x7FFFFFFF, v7  }
0x63e: {  	v7 =	vsel vm0, v8, v7  }
0x63f: {  	[tilespmem:s1+$0x0] =	vst v7  }
0x640: {  	v7 =	vld [tilespmem:s2+$0x0]  }
0x641: {  	p1 =	sne.s32 s3, $0x1  }
.Ltmp89:
0x642: {  	_ = 	snop;
	(pc) =	sbr.rel @!p1 .LBB2_119-.Ltmp89, $3  }
0x643: {  	_ =	sdelay $0x1  }
0x644: {  	s6 =	simm.s32 $0xE010;
	s7 =	sadd.s32 $0xFFFFFFFF, s3;
	p0 =	por $0x1, $0x1;
	[tilespmem:s0+$0x0] =	vst v7  }
0x645: {  	s4 =	smov.u32 s1;
	s5 =	simm.s32 $0xE880;
	s3 =	smov.u32 s0;
	v7 =	vld [tilespmem:s6+$0x0]  }
.LBB2_120:
0x646: {  	p1 =	sne.s32 s7, $0x1;
	_ =	sdelay $0x3  }
0x647: {  	vm0 =	vlt.s32 v7, $0x0;
	v8 =	vxor.u32 $0x7FFFFFFF, v7  }
0x648: {  	s4 =	sadd.s32 $0x10, s4;
	v7 =	vsel vm0, v8, v7  }
0x649: {  	s5 =	sadd.s32 $0x10, s5;
	[tilespmem:s4+$0x0] =	vst v7  }
0x64a: {  	v7 =	vld [tilespmem:s5+$0x0];
	_ =	sdelay $0x1  }
.Ltmp90:
0x64b: {  	(pc) =	sbr.rel @p1 .LBB2_120-.Ltmp90, $4  }
0x64c: {  	_ = 	snop  }
0x64d: {  	s3 =	sadd.s32 $0x10, s3  }
0x64e: {  	s6 =	sadd.s32 $0x10, s6;
	[tilespmem:s3+$0x0] =	vst v7  }
0x64f: {  	s7 =	sadd.s32 $0xFFFFFFFF, s7;
	v7 =	vld [tilespmem:s6+$0x0]  }
.LBB2_121:
0x650: {  	_ =	sdelay $0x3  }
0x651: {  	s4 =	sadd.s32 @p0 $0x10, s4;
	vm0 =	vlt.s32 v7, $0x0;
	v8 =	vxor.u32 $0x7FFFFFFF, v7  }
0x652: {  	s1 =	smov.u32 @p0 s4;
	s4 =	sadd.s32 @p0 $0x10, s5;
	v7 =	vsel vm0, v8, v7  }
0x653: {  	s2 =	smov.u32 @p0 s4;
	[tilespmem:s1+$0x0] =	vst v7  }
0x654: {  	v7 =	vld [tilespmem:s2+$0x0];
	_ =	sdelay $0x2  }
0x655: {  	s1 =	sadd.s32 @p0 $0x10, s3  }
0x656: {  	s0 =	smov.u32 @p0 s1  }
0x657: {  	[tilespmem:s0+$0x0] =	vst v7  }
.LBB2_122:
.Ltmp91:
0x658: {  	(pc) =	sbr.rel .LBB2_123-.Ltmp91, $3  }
0x659: {  	_ =	sdelay $0x1  }
0x65a: {  	s5 =	sadd.s32 s19, s20  }
0x65b: {  	s4 =	simm.s32 $0x80;
	s2 =	simm.s32 $0x0;
	s1 =	simm.s32 $0x0  }
.LBB2_167:
0x65c: {  	s1 =	sadd.s32 $0x1, s1  }
0x65d: {  	p0 =	seq.s32 s1, $0x4  }
.Ltmp92:
0x65e: {  	_ = 	snop;
	(pc) =	sbr.rel @p0 .LBB2_164-.Ltmp92, $2  }
0x65f: {  	_ =	sdelay $0x2  }
0x660: {  	s2 =	smov.u32 s0  }
.LBB2_123:
0x661: {  	[tilespmem:$0x11700] =	vst v3  }
0x662: {  	[tilespmem:$0x11710] =	vst v3  }
0x663: {  	[tilespmem:$0x11720] =	vst v3  }
0x664: {  	[tilespmem:$0x11730] =	vst v3;
	s0 =	sadd.s32 $0xF, s5  }
0x665: {  	[tilespmem:$0x11740] =	vst v3;
	s3 =	sand.u32 $0xF, s0  }
0x666: {  	[tilespmem:$0x11750] =	vst v3;
	s6 =	sshra.s32 s0, $0x1F;
	p0 =	slt.s32 s0, $0x1;
	p1 =	sne.s32 s3, $0x0  }
0x667: {  	[tilespmem:$0x11760] =	vst v3;
	s29 =	sshrl.u32 s6, $0x1C;
	p0 =	por !p0, !p1  }
0x668: {  	[tilespmem:$0x11770] =	vst v3;
	s3 =	simm.s32 $0x1;
	s0 =	sadd.s32 s29, s0;
	p0 =	por !p0, !p0  }
0x669: {  	[tilespmem:$0x11780] =	vst v3;
	s0 =	sshra.s32 s0, $0x4;
	s3 =	simm.s32 @!p0 $0x0  }
0x66a: {  	[tilespmem:$0x11790] =	vst v3;
	s0 =	ssub.s32 s0, s3  }
0x66b: {  	[tilespmem:$0x117A0] =	vst v3;
	p0 =	slt.s32 s0, $0x1  }
.Ltmp93:
0x66c: {  	[tilespmem:$0x117B0] =	vst v3;
	(pc) =	sbr.rel @p0 .LBB2_130-.Ltmp93, $4  }
0x66d: {  	[tilespmem:$0x117C0] =	vst v3  }
0x66e: {  	[tilespmem:$0x117D0] =	vst v3;
	s30 =	sshll.u32 s1, $0x3  }
0x66f: {  	[tilespmem:$0x117E0] =	vst v3;
	s31 =	ssub.s32 $0x18, s30  }
0x670: {  	[tilespmem:$0x117F0] =	vst v3;
	v7 =	vmov s5;
	v8 =	vmov s31  }
0x671: {  	p2 =	seq.s32 s0, $0x1  }
.Ltmp94:
0x672: {  	_ = 	snop;
	(pc) =	sbr.rel @p2 .LBB2_125-.Ltmp94, $3  }
0x673: {  	_ =	sdelay $0x1  }
0x674: {  	s5 =	simm.s32 $0xF300  }
0x675: {  	s3 =	simm.s32 $0x0;
	p1 =	por $0x0, $0x0;
	v9 =	vld [tilespmem:s5+$0x0];
	s5 =	sadd.s32 $0xFFFFFFFF, s0  }
0x676: {  	_ =	sdelay $0x3  }
0x677: {  	v10 =	vor.u32 s3, v0;
	v9 =	vxor.u32 $0x80000000, v9  }
0x678: {  	vm0 =	vlt.s32 v10, v7;
	v9 =	vshrl.u32 v9, v8  }
0x679: {  	v9 =	vand.u32 $0xFF, v9  }
0x67a: {  	p2 =	seq.s32 s5, $0x1  }
.Ltmp95:
0x67b: {  	_ = 	snop;
	(pc) =	sbr.rel @p2 .LBB2_127-.Ltmp95, $3  }
0x67c: {  	_ =	sdelay $0x1  }
0x67d: {  	s6 =	simm.s32 $0xF310;
	[tilespmem:v9+s10+$0x0] =	vst.idx.add.s32.msk vm0, v4  }
0x67e: {  	s7 =	sadd.s32 $0xFFFFFFFF, s5;
	p1 =	por $0x1, $0x1;
	s5 =	simm.s32 $0x0;
	v9 =	vld [tilespmem:s6+$0x0]  }
.LBB2_128:
0x67f: {  	p2 =	seq.s32 s7, $0x1;
	_ =	sdelay $0x2  }
0x680: {  	s5 =	sadd.s32 $0x10, s5  }
0x681: {  	v10 =	vor.u32 s5, v0;
	v9 =	vxor.u32 $0x80000000, v9  }
0x682: {  	vm0 =	vlt.s32 v10, v7;
	v9 =	vshrl.u32 v9, v8  }
0x683: {  	v9 =	vand.u32 $0xFF, v9;
	_ =	sdelay $0x1  }
.Ltmp96:
0x684: {  	(pc) =	sbr.rel @!p2 .LBB2_128-.Ltmp96, $3  }
0x685: {  	_ =	sdelay $0x1  }
0x686: {  	s6 =	sadd.s32 $0x10, s6;
	[tilespmem:v9+s10+$0x0] =	vst.idx.add.s32.msk vm0, v4  }
0x687: {  	s7 =	sadd.s32 $0xFFFFFFFF, s7;
	v9 =	vld [tilespmem:s6+$0x0]  }
.LBB2_129:
0x688: {  	_ =	sdelay $0x1  }
0x689: {  	s5 =	sadd.s32 @p1 $0x10, s5  }
0x68a: {  	s3 =	smov.u32 @p1 s5  }
0x68b: {  	v10 =	vor.u32 s3, v0;
	v9 =	vxor.u32 $0x80000000, v9  }
0x68c: {  	vm0 =	vlt.s32 v10, v7;
	v9 =	vshrl.u32 v9, v8  }
0x68d: {  	v9 =	vand.u32 $0xFF, v9;
	_ =	sdelay $0x4  }
0x68e: {  	[tilespmem:v9+s10+$0x0] =	vst.idx.add.s32.msk vm0, v4  }
.LBB2_130:
0x68f: {  	s7 =	simm.s32 $0x117F0  }
0x690: {  	v10 =	vld [tilespmem:s7+$0x0];
	_ =	sdelay $0x3  }
0x691: {  	s15 =	simm.s32 $0x117E0  }
0x692: {  	v11 =	vld [tilespmem:s15+$0x0];
	(xrf0) =	vadd.scan.msk.s32 $0xffff, v10;
	_ =	sdelay $0x4  }
0x693: {  	(xrf0) =	vadd.scan.msk.s32 $0xffff, v11  }
0x694: {  	v12, _, _ =	vpop (xrf0)  }
0x695: {  	s16 =	simm.s32 $0x117D0;
	v10 =	vperm.xlane v10, v5;
	(v2sf) =	vpush v12, $0xF  }
0x696: {  	v13 =	vld [tilespmem:s16+$0x0];
	_ =	sdelay $0x1  }
0x697: {  	(xrf0) =	vadd.scan.msk.s32 $0xffff, v10  }
0x698: {  	v10, _, _ =	vpop (xrf0)  }
0x699: {  	s17 =	simm.s32 $0x117C0;
	(v2sf) =	vpush v10, $0xF;
	v10 =	vperm.xlane v11, v5  }
0x69a: {  	(xrf0) =	vadd.scan.msk.s32 $0xffff, v13;
	v12 =	vld [tilespmem:s17+$0x0];
	_ =	sdelay $0x2  }
0x69b: {  	s5 =	simm.s32 $0x0;
	s6 =	simm.s32 $0xFF;
	(xrf0) =	vadd.scan.msk.s32 $0xffff, v10;
	v10, _, _ =	vpop (xrf0)  }
0x69c: {  	v9 =	vmov s4;
	v14 =	vadd.s32 s6, v1;
	v10 =	vadd.s32 s5, v10  }
0x69d: {  	(xrf0) =	vadd.scan.msk.s32 $0xffff, v12;
	vm0 =	vlt.s32 v10, v9;
	v10 =	vxor.u32 $0x80000000, v14  }
0x69e: {  	v11, _, _ =	vpop (xrf0);
	v10 =	vsel vm0, $0x7FFFFFFF, v10  }
0x69f: {  	(v2sf) =	vpush v11, $0xF;
	(xrf0) =	vmax.scan.msk.u32 $0xffff, v10;
	v10 =	vperm.xlane v13, v5;
	_ =	sdelay $0x1  }
0x6a0: {  	s18 =	simm.s32 $0x117B0;
	s19 =	spop (v2sf)  }
0x6a1: {  	s20 =	simm.s32 $0xEF;
	v11 =	vld [tilespmem:s18+$0x0];
	v13, _, _ =	vpop (xrf0);
	(xrf0) =	vadd.scan.msk.s32 $0xffff, v10;
	s5 =	sadd.s32 $0x0, s19  }
0x6a2: {  	v14 =	vadd.s32 s20, v1;
	v10, _, _ =	vpop (xrf0);
	v13 =	vadd.s32 s5, v13  }
0x6a3: {  	(v2sf) =	vpush v10, $0xF;
	v10 =	vxor.u32 $0x80000000, v14;
	vm12 =	vlt.s32 v13, v9  }
0x6a4: {  	v10 =	vsel vm12, $0x7FFFFFFF, v10;
	_ =	sdelay $0x1  }
0x6a5: {  	s21 =	simm.s32 $0x117A0;
	v12 =	vperm.xlane v12, v5;
	(xrf0) =	vadd.scan.msk.s32 $0xffff, v11;
	s22 =	spop (v2sf);
	v13, _, _ =	vpop (xrf0)  }
0x6a6: {  	s23 =	simm.s32 $0xDF;
	v14 =	vld [tilespmem:s21+$0x0];
	s5 =	sadd.s32 s5, s22;
	(xrf0) =	vmax.scan.msk.u32 $0xffff, v10;
	v10, _, _ =	vpop (xrf0)  }
0x6a7: {  	(xrf0) =	vadd.scan.msk.s32 $0xffff, v12;
	v12 =	vadd.s32 s23, v1;
	v10 =	vadd.s32 s5, v10  }
0x6a8: {  	vm13 =	vlt.s32 v10, v9;
	v10 =	vxor.u32 $0x80000000, v12  }
0x6a9: {  	v11 =	vperm.xlane v11, v5;
	v10 =	vsel vm13, $0x7FFFFFFF, v10  }
0x6aa: {  	(v2sf) =	vpush v13, $0xF  }
0x6ab: {  	(xrf0) =	vadd.scan.msk.s32 $0xffff, v14;
	v12, _, _ =	vpop (xrf0)  }
0x6ac: {  	s24 =	simm.s32 $0x11790;
	s25 =	spop (v2sf);
	(xrf0) =	vmax.scan.msk.u32 $0xffff, v10;
	v10, _, _ =	vpop (xrf0)  }
0x6ad: {  	s26 =	simm.s32 $0xCF;
	v13 =	vld [tilespmem:s24+$0x0];
	s5 =	sadd.s32 s5, s25;
	(xrf0) =	vadd.scan.msk.s32 $0xffff, v11;
	v11, _, _ =	vpop (xrf0)  }
0x6ae: {  	v15 =	vadd.s32 s26, v1;
	v11 =	vadd.s32 s5, v11  }
0x6af: {  	vm14 =	vlt.s32 v11, v9;
	v11 =	vxor.u32 $0x80000000, v15  }
0x6b0: {  	v11 =	vsel vm14, $0x7FFFFFFF, v11  }
0x6b1: {  	(v2sf) =	vpush v12, $0xF  }
0x6b2: {  	(xrf0) =	vadd.scan.msk.s32 $0xffff, v13;
	s29 =	spop (v2sf);
	(v2sf) =	vpush v10, $0xF;
	v15, _, _ =	vpop (xrf0)  }
0x6b3: {  	(v2sf) =	vpush v15, $0xF;
	(xrf0) =	vmax.scan.msk.u32 $0xffff, v11;
	v11, _, _ =	vpop (xrf0)  }
0x6b4: {  	v14 =	vperm.xlane v14, v5;
	(v2sf) =	vpush v11, $0xF;
	_ =	sdelay $0x2  }
0x6b5: {  	v12, _, _ =	vpop (xrf0)  }
0x6b6: {  	(xrf0) =	vadd.scan.msk.s32 $0xffff, v14;
	v14, _, _ =	vpop (xrf0)  }
0x6b7: {  	s28 =	simm.s32 $0x11780;
	s31 =	spop (v2sf);
	(v2sf) =	vpush v14, $0xF  }
0x6b8: {  	v16 =	vld [tilespmem:s28+$0x0];
	_ =	sdelay $0x1  }
0x6b9: {  	s30 =	simm.s32 $0xBF;
	s9 =	sadd.s32 s5, s29  }
0x6ba: {  	v10 =	vadd.s32 s9, v12;
	v12 =	vadd.s32 s30, v1  }
0x6bb: {  	s3 =	simm.s32 $0xFFFFFFFF;
	s11 =	simm.s32 $0xAF;
	s8 =	simm.s32 $0x9F;
	vm15 =	vlt.s32 v10, v9;
	v10 =	vxor.u32 $0x80000000, v12  }
0x6bc: {  	s12 =	simm.s32 $0x11770;
	s13 =	simm.s32 $0x6F;
	(xrf0) =	vadd.scan.msk.s32 $0xffff, v16;
	s7 =	sxor.u32 $0x80000000, s31;
	v15 =	vsel vm15, $0x7FFFFFFF, v10  }
0x6bd: {  	s6 =	simm.s32 $0x8F;
	s5 =	simm.s32 $0x7F;
	v11 =	vld [tilespmem:s12+$0x0];
	v12 =	vperm.xlane v13, v5;
	p1 =	slt.s32 s7, $0xFFFFFFFF;
	v10 =	vperm.xlane v16, v5;
	v13, _, _ =	vpop (xrf0);
	(xrf0) =	vmax.scan.msk.u32 $0xffff, v15  }
.LBB2_131:
0x6be: {  	s14 =	smov.u32 s3  }
0x6bf: {  	s3 =	smov.u32 s7;
	s7 =	smov.u32 s13;
	p2 =	seq.s32 s13, $0xF  }
0x6c0: {  	s15 =	spop (v2sf);
	(v2sf) =	vpush v13, $0xF;
	s3 =	smov.u32 @p1 s14;
	s14 =	sadd.s32 $0xFFFFFFF0, s13  }
.Ltmp97:
0x6c1: {  	(xrf0) =	vadd.scan.msk.s32 $0xffff, v12;
	v13, _, _ =	vpop (xrf0);
	s9 =	sadd.s32 s9, s15;
	v12 =	vmov v10;
	(pc) =	sbr.rel @!p2 .LBB2_131-.Ltmp97, $4  }
0x6c2: {  	s12 =	sadd.s32 $0xFFFFFFF0, s12;
	v15 =	vadd.s32 s11, v1;
	s11 =	smov.u32 s8;
	s8 =	smov.u32 s6;
	v10 =	vperm.xlane v11, v5;
	(xrf0) =	vadd.scan.msk.s32 $0xffff, v11;
	v14, _, _ =	vpop (xrf0);
	v13 =	vadd.s32 s9, v13  }
0x6c3: {  	s6 =	smov.u32 s5;
	v15 =	vxor.u32 $0x80000000, v15;
	s5 =	smov.u32 s7;
	v11 =	vld [tilespmem:s12+$0x0];
	(v2sf) =	vpush v14, $0xF;
	vm0 =	vlt.s32 v13, v9;
	s13 =	spop (v2sf)  }
0x6c4: {  	v14 =	vsel vm0, $0x7FFFFFFF, v15;
	s7 =	sxor.u32 $0x80000000, s13  }
0x6c5: {  	s13 =	smov.u32 s14;
	(xrf0) =	vmax.scan.msk.u32 $0xffff, v14;
	v13, _, _ =	vpop (xrf0);
	p1 =	sgt.s32 s3, s7  }
0x6c6: {  	_ = 	snop  }
0x6c7: {  	v14, _, _ =	vpop (xrf0)  }
0x6c8: {  	(v2sf) =	vpush v13, $0xF;
	(xrf0) =	vadd.scan.msk.s32 $0xffff, v12;
	v52, _, _ =	vpop (xrf0)  }
0x6c9: {  	(v2sf) =	vpush v52, $0xF;
	_ =	sdelay $0x1  }
0x6ca: {  	s12 =	spop (v2sf)  }
0x6cb: {  	s9 =	sadd.s32 s9, s12;
	s20 =	spop (v2sf)  }
0x6cc: {  	v54 =	vadd.s32 s11, v1;
	v53 =	vadd.s32 s9, v14;
	s21 =	spop (v2sf);
	v55, _, _ =	vpop (xrf0)  }
0x6cd: {  	v56 =	vxor.u32 $0x80000000, v54;
	vm0 =	vlt.s32 v53, v9;
	s9 =	sadd.s32 s9, s21;
	v57, _, _ =	vpop (xrf0)  }
0x6ce: {  	v15 =	vadd.s32 s8, v1;
	(xrf0) =	vadd.scan.msk.s32 $0xffff, v11;
	v12 =	vsel vm0, $0x7FFFFFFF, v56;
	v13 =	vadd.s32 s9, v57  }
0x6cf: {  	v58 =	vxor.u32 $0x80000000, v15;
	(xrf0) =	vmax.scan.msk.u32 $0xffff, v12;
	vm13 =	vlt.s32 v13, v9  }
0x6d0: {  	v11 =	vperm.xlane v11, v5;
	(xrf0) =	vadd.scan.msk.s32 $0xffff, v10;
	v10 =	vsel vm13, $0x7FFFFFFF, v58  }
0x6d1: {  	(xrf0) =	vmax.scan.msk.u32 $0xffff, v10  }
0x6d2: {  	(xrf0) =	vadd.scan.msk.s32 $0xffff, v11;
	_ =	sdelay $0x1  }
0x6d3: {  	s22 =	spop (v2sf);
	v10, _, _ =	vpop (xrf0)  }
0x6d4: {  	s23 =	spop (v2sf);
	v11, _, _ =	vpop (xrf0)  }
0x6d5: {  	s9 =	sadd.s32 s9, s23;
	v59, _, _ =	vpop (xrf0);
	s24 =	spop (v2sf)  }
0x6d6: {  	v60 =	vadd.s32 s6, v1;
	v12 =	vadd.s32 s9, v59;
	v61, _, _ =	vpop (xrf0);
	s25 =	spop (v2sf)  }
0x6d7: {  	v62 =	vxor.u32 $0x80000000, v60;
	vm14 =	vlt.s32 v12, v9;
	v63, _, _ =	vpop (xrf0);
	s6 =	sadd.s32 s9, s25  }
0x6d8: {  	v16 =	vadd.s32 s5, v1;
	v12 =	vsel vm14, $0x7FFFFFFF, v62;
	v13 =	vadd.s32 s6, v63  }
0x6d9: {  	(xrf0) =	vmax.scan.msk.u32 $0xffff, v12;
	vm15 =	vlt.s32 v13, v9;
	v9 =	vxor.u32 $0x80000000, v16  }
0x6da: {  	(v2sf) =	vpush v55, $0xF;
	v9 =	vsel vm15, $0x7FFFFFFF, v9  }
0x6db: {  	(v2sf) =	vpush v10, $0xF;
	(xrf0) =	vmax.scan.msk.u32 $0xffff, v9  }
0x6dc: {  	(v2sf) =	vpush v11, $0xF;
	_ =	sdelay $0x1  }
0x6dd: {  	(v2sf) =	vpush v61, $0xF  }
0x6de: {  	v9, _, _ =	vpop (xrf0)  }
0x6df: {  	(v2sf) =	vpush v9, $0xF  }
0x6e0: {  	v9, _, _ =	vpop (xrf0)  }
0x6e1: {  	(v2sf) =	vpush v9, $0xF;
	_ =	sdelay $0x1  }
0x6e2: {  	s7 =	smov.u32 @p1 s3;
	s3 =	sxor.u32 $0x80000000, s20  }
0x6e3: {  	p1 =	sgt.s32 s7, s3  }
0x6e4: {  	s3 =	smov.u32 @p1 s7;
	s5 =	sxor.u32 $0x80000000, s22  }
0x6e5: {  	p1 =	sgt.s32 s3, s5  }
0x6e6: {  	s5 =	smov.u32 @p1 s3;
	s3 =	sxor.u32 $0x80000000, s24  }
0x6e7: {  	p1 =	sgt.s32 s5, s3;
	s26 =	spop (v2sf)  }
0x6e8: {  	s3 =	smov.u32 @p1 s5;
	s5 =	sxor.u32 $0x80000000, s26;
	s28 =	spop (v2sf)  }
0x6e9: {  	p1 =	sgt.s32 s3, s5;
	s6 =	spop (v2sf)  }
0x6ea: {  	s5 =	smov.u32 @p1 s3;
	s3 =	sxor.u32 $0x80000000, s6  }
0x6eb: {  	p1 =	sgt.s32 s5, s3;
	s29 =	spop (v2sf)  }
0x6ec: {  	s3 =	smov.u32 @p1 s5;
	s5 =	sxor.u32 $0x80000000, s29  }
0x6ed: {  	p1 =	sgt.s32 s3, s5;
	s30 =	spop (v2sf)  }
.Ltmp98:
0x6ee: {  	s5 =	smov.u32 @p1 s3;
	s6 =	sxor.u32 $0x80000000, s30;
	(pc) =	sbr.rel @p0 .LBB2_133-.Ltmp98, $4  }
0x6ef: {  	p1 =	sgt.s32 s5, s6;
	s31 =	spop (v2sf)  }
0x6f0: {  	s6 =	smov.u32 @p1 s5;
	s3 =	sxor.u32 $0x80000000, s31  }
0x6f1: {  	p1 =	sgt.s32 s6, s3  }
0x6f2: {  	s3 =	smov.u32 @p1 s6  }
0x6f3: {  	s5 =	simm.s32 $0xF300  }
0x6f4: {  	v10 =	vld [tilespmem:s5+$0x0];
	_ =	sdelay $0x4  }
0x6f5: {  	v11 =	vxor.u32 $0x80000000, v10  }
0x6f6: {  	s6 =	simm.s32 $0x0;
	v11 =	vshrl.u32 v11, v8  }
0x6f7: {  	v9 =	vmov s3;
	v12 =	vor.u32 s6, v0;
	v11 =	vand.u32 $0xFF, v11  }
0x6f8: {  	vm0 =	vlt.s32 v12, v7;
	vm1 =	vgt.s32 v11, v9  }
0x6f9: {  	vm1 =	vmand vm0, vm1  }
0x6fa: {  	vm2 =	veq.s32 v11, v9;
	v11 =	vsel vm1, $0x3F800000, v6  }
0x6fb: {  	vm0 =	vmand vm0, vm2;
	v62 =	vsel vm1, $0x1, v3;
	(xrf0) =	vmax.scan.msk.f32 $0xffff, v11  }
0x6fc: {  	v11 =	vsel vm0, $0x3F800000, v6;
	(xrf0) =	vadd.scan.msk.s32 $0xffff, v62  }
0x6fd: {  	(xrf0) =	vmax.scan.msk.f32 $0xffff, v11  }
0x6fe: {  	v11 =	vsel vm0, $0x1, v3;
	_ =	sdelay $0x2  }
0x6ff: {  	(xrf0) =	vadd.scan.msk.s32 $0xffff, v11;
	v11, _, _ =	vpop (xrf0)  }
0x700: {  	(v2sf) =	vpush v11, $0xF;
	v11, _, _ =	vpop (xrf0)  }
0x701: {  	v63, _, _ =	vpop (xrf0);
	(v2sf) =	vpush v11, $0xF  }
0x702: {  	(v2sf) =	vpush v63, $0xF;
	_ =	sdelay $0x4  }
0x703: {  	v11, _, _ =	vpop (xrf0)  }
0x704: {  	(v2sf) =	vpush v11, $0xF;
	_ =	sdelay $0x4  }
0x705: {  	s3 =	simm.s32 $0xFC00  }
0x706: {  	v11 =	vld [tilespmem:s3+$0x0]  }
0x707: {  	s30 =	spop (v2sf)  }
0x708: {  	p0 =	sgt.f32 s30, $0.0e+00;
	s31 =	spop (v2sf)  }
0x709: {  	s7 =	spop (v2sf)  }
0x70a: {  	[tilespmem:s2+$0xF100] =	vst.msk @p0 vm1, v10;
	p1 =	sgt.f32 s7, $0.0e+00;
	s7 =	sadd.s32 $0xFFFFFFFF, s0  }
0x70b: {  	[tilespmem:s2+$0xF200] =	vst.msk @p0 vm1, v11;
	p0 =	sne.s32 s7, $0x0  }
.Ltmp99:
0x70c: {  	_ = 	snop;
	(pc) =	sbr.rel @!p0 .LBB2_136-.Ltmp99, $3  }
0x70d: {  	_ =	sdelay $0x1  }
0x70e: {  	s8 =	spop (v2sf);
	[tilespmem:s6+$0x10500] =	vst.msk @p1 vm0, v10  }
0x70f: {  	s0 =	sadd.s32 s2, s31;
	s5 =	sadd.s32 $0x0, s8;
	s8 =	simm.s32 $0xF310;
	[tilespmem:s6+$0x10E00] =	vst.msk @p1 vm0, v11  }
.LBB2_135:
0x710: {  	v10 =	vld [tilespmem:s8+$0x0];
	s3 =	sadd.s32 $0x10, s3;
	s11 =	smov.u32 s0;
	s9 =	smov.u32 s5  }
0x711: {  	v11 =	vld [tilespmem:s3+$0x0];
	_ =	sdelay $0x1  }
0x712: {  	s7 =	sadd.s32 $0xFFFFFFFF, s7  }
0x713: {  	p0 =	sne.s32 s7, $0x0  }
0x714: {  	v12 =	vxor.u32 $0x80000000, v10  }
0x715: {  	s6 =	sadd.s32 $0x10, s6;
	v12 =	vshrl.u32 v12, v8  }
0x716: {  	v13 =	vor.u32 s6, v0;
	v12 =	vand.u32 $0xFF, v12  }
0x717: {  	vm1 =	vlt.s32 v13, v7;
	vm0 =	vgt.s32 v12, v9  }
0x718: {  	vm0 =	vmand vm1, vm0  }
0x719: {  	vm2 =	veq.s32 v12, v9;
	v12 =	vsel vm0, $0x3F800000, v6;
	v13 =	vsel vm0, $0x1, v3  }
0x71a: {  	vm1 =	vmand vm1, vm2;
	(xrf0) =	vmax.scan.msk.f32 $0xffff, v12  }
0x71b: {  	v14 =	vsel vm1, $0x1, v3;
	v12 =	vsel vm1, $0x3F800000, v6;
	(xrf0) =	vadd.scan.msk.s32 $0xffff, v13  }
0x71c: {  	(xrf0) =	vmax.scan.msk.f32 $0xffff, v12  }
0x71d: {  	(xrf0) =	vadd.scan.msk.s32 $0xffff, v14;
	_ =	sdelay $0x2  }
0x71e: {  	v12, _, _ =	vpop (xrf0)  }
0x71f: {  	(v2sf) =	vpush v12, $0xF;
	v12, _, _ =	vpop (xrf0)  }
0x720: {  	v13, _, _ =	vpop (xrf0);
	(v2sf) =	vpush v12, $0xF  }
0x721: {  	(v2sf) =	vpush v13, $0xF;
	v12, _, _ =	vpop (xrf0)  }
0x722: {  	(v2sf) =	vpush v12, $0xF;
	_ =	sdelay $0xb  }
0x723: {  	s12 =	spop (v2sf)  }
0x724: {  	p1 =	sgt.f32 s12, $0.0e+00;
	s12 =	spop (v2sf)  }
.Ltmp100:
0x725: {  	s0 =	sadd.s32 s0, s12;
	s12 =	spop (v2sf);
	(pc) =	sbr.rel @p0 .LBB2_135-.Ltmp100, $4  }
0x726: {  	[tilespmem:s11+$0xF100] =	vst.msk @p1 vm0, v10;
	p2 =	sgt.f32 s12, $0.0e+00;
	s12 =	spop (v2sf)  }
0x727: {  	[tilespmem:s11+$0xF200] =	vst.msk @p1 vm0, v11;
	s5 =	sadd.s32 s5, s12  }
0x728: {  	[tilespmem:s9+$0x10500] =	vst.msk @p2 vm1, v10  }
0x729: {  	s8 =	sadd.s32 $0x10, s8;
	[tilespmem:s9+$0x10E00] =	vst.msk @p2 vm1, v11  }
.Ltmp101:
0x72a: {  	_ = 	snop;
	(pc) =	sbr.rel .LBB2_136-.Ltmp101, $1  }
0x72b: {  	_ =	sdelay $0x3  }
.LBB2_133:
0x72c: {  	s5 =	simm.s32 $0x0;
	s0 =	smov.u32 s2  }
.LBB2_136:
0x72d: {  	s3 =	sadd.s32 $0xF, s5  }
0x72e: {  	s6 =	sand.u32 $0xF, s3  }
0x72f: {  	s31 =	sshra.s32 s3, $0x1F;
	p1 =	slt.s32 s3, $0x1;
	p0 =	sne.s32 s6, $0x0  }
0x730: {  	s6 =	sshrl.u32 s31, $0x1C;
	p2 =	por !p1, !p0  }
0x731: {  	s3 =	sadd.s32 s6, s3;
	s6 =	simm.s32 $0x1;
	p2 =	por !p2, !p2  }
0x732: {  	s3 =	sshra.s32 s3, $0x4;
	s6 =	simm.s32 @!p2 $0x0  }
0x733: {  	s8 =	ssub.s32 s3, s6  }
0x734: {  	p2 =	slt.s32 s8, $0x1  }
.Ltmp102:
0x735: {  	_ = 	snop;
	(pc) =	sbr.rel @p2 .LBB2_167-.Ltmp102, $3  }
0x736: {  	_ =	sdelay $0x1  }
0x737: {  	s2 =	sadd.s32 s4, s2  }
0x738: {  	s4 =	ssub.s32 s2, s0  }
0x739: {  	p3 =	sne.s32 s8, $0x1  }
.Ltmp103:
0x73a: {  	_ = 	snop;
	(pc) =	sbr.rel @!p3 .LBB2_138-.Ltmp103, $3  }
0x73b: {  	_ =	sdelay $0x1  }
0x73c: {  	s9 =	simm.s32 $0x10500;
	s7 =	simm.s32 $0xF300;
	s6 =	simm.s32 $0x10E00  }
0x73d: {  	s2 =	simm.s32 $0xFC00;
	s8 =	sadd.s32 $0xFFFFFFFF, s8;
	p2 =	por $0x0, $0x0;
	v7 =	vld [tilespmem:s9+$0x0]  }
0x73e: {  	_ =	sdelay $0x3  }
0x73f: {  	[tilespmem:s7+$0x0] =	vst v7  }
0x740: {  	v7 =	vld [tilespmem:s6+$0x0]  }
0x741: {  	p3 =	sne.s32 s8, $0x1  }
.Ltmp104:
0x742: {  	_ = 	snop;
	(pc) =	sbr.rel @!p3 .LBB2_140-.Ltmp104, $3  }
0x743: {  	_ =	sdelay $0x1  }
0x744: {  	s12 =	simm.s32 $0x10510;
	s13 =	sadd.s32 $0xFFFFFFFF, s8;
	p2 =	por $0x1, $0x1;
	[tilespmem:s2+$0x0] =	vst v7  }
0x745: {  	s8 =	simm.s32 $0xF300;
	s11 =	simm.s32 $0x10E00;
	s9 =	simm.s32 $0xFC00;
	v7 =	vld [tilespmem:s12+$0x0]  }
.LBB2_141:
0x746: {  	p3 =	sne.s32 s13, $0x1;
	_ =	sdelay $0x2  }
0x747: {  	s8 =	sadd.s32 $0x10, s8  }
0x748: {  	s11 =	sadd.s32 $0x10, s11;
	[tilespmem:s8+$0x0] =	vst v7  }
0x749: {  	v7 =	vld [tilespmem:s11+$0x0];
	_ =	sdelay $0x1  }
.Ltmp105:
0x74a: {  	(pc) =	sbr.rel @p3 .LBB2_141-.Ltmp105, $4  }
0x74b: {  	_ = 	snop  }
0x74c: {  	s9 =	sadd.s32 $0x10, s9  }
0x74d: {  	s12 =	sadd.s32 $0x10, s12;
	[tilespmem:s9+$0x0] =	vst v7  }
0x74e: {  	s13 =	sadd.s32 $0xFFFFFFFF, s13;
	v7 =	vld [tilespmem:s12+$0x0]  }
.LBB2_142:
0x74f: {  	_ =	sdelay $0x1  }
0x750: {  	s8 =	sadd.s32 @p2 $0x10, s8  }
0x751: {  	s7 =	smov.u32 @p2 s8;
	s8 =	sadd.s32 @p2 $0x10, s11  }
0x752: {  	s6 =	smov.u32 @p2 s8;
	[tilespmem:s7+$0x0] =	vst v7  }
0x753: {  	s1 =	sadd.s32 $0x1, s1;
	v7 =	vld [tilespmem:s6+$0x0];
	s6 =	sadd.s32 @p2 $0x10, s9  }
0x754: {  	s2 =	smov.u32 @p2 s6;
	p2 =	seq.s32 s1, $0x4  }
.Ltmp106:
0x755: {  	_ = 	snop;
	(pc) =	sbr.rel @!p2 .LBB2_123-.Ltmp106, $4  }
.Ltmp107:
0x756: {  	_ = 	snop;
	(pc) =	sbr.rel @p2 .LBB2_143-.Ltmp107, $4  }
0x757: {  	_ = 	snop  }
0x758: {  	_ = 	snop  }
0x759: {  	[tilespmem:s2+$0x0] =	vst v7;
	s2 =	smov.u32 s0  }
0x75a: {  	_ = 	snop  }
.LBB2_125:
.Ltmp108:
0x75b: {  	(pc) =	sbr.rel .LBB2_129-.Ltmp108, $2  }
0x75c: {  	_ =	sdelay $0x2  }
0x75d: {  	s5 =	simm.s32 $0x0  }
.LBB2_138:
.Ltmp109:
0x75e: {  	(pc) =	sbr.rel .LBB2_142-.Ltmp109, $2  }
0x75f: {  	_ =	sdelay $0x2  }
0x760: {  	s8 =	simm.s32 $0xF300;
	s11 =	simm.s32 $0x10E00;
	s9 =	simm.s32 $0xFC00  }
.LBB2_127:
.Ltmp110:
0x761: {  	(pc) =	sbr.rel .LBB2_129-.Ltmp110, $2  }
0x762: {  	_ =	sdelay $0x2  }
0x763: {  	s5 =	simm.s32 $0x0  }
.LBB2_140:
.Ltmp111:
0x764: {  	(pc) =	sbr.rel .LBB2_142-.Ltmp111, $2  }
0x765: {  	_ =	sdelay $0x2  }
0x766: {  	s8 =	simm.s32 $0xF300;
	s11 =	simm.s32 $0x10E00;
	s9 =	simm.s32 $0xFC00  }
.LBB2_143:
0x767: {  	p0 =	por !p0, !p1  }
0x768: {  	s1 =	simm.s32 $0x1;
	p0 =	por !p0, !p0  }
0x769: {  	s1 =	simm.s32 @!p0 $0x0  }
0x76a: {  	s6 =	ssub.s32 s3, s1  }
0x76b: {  	s6 =	sadd.s32 $0xFFFFFFFF, s6  }
0x76c: {  	p4 =	sne.s32 s6, $0x0  }
.Ltmp112:
0x76d: {  	_ = 	snop;
	(pc) =	sbr.rel @!p4 .LBB2_144-.Ltmp112, $2  }
0x76e: {  	_ =	sdelay $0x2  }
0x76f: {  	s2 =	simm.s32 $0xF300;
	v8 =	vmov s5;
	v7 =	vmov s4;
	s1 =	simm.s32 $0xFC00;
	s3 =	simm.s32 $0x0  }
0x770: {  	s4 =	sadd.s32 $0xFFFFFFFF, s6  }
0x771: {  	p4 =	sne.s32 s4, $0x0  }
.Ltmp113:
0x772: {  	_ = 	snop;
	(pc) =	sbr.rel @!p4 .LBB2_146-.Ltmp113, $4  }
0x773: {  	v9 =	vor.u32 s3, v0  }
0x774: {  	vm0 =	vlt.s32 v9, v8  }
0x775: {  	v9 =	vsel vm0, $0x1, v3  }
0x776: {  	s5 =	simm.s32 $0x10;
	vm0 =	vmmov vm0;
	(xrf0) =	vadd.scan.msk.s32 $0xffff, v9  }
0x777: {  	s4 =	sadd.s32 $0xFFFFFFFF, s4  }
0x778: {  	p4 =	sne.s32 s4, $0x0  }
.Ltmp114:
0x779: {  	v9 =	vor.u32 s5, v0;
	(pc) =	sbr.rel @!p4 .LBB2_148-.Ltmp114, $4  }
0x77a: {  	_ = 	snop  }
0x77b: {  	vm1 =	vlt.s32 v9, v8  }
0x77c: {  	v10 =	vsel vm1, $0x1, v3;
	v9, _, _ =	vpop (xrf0)  }
0x77d: {  	vm3 =	vmmov vm0;
	s5 =	simm.s32 $0x20;
	vm0 =	vmmov vm1;
	(xrf0) =	vadd.scan.msk.s32 $0xffff, v10;
	(v2sf) =	vpush v9, $0xF  }
0x77e: {  	s4 =	sadd.s32 $0xFFFFFFFF, s4  }
0x77f: {  	p4 =	sne.s32 s4, $0x0  }
.Ltmp115:
0x780: {  	v10 =	vor.u32 s5, v0;
	(pc) =	sbr.rel @!p4 .LBB2_150-.Ltmp115, $4  }
0x781: {  	_ = 	snop  }
0x782: {  	vm6 =	vmmov vm3;
	vm1 =	vlt.s32 v10, v8  }
0x783: {  	vm3 =	vmmov vm0;
	v12 =	vsel vm6, $0xFFFFFFFF, v3;
	v11 =	vsel vm1, $0x1, v3;
	v10, _, _ =	vpop (xrf0)  }
0x784: {  	s5 =	simm.s32 $0x30;
	vm0 =	vmmov vm1;
	v12 =	vadd.s32 s3, v12;
	(xrf0) =	vadd.scan.msk.s32 $0xffff, v11;
	(v2sf) =	vpush v10, $0xF  }
0x785: {  	_ =	sdelay $0x2  }
0x786: {  	s6 =	sadd.s32 $0xFFFFFFFF, s4  }
0x787: {  	v11 =	vor.u32 s5, v0;
	v9 =	vadd.s32 v9, v12;
	p4 =	sne.s32 s6, $0x0  }
.Ltmp116:
0x788: {  	vm1 =	vlt.s32 v11, v8;
	vm2 =	vlt.s32 v9, v7;
	(pc) =	sbr.rel @!p4 .LBB2_152-.Ltmp116, $4  }
0x789: {  	v11 =	vsel vm1, $0x1, v3;
	vm2 =	vmand vm6, vm2  }
0x78a: {  	vm6 =	vmmov vm3;
	vm3 =	vmmov vm0;
	v9, _, _ =	vpop (xrf0);
	(xrf0) =	vadd.scan.msk.s32 $0xffff, v11;
	v11 =	vsel vm2, $0x3F800000, v6;
	s31 =	spop (v2sf)  }
0x78b: {  	vm0 =	vmmov vm1;
	v12 =	vsel vm2, $0x1, v3;
	(xrf0) =	vmax.scan.msk.f32 $0xffff, v11;
	v11 =	vsel vm6, $0xFFFFFFFF, v3;
	s4 =	sadd.s32 $0x0, s31  }
0x78c: {  	s5 =	simm.s32 $0x40;
	vm8 =	vmmov vm2;
	(v2sf) =	vpush v9, $0xF;
	(xrf0) =	vadd.scan.msk.s32 $0xffff, v12;
	v12 =	vadd.s32 s4, v11  }
0x78d: {  	v11 =	vor.u32 s5, v0;
	v10 =	vadd.s32 v10, v12;
	s6 =	sadd.s32 $0xFFFFFFFF, s6  }
0x78e: {  	vm1 =	vlt.s32 v11, v8;
	p4 =	sne.s32 s6, $0x0  }
.Ltmp117:
0x78f: {  	vm13 =	vmmov vm8;
	vm2 =	vlt.s32 v10, v7;
	v11 =	vsel vm1, $0x1, v3;
	(pc) =	sbr.rel @!p4 .LBB2_154-.Ltmp117, $4  }
0x790: {  	vm2 =	vmand vm6, vm2;
	vm6 =	vmmov vm3;
	vm3 =	vmmov vm0;
	v10, _, _ =	vpop (xrf0)  }
0x791: {  	vm0 =	vmmov vm1;
	v12 =	vsel vm2, $0x3F800000, v6;
	(xrf0) =	vadd.scan.msk.s32 $0xffff, v11;
	(v2sf) =	vpush v10, $0xF;
	v13, _, _ =	vpop (xrf0);
	s31 =	spop (v2sf)  }
0x792: {  	v11 =	vsel vm2, $0x1, v3;
	(xrf0) =	vmax.scan.msk.f32 $0xffff, v12;
	v12 =	vsel vm6, $0xFFFFFFFF, v3;
	(v2sf) =	vpush v13, $0xF;
	v13, _, _ =	vpop (xrf0);
	s4 =	sadd.s32 s4, s31  }
0x793: {  	s5 =	simm.s32 $0x50;
	vm9 =	vmmov vm2;
	(xrf0) =	vadd.scan.msk.s32 $0xffff, v11;
	(v2sf) =	vpush v13, $0xF;
	v12 =	vadd.s32 s4, v12  }
0x794: {  	_ =	sdelay $0x1  }
0x795: {  	p0 =	por $0x1, $0x1;
	v11 =	vor.u32 s5, v0;
	v9 =	vadd.s32 v9, v12  }
0x796: {  	s6 =	sadd.s32 $0xFFFFFFFF, s6;
	s7 =	simm.s32 @!p0 $0x0;
	vm1 =	vlt.s32 v11, v8;
	vm2 =	vlt.s32 v9, v7  }
0x797: {  	p4 =	sne.s32 s6, $0x0;
	s7 =	simm.s32 @p0 $0x1;
	p0 =	por $0x1, $0x1;
	v9 =	vsel vm1, $0x1, v3;
	vm2 =	vmand vm6, vm2  }
.Ltmp118:
0x798: {  	vm11 =	vmmov vm3;
	vm3 =	vmmov vm0;
	[smem:$0x7E3] =	sst s7;
	s7 =	simm.s32 @!p0 $0x0;
	v13, _, _ =	vpop (xrf0);
	v11 =	vsel vm2, $0x3F800000, v6;
	(xrf0) =	vadd.scan.msk.s32 $0xffff, v9;
	(pc) =	sbr.rel @!p4 .LBB2_156-.Ltmp118, $4  }
0x799: {  	vm7 =	vmmov vm13;
	v9 =	vsel vm2, $0x1, v3;
	s7 =	simm.s32 @p0 $0x1;
	(v2sf) =	vpush v13, $0xF;
	v12, _, _ =	vpop (xrf0);
	(xrf0) =	vmax.scan.msk.f32 $0xffff, v11;
	p0 =	por $0x1, $0x1  }
0x79a: {  	vm15 =	vmmov vm9;
	[smem:$0x7E4] =	sst s7;
	(v2sf) =	vpush v12, $0xF;
	v12, _, _ =	vpop (xrf0);
	(xrf0) =	vadd.scan.msk.s32 $0xffff, v9;
	s7 =	simm.s32 @!p0 $0x0;
	v9 =	vimm.s32 $0x0;
	s31 =	spop (v2sf)  }
0x79b: {  	vm0 =	vmmov vm1;
	v11 =	vsel vm11, $0xFFFFFFFF, v3;
	s7 =	simm.s32 @p0 $0x1;
	v9 =	vsel vm7, $0xFFFFFFFF, v9;
	s4 =	sadd.s32 s4, s31  }
0x79c: {  	s5 =	simm.s32 $0x60;
	vm14 =	vmmov vm2;
	(v2sf) =	vpush v12, $0xF;
	[smem:$0x7E5] =	sst s7;
	[tilespmem:$0x1FF90] =	vst v9;
	v16 =	vadd.s32 s4, v11  }
0x79d: {  	v9 =	vor.u32 s5, v0;
	v11 =	vadd.s32 v10, v16  }
0x79e: {  	vm2 =	vlt.s32 v9, v8;
	vm4 =	vlt.s32 v11, v7;
	v14, _, _ =	vpop (xrf0)  }
0x79f: {  	v9 =	vsel vm2, $0x1, v3;
	vm6 =	vmand vm11, vm4;
	(v2sf) =	vpush v14, $0xF  }
0x7a0: {  	v12, _, _ =	vpop (xrf0);
	v11 =	vsel vm6, $0x3F800000, v6;
	(xrf0) =	vadd.scan.msk.s32 $0xffff, v9  }
0x7a1: {  	p1 =	por $0x1, $0x1;
	v9 =	vsel vm6, $0x1, v3;
	(v2sf) =	vpush v12, $0xF;
	v12, _, _ =	vpop (xrf0);
	(xrf0) =	vmax.scan.msk.f32 $0xffff, v11  }
0x7a2: {  	p2 =	por $0x1, $0x1;
	p3 =	por $0x1, $0x1;
	s7 =	simm.s32 @!p1 $0x0;
	vm1 =	vmmov vm6;
	(v2sf) =	vpush v12, $0xF;
	(xrf0) =	vadd.scan.msk.s32 $0xffff, v9;
	v9 =	vimm.s32 $0x0  }
0x7a3: {  	s6 =	sadd.s32 $0xFFFFFFFF, s6;
	s7 =	simm.s32 @p1 $0x1;
	s30 =	spop (v2sf);
	v9 =	vsel vm1, $0xFFFFFFFF, v9  }
0x7a4: {  	vm12 =	vmmov vm7;
	vm7 =	vmmov vm15;
	[smem:$0x7E6] =	sst s7;
	s7 =	simm.s32 @!p2 $0x0;
	s31 =	spop (v2sf);
	[tilespmem:$0x1FF50] =	vst v9;
	v9 =	vimm.s32 $0x0  }
0x7a5: {  	p4 =	sne.s32 s6, $0x0;
	vm4 =	vmmov vm0;
	s7 =	simm.s32 @p2 $0x1;
	p5 =	sgt.f32 s31, $0.0e+00;
	v9 =	vsel vm7, $0xFFFFFFFF, v9  }
.Ltmp119:
0x7a6: {  	vm0 =	vmmov vm2;
	vm2 =	vmmov vm14;
	[smem:$0x7E7] =	sst s7;
	s7 =	simm.s32 @!p3 $0x0;
	[tilespmem:$0x1FF60] =	vst v9;
	v9 =	vimm.s32 $0x0;
	(pc) =	sbr.rel @!p4 .LBB2_158-.Ltmp119, $4  }
0x7a7: {  	s7 =	simm.s32 @p3 $0x1;
	v9 =	vsel vm2, $0xFFFFFFFF, v9  }
0x7a8: {  	vm5 =	vmmov vm3;
	[smem:$0x7E8] =	sst s7;
	s7 =	simm.s32 @!p5 $0x0;
	[tilespmem:$0x1FF70] =	vst v9;
	v9 =	vimm.s32 $0x0  }
0x7a9: {  	s5 =	simm.s32 $0x70;
	s4 =	sadd.s32 s4, s30;
	v11 =	vsel vm5, $0xFFFFFFFF, v3;
	s7 =	simm.s32 @p5 $0x1;
	v9 =	vsel vm12, $0xFFFFFFFF, v9  }
0x7aa: {  	p1 =	por $0x1, $0x1;
	s11 =	spop (v2sf);
	v17 =	vadd.s32 s4, v11;
	[smem:$0x7E1] =	sst s7;
	[tilespmem:$0x1FF80] =	vst v9  }
0x7ab: {  	v9 =	vimm.s32 $0x0  }
0x7ac: {  	v9 =	vsel vm15, $0xFFFFFFFF, v9  }
0x7ad: {  	v11 =	vadd.s32 v13, v17;
	[tilespmem:$0x1FF40] =	vst v9;
	v9 =	vor.u32 s5, v0  }
0x7ae: {  	vm15 =	vmmov vm14;
	vm14 =	vmmov vm13;
	vm13 =	vmmov vm9  }
0x7af: {  	vm9 =	vmmov vm2;
	vm3 =	vlt.s32 v11, v7;
	vm2 =	vlt.s32 v9, v8  }
0x7b0: {  	vm8 =	vmand vm5, vm3;
	v12 =	vsel vm2, $0x1, v3;
	v9, _, _ =	vpop (xrf0)  }
0x7b1: {  	(xrf0) =	vadd.scan.msk.s32 $0xffff, v12;
	v12 =	vsel vm8, $0x3F800000, v6;
	(v2sf) =	vpush v9, $0xF;
	v15, _, _ =	vpop (xrf0)  }
0x7b2: {  	s30 =	spop (v2sf);
	(v2sf) =	vpush v15, $0xF;
	_ =	sdelay $0x1  }
0x7b3: {  	(xrf0) =	vmax.scan.msk.f32 $0xffff, v12;
	v12, _, _ =	vpop (xrf0)  }
0x7b4: {  	s31 =	spop (v2sf);
	(v2sf) =	vpush v12, $0xF  }
0x7b5: {  	s13 =	sadd.s32 $0xFFFFFFFF, s6  }
0x7b6: {  	p6 =	por p5, p5;
	v11 =	vld @p5 [tilespmem:s2+$0x0];
	p4 =	sne.s32 s13, $0x0  }
.Ltmp120:
0x7b7: {  	v15 =	vld @p6 [tilespmem:s1+$0x0];
	(pc) =	sbr.rel @!p4 .LBB2_160-.Ltmp120, $4  }
0x7b8: {  	vm10 =	vmmov vm12;
	vm6 =	vmmov vm4;
	s8 =	simm.s32 $0xFC10;
	p0 =	por $0x1, $0x1;
	s7 =	smov.u32 s11  }
0x7b9: {  	vm12 =	vmmov vm7;
	s9 =	simm.s32 $0xF300;
	s4 =	sadd.s32 s4, s30;
	v19 =	vsel vm6, $0xFFFFFFFF, v3;
	s6 =	simm.s32 @!p0 $0x0;
	v18 =	vsel vm8, $0x1, v3  }
0x7ba: {  	vm3 =	vmmov vm0;
	vm7 =	vmmov vm9;
	s5 =	simm.s32 $0x80;
	p5 =	sgt.f32 s31, $0.0e+00;
	s6 =	simm.s32 @p0 $0x1;
	vm0 =	vmmov vm2;
	(xrf0) =	vadd.scan.msk.s32 $0xffff, v18  }
0x7bb: {  	s12 =	spop (v2sf);
	[smem:$0x7E2] =	sst s6;
	s6 =	smov.u32 s0;
	vm2 =	vmmov vm1;
	vm8 =	vmmov vm8;
	[tilespmem:s0+$0xF100] =	vst.msk @p6 vm10, v11;
	v11 =	vmovc v14;
	v12 =	vadd.s32 s4, v19  }
.LBB2_161:
0x7bc: {  	s13 =	sadd.s32 $0xFFFFFFFF, s13;
	v18 =	vor.u32 s5, v0;
	v12 =	vadd.s32 v11, v12;
	[tilespmem:s6+$0xF200] =	vst.msk @p6 vm10, v15;
	s6 =	sadd.s32 s6, s7;
	s9 =	sadd.s32 $0x10, s9;
	v11 =	vmovc v9;
	vm10 =	vmmov vm12  }
0x7bd: {  	vm12 =	vmmov vm7;
	s7 =	smov.u32 s12;
	p4 =	sne.s32 s13, $0x0;
	vm1 =	vlt.s32 v18, v8;
	vm9 =	vlt.s32 v12, v7;
	v18 =	vld @p5 [tilespmem:s9+$0x0];
	p6 =	por p5, p5  }
.Ltmp121:
0x7be: {  	v22 =	vsel vm1, $0x1, v3;
	v9, _, _ =	vpop (xrf0);
	vm9 =	vmand vm6, vm9;
	v15 =	vld @p6 [tilespmem:s8+$0x0];
	vm6 =	vmmov vm3;
	(pc) =	sbr.rel @p4 .LBB2_161-.Ltmp121, $4  }
0x7bf: {  	(xrf0) =	vadd.scan.msk.s32 $0xffff, v22;
	(v2sf) =	vpush v9, $0xF;
	v21 =	vsel vm9, $0x3F800000, v6;
	v19 =	vsel vm9, $0x1, v3;
	v20, _, _ =	vpop (xrf0)  }
0x7c0: {  	vm3 =	vmmov vm0;
	vm0 =	vmmov vm1;
	(xrf0) =	vmax.scan.msk.f32 $0xffff, v21;
	s12 =	spop (v2sf);
	(v2sf) =	vpush v20, $0xF;
	v12, _, _ =	vpop (xrf0)  }
0x7c1: {  	vm7 =	vmmov vm2;
	s8 =	sadd.s32 $0x10, s8;
	v20 =	vsel vm6, $0xFFFFFFFF, v3;
	s4 =	sadd.s32 s4, s12;
	(xrf0) =	vadd.scan.msk.s32 $0xffff, v19;
	(v2sf) =	vpush v12, $0xF;
	s12 =	spop (v2sf)  }
0x7c2: {  	s5 =	sadd.s32 $0x10, s5;
	vm2 =	vmmov vm8;
	vm8 =	vmmov vm9;
	v12 =	vadd.s32 s4, v20;
	p5 =	sgt.f32 s12, $0.0e+00;
	s12 =	spop (v2sf);
	[tilespmem:s6+$0xF100] =	vst.msk @p6 vm10, v18  }
0x7c3: {  	_ = 	snop  }
0x7c4: {  	v18 =	vld [tilespmem:$0x1FF40]  }
.Ltmp122:
0x7c5: {  	_ = 	snop;
	(pc) =	sbr.rel .LBB2_163-.Ltmp122, $3  }
0x7c6: {  	_ =	sdelay $0x1  }
0x7c7: {  	vm9 =	vmmov vm13  }
0x7c8: {  	vm13 =	vmmov vm14;
	vm14 =	vmmov vm15;
	vm15 =	vnez.u8 v18  }
.LBB2_91:
.Ltmp123:
0x7c9: {  	(pc) =	sbr.rel .LBB2_114-.Ltmp123, $2  }
0x7ca: {  	_ =	sdelay $0x2  }
0x7cb: {  	s3 =	simm.s32 $0xF300;
	s5 =	simm.s32 $0xF200;
	s4 =	simm.s32 $0xFC00  }
.LBB2_117:
.Ltmp124:
0x7cc: {  	(pc) =	sbr.rel .LBB2_121-.Ltmp124, $2  }
0x7cd: {  	_ =	sdelay $0x2  }
0x7ce: {  	s4 =	smov.u32 s1;
	s5 =	simm.s32 $0xE880;
	s3 =	smov.u32 s0  }
.LBB2_112:
.Ltmp125:
0x7cf: {  	(pc) =	sbr.rel .LBB2_114-.Ltmp125, $2  }
0x7d0: {  	_ =	sdelay $0x2  }
0x7d1: {  	s3 =	simm.s32 $0xF300;
	s5 =	simm.s32 $0xF200;
	s4 =	simm.s32 $0xFC00  }
.LBB2_119:
.Ltmp126:
0x7d2: {  	(pc) =	sbr.rel .LBB2_121-.Ltmp126, $2  }
0x7d3: {  	_ =	sdelay $0x2  }
0x7d4: {  	s4 =	smov.u32 s1;
	s5 =	simm.s32 $0xE880;
	s3 =	smov.u32 s0  }
.LBB2_146:
0x7d5: {  	p0 =	por $0x0, $0x0  }
0x7d6: {  	s4 =	simm.s32 @!p0 $0x0  }
0x7d7: {  	s4 =	simm.s32 @p0 $0x1;
	p0 =	por $0x1, $0x1  }
0x7d8: {  	[smem:$0x7E2] =	sst s4;
	s4 =	simm.s32 @!p0 $0x0  }
0x7d9: {  	s4 =	simm.s32 @p0 $0x1;
	p0 =	por $0x0, $0x0  }
0x7da: {  	[smem:$0x7E3] =	sst s4;
	s4 =	simm.s32 @!p0 $0x0  }
0x7db: {  	s4 =	simm.s32 @p0 $0x1;
	p0 =	por $0x0, $0x0  }
0x7dc: {  	[smem:$0x7E4] =	sst s4;
	s4 =	simm.s32 @!p0 $0x0  }
0x7dd: {  	p1 =	por $0x0, $0x0;
	s4 =	simm.s32 @p0 $0x1  }
0x7de: {  	[smem:$0x7E5] =	sst s4;
	s4 =	simm.s32 @!p1 $0x0  }
0x7df: {  	p2 =	por $0x0, $0x0;
	s4 =	simm.s32 @p1 $0x1  }
.Ltmp127:
0x7e0: {  	[smem:$0x7E6] =	sst s4;
	s4 =	simm.s32 @!p2 $0x0;
	(pc) =	sbr.rel .LBB2_163-.Ltmp127, $4  }
0x7e1: {  	p3 =	por $0x0, $0x0;
	s4 =	simm.s32 @p2 $0x1  }
0x7e2: {  	s6 =	smov.u32 s0;
	[smem:$0x7E7] =	sst s4;
	s4 =	simm.s32 @!p3 $0x0  }
0x7e3: {  	s9 =	simm.s32 $0xF300;
	s8 =	simm.s32 $0xFC00;
	s4 =	simm.s32 @p3 $0x1  }
0x7e4: {  	p1 =	por $0x0, $0x0;
	[smem:$0x7E8] =	sst s4;
	s4 =	simm.s32 $0x0  }
.LBB2_148:
0x7e5: {  	p0 =	por $0x0, $0x0  }
0x7e6: {  	s4 =	simm.s32 @!p0 $0x0  }
0x7e7: {  	s4 =	simm.s32 @p0 $0x1;
	p0 =	por $0x1, $0x1  }
0x7e8: {  	[smem:$0x7E2] =	sst s4;
	s4 =	simm.s32 @!p0 $0x0  }
0x7e9: {  	s4 =	simm.s32 @p0 $0x1;
	p0 =	por $0x1, $0x1  }
0x7ea: {  	[smem:$0x7E3] =	sst s4;
	s4 =	simm.s32 @!p0 $0x0  }
0x7eb: {  	s4 =	simm.s32 @p0 $0x1;
	p0 =	por $0x0, $0x0  }
0x7ec: {  	[smem:$0x7E4] =	sst s4;
	s4 =	simm.s32 @!p0 $0x0  }
0x7ed: {  	p1 =	por $0x0, $0x0;
	s4 =	simm.s32 @p0 $0x1  }
0x7ee: {  	[smem:$0x7E5] =	sst s4;
	s4 =	simm.s32 @!p1 $0x0  }
0x7ef: {  	p2 =	por $0x0, $0x0;
	s4 =	simm.s32 @p1 $0x1  }
.Ltmp128:
0x7f0: {  	[smem:$0x7E6] =	sst s4;
	s4 =	simm.s32 @!p2 $0x0;
	(pc) =	sbr.rel .LBB2_163-.Ltmp128, $4  }
0x7f1: {  	p3 =	por $0x0, $0x0;
	s4 =	simm.s32 @p2 $0x1  }
0x7f2: {  	s6 =	smov.u32 s0;
	[smem:$0x7E7] =	sst s4;
	s4 =	simm.s32 @!p3 $0x0  }
0x7f3: {  	s9 =	simm.s32 $0xF300;
	s8 =	simm.s32 $0xFC00;
	s4 =	simm.s32 @p3 $0x1  }
0x7f4: {  	p1 =	por $0x0, $0x0;
	[smem:$0x7E8] =	sst s4;
	s4 =	simm.s32 $0x0  }
.LBB2_150:
0x7f5: {  	p0 =	por $0x0, $0x0  }
0x7f6: {  	s4 =	simm.s32 @!p0 $0x0  }
0x7f7: {  	s4 =	simm.s32 @p0 $0x1;
	p0 =	por $0x1, $0x1  }
0x7f8: {  	[smem:$0x7E2] =	sst s4;
	s4 =	simm.s32 @!p0 $0x0  }
0x7f9: {  	s4 =	simm.s32 @p0 $0x1;
	p0 =	por $0x1, $0x1  }
0x7fa: {  	[smem:$0x7E3] =	sst s4;
	s4 =	simm.s32 @!p0 $0x0  }
0x7fb: {  	s4 =	simm.s32 @p0 $0x1;
	p0 =	por $0x0, $0x0  }
0x7fc: {  	[smem:$0x7E4] =	sst s4;
	s4 =	simm.s32 @!p0 $0x0  }
0x7fd: {  	p1 =	por $0x1, $0x1;
	s4 =	simm.s32 @p0 $0x1  }
0x7fe: {  	[smem:$0x7E5] =	sst s4;
	s4 =	simm.s32 @!p1 $0x0  }
0x7ff: {  	p2 =	por $0x0, $0x0;
	s4 =	simm.s32 @p1 $0x1  }
.Ltmp129:
0x800: {  	[smem:$0x7E6] =	sst s4;
	s4 =	simm.s32 @!p2 $0x0;
	(pc) =	sbr.rel .LBB2_163-.Ltmp129, $4  }
0x801: {  	p3 =	por $0x0, $0x0;
	s4 =	simm.s32 @p2 $0x1  }
0x802: {  	s6 =	smov.u32 s0;
	[smem:$0x7E7] =	sst s4;
	s4 =	simm.s32 @!p3 $0x0  }
0x803: {  	s9 =	simm.s32 $0xF300;
	s8 =	simm.s32 $0xFC00;
	s4 =	simm.s32 @p3 $0x1  }
0x804: {  	v11 =	vmov v9;
	v9 =	vmov v10;
	p1 =	por $0x0, $0x0;
	[smem:$0x7E8] =	sst s4;
	s4 =	simm.s32 $0x0  }
.LBB2_152:
0x805: {  	p0 =	por $0x0, $0x0  }
0x806: {  	s6 =	simm.s32 @!p0 $0x0  }
0x807: {  	s6 =	simm.s32 @p0 $0x1;
	p0 =	por $0x1, $0x1  }
0x808: {  	[smem:$0x7E2] =	sst s6;
	s6 =	simm.s32 @!p0 $0x0  }
0x809: {  	s6 =	simm.s32 @p0 $0x1;
	p0 =	por $0x1, $0x1  }
0x80a: {  	[smem:$0x7E3] =	sst s6;
	s6 =	simm.s32 @!p0 $0x0  }
0x80b: {  	s6 =	simm.s32 @p0 $0x1;
	p0 =	por $0x0, $0x0  }
0x80c: {  	[smem:$0x7E4] =	sst s6;
	s6 =	simm.s32 @!p0 $0x0  }
0x80d: {  	p1 =	por $0x1, $0x1;
	s6 =	simm.s32 @p0 $0x1  }
0x80e: {  	[smem:$0x7E5] =	sst s6;
	s6 =	simm.s32 @!p1 $0x0  }
0x80f: {  	p2 =	por $0x1, $0x1;
	s6 =	simm.s32 @p1 $0x1  }
.Ltmp130:
0x810: {  	[smem:$0x7E6] =	sst s6;
	s6 =	simm.s32 @!p2 $0x0;
	(pc) =	sbr.rel .LBB2_163-.Ltmp130, $4  }
0x811: {  	p3 =	por $0x0, $0x0;
	s6 =	simm.s32 @p2 $0x1  }
0x812: {  	[smem:$0x7E7] =	sst s6;
	s6 =	simm.s32 @!p3 $0x0  }
0x813: {  	s9 =	simm.s32 $0xF300;
	s8 =	simm.s32 $0xFC00;
	s6 =	simm.s32 @p3 $0x1  }
0x814: {  	v11 =	vmov v10;
	p1 =	por $0x0, $0x0;
	[smem:$0x7E8] =	sst s6;
	s6 =	smov.u32 s0  }
.LBB2_154:
0x815: {  	p0 =	por $0x0, $0x0  }
0x816: {  	s6 =	simm.s32 @!p0 $0x0  }
0x817: {  	s6 =	simm.s32 @p0 $0x1;
	p0 =	por $0x1, $0x1  }
0x818: {  	[smem:$0x7E2] =	sst s6;
	s6 =	simm.s32 @!p0 $0x0  }
0x819: {  	s6 =	simm.s32 @p0 $0x1;
	p0 =	por $0x1, $0x1  }
0x81a: {  	[smem:$0x7E3] =	sst s6;
	s6 =	simm.s32 @!p0 $0x0  }
0x81b: {  	s6 =	simm.s32 @p0 $0x1;
	p0 =	por $0x0, $0x0  }
0x81c: {  	[smem:$0x7E4] =	sst s6;
	s6 =	simm.s32 @!p0 $0x0  }
0x81d: {  	p1 =	por $0x1, $0x1;
	s6 =	simm.s32 @p0 $0x1  }
0x81e: {  	[smem:$0x7E5] =	sst s6;
	s6 =	simm.s32 @!p1 $0x0  }
0x81f: {  	p2 =	por $0x1, $0x1;
	s6 =	simm.s32 @p1 $0x1  }
.Ltmp131:
0x820: {  	[smem:$0x7E6] =	sst s6;
	s6 =	simm.s32 @!p2 $0x0;
	(pc) =	sbr.rel .LBB2_163-.Ltmp131, $4  }
0x821: {  	p3 =	por $0x1, $0x1;
	s6 =	simm.s32 @p2 $0x1  }
0x822: {  	[smem:$0x7E7] =	sst s6;
	s6 =	simm.s32 @!p3 $0x0  }
0x823: {  	s9 =	simm.s32 $0xF300;
	s8 =	simm.s32 $0xFC00;
	s6 =	simm.s32 @p3 $0x1  }
0x824: {  	v11 =	vmovc v9;
	v9 =	vmov v10;
	vm2 =	vmmov vm13;
	vm8 =	vmmov vm9;
	p1 =	por $0x0, $0x0;
	[smem:$0x7E8] =	sst s6;
	s6 =	smov.u32 s0  }
.LBB2_156:
0x825: {  	p0 =	por $0x0, $0x0  }
0x826: {  	s6 =	simm.s32 @!p0 $0x0  }
0x827: {  	p1 =	por $0x1, $0x1;
	s6 =	simm.s32 @p0 $0x1  }
0x828: {  	[smem:$0x7E2] =	sst s6;
	s6 =	simm.s32 @!p1 $0x0  }
0x829: {  	p2 =	por $0x1, $0x1;
	s6 =	simm.s32 @p1 $0x1  }
.Ltmp132:
0x82a: {  	[smem:$0x7E6] =	sst s6;
	s6 =	simm.s32 @!p2 $0x0;
	(pc) =	sbr.rel .LBB2_163-.Ltmp132, $4  }
0x82b: {  	p3 =	por $0x1, $0x1;
	s6 =	simm.s32 @p2 $0x1  }
0x82c: {  	[smem:$0x7E7] =	sst s6;
	s6 =	simm.s32 @!p3 $0x0  }
0x82d: {  	v9 =	vmov v13;
	s9 =	simm.s32 $0xF300;
	s8 =	simm.s32 $0xFC00;
	s6 =	simm.s32 @p3 $0x1  }
0x82e: {  	v12 =	vmovc v16;
	v11 =	vmovc v10;
	vm6 =	vmmov vm11;
	vm2 =	vmmov vm15;
	vm8 =	vmmov vm14;
	p1 =	por $0x0, $0x0;
	[smem:$0x7E8] =	sst s6;
	s6 =	smov.u32 s0  }
.LBB2_158:
.Ltmp133:
0x82f: {  	(pc) =	sbr.rel .LBB2_163-.Ltmp133, $4  }
0x830: {  	p0 =	por $0x0, $0x0  }
0x831: {  	s6 =	simm.s32 @!p0 $0x0  }
0x832: {  	v12 =	vmov v17;
	s9 =	simm.s32 $0xF300;
	s12 =	smov.u32 s11;
	s6 =	simm.s32 @p0 $0x1  }
0x833: {  	v11 =	vmovc v13;
	v9 =	vmovc v14;
	vm6 =	vmmov vm5;
	s8 =	simm.s32 $0xFC00;
	vm3 =	vmmov vm4;
	vm8 =	vmmov vm1;
	[smem:$0x7E2] =	sst s6;
	s6 =	smov.u32 s0  }
.LBB2_160:
0x834: {  	v18 =	vld [tilespmem:$0x1FF40]  }
.Ltmp134:
0x835: {  	_ = 	snop;
	(pc) =	sbr.rel .LBB2_163-.Ltmp134, $3  }
0x836: {  	_ =	sdelay $0x1  }
0x837: {  	vm9 =	vmmov vm13  }
0x838: {  	v11 =	vmovc v14;
	s6 =	smov.u32 s0;
	s7 =	smov.u32 s11;
	s9 =	simm.s32 $0xF300;
	vm13 =	vmmov vm14;
	vm14 =	vmmov vm15;
	vm15 =	vnez.u8 v18  }
.LBB2_166:
0x839: {  	_ =	sfence.sel $0x180000  }
0x83a: {  	[bflag:$0x0] =	sbarrier.arrive $0xFFFF  }
0x83b: {  	_ =	strace $0x90000047  }
0x83c: {  	s0 =	stileid.u32;
	[bflag:$0x2] =	sbarrier.arrive $0xFFFF  }
0x83d: {  	p0 =	sne.s32 s0, $0x0;
	s0 =	rddreg [dreg:$0x1]  }
0x83e: {  	s0 =	sadd.s32 @!p0 $0x100000, s0  }
0x83f: {  	[sflag:s0] =	ssyncadd.tile.s32 @!p0 $0x1;
	_ =	shalt  }
.Lfunc_end2:
_tile_overlayer_lowered:
.L_overlay_start_2:
0x840: {  	(tag) =	ssettag $0x2  }
0x841: {  	s0 =	rddreg [dreg:$0x0];
	s2 =	stileid.u32  }
0x842: {  	s1 =	rddreg [dreg:$0x1];
	p0 =	sne.s32 s2, $0x0  }
0x843: {  	s3 =	rddreg [dreg:$0x2];
	[bflag:$0x3] =	sbarrier.arrive $0xFFFF;
	s2 =	simm.s32 @!p0 $0x1C02  }
0x844: {  	[timem:s3], [sflag:s2] =	dma.local @!p0 [hbm:s0], s1  }
0x845: {  	s0 =	simm.s32 @!p0 $0x2  }
0x846: {  	_ =	swait.ge @!p0 [sflag:s0], s1  }
0x847: {  	s1 =	ssub.s32 @!p0 $0x0, s1;
	[sflag:s0] =	ssyncset.done @!p0 $0x0  }
0x848: {  	[sflag:s0] =	ssyncadd.s32 @!p0 s1  }
0x849: {  	[bflag:$0x3] =	sbarrier.arrive $0xFFFF  }
0x84a: {  	_ =	shalt  }

</sc_bundles>
